<compile_context>
chip_gen: v7x
topology: tpu7x:2x2x1
jax: 0.10.2.dev20260603
libtpu: 0.0.44.dev20260713+nightly
codegen_flags: <defaults>
</compile_context>

<pallas_src>
import functools
import math

import jax
import jax.numpy as jnp
from jax.experimental import pallas as pl
from jax.experimental.pallas import tpu as pltpu

_EPS = 1e-5
_INV_SQRT2 = 0.7071067811865476


def _body(x_ref, src_ref, dst_ref, gamma_ref, beta_ref, wcat_ref, bv_ref,
          b1_ref, w2_ref, b2_ref, out_ref, v_scr, a_scr, c_scr, acc_scr,
          *, n_nodes, n_edges, d, gh):
    gamma = gamma_ref[...]
    beta = beta_ref[...]
    wcat = wcat_ref[...]
    bv = bv_ref[...]
    b1 = b1_ref[...]
    w2 = w2_ref[...]
    b2 = b2_ref[0]

    for n in range(n_nodes):
        xn = x_ref[:, n * d:(n + 1) * d]
        mu = jnp.mean(xn, axis=1, keepdims=True)
        xc = xn - mu
        var = jnp.mean(xc * xc, axis=1, keepdims=True)
        xhat = xc * jax.lax.rsqrt(var + _EPS) * gamma + beta
        y = jnp.dot(xhat, wcat, preferred_element_type=jnp.float32)
        v_scr[n] = y[:, :d] + bv
        a_scr[n] = y[:, d:d + gh]
        c_scr[n] = y[:, d + gh:] + b1

    acc_scr[...] = jnp.zeros_like(acc_scr)

    w2b = w2.reshape(1, 1, gh)
    for e in range(n_edges):
        s = src_ref[e]
        t = dst_ref[e]
        hin = a_scr[pl.ds(s, 1)] + c_scr[pl.ds(t, 1)]
        gel = 0.5 * hin * (1.0 + jax.lax.erf(hin * _INV_SQRT2))
        u = jnp.sum(gel * w2b, axis=2, keepdims=True) + b2
        gate = jax.nn.sigmoid(u)
        acc_scr[pl.ds(t, 1)] = acc_scr[pl.ds(t, 1)] + gate * v_scr[pl.ds(s, 1)]

    for n in range(n_nodes):
        out_ref[:, n * d:(n + 1) * d] = (
            x_ref[:, n * d:(n + 1) * d] + acc_scr[n])


def kernel(h, src_index, dst_index, gamma, beta, Wv, bv, W1, b1, W2, b2):
    B, N, d = h.shape
    E = src_index.shape[0]
    gh = W1.shape[0]

    wcat = jnp.concatenate([Wv.T, W1[:, :d].T, W1[:, d:].T], axis=1)
    h2 = h.reshape(B, N * d)

    bt = 256
    grid = (B // bt,)

    body = functools.partial(_body, n_nodes=N, n_edges=E, d=d, gh=gh)
    out = pl.pallas_call(
        body,
        grid=grid,
        in_specs=[
            pl.BlockSpec((bt, N * d), lambda i: (i, 0)),
            pl.BlockSpec(memory_space=pltpu.SMEM),
            pl.BlockSpec(memory_space=pltpu.SMEM),
            pl.BlockSpec(memory_space=pltpu.VMEM),
            pl.BlockSpec(memory_space=pltpu.VMEM),
            pl.BlockSpec(memory_space=pltpu.VMEM),
            pl.BlockSpec(memory_space=pltpu.VMEM),
            pl.BlockSpec(memory_space=pltpu.VMEM),
            pl.BlockSpec(memory_space=pltpu.VMEM),
            pl.BlockSpec(memory_space=pltpu.SMEM),
        ],
        out_specs=pl.BlockSpec((bt, N * d), lambda i: (i, 0)),
        out_shape=jax.ShapeDtypeStruct((B, N * d), jnp.float32),
        scratch_shapes=[
            pltpu.VMEM((N, bt, d), jnp.float32),
            pltpu.VMEM((N, bt, gh), jnp.float32),
            pltpu.VMEM((N, bt, gh), jnp.float32),
            pltpu.VMEM((N, bt, d), jnp.float32),
        ],
    )(
        h2,
        src_index,
        dst_index,
        gamma.reshape(1, d),
        beta.reshape(1, d),
        wcat,
        bv.reshape(1, d),
        b1.reshape(1, gh),
        W2.reshape(1, gh),
        b2,
    )
    return out.reshape(B, N, d)

# --- scband reference (transcript-rebuilt; emitter-appended) ---
"""Pipeline reference for scband-edge-stgublock-16320875724949 (READ-ONLY COPY).

The authoritative reference and input builder live on the scoring server;
editing this copy changes nothing except your own understanding.
"""

import jax, jax.numpy as jnp
import numpy as np


def _layernorm(x, gamma, beta, eps=1e-5):
    mu = jnp.mean(x, axis=-1, keepdims=True)
    var = jnp.mean((x - mu) ** 2, axis=-1, keepdims=True)
    return (x - mu) / jnp.sqrt(var + eps) * gamma + beta


def setup_inputs(seed: int = 0) -> dict:
    key = jax.random.key(seed)
    ks = jax.random.split(key, 10)
    B, N, d, gh, E = 16384, 21, 128, 128, 42
    h = jax.random.normal(ks[0], (B, N, d), dtype=jnp.float32)
    src_index = jax.random.randint(ks[1], (E,), 0, N, dtype=jnp.int32)
    dst_index = jax.random.randint(ks[2], (E,), 0, N, dtype=jnp.int32)
    gamma = jnp.ones((d,), dtype=jnp.float32)
    beta = jnp.zeros((d,), dtype=jnp.float32)
    Wv = jax.random.normal(ks[3], (d, d), dtype=jnp.float32) * 0.05
    bv = jnp.zeros((d,), dtype=jnp.float32)
    W1 = jax.random.normal(ks[4], (gh, 2 * d), dtype=jnp.float32) * 0.05
    b1 = jnp.zeros((gh,), dtype=jnp.float32)
    W2 = jax.random.normal(ks[5], (1, gh), dtype=jnp.float32) * 0.05
    b2 = jnp.zeros((1,), dtype=jnp.float32)
    return {"h": h, "src_index": src_index, "dst_index": dst_index,
            "gamma": gamma, "beta": beta, "Wv": Wv, "bv": bv,
            "W1": W1, "b1": b1, "W2": W2, "b2": b2}


def reference(h, src_index, dst_index, gamma, beta, Wv, bv, W1, b1, W2, b2):
    residual = h
    x = _layernorm(h, gamma, beta)
    src_feat = x[:, src_index, :]          # gather over node axis
    dst_feat = x[:, dst_index, :]
    values = src_feat @ Wv.T + bv
    gate_in = jnp.concatenate([src_feat, dst_feat], axis=-1)
    hid = jax.nn.gelu(gate_in @ W1.T + b1, approximate=False)
    gates = jax.nn.sigmoid(hid @ W2.T + b2)
    messages = gates * values
    aggregated = jnp.zeros_like(x).at[:, dst_index, :].add(messages)  # scatter-add
    return residual + aggregated

if __name__ == "__main__":
    import jax
    _d = setup_inputs()
    print(jax.jit(kernel)(*tuple(_d.values())))

</pallas_src>

<mosaic_0001>
module attributes {stable_mosaic.version = 14 : i64} {
  func.func @_body(%arg0: i32, %arg1: memref<256x2688xf32, #tpu.memory_space<vmem>>, %arg2: memref<42xi32, #tpu.memory_space<smem>>, %arg3: memref<42xi32, #tpu.memory_space<smem>>, %arg4: memref<1x128xf32, #tpu.memory_space<vmem>>, %arg5: memref<1x128xf32, #tpu.memory_space<vmem>>, %arg6: memref<128x384xf32, #tpu.memory_space<vmem>>, %arg7: memref<1x128xf32, #tpu.memory_space<vmem>>, %arg8: memref<1x128xf32, #tpu.memory_space<vmem>>, %arg9: memref<1x128xf32, #tpu.memory_space<vmem>>, %arg10: memref<1xf32, #tpu.memory_space<smem>>, %arg11: memref<256x2688xf32, #tpu.memory_space<vmem>>, %arg12: memref<21x256x128xf32, #tpu.memory_space<vmem>>, %arg13: memref<21x256x128xf32, #tpu.memory_space<vmem>>, %arg14: memref<21x256x128xf32, #tpu.memory_space<vmem>>, %arg15: memref<21x256x128xf32, #tpu.memory_space<vmem>>) attributes {dimension_semantics = [#tpu.dimension_semantics<arbitrary>], iteration_bounds = array<i64: 64>, scalar_prefetch = 0 : i64, scratch_operands = 4 : i64, tpu.core_type = #tpu.core_type<tc>, window_params = [{transform_indices = @transform_0, window_bounds = array<i64: 256, 2688>}, {transform_indices = @transform_1, window_bounds = array<i64: 42>}, {transform_indices = @transform_2, window_bounds = array<i64: 42>}, {pipeline_mode = #tpu.pipeline_mode<synchronous>, transform_indices = @transform_3, window_bounds = array<i64: 1, 128>}, {pipeline_mode = #tpu.pipeline_mode<synchronous>, transform_indices = @transform_4, window_bounds = array<i64: 1, 128>}, {pipeline_mode = #tpu.pipeline_mode<synchronous>, transform_indices = @transform_5, window_bounds = array<i64: 128, 384>}, {pipeline_mode = #tpu.pipeline_mode<synchronous>, transform_indices = @transform_6, window_bounds = array<i64: 1, 128>}, {pipeline_mode = #tpu.pipeline_mode<synchronous>, transform_indices = @transform_7, window_bounds = array<i64: 1, 128>}, {pipeline_mode = #tpu.pipeline_mode<synchronous>, transform_indices = @transform_8, window_bounds = array<i64: 1, 128>}, {transform_indices = @transform_9, window_bounds = array<i64: 1>}, {transform_indices = @transform_10, window_bounds = array<i64: 256, 2688>}]} {
    %get3A = arith.constant 0 : index
    %get3A_0 = arith.constant 0 : index
    %get3A_1 = vector.load %arg4[%get3A, %get3A_0] : memref<1x128xf32, #tpu.memory_space<vmem>>, vector<1x128xf32>
    %get3A_2 = arith.constant 0 : index
    %get3A_3 = arith.constant 0 : index
    %get3A_4 = vector.load %arg5[%get3A_2, %get3A_3] : memref<1x128xf32, #tpu.memory_space<vmem>>, vector<1x128xf32>
    %get3A_5 = arith.constant 0 : index
    %get3A_6 = arith.constant 0 : index
    %get3A_7 = vector.load %arg6[%get3A_5, %get3A_6] : memref<128x384xf32, #tpu.memory_space<vmem>>, vector<128x384xf32>
    %get3A_8 = arith.constant 0 : index
    %get3A_9 = arith.constant 0 : index
    %get3A_10 = vector.load %arg7[%get3A_8, %get3A_9] : memref<1x128xf32, #tpu.memory_space<vmem>>, vector<1x128xf32>
    %get3A_11 = arith.constant 0 : index
    %get3A_12 = arith.constant 0 : index
    %get3A_13 = vector.load %arg8[%get3A_11, %get3A_12] : memref<1x128xf32, #tpu.memory_space<vmem>>, vector<1x128xf32>
    %get3A_14 = arith.constant 0 : index
    %get3A_15 = arith.constant 0 : index
    %get3A_16 = vector.load %arg9[%get3A_14, %get3A_15] : memref<1x128xf32, #tpu.memory_space<vmem>>, vector<1x128xf32>
    %get3A_17 = arith.constant 0 : index
    %get3A_18 = memref.load %arg10[%get3A_17] : memref<1xf32, #tpu.memory_space<smem>>
    %get3A_19 = arith.constant 0 : index
    %get3A_20 = arith.constant 0 : index
    %get3A_21 = vector.load %arg1[%get3A_19, %get3A_20] : memref<256x2688xf32, #tpu.memory_space<vmem>>, vector<256x128xf32>
    %reduce_sum3A = arith.constant dense<0.000000e+00> : vector<256xf32>
    %reduce_sum3A_22 = vector.multi_reduction <add>, %get3A_21, %reduce_sum3A [1] : vector<256x128xf32> to vector<256xf32>
    %broadcast_in_dim3A = vector.shape_cast %reduce_sum3A_22 : vector<256xf32> to vector<256x1xf32>
    %div3A = arith.constant 1.280000e+02 : f32
    %div3A_23 = vector.broadcast %div3A : f32 to vector<256x1xf32>
    %div3A_24 = arith.divf %broadcast_in_dim3A, %div3A_23 : vector<256x1xf32>
    %sub3A = vector.broadcast %div3A_24 : vector<256x1xf32> to vector<256x128xf32>
    %sub3A_25 = arith.subf %get3A_21, %sub3A : vector<256x128xf32>
    %mul3A = arith.mulf %sub3A_25, %sub3A_25 : vector<256x128xf32>
    %reduce_sum3A_26 = arith.constant dense<0.000000e+00> : vector<256xf32>
    %reduce_sum3A_27 = vector.multi_reduction <add>, %mul3A, %reduce_sum3A_26 [1] : vector<256x128xf32> to vector<256xf32>
    %broadcast_in_dim3A_28 = vector.shape_cast %reduce_sum3A_27 : vector<256xf32> to vector<256x1xf32>
    %div3A_29 = arith.constant 1.280000e+02 : f32
    %div3A_30 = vector.broadcast %div3A_29 : f32 to vector<256x1xf32>
    %div3A_31 = arith.divf %broadcast_in_dim3A_28, %div3A_30 : vector<256x1xf32>
    %add3A = arith.constant 9.99999974E-6 : f32
    %add3A_32 = vector.broadcast %add3A : f32 to vector<256x1xf32>
    %add3A_33 = arith.addf %div3A_31, %add3A_32 : vector<256x1xf32>
    %rsqrt3A = math.rsqrt %add3A_33 : vector<256x1xf32>
    %mul3A_34 = vector.broadcast %rsqrt3A : vector<256x1xf32> to vector<256x128xf32>
    %mul3A_35 = arith.mulf %sub3A_25, %mul3A_34 : vector<256x128xf32>
    %mul3A_36 = vector.broadcast %get3A_1 : vector<1x128xf32> to vector<256x128xf32>
    %mul3A_37 = arith.mulf %mul3A_35, %mul3A_36 : vector<256x128xf32>
    %add3A_38 = vector.broadcast %get3A_4 : vector<1x128xf32> to vector<256x128xf32>
    %add3A_39 = arith.addf %mul3A_37, %add3A_38 : vector<256x128xf32>
    %dot_general3A = arith.constant dense<0.000000e+00> : vector<256x384xf32>
    %dot_general3A_40 = tpu.matmul %add3A_39, %get3A_7, %dot_general3A {dimension_numbers = #tpu.dot_dimension_numbers<[1], [0], [0], [1], [0, 0, 1, 1], [], []>, transpose_lhs_hint = false} : vector<256x128xf32>, vector<128x384xf32>, vector<256x384xf32> -> vector<256x384xf32>
    %slice3A = vector.extract_strided_slice %dot_general3A_40 {offsets = [0, 0], sizes = [256, 128], strides = [1, 1]} : vector<256x384xf32> to vector<256x128xf32>
    %add3A_41 = vector.broadcast %get3A_10 : vector<1x128xf32> to vector<256x128xf32>
    %add3A_42 = arith.addf %slice3A, %add3A_41 : vector<256x128xf32>
    %swap3A = arith.constant 0 : index
    %swap3A_43 = arith.constant 0 : index
    %swap3A_44 = arith.constant 0 : index
    %swap3A_45 = vector.load %arg12[%swap3A, %swap3A_43, %swap3A_44] : memref<21x256x128xf32, #tpu.memory_space<vmem>>, vector<1x256x128xf32>
    %swap3A_46 = vector.shape_cast %swap3A_45 : vector<1x256x128xf32> to vector<256x128xf32>
    %swap3A_47 = vector.shape_cast %add3A_42 : vector<256x128xf32> to vector<1x256x128xf32>
    tpu.vector_store %arg12[%swap3A, %swap3A_43, %swap3A_44], %swap3A_47 {strides = array<i32>} : memref<21x256x128xf32, #tpu.memory_space<vmem>>, vector<1x256x128xf32>,
    %slice3A_48 = vector.extract_strided_slice %dot_general3A_40 {offsets = [0, 128], sizes = [256, 128], strides = [1, 1]} : vector<256x384xf32> to vector<256x128xf32>
    %swap3A_49 = arith.constant 0 : index
    %swap3A_50 = arith.constant 0 : index
    %swap3A_51 = arith.constant 0 : index
    %swap3A_52 = vector.load %arg13[%swap3A_49, %swap3A_50, %swap3A_51] : memref<21x256x128xf32, #tpu.memory_space<vmem>>, vector<1x256x128xf32>
    %swap3A_53 = vector.shape_cast %swap3A_52 : vector<1x256x128xf32> to vector<256x128xf32>
    %swap3A_54 = vector.shape_cast %slice3A_48 : vector<256x128xf32> to vector<1x256x128xf32>
    tpu.vector_store %arg13[%swap3A_49, %swap3A_50, %swap3A_51], %swap3A_54 {strides = array<i32>} : memref<21x256x128xf32, #tpu.memory_space<vmem>>, vector<1x256x128xf32>,
    %slice3A_55 = vector.extract_strided_slice %dot_general3A_40 {offsets = [0, 256], sizes = [256, 128], strides = [1, 1]} : vector<256x384xf32> to vector<256x128xf32>
    %add3A_56 = vector.broadcast %get3A_13 : vector<1x128xf32> to vector<256x128xf32>
    %add3A_57 = arith.addf %slice3A_55, %add3A_56 : vector<256x128xf32>
    %swap3A_58 = arith.constant 0 : index
    %swap3A_59 = arith.constant 0 : index
    %swap3A_60 = arith.constant 0 : index
    %swap3A_61 = vector.load %arg14[%swap3A_58, %swap3A_59, %swap3A_60] : memref<21x256x128xf32, #tpu.memory_space<vmem>>, vector<1x256x128xf32>
    %swap3A_62 = vector.shape_cast %swap3A_61 : vector<1x256x128xf32> to vector<256x128xf32>
    %swap3A_63 = vector.shape_cast %add3A_57 : vector<256x128xf32> to vector<1x256x128xf32>
    tpu.vector_store %arg14[%swap3A_58, %swap3A_59, %swap3A_60], %swap3A_63 {strides = array<i32>} : memref<21x256x128xf32, #tpu.memory_space<vmem>>, vector<1x256x128xf32>,
    %get3A_64 = arith.constant 0 : index
    %get3A_65 = arith.constant 128 : index
    %get3A_66 = vector.load %arg1[%get3A_64, %get3A_65] : memref<256x2688xf32, #tpu.memory_space<vmem>>, vector<256x128xf32>
    %reduce_sum3A_67 = arith.constant dense<0.000000e+00> : vector<256xf32>
    %reduce_sum3A_68 = vector.multi_reduction <add>, %get3A_66, %reduce_sum3A_67 [1] : vector<256x128xf32> to vector<256xf32>
    %broadcast_in_dim3A_69 = vector.shape_cast %reduce_sum3A_68 : vector<256xf32> to vector<256x1xf32>
    %div3A_70 = arith.constant 1.280000e+02 : f32
    %div3A_71 = vector.broadcast %div3A_70 : f32 to vector<256x1xf32>
    %div3A_72 = arith.divf %broadcast_in_dim3A_69, %div3A_71 : vector<256x1xf32>
    %sub3A_73 = vector.broadcast %div3A_72 : vector<256x1xf32> to vector<256x128xf32>
    %sub3A_74 = arith.subf %get3A_66, %sub3A_73 : vector<256x128xf32>
    %mul3A_75 = arith.mulf %sub3A_74, %sub3A_74 : vector<256x128xf32>
    %reduce_sum3A_76 = arith.constant dense<0.000000e+00> : vector<256xf32>
    %reduce_sum3A_77 = vector.multi_reduction <add>, %mul3A_75, %reduce_sum3A_76 [1] : vector<256x128xf32> to vector<256xf32>
    %broadcast_in_dim3A_78 = vector.shape_cast %reduce_sum3A_77 : vector<256xf32> to vector<256x1xf32>
    %div3A_79 = arith.constant 1.280000e+02 : f32
    %div3A_80 = vector.broadcast %div3A_79 : f32 to vector<256x1xf32>
    %div3A_81 = arith.divf %broadcast_in_dim3A_78, %div3A_80 : vector<256x1xf32>
    %add3A_82 = arith.constant 9.99999974E-6 : f32
    %add3A_83 = vector.broadcast %add3A_82 : f32 to vector<256x1xf32>
    %add3A_84 = arith.addf %div3A_81, %add3A_83 : vector<256x1xf32>
    %rsqrt3A_85 = math.rsqrt %add3A_84 : vector<256x1xf32>
    %mul3A_86 = vector.broadcast %rsqrt3A_85 : vector<256x1xf32> to vector<256x128xf32>
    %mul3A_87 = arith.mulf %sub3A_74, %mul3A_86 : vector<256x128xf32>
    %mul3A_88 = vector.broadcast %get3A_1 : vector<1x128xf32> to vector<256x128xf32>
    %mul3A_89 = arith.mulf %mul3A_87, %mul3A_88 : vector<256x128xf32>
    %add3A_90 = vector.broadcast %get3A_4 : vector<1x128xf32> to vector<256x128xf32>
    %add3A_91 = arith.addf %mul3A_89, %add3A_90 : vector<256x128xf32>
    %dot_general3A_92 = arith.constant dense<0.000000e+00> : vector<256x384xf32>
    %dot_general3A_93 = tpu.matmul %add3A_91, %get3A_7, %dot_general3A_92 {dimension_numbers = #tpu.dot_dimension_numbers<[1], [0], [0], [1], [0, 0, 1, 1], [], []>, transpose_lhs_hint = false} : vector<256x128xf32>, vector<128x384xf32>, vector<256x384xf32> -> vector<256x384xf32>
    %slice3A_94 = vector.extract_strided_slice %dot_general3A_93 {offsets = [0, 0], sizes = [256, 128], strides = [1, 1]} : vector<256x384xf32> to vector<256x128xf32>
    %add3A_95 = vector.broadcast %get3A_10 : vector<1x128xf32> to vector<256x128xf32>
    %add3A_96 = arith.addf %slice3A_94, %add3A_95 : vector<256x128xf32>
    %swap3A_97 = arith.constant 1 : index
    %swap3A_98 = arith.constant 0 : index
    %swap3A_99 = arith.constant 0 : index
    %swap3A_100 = vector.load %arg12[%swap3A_97, %swap3A_98, %swap3A_99] : memref<21x256x128xf32, #tpu.memory_space<vmem>>, vector<1x256x128xf32>
    %swap3A_101 = vector.shape_cast %swap3A_100 : vector<1x256x128xf32> to vector<256x128xf32>
    %swap3A_102 = vector.shape_cast %add3A_96 : vector<256x128xf32> to vector<1x256x128xf32>
    tpu.vector_store %arg12[%swap3A_97, %swap3A_98, %swap3A_99], %swap3A_102 {strides = array<i32>} : memref<21x256x128xf32, #tpu.memory_space<vmem>>, vector<1x256x128xf32>,
    %slice3A_103 = vector.extract_strided_slice %dot_general3A_93 {offsets = [0, 128], sizes = [256, 128], strides = [1, 1]} : vector<256x384xf32> to vector<256x128xf32>
    %swap3A_104 = arith.constant 1 : index
    %swap3A_105 = arith.constant 0 : index
    %swap3A_106 = arith.constant 0 : index
    %swap3A_107 = vector.load %arg13[%swap3A_104, %swap3A_105, %swap3A_106] : memref<21x256x128xf32, #tpu.memory_space<vmem>>, vector<1x256x128xf32>
    %swap3A_108 = vector.shape_cast %swap3A_107 : vector<1x256x128xf32> to vector<256x128xf32>
    %swap3A_109 = vector.shape_cast %slice3A_103 : vector<256x128xf32> to vector<1x256x128xf32>
    tpu.vector_store %arg13[%swap3A_104, %swap3A_105, %swap3A_106], %swap3A_109 {strides = array<i32>} : memref<21x256x128xf32, #tpu.memory_space<vmem>>, vector<1x256x128xf32>,
    %slice3A_110 = vector.extract_strided_slice %dot_general3A_93 {offsets = [0, 256], sizes = [256, 128], strides = [1, 1]} : vector<256x384xf32> to vector<256x128xf32>
    %add3A_111 = vector.broadcast %get3A_13 : vector<1x128xf32> to vector<256x128xf32>
    %add3A_112 = arith.addf %slice3A_110, %add3A_111 : vector<256x128xf32>
    %swap3A_113 = arith.constant 1 : index
    %swap3A_114 = arith.constant 0 : index
    %swap3A_115 = arith.constant 0 : index
    %swap3A_116 = vector.load %arg14[%swap3A_113, %swap3A_114, %swap3A_115] : memref<21x256x128xf32, #tpu.memory_space<vmem>>, vector<1x256x128xf32>
    %swap3A_117 = vector.shape_cast %swap3A_116 : vector<1x256x128xf32> to vector<256x128xf32>
    %swap3A_118 = vector.shape_cast %add3A_112 : vector<256x128xf32> to vector<1x256x128xf32>
    tpu.vector_store %arg14[%swap3A_113, %swap3A_114, %swap3A_115], %swap3A_118 {strides = array<i32>} : memref<21x256x128xf32, #tpu.memory_space<vmem>>, vector<1x256x128xf32>,
    %get3A_119 = arith.constant 0 : index
    %get3A_120 = arith.constant 256 : index
    %get3A_121 = vector.load %arg1[%get3A_119, %get3A_120] : memref<256x2688xf32, #tpu.memory_space<vmem>>, vector<256x128xf32>
    %reduce_sum3A_122 = arith.constant dense<0.000000e+00> : vector<256xf32>
    %reduce_sum3A_123 = vector.multi_reduction <add>, %get3A_121, %reduce_sum3A_122 [1] : vector<256x128xf32> to vector<256xf32>
    %broadcast_in_dim3A_124 = vector.shape_cast %reduce_sum3A_123 : vector<256xf32> to vector<256x1xf32>
    %div3A_125 = arith.constant 1.280000e+02 : f32
    %div3A_126 = vector.broadcast %div3A_125 : f32 to vector<256x1xf32>
    %div3A_127 = arith.divf %broadcast_in_dim3A_124, %div3A_126 : vector<256x1xf32>
    %sub3A_128 = vector.broadcast %div3A_127 : vector<256x1xf32> to vector<256x128xf32>
    %sub3A_129 = arith.subf %get3A_121, %sub3A_128 : vector<256x128xf32>
    %mul3A_130 = arith.mulf %sub3A_129, %sub3A_129 : vector<256x128xf32>
    %reduce_sum3A_131 = arith.constant dense<0.000000e+00> : vector<256xf32>
    %reduce_sum3A_132 = vector.multi_reduction <add>, %mul3A_130, %reduce_sum3A_131 [1] : vector<256x128xf32> to vector<256xf32>
    %broadcast_in_dim3A_133 = vector.shape_cast %reduce_sum3A_132 : vector<256xf32> to vector<256x1xf32>
    %div3A_134 = arith.constant 1.280000e+02 : f32
    %div3A_135 = vector.broadcast %div3A_134 : f32 to vector<256x1xf32>
    %div3A_136 = arith.divf %broadcast_in_dim3A_133, %div3A_135 : vector<256x1xf32>
    %add3A_137 = arith.constant 9.99999974E-6 : f32
    %add3A_138 = vector.broadcast %add3A_137 : f32 to vector<256x1xf32>
    %add3A_139 = arith.addf %div3A_136, %add3A_138 : vector<256x1xf32>
    %rsqrt3A_140 = math.rsqrt %add3A_139 : vector<256x1xf32>
    %mul3A_141 = vector.broadcast %rsqrt3A_140 : vector<256x1xf32> to vector<256x128xf32>
    %mul3A_142 = arith.mulf %sub3A_129, %mul3A_141 : vector<256x128xf32>
    %mul3A_143 = vector.broadcast %get3A_1 : vector<1x128xf32> to vector<256x128xf32>
    %mul3A_144 = arith.mulf %mul3A_142, %mul3A_143 : vector<256x128xf32>
    %add3A_145 = vector.broadcast %get3A_4 : vector<1x128xf32> to vector<256x128xf32>
    %add3A_146 = arith.addf %mul3A_144, %add3A_145 : vector<256x128xf32>
    %dot_general3A_147 = arith.constant dense<0.000000e+00> : vector<256x384xf32>
    %dot_general3A_148 = tpu.matmul %add3A_146, %get3A_7, %dot_general3A_147 {dimension_numbers = #tpu.dot_dimension_numbers<[1], [0], [0], [1], [0, 0, 1, 1], [], []>, transpose_lhs_hint = false} : vector<256x128xf32>, vector<128x384xf32>, vector<256x384xf32> -> vector<256x384xf32>
    %slice3A_149 = vector.extract_strided_slice %dot_general3A_148 {offsets = [0, 0], sizes = [256, 128], strides = [1, 1]} : vector<256x384xf32> to vector<256x128xf32>
    %add3A_150 = vector.broadcast %get3A_10 : vector<1x128xf32> to vector<256x128xf32>
    %add3A_151 = arith.addf %slice3A_149, %add3A_150 : vector<256x128xf32>
    %swap3A_152 = arith.constant 2 : index
    %swap3A_153 = arith.constant 0 : index
    %swap3A_154 = arith.constant 0 : index
    %swap3A_155 = vector.load %arg12[%swap3A_152, %swap3A_153, %swap3A_154] : memref<21x256x128xf32, #tpu.memory_space<vmem>>, vector<1x256x128xf32>
    %swap3A_156 = vector.shape_cast %swap3A_155 : vector<1x256x128xf32> to vector<256x128xf32>
    %swap3A_157 = vector.shape_cast %add3A_151 : vector<256x128xf32> to vector<1x256x128xf32>
    tpu.vector_store %arg12[%swap3A_152, %swap3A_153, %swap3A_154], %swap3A_157 {strides = array<i32>} : memref<21x256x128xf32, #tpu.memory_space<vmem>>, vector<1x256x128xf32>,
    %slice3A_158 = vector.extract_strided_slice %dot_general3A_148 {offsets = [0, 128], sizes = [256, 128], strides = [1, 1]} : vector<256x384xf32> to vector<256x128xf32>
    %swap3A_159 = arith.constant 2 : index
    %swap3A_160 = arith.constant 0 : index
    %swap3A_161 = arith.constant 0 : index
    %swap3A_162 = vector.load %arg13[%swap3A_159, %swap3A_160, %swap3A_161] : memref<21x256x128xf32, #tpu.memory_space<vmem>>, vector<1x256x128xf32>
    %swap3A_163 = vector.shape_cast %swap3A_162 : vector<1x256x128xf32> to vector<256x128xf32>
    %swap3A_164 = vector.shape_cast %slice3A_158 : vector<256x128xf32> to vector<1x256x128xf32>
    tpu.vector_store %arg13[%swap3A_159, %swap3A_160, %swap3A_161], %swap3A_164 {strides = array<i32>} : memref<21x256x128xf32, #tpu.memory_space<vmem>>, vector<1x256x128xf32>,
    %slice3A_165 = vector.extract_strided_slice %dot_general3A_148 {offsets = [0, 256], sizes = [256, 128], strides = [1, 1]} : vector<256x384xf32> to vector<256x128xf32>
    %add3A_166 = vector.broadcast %get3A_13 : vector<1x128xf32> to vector<256x128xf32>
    %add3A_167 = arith.addf %slice3A_165, %add3A_166 : vector<256x128xf32>
    %swap3A_168 = arith.constant 2 : index
    %swap3A_169 = arith.constant 0 : index
    %swap3A_170 = arith.constant 0 : index
    %swap3A_171 = vector.load %arg14[%swap3A_168, %swap3A_169, %swap3A_170] : memref<21x256x128xf32, #tpu.memory_space<vmem>>, vector<1x256x128xf32>
    %swap3A_172 = vector.shape_cast %swap3A_171 : vector<1x256x128xf32> to vector<256x128xf32>
    %swap3A_173 = vector.shape_cast %add3A_167 : vector<256x128xf32> to vector<1x256x128xf32>
    tpu.vector_store %arg14[%swap3A_168, %swap3A_169, %swap3A_170], %swap3A_173 {strides = array<i32>} : memref<21x256x128xf32, #tpu.memory_space<vmem>>, vector<1x256x128xf32>,
    %get3A_174 = arith.constant 0 : index
    %get3A_175 = arith.constant 384 : index
    %get3A_176 = vector.load %arg1[%get3A_174, %get3A_175] : memref<256x2688xf32, #tpu.memory_space<vmem>>, vector<256x128xf32>
    %reduce_sum3A_177 = arith.constant dense<0.000000e+00> : vector<256xf32>
    %reduce_sum3A_178 = vector.multi_reduction <add>, %get3A_176, %reduce_sum3A_177 [1] : vector<256x128xf32> to vector<256xf32>
    %broadcast_in_dim3A_179 = vector.shape_cast %reduce_sum3A_178 : vector<256xf32> to vector<256x1xf32>
    %div3A_180 = arith.constant 1.280000e+02 : f32
    %div3A_181 = vector.broadcast %div3A_180 : f32 to vector<256x1xf32>
    %div3A_182 = arith.divf %broadcast_in_dim3A_179, %div3A_181 : vector<256x1xf32>
    %sub3A_183 = vector.broadcast %div3A_182 : vector<256x1xf32> to vector<256x128xf32>
    %sub3A_184 = arith.subf %get3A_176, %sub3A_183 : vector<256x128xf32>
    %mul3A_185 = arith.mulf %sub3A_184, %sub3A_184 : vector<256x128xf32>
    %reduce_sum3A_186 = arith.constant dense<0.000000e+00> : vector<256xf32>
    %reduce_sum3A_187 = vector.multi_reduction <add>, %mul3A_185, %reduce_sum3A_186 [1] : vector<256x128xf32> to vector<256xf32>
    %broadcast_in_dim3A_188 = vector.shape_cast %reduce_sum3A_187 : vector<256xf32> to vector<256x1xf32>
    %div3A_189 = arith.constant 1.280000e+02 : f32
    %div3A_190 = vector.broadcast %div3A_189 : f32 to vector<256x1xf32>
    %div3A_191 = arith.divf %broadcast_in_dim3A_188, %div3A_190 : vector<256x1xf32>
    %add3A_192 = arith.constant 9.99999974E-6 : f32
    %add3A_193 = vector.broadcast %add3A_192 : f32 to vector<256x1xf32>
    %add3A_194 = arith.addf %div3A_191, %add3A_193 : vector<256x1xf32>
    %rsqrt3A_195 = math.rsqrt %add3A_194 : vector<256x1xf32>
    %mul3A_196 = vector.broadcast %rsqrt3A_195 : vector<256x1xf32> to vector<256x128xf32>
    %mul3A_197 = arith.mulf %sub3A_184, %mul3A_196 : vector<256x128xf32>
    %mul3A_198 = vector.broadcast %get3A_1 : vector<1x128xf32> to vector<256x128xf32>
    %mul3A_199 = arith.mulf %mul3A_197, %mul3A_198 : vector<256x128xf32>
    %add3A_200 = vector.broadcast %get3A_4 : vector<1x128xf32> to vector<256x128xf32>
    %add3A_201 = arith.addf %mul3A_199, %add3A_200 : vector<256x128xf32>
    %dot_general3A_202 = arith.constant dense<0.000000e+00> : vector<256x384xf32>
    %dot_general3A_203 = tpu.matmul %add3A_201, %get3A_7, %dot_general3A_202 {dimension_numbers = #tpu.dot_dimension_numbers<[1], [0], [0], [1], [0, 0, 1, 1], [], []>, transpose_lhs_hint = false} : vector<256x128xf32>, vector<128x384xf32>, vector<256x384xf32> -> vector<256x384xf32>
    %slice3A_204 = vector.extract_strided_slice %dot_general3A_203 {offsets = [0, 0], sizes = [256, 128], strides = [1, 1]} : vector<256x384xf32> to vector<256x128xf32>
    %add3A_205 = vector.broadcast %get3A_10 : vector<1x128xf32> to vector<256x128xf32>
    %add3A_206 = arith.addf %slice3A_204, %add3A_205 : vector<256x128xf32>
    %swap3A_207 = arith.constant 3 : index
    %swap3A_208 = arith.constant 0 : index
    %swap3A_209 = arith.constant 0 : index
    %swap3A_210 = vector.load %arg12[%swap3A_207, %swap3A_208, %swap3A_209] : memref<21x256x128xf32, #tpu.memory_space<vmem>>, vector<1x256x128xf32>
    %swap3A_211 = vector.shape_cast %swap3A_210 : vector<1x256x128xf32> to vector<256x128xf32>
    %swap3A_212 = vector.shape_cast %add3A_206 : vector<256x128xf32> to vector<1x256x128xf32>
    tpu.vector_store %arg12[%swap3A_207, %swap3A_208, %swap3A_209], %swap3A_212 {strides = array<i32>} : memref<21x256x128xf32, #tpu.memory_space<vmem>>, vector<1x256x128xf32>,
    %slice3A_213 = vector.extract_strided_slice %dot_general3A_203 {offsets = [0, 128], sizes = [256, 128], strides = [1, 1]} : vector<256x384xf32> to vector<256x128xf32>
    %swap3A_214 = arith.constant 3 : index
    %swap3A_215 = arith.constant 0 : index
    %swap3A_216 = arith.constant 0 : index
    %swap3A_217 = vector.load %arg13[%swap3A_214, %swap3A_215, %swap3A_216] : memref<21x256x128xf32, #tpu.memory_space<vmem>>, vector<1x256x128xf32>
    %swap3A_218 = vector.shape_cast %swap3A_217 : vector<1x256x128xf32> to vector<256x128xf32>
    %swap3A_219 = vector.shape_cast %slice3A_213 : vector<256x128xf32> to vector<1x256x128xf32>
    tpu.vector_store %arg13[%swap3A_214, %swap3A_215, %swap3A_216], %swap3A_219 {strides = array<i32>} : memref<21x256x128xf32, #tpu.memory_space<vmem>>, vector<1x256x128xf32>,
    %slice3A_220 = vector.extract_strided_slice %dot_general3A_203 {offsets = [0, 256], sizes = [256, 128], strides = [1, 1]} : vector<256x384xf32> to vector<256x128xf32>
    %add3A_221 = vector.broadcast %get3A_13 : vector<1x128xf32> to vector<256x128xf32>
    %add3A_222 = arith.addf %slice3A_220, %add3A_221 : vector<256x128xf32>
    %swap3A_223 = arith.constant 3 : index
    %swap3A_224 = arith.constant 0 : index
    %swap3A_225 = arith.constant 0 : index
    %swap3A_226 = vector.load %arg14[%swap3A_223, %swap3A_224, %swap3A_225] : memref<21x256x128xf32, #tpu.memory_space<vmem>>, vector<1x256x128xf32>
    %swap3A_227 = vector.shape_cast %swap3A_226 : vector<1x256x128xf32> to vector<256x128xf32>
    %swap3A_228 = vector.shape_cast %add3A_222 : vector<256x128xf32> to vector<1x256x128xf32>
    tpu.vector_store %arg14[%swap3A_223, %swap3A_224, %swap3A_225], %swap3A_228 {strides = array<i32>} : memref<21x256x128xf32, #tpu.memory_space<vmem>>, vector<1x256x128xf32>,
    %get3A_229 = arith.constant 0 : index
    %get3A_230 = arith.constant 512 : index
    %get3A_231 = vector.load %arg1[%get3A_229, %get3A_230] : memref<256x2688xf32, #tpu.memory_space<vmem>>, vector<256x128xf32>
    %reduce_sum3A_232 = arith.constant dense<0.000000e+00> : vector<256xf32>
    %reduce_sum3A_233 = vector.multi_reduction <add>, %get3A_231, %reduce_sum3A_232 [1] : vector<256x128xf32> to vector<256xf32>
    %broadcast_in_dim3A_234 = vector.shape_cast %reduce_sum3A_233 : vector<256xf32> to vector<256x1xf32>
    %div3A_235 = arith.constant 1.280000e+02 : f32
    %div3A_236 = vector.broadcast %div3A_235 : f32 to vector<256x1xf32>
    %div3A_237 = arith.divf %broadcast_in_dim3A_234, %div3A_236 : vector<256x1xf32>
    %sub3A_238 = vector.broadcast %div3A_237 : vector<256x1xf32> to vector<256x128xf32>
    %sub3A_239 = arith.subf %get3A_231, %sub3A_238 : vector<256x128xf32>
    %mul3A_240 = arith.mulf %sub3A_239, %sub3A_239 : vector<256x128xf32>
    %reduce_sum3A_241 = arith.constant dense<0.000000e+00> : vector<256xf32>
    %reduce_sum3A_242 = vector.multi_reduction <add>, %mul3A_240, %reduce_sum3A_241 [1] : vector<256x128xf32> to vector<256xf32>
    %broadcast_in_dim3A_243 = vector.shape_cast %reduce_sum3A_242 : vector<256xf32> to vector<256x1xf32>
    %div3A_244 = arith.constant 1.280000e+02 : f32
    %div3A_245 = vector.broadcast %div3A_244 : f32 to vector<256x1xf32>
    %div3A_246 = arith.divf %broadcast_in_dim3A_243, %div3A_245 : vector<256x1xf32>
    %add3A_247 = arith.constant 9.99999974E-6 : f32
    %add3A_248 = vector.broadcast %add3A_247 : f32 to vector<256x1xf32>
    %add3A_249 = arith.addf %div3A_246, %add3A_248 : vector<256x1xf32>
    %rsqrt3A_250 = math.rsqrt %add3A_249 : vector<256x1xf32>
    %mul3A_251 = vector.broadcast %rsqrt3A_250 : vector<256x1xf32> to vector<256x128xf32>
    %mul3A_252 = arith.mulf %sub3A_239, %mul3A_251 : vector<256x128xf32>
    %mul3A_253 = vector.broadcast %get3A_1 : vector<1x128xf32> to vector<256x128xf32>
    %mul3A_254 = arith.mulf %mul3A_252, %mul3A_253 : vector<256x128xf32>
    %add3A_255 = vector.broadcast %get3A_4 : vector<1x128xf32> to vector<256x128xf32>
    %add3A_256 = arith.addf %mul3A_254, %add3A_255 : vector<256x128xf32>
    %dot_general3A_257 = arith.constant dense<0.000000e+00> : vector<256x384xf32>
    %dot_general3A_258 = tpu.matmul %add3A_256, %get3A_7, %dot_general3A_257 {dimension_numbers = #tpu.dot_dimension_numbers<[1], [0], [0], [1], [0, 0, 1, 1], [], []>, transpose_lhs_hint = false} : vector<256x128xf32>, vector<128x384xf32>, vector<256x384xf32> -> vector<256x384xf32>
    %slice3A_259 = vector.extract_strided_slice %dot_general3A_258 {offsets = [0, 0], sizes = [256, 128], strides = [1, 1]} : vector<256x384xf32> to vector<256x128xf32>
    %add3A_260 = vector.broadcast %get3A_10 : vector<1x128xf32> to vector<256x128xf32>
    %add3A_261 = arith.addf %slice3A_259, %add3A_260 : vector<256x128xf32>
    %swap3A_262 = arith.constant 4 : index
    %swap3A_263 = arith.constant 0 : index
    %swap3A_264 = arith.constant 0 : index
    %swap3A_265 = vector.load %arg12[%swap3A_262, %swap3A_263, %swap3A_264] : memref<21x256x128xf32, #tpu.memory_space<vmem>>, vector<1x256x128xf32>
    %swap3A_266 = vector.shape_cast %swap3A_265 : vector<1x256x128xf32> to vector<256x128xf32>
    %swap3A_267 = vector.shape_cast %add3A_261 : vector<256x128xf32> to vector<1x256x128xf32>
    tpu.vector_store %arg12[%swap3A_262, %swap3A_263, %swap3A_264], %swap3A_267 {strides = array<i32>} : memref<21x256x128xf32, #tpu.memory_space<vmem>>, vector<1x256x128xf32>,
    %slice3A_268 = vector.extract_strided_slice %dot_general3A_258 {offsets = [0, 128], sizes = [256, 128], strides = [1, 1]} : vector<256x384xf32> to vector<256x128xf32>
    %swap3A_269 = arith.constant 4 : index
    %swap3A_270 = arith.constant 0 : index
    %swap3A_271 = arith.constant 0 : index
    %swap3A_272 = vector.load %arg13[%swap3A_269, %swap3A_270, %swap3A_271] : memref<21x256x128xf32, #tpu.memory_space<vmem>>, vector<1x256x128xf32>
    %swap3A_273 = vector.shape_cast %swap3A_272 : vector<1x256x128xf32> to vector<256x128xf32>
    %swap3A_274 = vector.shape_cast %slice3A_268 : vector<256x128xf32> to vector<1x256x128xf32>
    tpu.vector_store %arg13[%swap3A_269, %swap3A_270, %swap3A_271], %swap3A_274 {strides = array<i32>} : memref<21x256x128xf32, #tpu.memory_space<vmem>>, vector<1x256x128xf32>,
    %slice3A_275 = vector.extract_strided_slice %dot_general3A_258 {offsets = [0, 256], sizes = [256, 128], strides = [1, 1]} : vector<256x384xf32> to vector<256x128xf32>
    %add3A_276 = vector.broadcast %get3A_13 : vector<1x128xf32> to vector<256x128xf32>
    %add3A_277 = arith.addf %slice3A_275, %add3A_276 : vector<256x128xf32>
    %swap3A_278 = arith.constant 4 : index
    %swap3A_279 = arith.constant 0 : index
    %swap3A_280 = arith.constant 0 : index
    %swap3A_281 = vector.load %arg14[%swap3A_278, %swap3A_279, %swap3A_280] : memref<21x256x128xf32, #tpu.memory_space<vmem>>, vector<1x256x128xf32>
    %swap3A_282 = vector.shape_cast %swap3A_281 : vector<1x256x128xf32> to vector<256x128xf32>
    %swap3A_283 = vector.shape_cast %add3A_277 : vector<256x128xf32> to vector<1x256x128xf32>
    tpu.vector_store %arg14[%swap3A_278, %swap3A_279, %swap3A_280], %swap3A_283 {strides = array<i32>} : memref<21x256x128xf32, #tpu.memory_space<vmem>>, vector<1x256x128xf32>,
    %get3A_284 = arith.constant 0 : index
    %get3A_285 = arith.constant 640 : index
    %get3A_286 = vector.load %arg1[%get3A_284, %get3A_285] : memref<256x2688xf32, #tpu.memory_space<vmem>>, vector<256x128xf32>
    %reduce_sum3A_287 = arith.constant dense<0.000000e+00> : vector<256xf32>
    %reduce_sum3A_288 = vector.multi_reduction <add>, %get3A_286, %reduce_sum3A_287 [1] : vector<256x128xf32> to vector<256xf32>
    %broadcast_in_dim3A_289 = vector.shape_cast %reduce_sum3A_288 : vector<256xf32> to vector<256x1xf32>
    %div3A_290 = arith.constant 1.280000e+02 : f32
    %div3A_291 = vector.broadcast %div3A_290 : f32 to vector<256x1xf32>
    %div3A_292 = arith.divf %broadcast_in_dim3A_289, %div3A_291 : vector<256x1xf32>
    %sub3A_293 = vector.broadcast %div3A_292 : vector<256x1xf32> to vector<256x128xf32>
    %sub3A_294 = arith.subf %get3A_286, %sub3A_293 : vector<256x128xf32>
    %mul3A_295 = arith.mulf %sub3A_294, %sub3A_294 : vector<256x128xf32>
    %reduce_sum3A_296 = arith.constant dense<0.000000e+00> : vector<256xf32>
    %reduce_sum3A_297 = vector.multi_reduction <add>, %mul3A_295, %reduce_sum3A_296 [1] : vector<256x128xf32> to vector<256xf32>
    %broadcast_in_dim3A_298 = vector.shape_cast %reduce_sum3A_297 : vector<256xf32> to vector<256x1xf32>
    %div3A_299 = arith.constant 1.280000e+02 : f32
    %div3A_300 = vector.broadcast %div3A_299 : f32 to vector<256x1xf32>
    %div3A_301 = arith.divf %broadcast_in_dim3A_298, %div3A_300 : vector<256x1xf32>
    %add3A_302 = arith.constant 9.99999974E-6 : f32
    %add3A_303 = vector.broadcast %add3A_302 : f32 to vector<256x1xf32>
    %add3A_304 = arith.addf %div3A_301, %add3A_303 : vector<256x1xf32>
    %rsqrt3A_305 = math.rsqrt %add3A_304 : vector<256x1xf32>
    %mul3A_306 = vector.broadcast %rsqrt3A_305 : vector<256x1xf32> to vector<256x128xf32>
    %mul3A_307 = arith.mulf %sub3A_294, %mul3A_306 : vector<256x128xf32>
    %mul3A_308 = vector.broadcast %get3A_1 : vector<1x128xf32> to vector<256x128xf32>
    %mul3A_309 = arith.mulf %mul3A_307, %mul3A_308 : vector<256x128xf32>
    %add3A_310 = vector.broadcast %get3A_4 : vector<1x128xf32> to vector<256x128xf32>
    %add3A_311 = arith.addf %mul3A_309, %add3A_310 : vector<256x128xf32>
    %dot_general3A_312 = arith.constant dense<0.000000e+00> : vector<256x384xf32>
    %dot_general3A_313 = tpu.matmul %add3A_311, %get3A_7, %dot_general3A_312 {dimension_numbers = #tpu.dot_dimension_numbers<[1], [0], [0], [1], [0, 0, 1, 1], [], []>, transpose_lhs_hint = false} : vector<256x128xf32>, vector<128x384xf32>, vector<256x384xf32> -> vector<256x384xf32>
    %slice3A_314 = vector.extract_strided_slice %dot_general3A_313 {offsets = [0, 0], sizes = [256, 128], strides = [1, 1]} : vector<256x384xf32> to vector<256x128xf32>
    %add3A_315 = vector.broadcast %get3A_10 : vector<1x128xf32> to vector<256x128xf32>
    %add3A_316 = arith.addf %slice3A_314, %add3A_315 : vector<256x128xf32>
    %swap3A_317 = arith.constant 5 : index
    %swap3A_318 = arith.constant 0 : index
    %swap3A_319 = arith.constant 0 : index
    %swap3A_320 = vector.load %arg12[%swap3A_317, %swap3A_318, %swap3A_319] : memref<21x256x128xf32, #tpu.memory_space<vmem>>, vector<1x256x128xf32>
    %swap3A_321 = vector.shape_cast %swap3A_320 : vector<1x256x128xf32> to vector<256x128xf32>
    %swap3A_322 = vector.shape_cast %add3A_316 : vector<256x128xf32> to vector<1x256x128xf32>
    tpu.vector_store %arg12[%swap3A_317, %swap3A_318, %swap3A_319], %swap3A_322 {strides = array<i32>} : memref<21x256x128xf32, #tpu.memory_space<vmem>>, vector<1x256x128xf32>,
    %slice3A_323 = vector.extract_strided_slice %dot_general3A_313 {offsets = [0, 128], sizes = [256, 128], strides = [1, 1]} : vector<256x384xf32> to vector<256x128xf32>
    %swap3A_324 = arith.constant 5 : index
    %swap3A_325 = arith.constant 0 : index
    %swap3A_326 = arith.constant 0 : index
    %swap3A_327 = vector.load %arg13[%swap3A_324, %swap3A_325, %swap3A_326] : memref<21x256x128xf32, #tpu.memory_space<vmem>>, vector<1x256x128xf32>
    %swap3A_328 = vector.shape_cast %swap3A_327 : vector<1x256x128xf32> to vector<256x128xf32>
    %swap3A_329 = vector.shape_cast %slice3A_323 : vector<256x128xf32> to vector<1x256x128xf32>
    tpu.vector_store %arg13[%swap3A_324, %swap3A_325, %swap3A_326], %swap3A_329 {strides = array<i32>} : memref<21x256x128xf32, #tpu.memory_space<vmem>>, vector<1x256x128xf32>,
    %slice3A_330 = vector.extract_strided_slice %dot_general3A_313 {offsets = [0, 256], sizes = [256, 128], strides = [1, 1]} : vector<256x384xf32> to vector<256x128xf32>
    %add3A_331 = vector.broadcast %get3A_13 : vector<1x128xf32> to vector<256x128xf32>
    %add3A_332 = arith.addf %slice3A_330, %add3A_331 : vector<256x128xf32>
    %swap3A_333 = arith.constant 5 : index
    %swap3A_334 = arith.constant 0 : index
    %swap3A_335 = arith.constant 0 : index
    %swap3A_336 = vector.load %arg14[%swap3A_333, %swap3A_334, %swap3A_335] : memref<21x256x128xf32, #tpu.memory_space<vmem>>, vector<1x256x128xf32>
    %swap3A_337 = vector.shape_cast %swap3A_336 : vector<1x256x128xf32> to vector<256x128xf32>
    %swap3A_338 = vector.shape_cast %add3A_332 : vector<256x128xf32> to vector<1x256x128xf32>
    tpu.vector_store %arg14[%swap3A_333, %swap3A_334, %swap3A_335], %swap3A_338 {strides = array<i32>} : memref<21x256x128xf32, #tpu.memory_space<vmem>>, vector<1x256x128xf32>,
    %get3A_339 = arith.constant 0 : index
    %get3A_340 = arith.constant 768 : index
    %get3A_341 = vector.load %arg1[%get3A_339, %get3A_340] : memref<256x2688xf32, #tpu.memory_space<vmem>>, vector<256x128xf32>
    %reduce_sum3A_342 = arith.constant dense<0.000000e+00> : vector<256xf32>
    %reduce_sum3A_343 = vector.multi_reduction <add>, %get3A_341, %reduce_sum3A_342 [1] : vector<256x128xf32> to vector<256xf32>
    %broadcast_in_dim3A_344 = vector.shape_cast %reduce_sum3A_343 : vector<256xf32> to vector<256x1xf32>
    %div3A_345 = arith.constant 1.280000e+02 : f32
    %div3A_346 = vector.broadcast %div3A_345 : f32 to vector<256x1xf32>
    %div3A_347 = arith.divf %broadcast_in_dim3A_344, %div3A_346 : vector<256x1xf32>
    %sub3A_348 = vector.broadcast %div3A_347 : vector<256x1xf32> to vector<256x128xf32>
    %sub3A_349 = arith.subf %get3A_341, %sub3A_348 : vector<256x128xf32>
    %mul3A_350 = arith.mulf %sub3A_349, %sub3A_349 : vector<256x128xf32>
    %reduce_sum3A_351 = arith.constant dense<0.000000e+00> : vector<256xf32>
    %reduce_sum3A_352 = vector.multi_reduction <add>, %mul3A_350, %reduce_sum3A_351 [1] : vector<256x128xf32> to vector<256xf32>
    %broadcast_in_dim3A_353 = vector.shape_cast %reduce_sum3A_352 : vector<256xf32> to vector<256x1xf32>
    %div3A_354 = arith.constant 1.280000e+02 : f32
    %div3A_355 = vector.broadcast %div3A_354 : f32 to vector<256x1xf32>
    %div3A_356 = arith.divf %broadcast_in_dim3A_353, %div3A_355 : vector<256x1xf32>
    %add3A_357 = arith.constant 9.99999974E-6 : f32
    %add3A_358 = vector.broadcast %add3A_357 : f32 to vector<256x1xf32>
    %add3A_359 = arith.addf %div3A_356, %add3A_358 : vector<256x1xf32>
    %rsqrt3A_360 = math.rsqrt %add3A_359 : vector<256x1xf32>
    %mul3A_361 = vector.broadcast %rsqrt3A_360 : vector<256x1xf32> to vector<256x128xf32>
    %mul3A_362 = arith.mulf %sub3A_349, %mul3A_361 : vector<256x128xf32>
    %mul3A_363 = vector.broadcast %get3A_1 : vector<1x128xf32> to vector<256x128xf32>
    %mul3A_364 = arith.mulf %mul3A_362, %mul3A_363 : vector<256x128xf32>
    %add3A_365 = vector.broadcast %get3A_4 : vector<1x128xf32> to vector<256x128xf32>
    %add3A_366 = arith.addf %mul3A_364, %add3A_365 : vector<256x128xf32>
    %dot_general3A_367 = arith.constant dense<0.000000e+00> : vector<256x384xf32>
    %dot_general3A_368 = tpu.matmul %add3A_366, %get3A_7, %dot_general3A_367 {dimension_numbers = #tpu.dot_dimension_numbers<[1], [0], [0], [1], [0, 0, 1, 1], [], []>, transpose_lhs_hint = false} : vector<256x128xf32>, vector<128x384xf32>, vector<256x384xf32> -> vector<256x384xf32>
    %slice3A_369 = vector.extract_strided_slice %dot_general3A_368 {offsets = [0, 0], sizes = [256, 128], strides = [1, 1]} : vector<256x384xf32> to vector<256x128xf32>
    %add3A_370 = vector.broadcast %get3A_10 : vector<1x128xf32> to vector<256x128xf32>
    %add3A_371 = arith.addf %slice3A_369, %add3A_370 : vector<256x128xf32>
    %swap3A_372 = arith.constant 6 : index
    %swap3A_373 = arith.constant 0 : index
    %swap3A_374 = arith.constant 0 : index
    %swap3A_375 = vector.load %arg12[%swap3A_372, %swap3A_373, %swap3A_374] : memref<21x256x128xf32, #tpu.memory_space<vmem>>, vector<1x256x128xf32>
    %swap3A_376 = vector.shape_cast %swap3A_375 : vector<1x256x128xf32> to vector<256x128xf32>
    %swap3A_377 = vector.shape_cast %add3A_371 : vector<256x128xf32> to vector<1x256x128xf32>
    tpu.vector_store %arg12[%swap3A_372, %swap3A_373, %swap3A_374], %swap3A_377 {strides = array<i32>} : memref<21x256x128xf32, #tpu.memory_space<vmem>>, vector<1x256x128xf32>,
    %slice3A_378 = vector.extract_strided_slice %dot_general3A_368 {offsets = [0, 128], sizes = [256, 128], strides = [1, 1]} : vector<256x384xf32> to vector<256x128xf32>
    %swap3A_379 = arith.constant 6 : index
    %swap3A_380 = arith.constant 0 : index
    %swap3A_381 = arith.constant 0 : index
    %swap3A_382 = vector.load %arg13[%swap3A_379, %swap3A_380, %swap3A_381] : memref<21x256x128xf32, #tpu.memory_space<vmem>>, vector<1x256x128xf32>
    %swap3A_383 = vector.shape_cast %swap3A_382 : vector<1x256x128xf32> to vector<256x128xf32>
    %swap3A_384 = vector.shape_cast %slice3A_378 : vector<256x128xf32> to vector<1x256x128xf32>
    tpu.vector_store %arg13[%swap3A_379, %swap3A_380, %swap3A_381], %swap3A_384 {strides = array<i32>} : memref<21x256x128xf32, #tpu.memory_space<vmem>>, vector<1x256x128xf32>,
    %slice3A_385 = vector.extract_strided_slice %dot_general3A_368 {offsets = [0, 256], sizes = [256, 128], strides = [1, 1]} : vector<256x384xf32> to vector<256x128xf32>
    %add3A_386 = vector.broadcast %get3A_13 : vector<1x128xf32> to vector<256x128xf32>
    %add3A_387 = arith.addf %slice3A_385, %add3A_386 : vector<256x128xf32>
    %swap3A_388 = arith.constant 6 : index
    %swap3A_389 = arith.constant 0 : index
    %swap3A_390 = arith.constant 0 : index
    %swap3A_391 = vector.load %arg14[%swap3A_388, %swap3A_389, %swap3A_390] : memref<21x256x128xf32, #tpu.memory_space<vmem>>, vector<1x256x128xf32>
    %swap3A_392 = vector.shape_cast %swap3A_391 : vector<1x256x128xf32> to vector<256x128xf32>
    %swap3A_393 = vector.shape_cast %add3A_387 : vector<256x128xf32> to vector<1x256x128xf32>
    tpu.vector_store %arg14[%swap3A_388, %swap3A_389, %swap3A_390], %swap3A_393 {strides = array<i32>} : memref<21x256x128xf32, #tpu.memory_space<vmem>>, vector<1x256x128xf32>,
    %get3A_394 = arith.constant 0 : index
    %get3A_395 = arith.constant 896 : index
    %get3A_396 = vector.load %arg1[%get3A_394, %get3A_395] : memref<256x2688xf32, #tpu.memory_space<vmem>>, vector<256x128xf32>
    %reduce_sum3A_397 = arith.constant dense<0.000000e+00> : vector<256xf32>
    %reduce_sum3A_398 = vector.multi_reduction <add>, %get3A_396, %reduce_sum3A_397 [1] : vector<256x128xf32> to vector<256xf32>
    %broadcast_in_dim3A_399 = vector.shape_cast %reduce_sum3A_398 : vector<256xf32> to vector<256x1xf32>
    %div3A_400 = arith.constant 1.280000e+02 : f32
    %div3A_401 = vector.broadcast %div3A_400 : f32 to vector<256x1xf32>
    %div3A_402 = arith.divf %broadcast_in_dim3A_399, %div3A_401 : vector<256x1xf32>
    %sub3A_403 = vector.broadcast %div3A_402 : vector<256x1xf32> to vector<256x128xf32>
    %sub3A_404 = arith.subf %get3A_396, %sub3A_403 : vector<256x128xf32>
    %mul3A_405 = arith.mulf %sub3A_404, %sub3A_404 : vector<256x128xf32>
    %reduce_sum3A_406 = arith.constant dense<0.000000e+00> : vector<256xf32>
    %reduce_sum3A_407 = vector.multi_reduction <add>, %mul3A_405, %reduce_sum3A_406 [1] : vector<256x128xf32> to vector<256xf32>
    %broadcast_in_dim3A_408 = vector.shape_cast %reduce_sum3A_407 : vector<256xf32> to vector<256x1xf32>
    %div3A_409 = arith.constant 1.280000e+02 : f32
    %div3A_410 = vector.broadcast %div3A_409 : f32 to vector<256x1xf32>
    %div3A_411 = arith.divf %broadcast_in_dim3A_408, %div3A_410 : vector<256x1xf32>
    %add3A_412 = arith.constant 9.99999974E-6 : f32
    %add3A_413 = vector.broadcast %add3A_412 : f32 to vector<256x1xf32>
    %add3A_414 = arith.addf %div3A_411, %add3A_413 : vector<256x1xf32>
    %rsqrt3A_415 = math.rsqrt %add3A_414 : vector<256x1xf32>
    %mul3A_416 = vector.broadcast %rsqrt3A_415 : vector<256x1xf32> to vector<256x128xf32>
    %mul3A_417 = arith.mulf %sub3A_404, %mul3A_416 : vector<256x128xf32>
    %mul3A_418 = vector.broadcast %get3A_1 : vector<1x128xf32> to vector<256x128xf32>
    %mul3A_419 = arith.mulf %mul3A_417, %mul3A_418 : vector<256x128xf32>
    %add3A_420 = vector.broadcast %get3A_4 : vector<1x128xf32> to vector<256x128xf32>
    %add3A_421 = arith.addf %mul3A_419, %add3A_420 : vector<256x128xf32>
    %dot_general3A_422 = arith.constant dense<0.000000e+00> : vector<256x384xf32>
    %dot_general3A_423 = tpu.matmul %add3A_421, %get3A_7, %dot_general3A_422 {dimension_numbers = #tpu.dot_dimension_numbers<[1], [0], [0], [1], [0, 0, 1, 1], [], []>, transpose_lhs_hint = false} : vector<256x128xf32>, vector<128x384xf32>, vector<256x384xf32> -> vector<256x384xf32>
    %slice3A_424 = vector.extract_strided_slice %dot_general3A_423 {offsets = [0, 0], sizes = [256, 128], strides = [1, 1]} : vector<256x384xf32> to vector<256x128xf32>
    %add3A_425 = vector.broadcast %get3A_10 : vector<1x128xf32> to vector<256x128xf32>
    %add3A_426 = arith.addf %slice3A_424, %add3A_425 : vector<256x128xf32>
    %swap3A_427 = arith.constant 7 : index
    %swap3A_428 = arith.constant 0 : index
    %swap3A_429 = arith.constant 0 : index
    %swap3A_430 = vector.load %arg12[%swap3A_427, %swap3A_428, %swap3A_429] : memref<21x256x128xf32, #tpu.memory_space<vmem>>, vector<1x256x128xf32>
    %swap3A_431 = vector.shape_cast %swap3A_430 : vector<1x256x128xf32> to vector<256x128xf32>
    %swap3A_432 = vector.shape_cast %add3A_426 : vector<256x128xf32> to vector<1x256x128xf32>
    tpu.vector_store %arg12[%swap3A_427, %swap3A_428, %swap3A_429], %swap3A_432 {strides = array<i32>} : memref<21x256x128xf32, #tpu.memory_space<vmem>>, vector<1x256x128xf32>,
    %slice3A_433 = vector.extract_strided_slice %dot_general3A_423 {offsets = [0, 128], sizes = [256, 128], strides = [1, 1]} : vector<256x384xf32> to vector<256x128xf32>
    %swap3A_434 = arith.constant 7 : index
    %swap3A_435 = arith.constant 0 : index
    %swap3A_436 = arith.constant 0 : index
    %swap3A_437 = vector.load %arg13[%swap3A_434, %swap3A_435, %swap3A_436] : memref<21x256x128xf32, #tpu.memory_space<vmem>>, vector<1x256x128xf32>
    %swap3A_438 = vector.shape_cast %swap3A_437 : vector<1x256x128xf32> to vector<256x128xf32>
    %swap3A_439 = vector.shape_cast %slice3A_433 : vector<256x128xf32> to vector<1x256x128xf32>
    tpu.vector_store %arg13[%swap3A_434, %swap3A_435, %swap3A_436], %swap3A_439 {strides = array<i32>} : memref<21x256x128xf32, #tpu.memory_space<vmem>>, vector<1x256x128xf32>,
    %slice3A_440 = vector.extract_strided_slice %dot_general3A_423 {offsets = [0, 256], sizes = [256, 128], strides = [1, 1]} : vector<256x384xf32> to vector<256x128xf32>
    %add3A_441 = vector.broadcast %get3A_13 : vector<1x128xf32> to vector<256x128xf32>
    %add3A_442 = arith.addf %slice3A_440, %add3A_441 : vector<256x128xf32>
    %swap3A_443 = arith.constant 7 : index
    %swap3A_444 = arith.constant 0 : index
    %swap3A_445 = arith.constant 0 : index
    %swap3A_446 = vector.load %arg14[%swap3A_443, %swap3A_444, %swap3A_445] : memref<21x256x128xf32, #tpu.memory_space<vmem>>, vector<1x256x128xf32>
    %swap3A_447 = vector.shape_cast %swap3A_446 : vector<1x256x128xf32> to vector<256x128xf32>
    %swap3A_448 = vector.shape_cast %add3A_442 : vector<256x128xf32> to vector<1x256x128xf32>
    tpu.vector_store %arg14[%swap3A_443, %swap3A_444, %swap3A_445], %swap3A_448 {strides = array<i32>} : memref<21x256x128xf32, #tpu.memory_space<vmem>>, vector<1x256x128xf32>,
    %get3A_449 = arith.constant 0 : index
    %get3A_450 = arith.constant 1024 : index
    %get3A_451 = vector.load %arg1[%get3A_449, %get3A_450] : memref<256x2688xf32, #tpu.memory_space<vmem>>, vector<256x128xf32>
    %reduce_sum3A_452 = arith.constant dense<0.000000e+00> : vector<256xf32>
    %reduce_sum3A_453 = vector.multi_reduction <add>, %get3A_451, %reduce_sum3A_452 [1] : vector<256x128xf32> to vector<256xf32>
    %broadcast_in_dim3A_454 = vector.shape_cast %reduce_sum3A_453 : vector<256xf32> to vector<256x1xf32>
    %div3A_455 = arith.constant 1.280000e+02 : f32
    %div3A_456 = vector.broadcast %div3A_455 : f32 to vector<256x1xf32>
    %div3A_457 = arith.divf %broadcast_in_dim3A_454, %div3A_456 : vector<256x1xf32>
    %sub3A_458 = vector.broadcast %div3A_457 : vector<256x1xf32> to vector<256x128xf32>
    %sub3A_459 = arith.subf %get3A_451, %sub3A_458 : vector<256x128xf32>
    %mul3A_460 = arith.mulf %sub3A_459, %sub3A_459 : vector<256x128xf32>
    %reduce_sum3A_461 = arith.constant dense<0.000000e+00> : vector<256xf32>
    %reduce_sum3A_462 = vector.multi_reduction <add>, %mul3A_460, %reduce_sum3A_461 [1] : vector<256x128xf32> to vector<256xf32>
    %broadcast_in_dim3A_463 = vector.shape_cast %reduce_sum3A_462 : vector<256xf32> to vector<256x1xf32>
    %div3A_464 = arith.constant 1.280000e+02 : f32
    %div3A_465 = vector.broadcast %div3A_464 : f32 to vector<256x1xf32>
    %div3A_466 = arith.divf %broadcast_in_dim3A_463, %div3A_465 : vector<256x1xf32>
    %add3A_467 = arith.constant 9.99999974E-6 : f32
    %add3A_468 = vector.broadcast %add3A_467 : f32 to vector<256x1xf32>
    %add3A_469 = arith.addf %div3A_466, %add3A_468 : vector<256x1xf32>
    %rsqrt3A_470 = math.rsqrt %add3A_469 : vector<256x1xf32>
    %mul3A_471 = vector.broadcast %rsqrt3A_470 : vector<256x1xf32> to vector<256x128xf32>
    %mul3A_472 = arith.mulf %sub3A_459, %mul3A_471 : vector<256x128xf32>
    %mul3A_473 = vector.broadcast %get3A_1 : vector<1x128xf32> to vector<256x128xf32>
    %mul3A_474 = arith.mulf %mul3A_472, %mul3A_473 : vector<256x128xf32>
    %add3A_475 = vector.broadcast %get3A_4 : vector<1x128xf32> to vector<256x128xf32>
    %add3A_476 = arith.addf %mul3A_474, %add3A_475 : vector<256x128xf32>
    %dot_general3A_477 = arith.constant dense<0.000000e+00> : vector<256x384xf32>
    %dot_general3A_478 = tpu.matmul %add3A_476, %get3A_7, %dot_general3A_477 {dimension_numbers = #tpu.dot_dimension_numbers<[1], [0], [0], [1], [0, 0, 1, 1], [], []>, transpose_lhs_hint = false} : vector<256x128xf32>, vector<128x384xf32>, vector<256x384xf32> -> vector<256x384xf32>
    %slice3A_479 = vector.extract_strided_slice %dot_general3A_478 {offsets = [0, 0], sizes = [256, 128], strides = [1, 1]} : vector<256x384xf32> to vector<256x128xf32>
    %add3A_480 = vector.broadcast %get3A_10 : vector<1x128xf32> to vector<256x128xf32>
    %add3A_481 = arith.addf %slice3A_479, %add3A_480 : vector<256x128xf32>
    %swap3A_482 = arith.constant 8 : index
    %swap3A_483 = arith.constant 0 : index
    %swap3A_484 = arith.constant 0 : index
    %swap3A_485 = vector.load %arg12[%swap3A_482, %swap3A_483, %swap3A_484] : memref<21x256x128xf32, #tpu.memory_space<vmem>>, vector<1x256x128xf32>
    %swap3A_486 = vector.shape_cast %swap3A_485 : vector<1x256x128xf32> to vector<256x128xf32>
    %swap3A_487 = vector.shape_cast %add3A_481 : vector<256x128xf32> to vector<1x256x128xf32>
    tpu.vector_store %arg12[%swap3A_482, %swap3A_483, %swap3A_484], %swap3A_487 {strides = array<i32>} : memref<21x256x128xf32, #tpu.memory_space<vmem>>, vector<1x256x128xf32>,
    %slice3A_488 = vector.extract_strided_slice %dot_general3A_478 {offsets = [0, 128], sizes = [256, 128], strides = [1, 1]} : vector<256x384xf32> to vector<256x128xf32>
    %swap3A_489 = arith.constant 8 : index
    %swap3A_490 = arith.constant 0 : index
    %swap3A_491 = arith.constant 0 : index
    %swap3A_492 = vector.load %arg13[%swap3A_489, %swap3A_490, %swap3A_491] : memref<21x256x128xf32, #tpu.memory_space<vmem>>, vector<1x256x128xf32>
    %swap3A_493 = vector.shape_cast %swap3A_492 : vector<1x256x128xf32> to vector<256x128xf32>
    %swap3A_494 = vector.shape_cast %slice3A_488 : vector<256x128xf32> to vector<1x256x128xf32>
    tpu.vector_store %arg13[%swap3A_489, %swap3A_490, %swap3A_491], %swap3A_494 {strides = array<i32>} : memref<21x256x128xf32, #tpu.memory_space<vmem>>, vector<1x256x128xf32>,
    %slice3A_495 = vector.extract_strided_slice %dot_general3A_478 {offsets = [0, 256], sizes = [256, 128], strides = [1, 1]} : vector<256x384xf32> to vector<256x128xf32>
    %add3A_496 = vector.broadcast %get3A_13 : vector<1x128xf32> to vector<256x128xf32>
    %add3A_497 = arith.addf %slice3A_495, %add3A_496 : vector<256x128xf32>
    %swap3A_498 = arith.constant 8 : index
    %swap3A_499 = arith.constant 0 : index
    %swap3A_500 = arith.constant 0 : index
    %swap3A_501 = vector.load %arg14[%swap3A_498, %swap3A_499, %swap3A_500] : memref<21x256x128xf32, #tpu.memory_space<vmem>>, vector<1x256x128xf32>
    %swap3A_502 = vector.shape_cast %swap3A_501 : vector<1x256x128xf32> to vector<256x128xf32>
    %swap3A_503 = vector.shape_cast %add3A_497 : vector<256x128xf32> to vector<1x256x128xf32>
    tpu.vector_store %arg14[%swap3A_498, %swap3A_499, %swap3A_500], %swap3A_503 {strides = array<i32>} : memref<21x256x128xf32, #tpu.memory_space<vmem>>, vector<1x256x128xf32>,
    %get3A_504 = arith.constant 0 : index
    %get3A_505 = arith.constant 1152 : index
    %get3A_506 = vector.load %arg1[%get3A_504, %get3A_505] : memref<256x2688xf32, #tpu.memory_space<vmem>>, vector<256x128xf32>
    %reduce_sum3A_507 = arith.constant dense<0.000000e+00> : vector<256xf32>
    %reduce_sum3A_508 = vector.multi_reduction <add>, %get3A_506, %reduce_sum3A_507 [1] : vector<256x128xf32> to vector<256xf32>
    %broadcast_in_dim3A_509 = vector.shape_cast %reduce_sum3A_508 : vector<256xf32> to vector<256x1xf32>
    %div3A_510 = arith.constant 1.280000e+02 : f32
    %div3A_511 = vector.broadcast %div3A_510 : f32 to vector<256x1xf32>
    %div3A_512 = arith.divf %broadcast_in_dim3A_509, %div3A_511 : vector<256x1xf32>
    %sub3A_513 = vector.broadcast %div3A_512 : vector<256x1xf32> to vector<256x128xf32>
    %sub3A_514 = arith.subf %get3A_506, %sub3A_513 : vector<256x128xf32>
    %mul3A_515 = arith.mulf %sub3A_514, %sub3A_514 : vector<256x128xf32>
    %reduce_sum3A_516 = arith.constant dense<0.000000e+00> : vector<256xf32>
    %reduce_sum3A_517 = vector.multi_reduction <add>, %mul3A_515, %reduce_sum3A_516 [1] : vector<256x128xf32> to vector<256xf32>
    %broadcast_in_dim3A_518 = vector.shape_cast %reduce_sum3A_517 : vector<256xf32> to vector<256x1xf32>
    %div3A_519 = arith.constant 1.280000e+02 : f32
    %div3A_520 = vector.broadcast %div3A_519 : f32 to vector<256x1xf32>
    %div3A_521 = arith.divf %broadcast_in_dim3A_518, %div3A_520 : vector<256x1xf32>
    %add3A_522 = arith.constant 9.99999974E-6 : f32
    %add3A_523 = vector.broadcast %add3A_522 : f32 to vector<256x1xf32>
    %add3A_524 = arith.addf %div3A_521, %add3A_523 : vector<256x1xf32>
    %rsqrt3A_525 = math.rsqrt %add3A_524 : vector<256x1xf32>
    %mul3A_526 = vector.broadcast %rsqrt3A_525 : vector<256x1xf32> to vector<256x128xf32>
    %mul3A_527 = arith.mulf %sub3A_514, %mul3A_526 : vector<256x128xf32>
    %mul3A_528 = vector.broadcast %get3A_1 : vector<1x128xf32> to vector<256x128xf32>
    %mul3A_529 = arith.mulf %mul3A_527, %mul3A_528 : vector<256x128xf32>
    %add3A_530 = vector.broadcast %get3A_4 : vector<1x128xf32> to vector<256x128xf32>
    %add3A_531 = arith.addf %mul3A_529, %add3A_530 : vector<256x128xf32>
    %dot_general3A_532 = arith.constant dense<0.000000e+00> : vector<256x384xf32>
    %dot_general3A_533 = tpu.matmul %add3A_531, %get3A_7, %dot_general3A_532 {dimension_numbers = #tpu.dot_dimension_numbers<[1], [0], [0], [1], [0, 0, 1, 1], [], []>, transpose_lhs_hint = false} : vector<256x128xf32>, vector<128x384xf32>, vector<256x384xf32> -> vector<256x384xf32>
    %slice3A_534 = vector.extract_strided_slice %dot_general3A_533 {offsets = [0, 0], sizes = [256, 128], strides = [1, 1]} : vector<256x384xf32> to vector<256x128xf32>
    %add3A_535 = vector.broadcast %get3A_10 : vector<1x128xf32> to vector<256x128xf32>
    %add3A_536 = arith.addf %slice3A_534, %add3A_535 : vector<256x128xf32>
    %swap3A_537 = arith.constant 9 : index
    %swap3A_538 = arith.constant 0 : index
    %swap3A_539 = arith.constant 0 : index
    %swap3A_540 = vector.load %arg12[%swap3A_537, %swap3A_538, %swap3A_539] : memref<21x256x128xf32, #tpu.memory_space<vmem>>, vector<1x256x128xf32>
    %swap3A_541 = vector.shape_cast %swap3A_540 : vector<1x256x128xf32> to vector<256x128xf32>
    %swap3A_542 = vector.shape_cast %add3A_536 : vector<256x128xf32> to vector<1x256x128xf32>
    tpu.vector_store %arg12[%swap3A_537, %swap3A_538, %swap3A_539], %swap3A_542 {strides = array<i32>} : memref<21x256x128xf32, #tpu.memory_space<vmem>>, vector<1x256x128xf32>,
    %slice3A_543 = vector.extract_strided_slice %dot_general3A_533 {offsets = [0, 128], sizes = [256, 128], strides = [1, 1]} : vector<256x384xf32> to vector<256x128xf32>
    %swap3A_544 = arith.constant 9 : index
    %swap3A_545 = arith.constant 0 : index
    %swap3A_546 = arith.constant 0 : index
    %swap3A_547 = vector.load %arg13[%swap3A_544, %swap3A_545, %swap3A_546] : memref<21x256x128xf32, #tpu.memory_space<vmem>>, vector<1x256x128xf32>
    %swap3A_548 = vector.shape_cast %swap3A_547 : vector<1x256x128xf32> to vector<256x128xf32>
    %swap3A_549 = vector.shape_cast %slice3A_543 : vector<256x128xf32> to vector<1x256x128xf32>
    tpu.vector_store %arg13[%swap3A_544, %swap3A_545, %swap3A_546], %swap3A_549 {strides = array<i32>} : memref<21x256x128xf32, #tpu.memory_space<vmem>>, vector<1x256x128xf32>,
    %slice3A_550 = vector.extract_strided_slice %dot_general3A_533 {offsets = [0, 256], sizes = [256, 128], strides = [1, 1]} : vector<256x384xf32> to vector<256x128xf32>
    %add3A_551 = vector.broadcast %get3A_13 : vector<1x128xf32> to vector<256x128xf32>
    %add3A_552 = arith.addf %slice3A_550, %add3A_551 : vector<256x128xf32>
    %swap3A_553 = arith.constant 9 : index
    %swap3A_554 = arith.constant 0 : index
    %swap3A_555 = arith.constant 0 : index
    %swap3A_556 = vector.load %arg14[%swap3A_553, %swap3A_554, %swap3A_555] : memref<21x256x128xf32, #tpu.memory_space<vmem>>, vector<1x256x128xf32>
    %swap3A_557 = vector.shape_cast %swap3A_556 : vector<1x256x128xf32> to vector<256x128xf32>
    %swap3A_558 = vector.shape_cast %add3A_552 : vector<256x128xf32> to vector<1x256x128xf32>
    tpu.vector_store %arg14[%swap3A_553, %swap3A_554, %swap3A_555], %swap3A_558 {strides = array<i32>} : memref<21x256x128xf32, #tpu.memory_space<vmem>>, vector<1x256x128xf32>,
    %get3A_559 = arith.constant 0 : index
    %get3A_560 = arith.constant 1280 : index
    %get3A_561 = vector.load %arg1[%get3A_559, %get3A_560] : memref<256x2688xf32, #tpu.memory_space<vmem>>, vector<256x128xf32>
    %reduce_sum3A_562 = arith.constant dense<0.000000e+00> : vector<256xf32>
    %reduce_sum3A_563 = vector.multi_reduction <add>, %get3A_561, %reduce_sum3A_562 [1] : vector<256x128xf32> to vector<256xf32>
    %broadcast_in_dim3A_564 = vector.shape_cast %reduce_sum3A_563 : vector<256xf32> to vector<256x1xf32>
    %div3A_565 = arith.constant 1.280000e+02 : f32
    %div3A_566 = vector.broadcast %div3A_565 : f32 to vector<256x1xf32>
    %div3A_567 = arith.divf %broadcast_in_dim3A_564, %div3A_566 : vector<256x1xf32>
    %sub3A_568 = vector.broadcast %div3A_567 : vector<256x1xf32> to vector<256x128xf32>
    %sub3A_569 = arith.subf %get3A_561, %sub3A_568 : vector<256x128xf32>
    %mul3A_570 = arith.mulf %sub3A_569, %sub3A_569 : vector<256x128xf32>
    %reduce_sum3A_571 = arith.constant dense<0.000000e+00> : vector<256xf32>
    %reduce_sum3A_572 = vector.multi_reduction <add>, %mul3A_570, %reduce_sum3A_571 [1] : vector<256x128xf32> to vector<256xf32>
    %broadcast_in_dim3A_573 = vector.shape_cast %reduce_sum3A_572 : vector<256xf32> to vector<256x1xf32>
    %div3A_574 = arith.constant 1.280000e+02 : f32
    %div3A_575 = vector.broadcast %div3A_574 : f32 to vector<256x1xf32>
    %div3A_576 = arith.divf %broadcast_in_dim3A_573, %div3A_575 : vector<256x1xf32>
    %add3A_577 = arith.constant 9.99999974E-6 : f32
    %add3A_578 = vector.broadcast %add3A_577 : f32 to vector<256x1xf32>
    %add3A_579 = arith.addf %div3A_576, %add3A_578 : vector<256x1xf32>
    %rsqrt3A_580 = math.rsqrt %add3A_579 : vector<256x1xf32>
    %mul3A_581 = vector.broadcast %rsqrt3A_580 : vector<256x1xf32> to vector<256x128xf32>
    %mul3A_582 = arith.mulf %sub3A_569, %mul3A_581 : vector<256x128xf32>
    %mul3A_583 = vector.broadcast %get3A_1 : vector<1x128xf32> to vector<256x128xf32>
    %mul3A_584 = arith.mulf %mul3A_582, %mul3A_583 : vector<256x128xf32>
    %add3A_585 = vector.broadcast %get3A_4 : vector<1x128xf32> to vector<256x128xf32>
    %add3A_586 = arith.addf %mul3A_584, %add3A_585 : vector<256x128xf32>
    %dot_general3A_587 = arith.constant dense<0.000000e+00> : vector<256x384xf32>
    %dot_general3A_588 = tpu.matmul %add3A_586, %get3A_7, %dot_general3A_587 {dimension_numbers = #tpu.dot_dimension_numbers<[1], [0], [0], [1], [0, 0, 1, 1], [], []>, transpose_lhs_hint = false} : vector<256x128xf32>, vector<128x384xf32>, vector<256x384xf32> -> vector<256x384xf32>
    %slice3A_589 = vector.extract_strided_slice %dot_general3A_588 {offsets = [0, 0], sizes = [256, 128], strides = [1, 1]} : vector<256x384xf32> to vector<256x128xf32>
    %add3A_590 = vector.broadcast %get3A_10 : vector<1x128xf32> to vector<256x128xf32>
    %add3A_591 = arith.addf %slice3A_589, %add3A_590 : vector<256x128xf32>
    %swap3A_592 = arith.constant 10 : index
    %swap3A_593 = arith.constant 0 : index
    %swap3A_594 = arith.constant 0 : index
    %swap3A_595 = vector.load %arg12[%swap3A_592, %swap3A_593, %swap3A_594] : memref<21x256x128xf32, #tpu.memory_space<vmem>>, vector<1x256x128xf32>
    %swap3A_596 = vector.shape_cast %swap3A_595 : vector<1x256x128xf32> to vector<256x128xf32>
    %swap3A_597 = vector.shape_cast %add3A_591 : vector<256x128xf32> to vector<1x256x128xf32>
    tpu.vector_store %arg12[%swap3A_592, %swap3A_593, %swap3A_594], %swap3A_597 {strides = array<i32>} : memref<21x256x128xf32, #tpu.memory_space<vmem>>, vector<1x256x128xf32>,
    %slice3A_598 = vector.extract_strided_slice %dot_general3A_588 {offsets = [0, 128], sizes = [256, 128], strides = [1, 1]} : vector<256x384xf32> to vector<256x128xf32>
    %swap3A_599 = arith.constant 10 : index
    %swap3A_600 = arith.constant 0 : index
    %swap3A_601 = arith.constant 0 : index
    %swap3A_602 = vector.load %arg13[%swap3A_599, %swap3A_600, %swap3A_601] : memref<21x256x128xf32, #tpu.memory_space<vmem>>, vector<1x256x128xf32>
    %swap3A_603 = vector.shape_cast %swap3A_602 : vector<1x256x128xf32> to vector<256x128xf32>
    %swap3A_604 = vector.shape_cast %slice3A_598 : vector<256x128xf32> to vector<1x256x128xf32>
    tpu.vector_store %arg13[%swap3A_599, %swap3A_600, %swap3A_601], %swap3A_604 {strides = array<i32>} : memref<21x256x128xf32, #tpu.memory_space<vmem>>, vector<1x256x128xf32>,
    %slice3A_605 = vector.extract_strided_slice %dot_general3A_588 {offsets = [0, 256], sizes = [256, 128], strides = [1, 1]} : vector<256x384xf32> to vector<256x128xf32>
    %add3A_606 = vector.broadcast %get3A_13 : vector<1x128xf32> to vector<256x128xf32>
    %add3A_607 = arith.addf %slice3A_605, %add3A_606 : vector<256x128xf32>
    %swap3A_608 = arith.constant 10 : index
    %swap3A_609 = arith.constant 0 : index
    %swap3A_610 = arith.constant 0 : index
    %swap3A_611 = vector.load %arg14[%swap3A_608, %swap3A_609, %swap3A_610] : memref<21x256x128xf32, #tpu.memory_space<vmem>>, vector<1x256x128xf32>
    %swap3A_612 = vector.shape_cast %swap3A_611 : vector<1x256x128xf32> to vector<256x128xf32>
    %swap3A_613 = vector.shape_cast %add3A_607 : vector<256x128xf32> to vector<1x256x128xf32>
    tpu.vector_store %arg14[%swap3A_608, %swap3A_609, %swap3A_610], %swap3A_613 {strides = array<i32>} : memref<21x256x128xf32, #tpu.memory_space<vmem>>, vector<1x256x128xf32>,
    %get3A_614 = arith.constant 0 : index
    %get3A_615 = arith.constant 1408 : index
    %get3A_616 = vector.load %arg1[%get3A_614, %get3A_615] : memref<256x2688xf32, #tpu.memory_space<vmem>>, vector<256x128xf32>
    %reduce_sum3A_617 = arith.constant dense<0.000000e+00> : vector<256xf32>
    %reduce_sum3A_618 = vector.multi_reduction <add>, %get3A_616, %reduce_sum3A_617 [1] : vector<256x128xf32> to vector<256xf32>
    %broadcast_in_dim3A_619 = vector.shape_cast %reduce_sum3A_618 : vector<256xf32> to vector<256x1xf32>
    %div3A_620 = arith.constant 1.280000e+02 : f32
    %div3A_621 = vector.broadcast %div3A_620 : f32 to vector<256x1xf32>
    %div3A_622 = arith.divf %broadcast_in_dim3A_619, %div3A_621 : vector<256x1xf32>
    %sub3A_623 = vector.broadcast %div3A_622 : vector<256x1xf32> to vector<256x128xf32>
    %sub3A_624 = arith.subf %get3A_616, %sub3A_623 : vector<256x128xf32>
    %mul3A_625 = arith.mulf %sub3A_624, %sub3A_624 : vector<256x128xf32>
    %reduce_sum3A_626 = arith.constant dense<0.000000e+00> : vector<256xf32>
    %reduce_sum3A_627 = vector.multi_reduction <add>, %mul3A_625, %reduce_sum3A_626 [1] : vector<256x128xf32> to vector<256xf32>
    %broadcast_in_dim3A_628 = vector.shape_cast %reduce_sum3A_627 : vector<256xf32> to vector<256x1xf32>
    %div3A_629 = arith.constant 1.280000e+02 : f32
    %div3A_630 = vector.broadcast %div3A_629 : f32 to vector<256x1xf32>
    %div3A_631 = arith.divf %broadcast_in_dim3A_628, %div3A_630 : vector<256x1xf32>
    %add3A_632 = arith.constant 9.99999974E-6 : f32
    %add3A_633 = vector.broadcast %add3A_632 : f32 to vector<256x1xf32>
    %add3A_634 = arith.addf %div3A_631, %add3A_633 : vector<256x1xf32>
    %rsqrt3A_635 = math.rsqrt %add3A_634 : vector<256x1xf32>
    %mul3A_636 = vector.broadcast %rsqrt3A_635 : vector<256x1xf32> to vector<256x128xf32>
    %mul3A_637 = arith.mulf %sub3A_624, %mul3A_636 : vector<256x128xf32>
    %mul3A_638 = vector.broadcast %get3A_1 : vector<1x128xf32> to vector<256x128xf32>
    %mul3A_639 = arith.mulf %mul3A_637, %mul3A_638 : vector<256x128xf32>
    %add3A_640 = vector.broadcast %get3A_4 : vector<1x128xf32> to vector<256x128xf32>
    %add3A_641 = arith.addf %mul3A_639, %add3A_640 : vector<256x128xf32>
    %dot_general3A_642 = arith.constant dense<0.000000e+00> : vector<256x384xf32>
    %dot_general3A_643 = tpu.matmul %add3A_641, %get3A_7, %dot_general3A_642 {dimension_numbers = #tpu.dot_dimension_numbers<[1], [0], [0], [1], [0, 0, 1, 1], [], []>, transpose_lhs_hint = false} : vector<256x128xf32>, vector<128x384xf32>, vector<256x384xf32> -> vector<256x384xf32>
    %slice3A_644 = vector.extract_strided_slice %dot_general3A_643 {offsets = [0, 0], sizes = [256, 128], strides = [1, 1]} : vector<256x384xf32> to vector<256x128xf32>
    %add3A_645 = vector.broadcast %get3A_10 : vector<1x128xf32> to vector<256x128xf32>
    %add3A_646 = arith.addf %slice3A_644, %add3A_645 : vector<256x128xf32>
    %swap3A_647 = arith.constant 11 : index
    %swap3A_648 = arith.constant 0 : index
    %swap3A_649 = arith.constant 0 : index
    %swap3A_650 = vector.load %arg12[%swap3A_647, %swap3A_648, %swap3A_649] : memref<21x256x128xf32, #tpu.memory_space<vmem>>, vector<1x256x128xf32>
    %swap3A_651 = vector.shape_cast %swap3A_650 : vector<1x256x128xf32> to vector<256x128xf32>
    %swap3A_652 = vector.shape_cast %add3A_646 : vector<256x128xf32> to vector<1x256x128xf32>
    tpu.vector_store %arg12[%swap3A_647, %swap3A_648, %swap3A_649], %swap3A_652 {strides = array<i32>} : memref<21x256x128xf32, #tpu.memory_space<vmem>>, vector<1x256x128xf32>,
    %slice3A_653 = vector.extract_strided_slice %dot_general3A_643 {offsets = [0, 128], sizes = [256, 128], strides = [1, 1]} : vector<256x384xf32> to vector<256x128xf32>
    %swap3A_654 = arith.constant 11 : index
    %swap3A_655 = arith.constant 0 : index
    %swap3A_656 = arith.constant 0 : index
    %swap3A_657 = vector.load %arg13[%swap3A_654, %swap3A_655, %swap3A_656] : memref<21x256x128xf32, #tpu.memory_space<vmem>>, vector<1x256x128xf32>
    %swap3A_658 = vector.shape_cast %swap3A_657 : vector<1x256x128xf32> to vector<256x128xf32>
    %swap3A_659 = vector.shape_cast %slice3A_653 : vector<256x128xf32> to vector<1x256x128xf32>
    tpu.vector_store %arg13[%swap3A_654, %swap3A_655, %swap3A_656], %swap3A_659 {strides = array<i32>} : memref<21x256x128xf32, #tpu.memory_space<vmem>>, vector<1x256x128xf32>,
    %slice3A_660 = vector.extract_strided_slice %dot_general3A_643 {offsets = [0, 256], sizes = [256, 128], strides = [1, 1]} : vector<256x384xf32> to vector<256x128xf32>
    %add3A_661 = vector.broadcast %get3A_13 : vector<1x128xf32> to vector<256x128xf32>
    %add3A_662 = arith.addf %slice3A_660, %add3A_661 : vector<256x128xf32>
    %swap3A_663 = arith.constant 11 : index
    %swap3A_664 = arith.constant 0 : index
    %swap3A_665 = arith.constant 0 : index
    %swap3A_666 = vector.load %arg14[%swap3A_663, %swap3A_664, %swap3A_665] : memref<21x256x128xf32, #tpu.memory_space<vmem>>, vector<1x256x128xf32>
    %swap3A_667 = vector.shape_cast %swap3A_666 : vector<1x256x128xf32> to vector<256x128xf32>
    %swap3A_668 = vector.shape_cast %add3A_662 : vector<256x128xf32> to vector<1x256x128xf32>
    tpu.vector_store %arg14[%swap3A_663, %swap3A_664, %swap3A_665], %swap3A_668 {strides = array<i32>} : memref<21x256x128xf32, #tpu.memory_space<vmem>>, vector<1x256x128xf32>,
    %get3A_669 = arith.constant 0 : index
    %get3A_670 = arith.constant 1536 : index
    %get3A_671 = vector.load %arg1[%get3A_669, %get3A_670] : memref<256x2688xf32, #tpu.memory_space<vmem>>, vector<256x128xf32>
    %reduce_sum3A_672 = arith.constant dense<0.000000e+00> : vector<256xf32>
    %reduce_sum3A_673 = vector.multi_reduction <add>, %get3A_671, %reduce_sum3A_672 [1] : vector<256x128xf32> to vector<256xf32>
    %broadcast_in_dim3A_674 = vector.shape_cast %reduce_sum3A_673 : vector<256xf32> to vector<256x1xf32>
    %div3A_675 = arith.constant 1.280000e+02 : f32
    %div3A_676 = vector.broadcast %div3A_675 : f32 to vector<256x1xf32>
    %div3A_677 = arith.divf %broadcast_in_dim3A_674, %div3A_676 : vector<256x1xf32>
    %sub3A_678 = vector.broadcast %div3A_677 : vector<256x1xf32> to vector<256x128xf32>
    %sub3A_679 = arith.subf %get3A_671, %sub3A_678 : vector<256x128xf32>
    %mul3A_680 = arith.mulf %sub3A_679, %sub3A_679 : vector<256x128xf32>
    %reduce_sum3A_681 = arith.constant dense<0.000000e+00> : vector<256xf32>
    %reduce_sum3A_682 = vector.multi_reduction <add>, %mul3A_680, %reduce_sum3A_681 [1] : vector<256x128xf32> to vector<256xf32>
    %broadcast_in_dim3A_683 = vector.shape_cast %reduce_sum3A_682 : vector<256xf32> to vector<256x1xf32>
    %div3A_684 = arith.constant 1.280000e+02 : f32
    %div3A_685 = vector.broadcast %div3A_684 : f32 to vector<256x1xf32>
    %div3A_686 = arith.divf %broadcast_in_dim3A_683, %div3A_685 : vector<256x1xf32>
    %add3A_687 = arith.constant 9.99999974E-6 : f32
    %add3A_688 = vector.broadcast %add3A_687 : f32 to vector<256x1xf32>
    %add3A_689 = arith.addf %div3A_686, %add3A_688 : vector<256x1xf32>
    %rsqrt3A_690 = math.rsqrt %add3A_689 : vector<256x1xf32>
    %mul3A_691 = vector.broadcast %rsqrt3A_690 : vector<256x1xf32> to vector<256x128xf32>
    %mul3A_692 = arith.mulf %sub3A_679, %mul3A_691 : vector<256x128xf32>
    %mul3A_693 = vector.broadcast %get3A_1 : vector<1x128xf32> to vector<256x128xf32>
    %mul3A_694 = arith.mulf %mul3A_692, %mul3A_693 : vector<256x128xf32>
    %add3A_695 = vector.broadcast %get3A_4 : vector<1x128xf32> to vector<256x128xf32>
    %add3A_696 = arith.addf %mul3A_694, %add3A_695 : vector<256x128xf32>
    %dot_general3A_697 = arith.constant dense<0.000000e+00> : vector<256x384xf32>
    %dot_general3A_698 = tpu.matmul %add3A_696, %get3A_7, %dot_general3A_697 {dimension_numbers = #tpu.dot_dimension_numbers<[1], [0], [0], [1], [0, 0, 1, 1], [], []>, transpose_lhs_hint = false} : vector<256x128xf32>, vector<128x384xf32>, vector<256x384xf32> -> vector<256x384xf32>
    %slice3A_699 = vector.extract_strided_slice %dot_general3A_698 {offsets = [0, 0], sizes = [256, 128], strides = [1, 1]} : vector<256x384xf32> to vector<256x128xf32>
    %add3A_700 = vector.broadcast %get3A_10 : vector<1x128xf32> to vector<256x128xf32>
    %add3A_701 = arith.addf %slice3A_699, %add3A_700 : vector<256x128xf32>
    %swap3A_702 = arith.constant 12 : index
    %swap3A_703 = arith.constant 0 : index
    %swap3A_704 = arith.constant 0 : index
    %swap3A_705 = vector.load %arg12[%swap3A_702, %swap3A_703, %swap3A_704] : memref<21x256x128xf32, #tpu.memory_space<vmem>>, vector<1x256x128xf32>
    %swap3A_706 = vector.shape_cast %swap3A_705 : vector<1x256x128xf32> to vector<256x128xf32>
    %swap3A_707 = vector.shape_cast %add3A_701 : vector<256x128xf32> to vector<1x256x128xf32>
    tpu.vector_store %arg12[%swap3A_702, %swap3A_703, %swap3A_704], %swap3A_707 {strides = array<i32>} : memref<21x256x128xf32, #tpu.memory_space<vmem>>, vector<1x256x128xf32>,
    %slice3A_708 = vector.extract_strided_slice %dot_general3A_698 {offsets = [0, 128], sizes = [256, 128], strides = [1, 1]} : vector<256x384xf32> to vector<256x128xf32>
    %swap3A_709 = arith.constant 12 : index
    %swap3A_710 = arith.constant 0 : index
    %swap3A_711 = arith.constant 0 : index
    %swap3A_712 = vector.load %arg13[%swap3A_709, %swap3A_710, %swap3A_711] : memref<21x256x128xf32, #tpu.memory_space<vmem>>, vector<1x256x128xf32>
    %swap3A_713 = vector.shape_cast %swap3A_712 : vector<1x256x128xf32> to vector<256x128xf32>
    %swap3A_714 = vector.shape_cast %slice3A_708 : vector<256x128xf32> to vector<1x256x128xf32>
    tpu.vector_store %arg13[%swap3A_709, %swap3A_710, %swap3A_711], %swap3A_714 {strides = array<i32>} : memref<21x256x128xf32, #tpu.memory_space<vmem>>, vector<1x256x128xf32>,
    %slice3A_715 = vector.extract_strided_slice %dot_general3A_698 {offsets = [0, 256], sizes = [256, 128], strides = [1, 1]} : vector<256x384xf32> to vector<256x128xf32>
    %add3A_716 = vector.broadcast %get3A_13 : vector<1x128xf32> to vector<256x128xf32>
    %add3A_717 = arith.addf %slice3A_715, %add3A_716 : vector<256x128xf32>
    %swap3A_718 = arith.constant 12 : index
    %swap3A_719 = arith.constant 0 : index
    %swap3A_720 = arith.constant 0 : index
    %swap3A_721 = vector.load %arg14[%swap3A_718, %swap3A_719, %swap3A_720] : memref<21x256x128xf32, #tpu.memory_space<vmem>>, vector<1x256x128xf32>
    %swap3A_722 = vector.shape_cast %swap3A_721 : vector<1x256x128xf32> to vector<256x128xf32>
    %swap3A_723 = vector.shape_cast %add3A_717 : vector<256x128xf32> to vector<1x256x128xf32>
    tpu.vector_store %arg14[%swap3A_718, %swap3A_719, %swap3A_720], %swap3A_723 {strides = array<i32>} : memref<21x256x128xf32, #tpu.memory_space<vmem>>, vector<1x256x128xf32>,
    %get3A_724 = arith.constant 0 : index
    %get3A_725 = arith.constant 1664 : index
    %get3A_726 = vector.load %arg1[%get3A_724, %get3A_725] : memref<256x2688xf32, #tpu.memory_space<vmem>>, vector<256x128xf32>
    %reduce_sum3A_727 = arith.constant dense<0.000000e+00> : vector<256xf32>
    %reduce_sum3A_728 = vector.multi_reduction <add>, %get3A_726, %reduce_sum3A_727 [1] : vector<256x128xf32> to vector<256xf32>
    %broadcast_in_dim3A_729 = vector.shape_cast %reduce_sum3A_728 : vector<256xf32> to vector<256x1xf32>
    %div3A_730 = arith.constant 1.280000e+02 : f32
    %div3A_731 = vector.broadcast %div3A_730 : f32 to vector<256x1xf32>
    %div3A_732 = arith.divf %broadcast_in_dim3A_729, %div3A_731 : vector<256x1xf32>
    %sub3A_733 = vector.broadcast %div3A_732 : vector<256x1xf32> to vector<256x128xf32>
    %sub3A_734 = arith.subf %get3A_726, %sub3A_733 : vector<256x128xf32>
    %mul3A_735 = arith.mulf %sub3A_734, %sub3A_734 : vector<256x128xf32>
    %reduce_sum3A_736 = arith.constant dense<0.000000e+00> : vector<256xf32>
    %reduce_sum3A_737 = vector.multi_reduction <add>, %mul3A_735, %reduce_sum3A_736 [1] : vector<256x128xf32> to vector<256xf32>
    %broadcast_in_dim3A_738 = vector.shape_cast %reduce_sum3A_737 : vector<256xf32> to vector<256x1xf32>
    %div3A_739 = arith.constant 1.280000e+02 : f32
    %div3A_740 = vector.broadcast %div3A_739 : f32 to vector<256x1xf32>
    %div3A_741 = arith.divf %broadcast_in_dim3A_738, %div3A_740 : vector<256x1xf32>
    %add3A_742 = arith.constant 9.99999974E-6 : f32
    %add3A_743 = vector.broadcast %add3A_742 : f32 to vector<256x1xf32>
    %add3A_744 = arith.addf %div3A_741, %add3A_743 : vector<256x1xf32>
    %rsqrt3A_745 = math.rsqrt %add3A_744 : vector<256x1xf32>
    %mul3A_746 = vector.broadcast %rsqrt3A_745 : vector<256x1xf32> to vector<256x128xf32>
    %mul3A_747 = arith.mulf %sub3A_734, %mul3A_746 : vector<256x128xf32>
    %mul3A_748 = vector.broadcast %get3A_1 : vector<1x128xf32> to vector<256x128xf32>
    %mul3A_749 = arith.mulf %mul3A_747, %mul3A_748 : vector<256x128xf32>
    %add3A_750 = vector.broadcast %get3A_4 : vector<1x128xf32> to vector<256x128xf32>
    %add3A_751 = arith.addf %mul3A_749, %add3A_750 : vector<256x128xf32>
    %dot_general3A_752 = arith.constant dense<0.000000e+00> : vector<256x384xf32>
    %dot_general3A_753 = tpu.matmul %add3A_751, %get3A_7, %dot_general3A_752 {dimension_numbers = #tpu.dot_dimension_numbers<[1], [0], [0], [1], [0, 0, 1, 1], [], []>, transpose_lhs_hint = false} : vector<256x128xf32>, vector<128x384xf32>, vector<256x384xf32> -> vector<256x384xf32>
    %slice3A_754 = vector.extract_strided_slice %dot_general3A_753 {offsets = [0, 0], sizes = [256, 128], strides = [1, 1]} : vector<256x384xf32> to vector<256x128xf32>
    %add3A_755 = vector.broadcast %get3A_10 : vector<1x128xf32> to vector<256x128xf32>
    %add3A_756 = arith.addf %slice3A_754, %add3A_755 : vector<256x128xf32>
    %swap3A_757 = arith.constant 13 : index
    %swap3A_758 = arith.constant 0 : index
    %swap3A_759 = arith.constant 0 : index
    %swap3A_760 = vector.load %arg12[%swap3A_757, %swap3A_758, %swap3A_759] : memref<21x256x128xf32, #tpu.memory_space<vmem>>, vector<1x256x128xf32>
    %swap3A_761 = vector.shape_cast %swap3A_760 : vector<1x256x128xf32> to vector<256x128xf32>
    %swap3A_762 = vector.shape_cast %add3A_756 : vector<256x128xf32> to vector<1x256x128xf32>
    tpu.vector_store %arg12[%swap3A_757, %swap3A_758, %swap3A_759], %swap3A_762 {strides = array<i32>} : memref<21x256x128xf32, #tpu.memory_space<vmem>>, vector<1x256x128xf32>,
    %slice3A_763 = vector.extract_strided_slice %dot_general3A_753 {offsets = [0, 128], sizes = [256, 128], strides = [1, 1]} : vector<256x384xf32> to vector<256x128xf32>
    %swap3A_764 = arith.constant 13 : index
    %swap3A_765 = arith.constant 0 : index
    %swap3A_766 = arith.constant 0 : index
    %swap3A_767 = vector.load %arg13[%swap3A_764, %swap3A_765, %swap3A_766] : memref<21x256x128xf32, #tpu.memory_space<vmem>>, vector<1x256x128xf32>
    %swap3A_768 = vector.shape_cast %swap3A_767 : vector<1x256x128xf32> to vector<256x128xf32>
    %swap3A_769 = vector.shape_cast %slice3A_763 : vector<256x128xf32> to vector<1x256x128xf32>
    tpu.vector_store %arg13[%swap3A_764, %swap3A_765, %swap3A_766], %swap3A_769 {strides = array<i32>} : memref<21x256x128xf32, #tpu.memory_space<vmem>>, vector<1x256x128xf32>,
    %slice3A_770 = vector.extract_strided_slice %dot_general3A_753 {offsets = [0, 256], sizes = [256, 128], strides = [1, 1]} : vector<256x384xf32> to vector<256x128xf32>
    %add3A_771 = vector.broadcast %get3A_13 : vector<1x128xf32> to vector<256x128xf32>
    %add3A_772 = arith.addf %slice3A_770, %add3A_771 : vector<256x128xf32>
    %swap3A_773 = arith.constant 13 : index
    %swap3A_774 = arith.constant 0 : index
    %swap3A_775 = arith.constant 0 : index
    %swap3A_776 = vector.load %arg14[%swap3A_773, %swap3A_774, %swap3A_775] : memref<21x256x128xf32, #tpu.memory_space<vmem>>, vector<1x256x128xf32>
    %swap3A_777 = vector.shape_cast %swap3A_776 : vector<1x256x128xf32> to vector<256x128xf32>
    %swap3A_778 = vector.shape_cast %add3A_772 : vector<256x128xf32> to vector<1x256x128xf32>
    tpu.vector_store %arg14[%swap3A_773, %swap3A_774, %swap3A_775], %swap3A_778 {strides = array<i32>} : memref<21x256x128xf32, #tpu.memory_space<vmem>>, vector<1x256x128xf32>,
    %get3A_779 = arith.constant 0 : index
    %get3A_780 = arith.constant 1792 : index
    %get3A_781 = vector.load %arg1[%get3A_779, %get3A_780] : memref<256x2688xf32, #tpu.memory_space<vmem>>, vector<256x128xf32>
    %reduce_sum3A_782 = arith.constant dense<0.000000e+00> : vector<256xf32>
    %reduce_sum3A_783 = vector.multi_reduction <add>, %get3A_781, %reduce_sum3A_782 [1] : vector<256x128xf32> to vector<256xf32>
    %broadcast_in_dim3A_784 = vector.shape_cast %reduce_sum3A_783 : vector<256xf32> to vector<256x1xf32>
    %div3A_785 = arith.constant 1.280000e+02 : f32
    %div3A_786 = vector.broadcast %div3A_785 : f32 to vector<256x1xf32>
    %div3A_787 = arith.divf %broadcast_in_dim3A_784, %div3A_786 : vector<256x1xf32>
    %sub3A_788 = vector.broadcast %div3A_787 : vector<256x1xf32> to vector<256x128xf32>
    %sub3A_789 = arith.subf %get3A_781, %sub3A_788 : vector<256x128xf32>
    %mul3A_790 = arith.mulf %sub3A_789, %sub3A_789 : vector<256x128xf32>
    %reduce_sum3A_791 = arith.constant dense<0.000000e+00> : vector<256xf32>
    %reduce_sum3A_792 = vector.multi_reduction <add>, %mul3A_790, %reduce_sum3A_791 [1] : vector<256x128xf32> to vector<256xf32>
    %broadcast_in_dim3A_793 = vector.shape_cast %reduce_sum3A_792 : vector<256xf32> to vector<256x1xf32>
    %div3A_794 = arith.constant 1.280000e+02 : f32
    %div3A_795 = vector.broadcast %div3A_794 : f32 to vector<256x1xf32>
    %div3A_796 = arith.divf %broadcast_in_dim3A_793, %div3A_795 : vector<256x1xf32>
    %add3A_797 = arith.constant 9.99999974E-6 : f32
    %add3A_798 = vector.broadcast %add3A_797 : f32 to vector<256x1xf32>
    %add3A_799 = arith.addf %div3A_796, %add3A_798 : vector<256x1xf32>
    %rsqrt3A_800 = math.rsqrt %add3A_799 : vector<256x1xf32>
    %mul3A_801 = vector.broadcast %rsqrt3A_800 : vector<256x1xf32> to vector<256x128xf32>
    %mul3A_802 = arith.mulf %sub3A_789, %mul3A_801 : vector<256x128xf32>
    %mul3A_803 = vector.broadcast %get3A_1 : vector<1x128xf32> to vector<256x128xf32>
    %mul3A_804 = arith.mulf %mul3A_802, %mul3A_803 : vector<256x128xf32>
    %add3A_805 = vector.broadcast %get3A_4 : vector<1x128xf32> to vector<256x128xf32>
    %add3A_806 = arith.addf %mul3A_804, %add3A_805 : vector<256x128xf32>
    %dot_general3A_807 = arith.constant dense<0.000000e+00> : vector<256x384xf32>
    %dot_general3A_808 = tpu.matmul %add3A_806, %get3A_7, %dot_general3A_807 {dimension_numbers = #tpu.dot_dimension_numbers<[1], [0], [0], [1], [0, 0, 1, 1], [], []>, transpose_lhs_hint = false} : vector<256x128xf32>, vector<128x384xf32>, vector<256x384xf32> -> vector<256x384xf32>
    %slice3A_809 = vector.extract_strided_slice %dot_general3A_808 {offsets = [0, 0], sizes = [256, 128], strides = [1, 1]} : vector<256x384xf32> to vector<256x128xf32>
    %add3A_810 = vector.broadcast %get3A_10 : vector<1x128xf32> to vector<256x128xf32>
    %add3A_811 = arith.addf %slice3A_809, %add3A_810 : vector<256x128xf32>
    %swap3A_812 = arith.constant 14 : index
    %swap3A_813 = arith.constant 0 : index
    %swap3A_814 = arith.constant 0 : index
    %swap3A_815 = vector.load %arg12[%swap3A_812, %swap3A_813, %swap3A_814] : memref<21x256x128xf32, #tpu.memory_space<vmem>>, vector<1x256x128xf32>
    %swap3A_816 = vector.shape_cast %swap3A_815 : vector<1x256x128xf32> to vector<256x128xf32>
    %swap3A_817 = vector.shape_cast %add3A_811 : vector<256x128xf32> to vector<1x256x128xf32>
    tpu.vector_store %arg12[%swap3A_812, %swap3A_813, %swap3A_814], %swap3A_817 {strides = array<i32>} : memref<21x256x128xf32, #tpu.memory_space<vmem>>, vector<1x256x128xf32>,
    %slice3A_818 = vector.extract_strided_slice %dot_general3A_808 {offsets = [0, 128], sizes = [256, 128], strides = [1, 1]} : vector<256x384xf32> to vector<256x128xf32>
    %swap3A_819 = arith.constant 14 : index
    %swap3A_820 = arith.constant 0 : index
    %swap3A_821 = arith.constant 0 : index
    %swap3A_822 = vector.load %arg13[%swap3A_819, %swap3A_820, %swap3A_821] : memref<21x256x128xf32, #tpu.memory_space<vmem>>, vector<1x256x128xf32>
    %swap3A_823 = vector.shape_cast %swap3A_822 : vector<1x256x128xf32> to vector<256x128xf32>
    %swap3A_824 = vector.shape_cast %slice3A_818 : vector<256x128xf32> to vector<1x256x128xf32>
    tpu.vector_store %arg13[%swap3A_819, %swap3A_820, %swap3A_821], %swap3A_824 {strides = array<i32>} : memref<21x256x128xf32, #tpu.memory_space<vmem>>, vector<1x256x128xf32>,
    %slice3A_825 = vector.extract_strided_slice %dot_general3A_808 {offsets = [0, 256], sizes = [256, 128], strides = [1, 1]} : vector<256x384xf32> to vector<256x128xf32>
    %add3A_826 = vector.broadcast %get3A_13 : vector<1x128xf32> to vector<256x128xf32>
    %add3A_827 = arith.addf %slice3A_825, %add3A_826 : vector<256x128xf32>
    %swap3A_828 = arith.constant 14 : index
    %swap3A_829 = arith.constant 0 : index
    %swap3A_830 = arith.constant 0 : index
    %swap3A_831 = vector.load %arg14[%swap3A_828, %swap3A_829, %swap3A_830] : memref<21x256x128xf32, #tpu.memory_space<vmem>>, vector<1x256x128xf32>
    %swap3A_832 = vector.shape_cast %swap3A_831 : vector<1x256x128xf32> to vector<256x128xf32>
    %swap3A_833 = vector.shape_cast %add3A_827 : vector<256x128xf32> to vector<1x256x128xf32>
    tpu.vector_store %arg14[%swap3A_828, %swap3A_829, %swap3A_830], %swap3A_833 {strides = array<i32>} : memref<21x256x128xf32, #tpu.memory_space<vmem>>, vector<1x256x128xf32>,
    %get3A_834 = arith.constant 0 : index
    %get3A_835 = arith.constant 1920 : index
    %get3A_836 = vector.load %arg1[%get3A_834, %get3A_835] : memref<256x2688xf32, #tpu.memory_space<vmem>>, vector<256x128xf32>
    %reduce_sum3A_837 = arith.constant dense<0.000000e+00> : vector<256xf32>
    %reduce_sum3A_838 = vector.multi_reduction <add>, %get3A_836, %reduce_sum3A_837 [1] : vector<256x128xf32> to vector<256xf32>
    %broadcast_in_dim3A_839 = vector.shape_cast %reduce_sum3A_838 : vector<256xf32> to vector<256x1xf32>
    %div3A_840 = arith.constant 1.280000e+02 : f32
    %div3A_841 = vector.broadcast %div3A_840 : f32 to vector<256x1xf32>
    %div3A_842 = arith.divf %broadcast_in_dim3A_839, %div3A_841 : vector<256x1xf32>
    %sub3A_843 = vector.broadcast %div3A_842 : vector<256x1xf32> to vector<256x128xf32>
    %sub3A_844 = arith.subf %get3A_836, %sub3A_843 : vector<256x128xf32>
    %mul3A_845 = arith.mulf %sub3A_844, %sub3A_844 : vector<256x128xf32>
    %reduce_sum3A_846 = arith.constant dense<0.000000e+00> : vector<256xf32>
    %reduce_sum3A_847 = vector.multi_reduction <add>, %mul3A_845, %reduce_sum3A_846 [1] : vector<256x128xf32> to vector<256xf32>
    %broadcast_in_dim3A_848 = vector.shape_cast %reduce_sum3A_847 : vector<256xf32> to vector<256x1xf32>
    %div3A_849 = arith.constant 1.280000e+02 : f32
    %div3A_850 = vector.broadcast %div3A_849 : f32 to vector<256x1xf32>
    %div3A_851 = arith.divf %broadcast_in_dim3A_848, %div3A_850 : vector<256x1xf32>
    %add3A_852 = arith.constant 9.99999974E-6 : f32
    %add3A_853 = vector.broadcast %add3A_852 : f32 to vector<256x1xf32>
    %add3A_854 = arith.addf %div3A_851, %add3A_853 : vector<256x1xf32>
    %rsqrt3A_855 = math.rsqrt %add3A_854 : vector<256x1xf32>
    %mul3A_856 = vector.broadcast %rsqrt3A_855 : vector<256x1xf32> to vector<256x128xf32>
    %mul3A_857 = arith.mulf %sub3A_844, %mul3A_856 : vector<256x128xf32>
    %mul3A_858 = vector.broadcast %get3A_1 : vector<1x128xf32> to vector<256x128xf32>
    %mul3A_859 = arith.mulf %mul3A_857, %mul3A_858 : vector<256x128xf32>
    %add3A_860 = vector.broadcast %get3A_4 : vector<1x128xf32> to vector<256x128xf32>
    %add3A_861 = arith.addf %mul3A_859, %add3A_860 : vector<256x128xf32>
    %dot_general3A_862 = arith.constant dense<0.000000e+00> : vector<256x384xf32>
    %dot_general3A_863 = tpu.matmul %add3A_861, %get3A_7, %dot_general3A_862 {dimension_numbers = #tpu.dot_dimension_numbers<[1], [0], [0], [1], [0, 0, 1, 1], [], []>, transpose_lhs_hint = false} : vector<256x128xf32>, vector<128x384xf32>, vector<256x384xf32> -> vector<256x384xf32>
    %slice3A_864 = vector.extract_strided_slice %dot_general3A_863 {offsets = [0, 0], sizes = [256, 128], strides = [1, 1]} : vector<256x384xf32> to vector<256x128xf32>
    %add3A_865 = vector.broadcast %get3A_10 : vector<1x128xf32> to vector<256x128xf32>
    %add3A_866 = arith.addf %slice3A_864, %add3A_865 : vector<256x128xf32>
    %swap3A_867 = arith.constant 15 : index
    %swap3A_868 = arith.constant 0 : index
    %swap3A_869 = arith.constant 0 : index
    %swap3A_870 = vector.load %arg12[%swap3A_867, %swap3A_868, %swap3A_869] : memref<21x256x128xf32, #tpu.memory_space<vmem>>, vector<1x256x128xf32>
    %swap3A_871 = vector.shape_cast %swap3A_870 : vector<1x256x128xf32> to vector<256x128xf32>
    %swap3A_872 = vector.shape_cast %add3A_866 : vector<256x128xf32> to vector<1x256x128xf32>
    tpu.vector_store %arg12[%swap3A_867, %swap3A_868, %swap3A_869], %swap3A_872 {strides = array<i32>} : memref<21x256x128xf32, #tpu.memory_space<vmem>>, vector<1x256x128xf32>,
    %slice3A_873 = vector.extract_strided_slice %dot_general3A_863 {offsets = [0, 128], sizes = [256, 128], strides = [1, 1]} : vector<256x384xf32> to vector<256x128xf32>
    %swap3A_874 = arith.constant 15 : index
    %swap3A_875 = arith.constant 0 : index
    %swap3A_876 = arith.constant 0 : index
    %swap3A_877 = vector.load %arg13[%swap3A_874, %swap3A_875, %swap3A_876] : memref<21x256x128xf32, #tpu.memory_space<vmem>>, vector<1x256x128xf32>
    %swap3A_878 = vector.shape_cast %swap3A_877 : vector<1x256x128xf32> to vector<256x128xf32>
    %swap3A_879 = vector.shape_cast %slice3A_873 : vector<256x128xf32> to vector<1x256x128xf32>
    tpu.vector_store %arg13[%swap3A_874, %swap3A_875, %swap3A_876], %swap3A_879 {strides = array<i32>} : memref<21x256x128xf32, #tpu.memory_space<vmem>>, vector<1x256x128xf32>,
    %slice3A_880 = vector.extract_strided_slice %dot_general3A_863 {offsets = [0, 256], sizes = [256, 128], strides = [1, 1]} : vector<256x384xf32> to vector<256x128xf32>
    %add3A_881 = vector.broadcast %get3A_13 : vector<1x128xf32> to vector<256x128xf32>
    %add3A_882 = arith.addf %slice3A_880, %add3A_881 : vector<256x128xf32>
    %swap3A_883 = arith.constant 15 : index
    %swap3A_884 = arith.constant 0 : index
    %swap3A_885 = arith.constant 0 : index
    %swap3A_886 = vector.load %arg14[%swap3A_883, %swap3A_884, %swap3A_885] : memref<21x256x128xf32, #tpu.memory_space<vmem>>, vector<1x256x128xf32>
    %swap3A_887 = vector.shape_cast %swap3A_886 : vector<1x256x128xf32> to vector<256x128xf32>
    %swap3A_888 = vector.shape_cast %add3A_882 : vector<256x128xf32> to vector<1x256x128xf32>
    tpu.vector_store %arg14[%swap3A_883, %swap3A_884, %swap3A_885], %swap3A_888 {strides = array<i32>} : memref<21x256x128xf32, #tpu.memory_space<vmem>>, vector<1x256x128xf32>,
    %get3A_889 = arith.constant 0 : index
    %get3A_890 = arith.constant 2048 : index
    %get3A_891 = vector.load %arg1[%get3A_889, %get3A_890] : memref<256x2688xf32, #tpu.memory_space<vmem>>, vector<256x128xf32>
    %reduce_sum3A_892 = arith.constant dense<0.000000e+00> : vector<256xf32>
    %reduce_sum3A_893 = vector.multi_reduction <add>, %get3A_891, %reduce_sum3A_892 [1] : vector<256x128xf32> to vector<256xf32>
    %broadcast_in_dim3A_894 = vector.shape_cast %reduce_sum3A_893 : vector<256xf32> to vector<256x1xf32>
    %div3A_895 = arith.constant 1.280000e+02 : f32
    %div3A_896 = vector.broadcast %div3A_895 : f32 to vector<256x1xf32>
    %div3A_897 = arith.divf %broadcast_in_dim3A_894, %div3A_896 : vector<256x1xf32>
    %sub3A_898 = vector.broadcast %div3A_897 : vector<256x1xf32> to vector<256x128xf32>
    %sub3A_899 = arith.subf %get3A_891, %sub3A_898 : vector<256x128xf32>
    %mul3A_900 = arith.mulf %sub3A_899, %sub3A_899 : vector<256x128xf32>
    %reduce_sum3A_901 = arith.constant dense<0.000000e+00> : vector<256xf32>
    %reduce_sum3A_902 = vector.multi_reduction <add>, %mul3A_900, %reduce_sum3A_901 [1] : vector<256x128xf32> to vector<256xf32>
    %broadcast_in_dim3A_903 = vector.shape_cast %reduce_sum3A_902 : vector<256xf32> to vector<256x1xf32>
    %div3A_904 = arith.constant 1.280000e+02 : f32
    %div3A_905 = vector.broadcast %div3A_904 : f32 to vector<256x1xf32>
    %div3A_906 = arith.divf %broadcast_in_dim3A_903, %div3A_905 : vector<256x1xf32>
    %add3A_907 = arith.constant 9.99999974E-6 : f32
    %add3A_908 = vector.broadcast %add3A_907 : f32 to vector<256x1xf32>
    %add3A_909 = arith.addf %div3A_906, %add3A_908 : vector<256x1xf32>
    %rsqrt3A_910 = math.rsqrt %add3A_909 : vector<256x1xf32>
    %mul3A_911 = vector.broadcast %rsqrt3A_910 : vector<256x1xf32> to vector<256x128xf32>
    %mul3A_912 = arith.mulf %sub3A_899, %mul3A_911 : vector<256x128xf32>
    %mul3A_913 = vector.broadcast %get3A_1 : vector<1x128xf32> to vector<256x128xf32>
    %mul3A_914 = arith.mulf %mul3A_912, %mul3A_913 : vector<256x128xf32>
    %add3A_915 = vector.broadcast %get3A_4 : vector<1x128xf32> to vector<256x128xf32>
    %add3A_916 = arith.addf %mul3A_914, %add3A_915 : vector<256x128xf32>
    %dot_general3A_917 = arith.constant dense<0.000000e+00> : vector<256x384xf32>
    %dot_general3A_918 = tpu.matmul %add3A_916, %get3A_7, %dot_general3A_917 {dimension_numbers = #tpu.dot_dimension_numbers<[1], [0], [0], [1], [0, 0, 1, 1], [], []>, transpose_lhs_hint = false} : vector<256x128xf32>, vector<128x384xf32>, vector<256x384xf32> -> vector<256x384xf32>
    %slice3A_919 = vector.extract_strided_slice %dot_general3A_918 {offsets = [0, 0], sizes = [256, 128], strides = [1, 1]} : vector<256x384xf32> to vector<256x128xf32>
    %add3A_920 = vector.broadcast %get3A_10 : vector<1x128xf32> to vector<256x128xf32>
    %add3A_921 = arith.addf %slice3A_919, %add3A_920 : vector<256x128xf32>
    %swap3A_922 = arith.constant 16 : index
    %swap3A_923 = arith.constant 0 : index
    %swap3A_924 = arith.constant 0 : index
    %swap3A_925 = vector.load %arg12[%swap3A_922, %swap3A_923, %swap3A_924] : memref<21x256x128xf32, #tpu.memory_space<vmem>>, vector<1x256x128xf32>
    %swap3A_926 = vector.shape_cast %swap3A_925 : vector<1x256x128xf32> to vector<256x128xf32>
    %swap3A_927 = vector.shape_cast %add3A_921 : vector<256x128xf32> to vector<1x256x128xf32>
    tpu.vector_store %arg12[%swap3A_922, %swap3A_923, %swap3A_924], %swap3A_927 {strides = array<i32>} : memref<21x256x128xf32, #tpu.memory_space<vmem>>, vector<1x256x128xf32>,
    %slice3A_928 = vector.extract_strided_slice %dot_general3A_918 {offsets = [0, 128], sizes = [256, 128], strides = [1, 1]} : vector<256x384xf32> to vector<256x128xf32>
    %swap3A_929 = arith.constant 16 : index
    %swap3A_930 = arith.constant 0 : index
    %swap3A_931 = arith.constant 0 : index
    %swap3A_932 = vector.load %arg13[%swap3A_929, %swap3A_930, %swap3A_931] : memref<21x256x128xf32, #tpu.memory_space<vmem>>, vector<1x256x128xf32>
    %swap3A_933 = vector.shape_cast %swap3A_932 : vector<1x256x128xf32> to vector<256x128xf32>
    %swap3A_934 = vector.shape_cast %slice3A_928 : vector<256x128xf32> to vector<1x256x128xf32>
    tpu.vector_store %arg13[%swap3A_929, %swap3A_930, %swap3A_931], %swap3A_934 {strides = array<i32>} : memref<21x256x128xf32, #tpu.memory_space<vmem>>, vector<1x256x128xf32>,
    %slice3A_935 = vector.extract_strided_slice %dot_general3A_918 {offsets = [0, 256], sizes = [256, 128], strides = [1, 1]} : vector<256x384xf32> to vector<256x128xf32>
    %add3A_936 = vector.broadcast %get3A_13 : vector<1x128xf32> to vector<256x128xf32>
    %add3A_937 = arith.addf %slice3A_935, %add3A_936 : vector<256x128xf32>
    %swap3A_938 = arith.constant 16 : index
    %swap3A_939 = arith.constant 0 : index
    %swap3A_940 = arith.constant 0 : index
    %swap3A_941 = vector.load %arg14[%swap3A_938, %swap3A_939, %swap3A_940] : memref<21x256x128xf32, #tpu.memory_space<vmem>>, vector<1x256x128xf32>
    %swap3A_942 = vector.shape_cast %swap3A_941 : vector<1x256x128xf32> to vector<256x128xf32>
    %swap3A_943 = vector.shape_cast %add3A_937 : vector<256x128xf32> to vector<1x256x128xf32>
    tpu.vector_store %arg14[%swap3A_938, %swap3A_939, %swap3A_940], %swap3A_943 {strides = array<i32>} : memref<21x256x128xf32, #tpu.memory_space<vmem>>, vector<1x256x128xf32>,
    %get3A_944 = arith.constant 0 : index
    %get3A_945 = arith.constant 2176 : index
    %get3A_946 = vector.load %arg1[%get3A_944, %get3A_945] : memref<256x2688xf32, #tpu.memory_space<vmem>>, vector<256x128xf32>
    %reduce_sum3A_947 = arith.constant dense<0.000000e+00> : vector<256xf32>
    %reduce_sum3A_948 = vector.multi_reduction <add>, %get3A_946, %reduce_sum3A_947 [1] : vector<256x128xf32> to vector<256xf32>
    %broadcast_in_dim3A_949 = vector.shape_cast %reduce_sum3A_948 : vector<256xf32> to vector<256x1xf32>
    %div3A_950 = arith.constant 1.280000e+02 : f32
    %div3A_951 = vector.broadcast %div3A_950 : f32 to vector<256x1xf32>
    %div3A_952 = arith.divf %broadcast_in_dim3A_949, %div3A_951 : vector<256x1xf32>
    %sub3A_953 = vector.broadcast %div3A_952 : vector<256x1xf32> to vector<256x128xf32>
    %sub3A_954 = arith.subf %get3A_946, %sub3A_953 : vector<256x128xf32>
    %mul3A_955 = arith.mulf %sub3A_954, %sub3A_954 : vector<256x128xf32>
    %reduce_sum3A_956 = arith.constant dense<0.000000e+00> : vector<256xf32>
    %reduce_sum3A_957 = vector.multi_reduction <add>, %mul3A_955, %reduce_sum3A_956 [1] : vector<256x128xf32> to vector<256xf32>
    %broadcast_in_dim3A_958 = vector.shape_cast %reduce_sum3A_957 : vector<256xf32> to vector<256x1xf32>
    %div3A_959 = arith.constant 1.280000e+02 : f32
    %div3A_960 = vector.broadcast %div3A_959 : f32 to vector<256x1xf32>
    %div3A_961 = arith.divf %broadcast_in_dim3A_958, %div3A_960 : vector<256x1xf32>
    %add3A_962 = arith.constant 9.99999974E-6 : f32
    %add3A_963 = vector.broadcast %add3A_962 : f32 to vector<256x1xf32>
    %add3A_964 = arith.addf %div3A_961, %add3A_963 : vector<256x1xf32>
    %rsqrt3A_965 = math.rsqrt %add3A_964 : vector<256x1xf32>
    %mul3A_966 = vector.broadcast %rsqrt3A_965 : vector<256x1xf32> to vector<256x128xf32>
    %mul3A_967 = arith.mulf %sub3A_954, %mul3A_966 : vector<256x128xf32>
    %mul3A_968 = vector.broadcast %get3A_1 : vector<1x128xf32> to vector<256x128xf32>
    %mul3A_969 = arith.mulf %mul3A_967, %mul3A_968 : vector<256x128xf32>
    %add3A_970 = vector.broadcast %get3A_4 : vector<1x128xf32> to vector<256x128xf32>
    %add3A_971 = arith.addf %mul3A_969, %add3A_970 : vector<256x128xf32>
    %dot_general3A_972 = arith.constant dense<0.000000e+00> : vector<256x384xf32>
    %dot_general3A_973 = tpu.matmul %add3A_971, %get3A_7, %dot_general3A_972 {dimension_numbers = #tpu.dot_dimension_numbers<[1], [0], [0], [1], [0, 0, 1, 1], [], []>, transpose_lhs_hint = false} : vector<256x128xf32>, vector<128x384xf32>, vector<256x384xf32> -> vector<256x384xf32>
    %slice3A_974 = vector.extract_strided_slice %dot_general3A_973 {offsets = [0, 0], sizes = [256, 128], strides = [1, 1]} : vector<256x384xf32> to vector<256x128xf32>
    %add3A_975 = vector.broadcast %get3A_10 : vector<1x128xf32> to vector<256x128xf32>
    %add3A_976 = arith.addf %slice3A_974, %add3A_975 : vector<256x128xf32>
    %swap3A_977 = arith.constant 17 : index
    %swap3A_978 = arith.constant 0 : index
    %swap3A_979 = arith.constant 0 : index
    %swap3A_980 = vector.load %arg12[%swap3A_977, %swap3A_978, %swap3A_979] : memref<21x256x128xf32, #tpu.memory_space<vmem>>, vector<1x256x128xf32>
    %swap3A_981 = vector.shape_cast %swap3A_980 : vector<1x256x128xf32> to vector<256x128xf32>
    %swap3A_982 = vector.shape_cast %add3A_976 : vector<256x128xf32> to vector<1x256x128xf32>
    tpu.vector_store %arg12[%swap3A_977, %swap3A_978, %swap3A_979], %swap3A_982 {strides = array<i32>} : memref<21x256x128xf32, #tpu.memory_space<vmem>>, vector<1x256x128xf32>,
    %slice3A_983 = vector.extract_strided_slice %dot_general3A_973 {offsets = [0, 128], sizes = [256, 128], strides = [1, 1]} : vector<256x384xf32> to vector<256x128xf32>
    %swap3A_984 = arith.constant 17 : index
    %swap3A_985 = arith.constant 0 : index
    %swap3A_986 = arith.constant 0 : index
    %swap3A_987 = vector.load %arg13[%swap3A_984, %swap3A_985, %swap3A_986] : memref<21x256x128xf32, #tpu.memory_space<vmem>>, vector<1x256x128xf32>
    %swap3A_988 = vector.shape_cast %swap3A_987 : vector<1x256x128xf32> to vector<256x128xf32>
    %swap3A_989 = vector.shape_cast %slice3A_983 : vector<256x128xf32> to vector<1x256x128xf32>
    tpu.vector_store %arg13[%swap3A_984, %swap3A_985, %swap3A_986], %swap3A_989 {strides = array<i32>} : memref<21x256x128xf32, #tpu.memory_space<vmem>>, vector<1x256x128xf32>,
    %slice3A_990 = vector.extract_strided_slice %dot_general3A_973 {offsets = [0, 256], sizes = [256, 128], strides = [1, 1]} : vector<256x384xf32> to vector<256x128xf32>
    %add3A_991 = vector.broadcast %get3A_13 : vector<1x128xf32> to vector<256x128xf32>
    %add3A_992 = arith.addf %slice3A_990, %add3A_991 : vector<256x128xf32>
    %swap3A_993 = arith.constant 17 : index
    %swap3A_994 = arith.constant 0 : index
    %swap3A_995 = arith.constant 0 : index
    %swap3A_996 = vector.load %arg14[%swap3A_993, %swap3A_994, %swap3A_995] : memref<21x256x128xf32, #tpu.memory_space<vmem>>, vector<1x256x128xf32>
    %swap3A_997 = vector.shape_cast %swap3A_996 : vector<1x256x128xf32> to vector<256x128xf32>
    %swap3A_998 = vector.shape_cast %add3A_992 : vector<256x128xf32> to vector<1x256x128xf32>
    tpu.vector_store %arg14[%swap3A_993, %swap3A_994, %swap3A_995], %swap3A_998 {strides = array<i32>} : memref<21x256x128xf32, #tpu.memory_space<vmem>>, vector<1x256x128xf32>,
    %get3A_999 = arith.constant 0 : index
    %get3A_1000 = arith.constant 2304 : index
    %get3A_1001 = vector.load %arg1[%get3A_999, %get3A_1000] : memref<256x2688xf32, #tpu.memory_space<vmem>>, vector<256x128xf32>
    %reduce_sum3A_1002 = arith.constant dense<0.000000e+00> : vector<256xf32>
    %reduce_sum3A_1003 = vector.multi_reduction <add>, %get3A_1001, %reduce_sum3A_1002 [1] : vector<256x128xf32> to vector<256xf32>
    %broadcast_in_dim3A_1004 = vector.shape_cast %reduce_sum3A_1003 : vector<256xf32> to vector<256x1xf32>
    %div3A_1005 = arith.constant 1.280000e+02 : f32
    %div3A_1006 = vector.broadcast %div3A_1005 : f32 to vector<256x1xf32>
    %div3A_1007 = arith.divf %broadcast_in_dim3A_1004, %div3A_1006 : vector<256x1xf32>
    %sub3A_1008 = vector.broadcast %div3A_1007 : vector<256x1xf32> to vector<256x128xf32>
    %sub3A_1009 = arith.subf %get3A_1001, %sub3A_1008 : vector<256x128xf32>
    %mul3A_1010 = arith.mulf %sub3A_1009, %sub3A_1009 : vector<256x128xf32>
    %reduce_sum3A_1011 = arith.constant dense<0.000000e+00> : vector<256xf32>
    %reduce_sum3A_1012 = vector.multi_reduction <add>, %mul3A_1010, %reduce_sum3A_1011 [1] : vector<256x128xf32> to vector<256xf32>
    %broadcast_in_dim3A_1013 = vector.shape_cast %reduce_sum3A_1012 : vector<256xf32> to vector<256x1xf32>
    %div3A_1014 = arith.constant 1.280000e+02 : f32
    %div3A_1015 = vector.broadcast %div3A_1014 : f32 to vector<256x1xf32>
    %div3A_1016 = arith.divf %broadcast_in_dim3A_1013, %div3A_1015 : vector<256x1xf32>
    %add3A_1017 = arith.constant 9.99999974E-6 : f32
    %add3A_1018 = vector.broadcast %add3A_1017 : f32 to vector<256x1xf32>
    %add3A_1019 = arith.addf %div3A_1016, %add3A_1018 : vector<256x1xf32>
    %rsqrt3A_1020 = math.rsqrt %add3A_1019 : vector<256x1xf32>
    %mul3A_1021 = vector.broadcast %rsqrt3A_1020 : vector<256x1xf32> to vector<256x128xf32>
    %mul3A_1022 = arith.mulf %sub3A_1009, %mul3A_1021 : vector<256x128xf32>
    %mul3A_1023 = vector.broadcast %get3A_1 : vector<1x128xf32> to vector<256x128xf32>
    %mul3A_1024 = arith.mulf %mul3A_1022, %mul3A_1023 : vector<256x128xf32>
    %add3A_1025 = vector.broadcast %get3A_4 : vector<1x128xf32> to vector<256x128xf32>
    %add3A_1026 = arith.addf %mul3A_1024, %add3A_1025 : vector<256x128xf32>
    %dot_general3A_1027 = arith.constant dense<0.000000e+00> : vector<256x384xf32>
    %dot_general3A_1028 = tpu.matmul %add3A_1026, %get3A_7, %dot_general3A_1027 {dimension_numbers = #tpu.dot_dimension_numbers<[1], [0], [0], [1], [0, 0, 1, 1], [], []>, transpose_lhs_hint = false} : vector<256x128xf32>, vector<128x384xf32>, vector<256x384xf32> -> vector<256x384xf32>
    %slice3A_1029 = vector.extract_strided_slice %dot_general3A_1028 {offsets = [0, 0], sizes = [256, 128], strides = [1, 1]} : vector<256x384xf32> to vector<256x128xf32>
    %add3A_1030 = vector.broadcast %get3A_10 : vector<1x128xf32> to vector<256x128xf32>
    %add3A_1031 = arith.addf %slice3A_1029, %add3A_1030 : vector<256x128xf32>
    %swap3A_1032 = arith.constant 18 : index
    %swap3A_1033 = arith.constant 0 : index
    %swap3A_1034 = arith.constant 0 : index
    %swap3A_1035 = vector.load %arg12[%swap3A_1032, %swap3A_1033, %swap3A_1034] : memref<21x256x128xf32, #tpu.memory_space<vmem>>, vector<1x256x128xf32>
    %swap3A_1036 = vector.shape_cast %swap3A_1035 : vector<1x256x128xf32> to vector<256x128xf32>
    %swap3A_1037 = vector.shape_cast %add3A_1031 : vector<256x128xf32> to vector<1x256x128xf32>
    tpu.vector_store %arg12[%swap3A_1032, %swap3A_1033, %swap3A_1034], %swap3A_1037 {strides = array<i32>} : memref<21x256x128xf32, #tpu.memory_space<vmem>>, vector<1x256x128xf32>,
    %slice3A_1038 = vector.extract_strided_slice %dot_general3A_1028 {offsets = [0, 128], sizes = [256, 128], strides = [1, 1]} : vector<256x384xf32> to vector<256x128xf32>
    %swap3A_1039 = arith.constant 18 : index
    %swap3A_1040 = arith.constant 0 : index
    %swap3A_1041 = arith.constant 0 : index
    %swap3A_1042 = vector.load %arg13[%swap3A_1039, %swap3A_1040, %swap3A_1041] : memref<21x256x128xf32, #tpu.memory_space<vmem>>, vector<1x256x128xf32>
    %swap3A_1043 = vector.shape_cast %swap3A_1042 : vector<1x256x128xf32> to vector<256x128xf32>
    %swap3A_1044 = vector.shape_cast %slice3A_1038 : vector<256x128xf32> to vector<1x256x128xf32>
    tpu.vector_store %arg13[%swap3A_1039, %swap3A_1040, %swap3A_1041], %swap3A_1044 {strides = array<i32>} : memref<21x256x128xf32, #tpu.memory_space<vmem>>, vector<1x256x128xf32>,
    %slice3A_1045 = vector.extract_strided_slice %dot_general3A_1028 {offsets = [0, 256], sizes = [256, 128], strides = [1, 1]} : vector<256x384xf32> to vector<256x128xf32>
    %add3A_1046 = vector.broadcast %get3A_13 : vector<1x128xf32> to vector<256x128xf32>
    %add3A_1047 = arith.addf %slice3A_1045, %add3A_1046 : vector<256x128xf32>
    %swap3A_1048 = arith.constant 18 : index
    %swap3A_1049 = arith.constant 0 : index
    %swap3A_1050 = arith.constant 0 : index
    %swap3A_1051 = vector.load %arg14[%swap3A_1048, %swap3A_1049, %swap3A_1050] : memref<21x256x128xf32, #tpu.memory_space<vmem>>, vector<1x256x128xf32>
    %swap3A_1052 = vector.shape_cast %swap3A_1051 : vector<1x256x128xf32> to vector<256x128xf32>
    %swap3A_1053 = vector.shape_cast %add3A_1047 : vector<256x128xf32> to vector<1x256x128xf32>
    tpu.vector_store %arg14[%swap3A_1048, %swap3A_1049, %swap3A_1050], %swap3A_1053 {strides = array<i32>} : memref<21x256x128xf32, #tpu.memory_space<vmem>>, vector<1x256x128xf32>,
    %get3A_1054 = arith.constant 0 : index
    %get3A_1055 = arith.constant 2432 : index
    %get3A_1056 = vector.load %arg1[%get3A_1054, %get3A_1055] : memref<256x2688xf32, #tpu.memory_space<vmem>>, vector<256x128xf32>
    %reduce_sum3A_1057 = arith.constant dense<0.000000e+00> : vector<256xf32>
    %reduce_sum3A_1058 = vector.multi_reduction <add>, %get3A_1056, %reduce_sum3A_1057 [1] : vector<256x128xf32> to vector<256xf32>
    %broadcast_in_dim3A_1059 = vector.shape_cast %reduce_sum3A_1058 : vector<256xf32> to vector<256x1xf32>
    %div3A_1060 = arith.constant 1.280000e+02 : f32
    %div3A_1061 = vector.broadcast %div3A_1060 : f32 to vector<256x1xf32>
    %div3A_1062 = arith.divf %broadcast_in_dim3A_1059, %div3A_1061 : vector<256x1xf32>
    %sub3A_1063 = vector.broadcast %div3A_1062 : vector<256x1xf32> to vector<256x128xf32>
    %sub3A_1064 = arith.subf %get3A_1056, %sub3A_1063 : vector<256x128xf32>
    %mul3A_1065 = arith.mulf %sub3A_1064, %sub3A_1064 : vector<256x128xf32>
    %reduce_sum3A_1066 = arith.constant dense<0.000000e+00> : vector<256xf32>
    %reduce_sum3A_1067 = vector.multi_reduction <add>, %mul3A_1065, %reduce_sum3A_1066 [1] : vector<256x128xf32> to vector<256xf32>
    %broadcast_in_dim3A_1068 = vector.shape_cast %reduce_sum3A_1067 : vector<256xf32> to vector<256x1xf32>
    %div3A_1069 = arith.constant 1.280000e+02 : f32
    %div3A_1070 = vector.broadcast %div3A_1069 : f32 to vector<256x1xf32>
    %div3A_1071 = arith.divf %broadcast_in_dim3A_1068, %div3A_1070 : vector<256x1xf32>
    %add3A_1072 = arith.constant 9.99999974E-6 : f32
    %add3A_1073 = vector.broadcast %add3A_1072 : f32 to vector<256x1xf32>
    %add3A_1074 = arith.addf %div3A_1071, %add3A_1073 : vector<256x1xf32>
    %rsqrt3A_1075 = math.rsqrt %add3A_1074 : vector<256x1xf32>
    %mul3A_1076 = vector.broadcast %rsqrt3A_1075 : vector<256x1xf32> to vector<256x128xf32>
    %mul3A_1077 = arith.mulf %sub3A_1064, %mul3A_1076 : vector<256x128xf32>
    %mul3A_1078 = vector.broadcast %get3A_1 : vector<1x128xf32> to vector<256x128xf32>
    %mul3A_1079 = arith.mulf %mul3A_1077, %mul3A_1078 : vector<256x128xf32>
    %add3A_1080 = vector.broadcast %get3A_4 : vector<1x128xf32> to vector<256x128xf32>
    %add3A_1081 = arith.addf %mul3A_1079, %add3A_1080 : vector<256x128xf32>
    %dot_general3A_1082 = arith.constant dense<0.000000e+00> : vector<256x384xf32>
    %dot_general3A_1083 = tpu.matmul %add3A_1081, %get3A_7, %dot_general3A_1082 {dimension_numbers = #tpu.dot_dimension_numbers<[1], [0], [0], [1], [0, 0, 1, 1], [], []>, transpose_lhs_hint = false} : vector<256x128xf32>, vector<128x384xf32>, vector<256x384xf32> -> vector<256x384xf32>
    %slice3A_1084 = vector.extract_strided_slice %dot_general3A_1083 {offsets = [0, 0], sizes = [256, 128], strides = [1, 1]} : vector<256x384xf32> to vector<256x128xf32>
    %add3A_1085 = vector.broadcast %get3A_10 : vector<1x128xf32> to vector<256x128xf32>
    %add3A_1086 = arith.addf %slice3A_1084, %add3A_1085 : vector<256x128xf32>
    %swap3A_1087 = arith.constant 19 : index
    %swap3A_1088 = arith.constant 0 : index
    %swap3A_1089 = arith.constant 0 : index
    %swap3A_1090 = vector.load %arg12[%swap3A_1087, %swap3A_1088, %swap3A_1089] : memref<21x256x128xf32, #tpu.memory_space<vmem>>, vector<1x256x128xf32>
    %swap3A_1091 = vector.shape_cast %swap3A_1090 : vector<1x256x128xf32> to vector<256x128xf32>
    %swap3A_1092 = vector.shape_cast %add3A_1086 : vector<256x128xf32> to vector<1x256x128xf32>
    tpu.vector_store %arg12[%swap3A_1087, %swap3A_1088, %swap3A_1089], %swap3A_1092 {strides = array<i32>} : memref<21x256x128xf32, #tpu.memory_space<vmem>>, vector<1x256x128xf32>,
    %slice3A_1093 = vector.extract_strided_slice %dot_general3A_1083 {offsets = [0, 128], sizes = [256, 128], strides = [1, 1]} : vector<256x384xf32> to vector<256x128xf32>
    %swap3A_1094 = arith.constant 19 : index
    %swap3A_1095 = arith.constant 0 : index
    %swap3A_1096 = arith.constant 0 : index
    %swap3A_1097 = vector.load %arg13[%swap3A_1094, %swap3A_1095, %swap3A_1096] : memref<21x256x128xf32, #tpu.memory_space<vmem>>, vector<1x256x128xf32>
    %swap3A_1098 = vector.shape_cast %swap3A_1097 : vector<1x256x128xf32> to vector<256x128xf32>
    %swap3A_1099 = vector.shape_cast %slice3A_1093 : vector<256x128xf32> to vector<1x256x128xf32>
    tpu.vector_store %arg13[%swap3A_1094, %swap3A_1095, %swap3A_1096], %swap3A_1099 {strides = array<i32>} : memref<21x256x128xf32, #tpu.memory_space<vmem>>, vector<1x256x128xf32>,
    %slice3A_1100 = vector.extract_strided_slice %dot_general3A_1083 {offsets = [0, 256], sizes = [256, 128], strides = [1, 1]} : vector<256x384xf32> to vector<256x128xf32>
    %add3A_1101 = vector.broadcast %get3A_13 : vector<1x128xf32> to vector<256x128xf32>
    %add3A_1102 = arith.addf %slice3A_1100, %add3A_1101 : vector<256x128xf32>
    %swap3A_1103 = arith.constant 19 : index
    %swap3A_1104 = arith.constant 0 : index
    %swap3A_1105 = arith.constant 0 : index
    %swap3A_1106 = vector.load %arg14[%swap3A_1103, %swap3A_1104, %swap3A_1105] : memref<21x256x128xf32, #tpu.memory_space<vmem>>, vector<1x256x128xf32>
    %swap3A_1107 = vector.shape_cast %swap3A_1106 : vector<1x256x128xf32> to vector<256x128xf32>
    %swap3A_1108 = vector.shape_cast %add3A_1102 : vector<256x128xf32> to vector<1x256x128xf32>
    tpu.vector_store %arg14[%swap3A_1103, %swap3A_1104, %swap3A_1105], %swap3A_1108 {strides = array<i32>} : memref<21x256x128xf32, #tpu.memory_space<vmem>>, vector<1x256x128xf32>,
    %get3A_1109 = arith.constant 0 : index
    %get3A_1110 = arith.constant 2560 : index
    %get3A_1111 = vector.load %arg1[%get3A_1109, %get3A_1110] : memref<256x2688xf32, #tpu.memory_space<vmem>>, vector<256x128xf32>
    %reduce_sum3A_1112 = arith.constant dense<0.000000e+00> : vector<256xf32>
    %reduce_sum3A_1113 = vector.multi_reduction <add>, %get3A_1111, %reduce_sum3A_1112 [1] : vector<256x128xf32> to vector<256xf32>
    %broadcast_in_dim3A_1114 = vector.shape_cast %reduce_sum3A_1113 : vector<256xf32> to vector<256x1xf32>
    %div3A_1115 = arith.constant 1.280000e+02 : f32
    %div3A_1116 = vector.broadcast %div3A_1115 : f32 to vector<256x1xf32>
    %div3A_1117 = arith.divf %broadcast_in_dim3A_1114, %div3A_1116 : vector<256x1xf32>
    %sub3A_1118 = vector.broadcast %div3A_1117 : vector<256x1xf32> to vector<256x128xf32>
    %sub3A_1119 = arith.subf %get3A_1111, %sub3A_1118 : vector<256x128xf32>
    %mul3A_1120 = arith.mulf %sub3A_1119, %sub3A_1119 : vector<256x128xf32>
    %reduce_sum3A_1121 = arith.constant dense<0.000000e+00> : vector<256xf32>
    %reduce_sum3A_1122 = vector.multi_reduction <add>, %mul3A_1120, %reduce_sum3A_1121 [1] : vector<256x128xf32> to vector<256xf32>
    %broadcast_in_dim3A_1123 = vector.shape_cast %reduce_sum3A_1122 : vector<256xf32> to vector<256x1xf32>
    %div3A_1124 = arith.constant 1.280000e+02 : f32
    %div3A_1125 = vector.broadcast %div3A_1124 : f32 to vector<256x1xf32>
    %div3A_1126 = arith.divf %broadcast_in_dim3A_1123, %div3A_1125 : vector<256x1xf32>
    %add3A_1127 = arith.constant 9.99999974E-6 : f32
    %add3A_1128 = vector.broadcast %add3A_1127 : f32 to vector<256x1xf32>
    %add3A_1129 = arith.addf %div3A_1126, %add3A_1128 : vector<256x1xf32>
    %rsqrt3A_1130 = math.rsqrt %add3A_1129 : vector<256x1xf32>
    %mul3A_1131 = vector.broadcast %rsqrt3A_1130 : vector<256x1xf32> to vector<256x128xf32>
    %mul3A_1132 = arith.mulf %sub3A_1119, %mul3A_1131 : vector<256x128xf32>
    %mul3A_1133 = vector.broadcast %get3A_1 : vector<1x128xf32> to vector<256x128xf32>
    %mul3A_1134 = arith.mulf %mul3A_1132, %mul3A_1133 : vector<256x128xf32>
    %add3A_1135 = vector.broadcast %get3A_4 : vector<1x128xf32> to vector<256x128xf32>
    %add3A_1136 = arith.addf %mul3A_1134, %add3A_1135 : vector<256x128xf32>
    %dot_general3A_1137 = arith.constant dense<0.000000e+00> : vector<256x384xf32>
    %dot_general3A_1138 = tpu.matmul %add3A_1136, %get3A_7, %dot_general3A_1137 {dimension_numbers = #tpu.dot_dimension_numbers<[1], [0], [0], [1], [0, 0, 1, 1], [], []>, transpose_lhs_hint = false} : vector<256x128xf32>, vector<128x384xf32>, vector<256x384xf32> -> vector<256x384xf32>
    %slice3A_1139 = vector.extract_strided_slice %dot_general3A_1138 {offsets = [0, 0], sizes = [256, 128], strides = [1, 1]} : vector<256x384xf32> to vector<256x128xf32>
    %add3A_1140 = vector.broadcast %get3A_10 : vector<1x128xf32> to vector<256x128xf32>
    %add3A_1141 = arith.addf %slice3A_1139, %add3A_1140 : vector<256x128xf32>
    %swap3A_1142 = arith.constant 20 : index
    %swap3A_1143 = arith.constant 0 : index
    %swap3A_1144 = arith.constant 0 : index
    %swap3A_1145 = vector.load %arg12[%swap3A_1142, %swap3A_1143, %swap3A_1144] : memref<21x256x128xf32, #tpu.memory_space<vmem>>, vector<1x256x128xf32>
    %swap3A_1146 = vector.shape_cast %swap3A_1145 : vector<1x256x128xf32> to vector<256x128xf32>
    %swap3A_1147 = vector.shape_cast %add3A_1141 : vector<256x128xf32> to vector<1x256x128xf32>
    tpu.vector_store %arg12[%swap3A_1142, %swap3A_1143, %swap3A_1144], %swap3A_1147 {strides = array<i32>} : memref<21x256x128xf32, #tpu.memory_space<vmem>>, vector<1x256x128xf32>,
    %slice3A_1148 = vector.extract_strided_slice %dot_general3A_1138 {offsets = [0, 128], sizes = [256, 128], strides = [1, 1]} : vector<256x384xf32> to vector<256x128xf32>
    %swap3A_1149 = arith.constant 20 : index
    %swap3A_1150 = arith.constant 0 : index
    %swap3A_1151 = arith.constant 0 : index
    %swap3A_1152 = vector.load %arg13[%swap3A_1149, %swap3A_1150, %swap3A_1151] : memref<21x256x128xf32, #tpu.memory_space<vmem>>, vector<1x256x128xf32>
    %swap3A_1153 = vector.shape_cast %swap3A_1152 : vector<1x256x128xf32> to vector<256x128xf32>
    %swap3A_1154 = vector.shape_cast %slice3A_1148 : vector<256x128xf32> to vector<1x256x128xf32>
    tpu.vector_store %arg13[%swap3A_1149, %swap3A_1150, %swap3A_1151], %swap3A_1154 {strides = array<i32>} : memref<21x256x128xf32, #tpu.memory_space<vmem>>, vector<1x256x128xf32>,
    %slice3A_1155 = vector.extract_strided_slice %dot_general3A_1138 {offsets = [0, 256], sizes = [256, 128], strides = [1, 1]} : vector<256x384xf32> to vector<256x128xf32>
    %add3A_1156 = vector.broadcast %get3A_13 : vector<1x128xf32> to vector<256x128xf32>
    %add3A_1157 = arith.addf %slice3A_1155, %add3A_1156 : vector<256x128xf32>
    %swap3A_1158 = arith.constant 20 : index
    %swap3A_1159 = arith.constant 0 : index
    %swap3A_1160 = arith.constant 0 : index
    %swap3A_1161 = vector.load %arg14[%swap3A_1158, %swap3A_1159, %swap3A_1160] : memref<21x256x128xf32, #tpu.memory_space<vmem>>, vector<1x256x128xf32>
    %swap3A_1162 = vector.shape_cast %swap3A_1161 : vector<1x256x128xf32> to vector<256x128xf32>
    %swap3A_1163 = vector.shape_cast %add3A_1157 : vector<256x128xf32> to vector<1x256x128xf32>
    tpu.vector_store %arg14[%swap3A_1158, %swap3A_1159, %swap3A_1160], %swap3A_1163 {strides = array<i32>} : memref<21x256x128xf32, #tpu.memory_space<vmem>>, vector<1x256x128xf32>,
    %broadcast_in_dim3A_1164 = arith.constant 0.000000e+00 : f32
    %broadcast_in_dim3A_1165 = vector.broadcast %broadcast_in_dim3A_1164 : f32 to vector<21x256x128xf32>
    %swap3A_1166 = arith.constant 0 : index
    %swap3A_1167 = arith.constant 0 : index
    %swap3A_1168 = arith.constant 0 : index
    %swap3A_1169 = vector.load %arg15[%swap3A_1166, %swap3A_1167, %swap3A_1168] : memref<21x256x128xf32, #tpu.memory_space<vmem>>, vector<21x256x128xf32>
    tpu.vector_store %arg15[%swap3A_1166, %swap3A_1167, %swap3A_1168], %broadcast_in_dim3A_1165 {strides = array<i32>} : memref<21x256x128xf32, #tpu.memory_space<vmem>>, vector<21x256x128xf32>,
    %reshape3A = vector.shape_cast %get3A_16 : vector<1x128xf32> to vector<1x1x128xf32>
    %get3A_1170 = arith.constant 0 : index
    %get3A_1171 = memref.load %arg2[%get3A_1170] : memref<42xi32, #tpu.memory_space<smem>>
    %get3A_1172 = arith.constant 0 : index
    %get3A_1173 = memref.load %arg3[%get3A_1172] : memref<42xi32, #tpu.memory_space<smem>>
    %get3A_1174 = arith.index_cast %get3A_1171 : i32 to index
    %get3A_1175 = arith.constant 0 : index
    %get3A_1176 = arith.constant 0 : index
    %get3A_1177 = vector.load %arg13[%get3A_1174, %get3A_1175, %get3A_1176] : memref<21x256x128xf32, #tpu.memory_space<vmem>>, vector<1x256x128xf32>
    %get3A_1178 = arith.index_cast %get3A_1173 : i32 to index
    %get3A_1179 = arith.constant 0 : index
    %get3A_1180 = arith.constant 0 : index
    %get3A_1181 = vector.load %arg14[%get3A_1178, %get3A_1179, %get3A_1180] : memref<21x256x128xf32, #tpu.memory_space<vmem>>, vector<1x256x128xf32>
    %add3A_1182 = arith.addf %get3A_1177, %get3A_1181 : vector<1x256x128xf32>
    %mul3A_1183 = arith.constant 5.000000e-01 : f32
    %mul3A_1184 = vector.broadcast %mul3A_1183 : f32 to vector<1x256x128xf32>
    %mul3A_1185 = arith.mulf %mul3A_1184, %add3A_1182 : vector<1x256x128xf32>
    %mul3A_1186 = arith.constant 0.707106769 : f32
    %mul3A_1187 = vector.broadcast %mul3A_1186 : f32 to vector<1x256x128xf32>
    %mul3A_1188 = arith.mulf %add3A_1182, %mul3A_1187 : vector<1x256x128xf32>
    %erf3A = math.erf %mul3A_1188 : vector<1x256x128xf32>
    %add3A_1189 = arith.constant 1.000000e+00 : f32
    %add3A_1190 = vector.broadcast %add3A_1189 : f32 to vector<1x256x128xf32>
    %add3A_1191 = arith.addf %add3A_1190, %erf3A : vector<1x256x128xf32>
    %mul3A_1192 = arith.mulf %mul3A_1185, %add3A_1191 : vector<1x256x128xf32>
    %mul3A_1193 = vector.broadcast %reshape3A : vector<1x1x128xf32> to vector<1x256x128xf32>
    %mul3A_1194 = arith.mulf %mul3A_1192, %mul3A_1193 : vector<1x256x128xf32>
    %reduce_sum3A_1195 = arith.constant dense<0.000000e+00> : vector<1x256xf32>
    %reduce_sum3A_1196 = vector.multi_reduction <add>, %mul3A_1194, %reduce_sum3A_1195 [2] : vector<1x256x128xf32> to vector<1x256xf32>
    %broadcast_in_dim3A_1197 = vector.shape_cast %reduce_sum3A_1196 : vector<1x256xf32> to vector<1x256x1xf32>
    %add3A_1198 = vector.broadcast %get3A_18 : f32 to vector<1x256x1xf32>
    %add3A_1199 = arith.addf %broadcast_in_dim3A_1197, %add3A_1198 : vector<1x256x1xf32>
    %logistic3A = arith.negf %add3A_1199 : vector<1x256x1xf32>
    %logistic3A_1200 = math.exp %logistic3A : vector<1x256x1xf32>
    %logistic3A_1201 = arith.constant 1.000000e+00 : f32
    %logistic3A_1202 = vector.broadcast %logistic3A_1201 : f32 to vector<1x256x1xf32>
    %logistic3A_1203 = arith.addf %logistic3A_1202, %logistic3A_1200 : vector<1x256x1xf32>
    %logistic3A_1204 = arith.divf %logistic3A_1202, %logistic3A_1203 : vector<1x256x1xf32>
    %get3A_1205 = arith.index_cast %get3A_1173 : i32 to index
    %get3A_1206 = arith.constant 0 : index
    %get3A_1207 = arith.constant 0 : index
    %get3A_1208 = vector.load %arg15[%get3A_1205, %get3A_1206, %get3A_1207] : memref<21x256x128xf32, #tpu.memory_space<vmem>>, vector<1x256x128xf32>
    %get3A_1209 = arith.index_cast %get3A_1171 : i32 to index
    %get3A_1210 = arith.constant 0 : index
    %get3A_1211 = arith.constant 0 : index
    %get3A_1212 = vector.load %arg12[%get3A_1209, %get3A_1210, %get3A_1211] : memref<21x256x128xf32, #tpu.memory_space<vmem>>, vector<1x256x128xf32>
    %mul3A_1213 = vector.broadcast %logistic3A_1204 : vector<1x256x1xf32> to vector<1x256x128xf32>
    %mul3A_1214 = arith.mulf %mul3A_1213, %get3A_1212 : vector<1x256x128xf32>
    %add3A_1215 = arith.addf %get3A_1208, %mul3A_1214 : vector<1x256x128xf32>
    %swap3A_1216 = arith.index_cast %get3A_1173 : i32 to index
    %swap3A_1217 = arith.constant 0 : index
    %swap3A_1218 = arith.constant 0 : index
    %swap3A_1219 = vector.load %arg15[%swap3A_1216, %swap3A_1217, %swap3A_1218] : memref<21x256x128xf32, #tpu.memory_space<vmem>>, vector<1x256x128xf32>
    tpu.vector_store %arg15[%swap3A_1216, %swap3A_1217, %swap3A_1218], %add3A_1215 {strides = array<i32>} : memref<21x256x128xf32, #tpu.memory_space<vmem>>, vector<1x256x128xf32>,
    %get3A_1220 = arith.constant 1 : index
    %get3A_1221 = memref.load %arg2[%get3A_1220] : memref<42xi32, #tpu.memory_space<smem>>
    %get3A_1222 = arith.constant 1 : index
    %get3A_1223 = memref.load %arg3[%get3A_1222] : memref<42xi32, #tpu.memory_space<smem>>
    %get3A_1224 = arith.index_cast %get3A_1221 : i32 to index
    %get3A_1225 = arith.constant 0 : index
    %get3A_1226 = arith.constant 0 : index
    %get3A_1227 = vector.load %arg13[%get3A_1224, %get3A_1225, %get3A_1226] : memref<21x256x128xf32, #tpu.memory_space<vmem>>, vector<1x256x128xf32>
    %get3A_1228 = arith.index_cast %get3A_1223 : i32 to index
    %get3A_1229 = arith.constant 0 : index
    %get3A_1230 = arith.constant 0 : index
    %get3A_1231 = vector.load %arg14[%get3A_1228, %get3A_1229, %get3A_1230] : memref<21x256x128xf32, #tpu.memory_space<vmem>>, vector<1x256x128xf32>
    %add3A_1232 = arith.addf %get3A_1227, %get3A_1231 : vector<1x256x128xf32>
    %mul3A_1233 = arith.constant 5.000000e-01 : f32
    %mul3A_1234 = vector.broadcast %mul3A_1233 : f32 to vector<1x256x128xf32>
    %mul3A_1235 = arith.mulf %mul3A_1234, %add3A_1232 : vector<1x256x128xf32>
    %mul3A_1236 = arith.constant 0.707106769 : f32
    %mul3A_1237 = vector.broadcast %mul3A_1236 : f32 to vector<1x256x128xf32>
    %mul3A_1238 = arith.mulf %add3A_1232, %mul3A_1237 : vector<1x256x128xf32>
    %erf3A_1239 = math.erf %mul3A_1238 : vector<1x256x128xf32>
    %add3A_1240 = arith.constant 1.000000e+00 : f32
    %add3A_1241 = vector.broadcast %add3A_1240 : f32 to vector<1x256x128xf32>
    %add3A_1242 = arith.addf %add3A_1241, %erf3A_1239 : vector<1x256x128xf32>
    %mul3A_1243 = arith.mulf %mul3A_1235, %add3A_1242 : vector<1x256x128xf32>
    %mul3A_1244 = vector.broadcast %reshape3A : vector<1x1x128xf32> to vector<1x256x128xf32>
    %mul3A_1245 = arith.mulf %mul3A_1243, %mul3A_1244 : vector<1x256x128xf32>
    %reduce_sum3A_1246 = arith.constant dense<0.000000e+00> : vector<1x256xf32>
    %reduce_sum3A_1247 = vector.multi_reduction <add>, %mul3A_1245, %reduce_sum3A_1246 [2] : vector<1x256x128xf32> to vector<1x256xf32>
    %broadcast_in_dim3A_1248 = vector.shape_cast %reduce_sum3A_1247 : vector<1x256xf32> to vector<1x256x1xf32>
    %add3A_1249 = vector.broadcast %get3A_18 : f32 to vector<1x256x1xf32>
    %add3A_1250 = arith.addf %broadcast_in_dim3A_1248, %add3A_1249 : vector<1x256x1xf32>
    %logistic3A_1251 = arith.negf %add3A_1250 : vector<1x256x1xf32>
    %logistic3A_1252 = math.exp %logistic3A_1251 : vector<1x256x1xf32>
    %logistic3A_1253 = arith.constant 1.000000e+00 : f32
    %logistic3A_1254 = vector.broadcast %logistic3A_1253 : f32 to vector<1x256x1xf32>
    %logistic3A_1255 = arith.addf %logistic3A_1254, %logistic3A_1252 : vector<1x256x1xf32>
    %logistic3A_1256 = arith.divf %logistic3A_1254, %logistic3A_1255 : vector<1x256x1xf32>
    %get3A_1257 = arith.index_cast %get3A_1223 : i32 to index
    %get3A_1258 = arith.constant 0 : index
    %get3A_1259 = arith.constant 0 : index
    %get3A_1260 = vector.load %arg15[%get3A_1257, %get3A_1258, %get3A_1259] : memref<21x256x128xf32, #tpu.memory_space<vmem>>, vector<1x256x128xf32>
    %get3A_1261 = arith.index_cast %get3A_1221 : i32 to index
    %get3A_1262 = arith.constant 0 : index
    %get3A_1263 = arith.constant 0 : index
    %get3A_1264 = vector.load %arg12[%get3A_1261, %get3A_1262, %get3A_1263] : memref<21x256x128xf32, #tpu.memory_space<vmem>>, vector<1x256x128xf32>
    %mul3A_1265 = vector.broadcast %logistic3A_1256 : vector<1x256x1xf32> to vector<1x256x128xf32>
    %mul3A_1266 = arith.mulf %mul3A_1265, %get3A_1264 : vector<1x256x128xf32>
    %add3A_1267 = arith.addf %get3A_1260, %mul3A_1266 : vector<1x256x128xf32>
    %swap3A_1268 = arith.index_cast %get3A_1223 : i32 to index
    %swap3A_1269 = arith.constant 0 : index
    %swap3A_1270 = arith.constant 0 : index
    %swap3A_1271 = vector.load %arg15[%swap3A_1268, %swap3A_1269, %swap3A_1270] : memref<21x256x128xf32, #tpu.memory_space<vmem>>, vector<1x256x128xf32>
    tpu.vector_store %arg15[%swap3A_1268, %swap3A_1269, %swap3A_1270], %add3A_1267 {strides = array<i32>} : memref<21x256x128xf32, #tpu.memory_space<vmem>>, vector<1x256x128xf32>,
    %get3A_1272 = arith.constant 2 : index
    %get3A_1273 = memref.load %arg2[%get3A_1272] : memref<42xi32, #tpu.memory_space<smem>>
    %get3A_1274 = arith.constant 2 : index
    %get3A_1275 = memref.load %arg3[%get3A_1274] : memref<42xi32, #tpu.memory_space<smem>>
    %get3A_1276 = arith.index_cast %get3A_1273 : i32 to index
    %get3A_1277 = arith.constant 0 : index
    %get3A_1278 = arith.constant 0 : index
    %get3A_1279 = vector.load %arg13[%get3A_1276, %get3A_1277, %get3A_1278] : memref<21x256x128xf32, #tpu.memory_space<vmem>>, vector<1x256x128xf32>
    %get3A_1280 = arith.index_cast %get3A_1275 : i32 to index
    %get3A_1281 = arith.constant 0 : index
    %get3A_1282 = arith.constant 0 : index
    %get3A_1283 = vector.load %arg14[%get3A_1280, %get3A_1281, %get3A_1282] : memref<21x256x128xf32, #tpu.memory_space<vmem>>, vector<1x256x128xf32>
    %add3A_1284 = arith.addf %get3A_1279, %get3A_1283 : vector<1x256x128xf32>
    %mul3A_1285 = arith.constant 5.000000e-01 : f32
    %mul3A_1286 = vector.broadcast %mul3A_1285 : f32 to vector<1x256x128xf32>
    %mul3A_1287 = arith.mulf %mul3A_1286, %add3A_1284 : vector<1x256x128xf32>
    %mul3A_1288 = arith.constant 0.707106769 : f32
    %mul3A_1289 = vector.broadcast %mul3A_1288 : f32 to vector<1x256x128xf32>
    %mul3A_1290 = arith.mulf %add3A_1284, %mul3A_1289 : vector<1x256x128xf32>
    %erf3A_1291 = math.erf %mul3A_1290 : vector<1x256x128xf32>
    %add3A_1292 = arith.constant 1.000000e+00 : f32
    %add3A_1293 = vector.broadcast %add3A_1292 : f32 to vector<1x256x128xf32>
    %add3A_1294 = arith.addf %add3A_1293, %erf3A_1291 : vector<1x256x128xf32>
    %mul3A_1295 = arith.mulf %mul3A_1287, %add3A_1294 : vector<1x256x128xf32>
    %mul3A_1296 = vector.broadcast %reshape3A : vector<1x1x128xf32> to vector<1x256x128xf32>
    %mul3A_1297 = arith.mulf %mul3A_1295, %mul3A_1296 : vector<1x256x128xf32>
    %reduce_sum3A_1298 = arith.constant dense<0.000000e+00> : vector<1x256xf32>
    %reduce_sum3A_1299 = vector.multi_reduction <add>, %mul3A_1297, %reduce_sum3A_1298 [2] : vector<1x256x128xf32> to vector<1x256xf32>
    %broadcast_in_dim3A_1300 = vector.shape_cast %reduce_sum3A_1299 : vector<1x256xf32> to vector<1x256x1xf32>
    %add3A_1301 = vector.broadcast %get3A_18 : f32 to vector<1x256x1xf32>
    %add3A_1302 = arith.addf %broadcast_in_dim3A_1300, %add3A_1301 : vector<1x256x1xf32>
    %logistic3A_1303 = arith.negf %add3A_1302 : vector<1x256x1xf32>
    %logistic3A_1304 = math.exp %logistic3A_1303 : vector<1x256x1xf32>
    %logistic3A_1305 = arith.constant 1.000000e+00 : f32
    %logistic3A_1306 = vector.broadcast %logistic3A_1305 : f32 to vector<1x256x1xf32>
    %logistic3A_1307 = arith.addf %logistic3A_1306, %logistic3A_1304 : vector<1x256x1xf32>
    %logistic3A_1308 = arith.divf %logistic3A_1306, %logistic3A_1307 : vector<1x256x1xf32>
    %get3A_1309 = arith.index_cast %get3A_1275 : i32 to index
    %get3A_1310 = arith.constant 0 : index
    %get3A_1311 = arith.constant 0 : index
    %get3A_1312 = vector.load %arg15[%get3A_1309, %get3A_1310, %get3A_1311] : memref<21x256x128xf32, #tpu.memory_space<vmem>>, vector<1x256x128xf32>
    %get3A_1313 = arith.index_cast %get3A_1273 : i32 to index
    %get3A_1314 = arith.constant 0 : index
    %get3A_1315 = arith.constant 0 : index
    %get3A_1316 = vector.load %arg12[%get3A_1313, %get3A_1314, %get3A_1315] : memref<21x256x128xf32, #tpu.memory_space<vmem>>, vector<1x256x128xf32>
    %mul3A_1317 = vector.broadcast %logistic3A_1308 : vector<1x256x1xf32> to vector<1x256x128xf32>
    %mul3A_1318 = arith.mulf %mul3A_1317, %get3A_1316 : vector<1x256x128xf32>
    %add3A_1319 = arith.addf %get3A_1312, %mul3A_1318 : vector<1x256x128xf32>
    %swap3A_1320 = arith.index_cast %get3A_1275 : i32 to index
    %swap3A_1321 = arith.constant 0 : index
    %swap3A_1322 = arith.constant 0 : index
    %swap3A_1323 = vector.load %arg15[%swap3A_1320, %swap3A_1321, %swap3A_1322] : memref<21x256x128xf32, #tpu.memory_space<vmem>>, vector<1x256x128xf32>
    tpu.vector_store %arg15[%swap3A_1320, %swap3A_1321, %swap3A_1322], %add3A_1319 {strides = array<i32>} : memref<21x256x128xf32, #tpu.memory_space<vmem>>, vector<1x256x128xf32>,
    %get3A_1324 = arith.constant 3 : index
    %get3A_1325 = memref.load %arg2[%get3A_1324] : memref<42xi32, #tpu.memory_space<smem>>
    %get3A_1326 = arith.constant 3 : index
    %get3A_1327 = memref.load %arg3[%get3A_1326] : memref<42xi32, #tpu.memory_space<smem>>
    %get3A_1328 = arith.index_cast %get3A_1325 : i32 to index
    %get3A_1329 = arith.constant 0 : index
    %get3A_1330 = arith.constant 0 : index
    %get3A_1331 = vector.load %arg13[%get3A_1328, %get3A_1329, %get3A_1330] : memref<21x256x128xf32, #tpu.memory_space<vmem>>, vector<1x256x128xf32>
    %get3A_1332 = arith.index_cast %get3A_1327 : i32 to index
    %get3A_1333 = arith.constant 0 : index
    %get3A_1334 = arith.constant 0 : index
    %get3A_1335 = vector.load %arg14[%get3A_1332, %get3A_1333, %get3A_1334] : memref<21x256x128xf32, #tpu.memory_space<vmem>>, vector<1x256x128xf32>
    %add3A_1336 = arith.addf %get3A_1331, %get3A_1335 : vector<1x256x128xf32>
    %mul3A_1337 = arith.constant 5.000000e-01 : f32
    %mul3A_1338 = vector.broadcast %mul3A_1337 : f32 to vector<1x256x128xf32>
    %mul3A_1339 = arith.mulf %mul3A_1338, %add3A_1336 : vector<1x256x128xf32>
    %mul3A_1340 = arith.constant 0.707106769 : f32
    %mul3A_1341 = vector.broadcast %mul3A_1340 : f32 to vector<1x256x128xf32>
    %mul3A_1342 = arith.mulf %add3A_1336, %mul3A_1341 : vector<1x256x128xf32>
    %erf3A_1343 = math.erf %mul3A_1342 : vector<1x256x128xf32>
    %add3A_1344 = arith.constant 1.000000e+00 : f32
    %add3A_1345 = vector.broadcast %add3A_1344 : f32 to vector<1x256x128xf32>
    %add3A_1346 = arith.addf %add3A_1345, %erf3A_1343 : vector<1x256x128xf32>
    %mul3A_1347 = arith.mulf %mul3A_1339, %add3A_1346 : vector<1x256x128xf32>
    %mul3A_1348 = vector.broadcast %reshape3A : vector<1x1x128xf32> to vector<1x256x128xf32>
    %mul3A_1349 = arith.mulf %mul3A_1347, %mul3A_1348 : vector<1x256x128xf32>
    %reduce_sum3A_1350 = arith.constant dense<0.000000e+00> : vector<1x256xf32>
    %reduce_sum3A_1351 = vector.multi_reduction <add>, %mul3A_1349, %reduce_sum3A_1350 [2] : vector<1x256x128xf32> to vector<1x256xf32>
    %broadcast_in_dim3A_1352 = vector.shape_cast %reduce_sum3A_1351 : vector<1x256xf32> to vector<1x256x1xf32>
    %add3A_1353 = vector.broadcast %get3A_18 : f32 to vector<1x256x1xf32>
    %add3A_1354 = arith.addf %broadcast_in_dim3A_1352, %add3A_1353 : vector<1x256x1xf32>
    %logistic3A_1355 = arith.negf %add3A_1354 : vector<1x256x1xf32>
    %logistic3A_1356 = math.exp %logistic3A_1355 : vector<1x256x1xf32>
    %logistic3A_1357 = arith.constant 1.000000e+00 : f32
    %logistic3A_1358 = vector.broadcast %logistic3A_1357 : f32 to vector<1x256x1xf32>
    %logistic3A_1359 = arith.addf %logistic3A_1358, %logistic3A_1356 : vector<1x256x1xf32>
    %logistic3A_1360 = arith.divf %logistic3A_1358, %logistic3A_1359 : vector<1x256x1xf32>
    %get3A_1361 = arith.index_cast %get3A_1327 : i32 to index
    %get3A_1362 = arith.constant 0 : index
    %get3A_1363 = arith.constant 0 : index
    %get3A_1364 = vector.load %arg15[%get3A_1361, %get3A_1362, %get3A_1363] : memref<21x256x128xf32, #tpu.memory_space<vmem>>, vector<1x256x128xf32>
    %get3A_1365 = arith.index_cast %get3A_1325 : i32 to index
    %get3A_1366 = arith.constant 0 : index
    %get3A_1367 = arith.constant 0 : index
    %get3A_1368 = vector.load %arg12[%get3A_1365, %get3A_1366, %get3A_1367] : memref<21x256x128xf32, #tpu.memory_space<vmem>>, vector<1x256x128xf32>
    %mul3A_1369 = vector.broadcast %logistic3A_1360 : vector<1x256x1xf32> to vector<1x256x128xf32>
    %mul3A_1370 = arith.mulf %mul3A_1369, %get3A_1368 : vector<1x256x128xf32>
    %add3A_1371 = arith.addf %get3A_1364, %mul3A_1370 : vector<1x256x128xf32>
    %swap3A_1372 = arith.index_cast %get3A_1327 : i32 to index
    %swap3A_1373 = arith.constant 0 : index
    %swap3A_1374 = arith.constant 0 : index
    %swap3A_1375 = vector.load %arg15[%swap3A_1372, %swap3A_1373, %swap3A_1374] : memref<21x256x128xf32, #tpu.memory_space<vmem>>, vector<1x256x128xf32>
    tpu.vector_store %arg15[%swap3A_1372, %swap3A_1373, %swap3A_1374], %add3A_1371 {strides = array<i32>} : memref<21x256x128xf32, #tpu.memory_space<vmem>>, vector<1x256x128xf32>,
    %get3A_1376 = arith.constant 4 : index
    %get3A_1377 = memref.load %arg2[%get3A_1376] : memref<42xi32, #tpu.memory_space<smem>>
    %get3A_1378 = arith.constant 4 : index
    %get3A_1379 = memref.load %arg3[%get3A_1378] : memref<42xi32, #tpu.memory_space<smem>>
    %get3A_1380 = arith.index_cast %get3A_1377 : i32 to index
    %get3A_1381 = arith.constant 0 : index
    %get3A_1382 = arith.constant 0 : index
    %get3A_1383 = vector.load %arg13[%get3A_1380, %get3A_1381, %get3A_1382] : memref<21x256x128xf32, #tpu.memory_space<vmem>>, vector<1x256x128xf32>
    %get3A_1384 = arith.index_cast %get3A_1379 : i32 to index
    %get3A_1385 = arith.constant 0 : index
    %get3A_1386 = arith.constant 0 : index
    %get3A_1387 = vector.load %arg14[%get3A_1384, %get3A_1385, %get3A_1386] : memref<21x256x128xf32, #tpu.memory_space<vmem>>, vector<1x256x128xf32>
    %add3A_1388 = arith.addf %get3A_1383, %get3A_1387 : vector<1x256x128xf32>
    %mul3A_1389 = arith.constant 5.000000e-01 : f32
    %mul3A_1390 = vector.broadcast %mul3A_1389 : f32 to vector<1x256x128xf32>
    %mul3A_1391 = arith.mulf %mul3A_1390, %add3A_1388 : vector<1x256x128xf32>
    %mul3A_1392 = arith.constant 0.707106769 : f32
    %mul3A_1393 = vector.broadcast %mul3A_1392 : f32 to vector<1x256x128xf32>
    %mul3A_1394 = arith.mulf %add3A_1388, %mul3A_1393 : vector<1x256x128xf32>
    %erf3A_1395 = math.erf %mul3A_1394 : vector<1x256x128xf32>
    %add3A_1396 = arith.constant 1.000000e+00 : f32
    %add3A_1397 = vector.broadcast %add3A_1396 : f32 to vector<1x256x128xf32>
    %add3A_1398 = arith.addf %add3A_1397, %erf3A_1395 : vector<1x256x128xf32>
    %mul3A_1399 = arith.mulf %mul3A_1391, %add3A_1398 : vector<1x256x128xf32>
    %mul3A_1400 = vector.broadcast %reshape3A : vector<1x1x128xf32> to vector<1x256x128xf32>
    %mul3A_1401 = arith.mulf %mul3A_1399, %mul3A_1400 : vector<1x256x128xf32>
    %reduce_sum3A_1402 = arith.constant dense<0.000000e+00> : vector<1x256xf32>
    %reduce_sum3A_1403 = vector.multi_reduction <add>, %mul3A_1401, %reduce_sum3A_1402 [2] : vector<1x256x128xf32> to vector<1x256xf32>
    %broadcast_in_dim3A_1404 = vector.shape_cast %reduce_sum3A_1403 : vector<1x256xf32> to vector<1x256x1xf32>
    %add3A_1405 = vector.broadcast %get3A_18 : f32 to vector<1x256x1xf32>
    %add3A_1406 = arith.addf %broadcast_in_dim3A_1404, %add3A_1405 : vector<1x256x1xf32>
    %logistic3A_1407 = arith.negf %add3A_1406 : vector<1x256x1xf32>
    %logistic3A_1408 = math.exp %logistic3A_1407 : vector<1x256x1xf32>
    %logistic3A_1409 = arith.constant 1.000000e+00 : f32
    %logistic3A_1410 = vector.broadcast %logistic3A_1409 : f32 to vector<1x256x1xf32>
    %logistic3A_1411 = arith.addf %logistic3A_1410, %logistic3A_1408 : vector<1x256x1xf32>
    %logistic3A_1412 = arith.divf %logistic3A_1410, %logistic3A_1411 : vector<1x256x1xf32>
    %get3A_1413 = arith.index_cast %get3A_1379 : i32 to index
    %get3A_1414 = arith.constant 0 : index
    %get3A_1415 = arith.constant 0 : index
    %get3A_1416 = vector.load %arg15[%get3A_1413, %get3A_1414, %get3A_1415] : memref<21x256x128xf32, #tpu.memory_space<vmem>>, vector<1x256x128xf32>
    %get3A_1417 = arith.index_cast %get3A_1377 : i32 to index
    %get3A_1418 = arith.constant 0 : index
    %get3A_1419 = arith.constant 0 : index
    %get3A_1420 = vector.load %arg12[%get3A_1417, %get3A_1418, %get3A_1419] : memref<21x256x128xf32, #tpu.memory_space<vmem>>, vector<1x256x128xf32>
    %mul3A_1421 = vector.broadcast %logistic3A_1412 : vector<1x256x1xf32> to vector<1x256x128xf32>
    %mul3A_1422 = arith.mulf %mul3A_1421, %get3A_1420 : vector<1x256x128xf32>
    %add3A_1423 = arith.addf %get3A_1416, %mul3A_1422 : vector<1x256x128xf32>
    %swap3A_1424 = arith.index_cast %get3A_1379 : i32 to index
    %swap3A_1425 = arith.constant 0 : index
    %swap3A_1426 = arith.constant 0 : index
    %swap3A_1427 = vector.load %arg15[%swap3A_1424, %swap3A_1425, %swap3A_1426] : memref<21x256x128xf32, #tpu.memory_space<vmem>>, vector<1x256x128xf32>
    tpu.vector_store %arg15[%swap3A_1424, %swap3A_1425, %swap3A_1426], %add3A_1423 {strides = array<i32>} : memref<21x256x128xf32, #tpu.memory_space<vmem>>, vector<1x256x128xf32>,
    %get3A_1428 = arith.constant 5 : index
    %get3A_1429 = memref.load %arg2[%get3A_1428] : memref<42xi32, #tpu.memory_space<smem>>
    %get3A_1430 = arith.constant 5 : index
    %get3A_1431 = memref.load %arg3[%get3A_1430] : memref<42xi32, #tpu.memory_space<smem>>
    %get3A_1432 = arith.index_cast %get3A_1429 : i32 to index
    %get3A_1433 = arith.constant 0 : index
    %get3A_1434 = arith.constant 0 : index
    %get3A_1435 = vector.load %arg13[%get3A_1432, %get3A_1433, %get3A_1434] : memref<21x256x128xf32, #tpu.memory_space<vmem>>, vector<1x256x128xf32>
    %get3A_1436 = arith.index_cast %get3A_1431 : i32 to index
    %get3A_1437 = arith.constant 0 : index
    %get3A_1438 = arith.constant 0 : index
    %get3A_1439 = vector.load %arg14[%get3A_1436, %get3A_1437, %get3A_1438] : memref<21x256x128xf32, #tpu.memory_space<vmem>>, vector<1x256x128xf32>
    %add3A_1440 = arith.addf %get3A_1435, %get3A_1439 : vector<1x256x128xf32>
    %mul3A_1441 = arith.constant 5.000000e-01 : f32
    %mul3A_1442 = vector.broadcast %mul3A_1441 : f32 to vector<1x256x128xf32>
    %mul3A_1443 = arith.mulf %mul3A_1442, %add3A_1440 : vector<1x256x128xf32>
    %mul3A_1444 = arith.constant 0.707106769 : f32
    %mul3A_1445 = vector.broadcast %mul3A_1444 : f32 to vector<1x256x128xf32>
    %mul3A_1446 = arith.mulf %add3A_1440, %mul3A_1445 : vector<1x256x128xf32>
    %erf3A_1447 = math.erf %mul3A_1446 : vector<1x256x128xf32>
    %add3A_1448 = arith.constant 1.000000e+00 : f32
    %add3A_1449 = vector.broadcast %add3A_1448 : f32 to vector<1x256x128xf32>
    %add3A_1450 = arith.addf %add3A_1449, %erf3A_1447 : vector<1x256x128xf32>
    %mul3A_1451 = arith.mulf %mul3A_1443, %add3A_1450 : vector<1x256x128xf32>
    %mul3A_1452 = vector.broadcast %reshape3A : vector<1x1x128xf32> to vector<1x256x128xf32>
    %mul3A_1453 = arith.mulf %mul3A_1451, %mul3A_1452 : vector<1x256x128xf32>
    %reduce_sum3A_1454 = arith.constant dense<0.000000e+00> : vector<1x256xf32>
    %reduce_sum3A_1455 = vector.multi_reduction <add>, %mul3A_1453, %reduce_sum3A_1454 [2] : vector<1x256x128xf32> to vector<1x256xf32>
    %broadcast_in_dim3A_1456 = vector.shape_cast %reduce_sum3A_1455 : vector<1x256xf32> to vector<1x256x1xf32>
    %add3A_1457 = vector.broadcast %get3A_18 : f32 to vector<1x256x1xf32>
    %add3A_1458 = arith.addf %broadcast_in_dim3A_1456, %add3A_1457 : vector<1x256x1xf32>
    %logistic3A_1459 = arith.negf %add3A_1458 : vector<1x256x1xf32>
    %logistic3A_1460 = math.exp %logistic3A_1459 : vector<1x256x1xf32>
    %logistic3A_1461 = arith.constant 1.000000e+00 : f32
    %logistic3A_1462 = vector.broadcast %logistic3A_1461 : f32 to vector<1x256x1xf32>
    %logistic3A_1463 = arith.addf %logistic3A_1462, %logistic3A_1460 : vector<1x256x1xf32>
    %logistic3A_1464 = arith.divf %logistic3A_1462, %logistic3A_1463 : vector<1x256x1xf32>
    %get3A_1465 = arith.index_cast %get3A_1431 : i32 to index
    %get3A_1466 = arith.constant 0 : index
    %get3A_1467 = arith.constant 0 : index
    %get3A_1468 = vector.load %arg15[%get3A_1465, %get3A_1466, %get3A_1467] : memref<21x256x128xf32, #tpu.memory_space<vmem>>, vector<1x256x128xf32>
    %get3A_1469 = arith.index_cast %get3A_1429 : i32 to index
    %get3A_1470 = arith.constant 0 : index
    %get3A_1471 = arith.constant 0 : index
    %get3A_1472 = vector.load %arg12[%get3A_1469, %get3A_1470, %get3A_1471] : memref<21x256x128xf32, #tpu.memory_space<vmem>>, vector<1x256x128xf32>
    %mul3A_1473 = vector.broadcast %logistic3A_1464 : vector<1x256x1xf32> to vector<1x256x128xf32>
    %mul3A_1474 = arith.mulf %mul3A_1473, %get3A_1472 : vector<1x256x128xf32>
    %add3A_1475 = arith.addf %get3A_1468, %mul3A_1474 : vector<1x256x128xf32>
    %swap3A_1476 = arith.index_cast %get3A_1431 : i32 to index
    %swap3A_1477 = arith.constant 0 : index
    %swap3A_1478 = arith.constant 0 : index
    %swap3A_1479 = vector.load %arg15[%swap3A_1476, %swap3A_1477, %swap3A_1478] : memref<21x256x128xf32, #tpu.memory_space<vmem>>, vector<1x256x128xf32>
    tpu.vector_store %arg15[%swap3A_1476, %swap3A_1477, %swap3A_1478], %add3A_1475 {strides = array<i32>} : memref<21x256x128xf32, #tpu.memory_space<vmem>>, vector<1x256x128xf32>,
    %get3A_1480 = arith.constant 6 : index
    %get3A_1481 = memref.load %arg2[%get3A_1480] : memref<42xi32, #tpu.memory_space<smem>>
    %get3A_1482 = arith.constant 6 : index
    %get3A_1483 = memref.load %arg3[%get3A_1482] : memref<42xi32, #tpu.memory_space<smem>>
    %get3A_1484 = arith.index_cast %get3A_1481 : i32 to index
    %get3A_1485 = arith.constant 0 : index
    %get3A_1486 = arith.constant 0 : index
    %get3A_1487 = vector.load %arg13[%get3A_1484, %get3A_1485, %get3A_1486] : memref<21x256x128xf32, #tpu.memory_space<vmem>>, vector<1x256x128xf32>
    %get3A_1488 = arith.index_cast %get3A_1483 : i32 to index
    %get3A_1489 = arith.constant 0 : index
    %get3A_1490 = arith.constant 0 : index
    %get3A_1491 = vector.load %arg14[%get3A_1488, %get3A_1489, %get3A_1490] : memref<21x256x128xf32, #tpu.memory_space<vmem>>, vector<1x256x128xf32>
    %add3A_1492 = arith.addf %get3A_1487, %get3A_1491 : vector<1x256x128xf32>
    %mul3A_1493 = arith.constant 5.000000e-01 : f32
    %mul3A_1494 = vector.broadcast %mul3A_1493 : f32 to vector<1x256x128xf32>
    %mul3A_1495 = arith.mulf %mul3A_1494, %add3A_1492 : vector<1x256x128xf32>
    %mul3A_1496 = arith.constant 0.707106769 : f32
    %mul3A_1497 = vector.broadcast %mul3A_1496 : f32 to vector<1x256x128xf32>
    %mul3A_1498 = arith.mulf %add3A_1492, %mul3A_1497 : vector<1x256x128xf32>
    %erf3A_1499 = math.erf %mul3A_1498 : vector<1x256x128xf32>
    %add3A_1500 = arith.constant 1.000000e+00 : f32
    %add3A_1501 = vector.broadcast %add3A_1500 : f32 to vector<1x256x128xf32>
    %add3A_1502 = arith.addf %add3A_1501, %erf3A_1499 : vector<1x256x128xf32>
    %mul3A_1503 = arith.mulf %mul3A_1495, %add3A_1502 : vector<1x256x128xf32>
    %mul3A_1504 = vector.broadcast %reshape3A : vector<1x1x128xf32> to vector<1x256x128xf32>
    %mul3A_1505 = arith.mulf %mul3A_1503, %mul3A_1504 : vector<1x256x128xf32>
    %reduce_sum3A_1506 = arith.constant dense<0.000000e+00> : vector<1x256xf32>
    %reduce_sum3A_1507 = vector.multi_reduction <add>, %mul3A_1505, %reduce_sum3A_1506 [2] : vector<1x256x128xf32> to vector<1x256xf32>
    %broadcast_in_dim3A_1508 = vector.shape_cast %reduce_sum3A_1507 : vector<1x256xf32> to vector<1x256x1xf32>
    %add3A_1509 = vector.broadcast %get3A_18 : f32 to vector<1x256x1xf32>
    %add3A_1510 = arith.addf %broadcast_in_dim3A_1508, %add3A_1509 : vector<1x256x1xf32>
    %logistic3A_1511 = arith.negf %add3A_1510 : vector<1x256x1xf32>
    %logistic3A_1512 = math.exp %logistic3A_1511 : vector<1x256x1xf32>
    %logistic3A_1513 = arith.constant 1.000000e+00 : f32
    %logistic3A_1514 = vector.broadcast %logistic3A_1513 : f32 to vector<1x256x1xf32>
    %logistic3A_1515 = arith.addf %logistic3A_1514, %logistic3A_1512 : vector<1x256x1xf32>
    %logistic3A_1516 = arith.divf %logistic3A_1514, %logistic3A_1515 : vector<1x256x1xf32>
    %get3A_1517 = arith.index_cast %get3A_1483 : i32 to index
    %get3A_1518 = arith.constant 0 : index
    %get3A_1519 = arith.constant 0 : index
    %get3A_1520 = vector.load %arg15[%get3A_1517, %get3A_1518, %get3A_1519] : memref<21x256x128xf32, #tpu.memory_space<vmem>>, vector<1x256x128xf32>
    %get3A_1521 = arith.index_cast %get3A_1481 : i32 to index
    %get3A_1522 = arith.constant 0 : index
    %get3A_1523 = arith.constant 0 : index
    %get3A_1524 = vector.load %arg12[%get3A_1521, %get3A_1522, %get3A_1523] : memref<21x256x128xf32, #tpu.memory_space<vmem>>, vector<1x256x128xf32>
    %mul3A_1525 = vector.broadcast %logistic3A_1516 : vector<1x256x1xf32> to vector<1x256x128xf32>
    %mul3A_1526 = arith.mulf %mul3A_1525, %get3A_1524 : vector<1x256x128xf32>
    %add3A_1527 = arith.addf %get3A_1520, %mul3A_1526 : vector<1x256x128xf32>
    %swap3A_1528 = arith.index_cast %get3A_1483 : i32 to index
    %swap3A_1529 = arith.constant 0 : index
    %swap3A_1530 = arith.constant 0 : index
    %swap3A_1531 = vector.load %arg15[%swap3A_1528, %swap3A_1529, %swap3A_1530] : memref<21x256x128xf32, #tpu.memory_space<vmem>>, vector<1x256x128xf32>
    tpu.vector_store %arg15[%swap3A_1528, %swap3A_1529, %swap3A_1530], %add3A_1527 {strides = array<i32>} : memref<21x256x128xf32, #tpu.memory_space<vmem>>, vector<1x256x128xf32>,
    %get3A_1532 = arith.constant 7 : index
    %get3A_1533 = memref.load %arg2[%get3A_1532] : memref<42xi32, #tpu.memory_space<smem>>
    %get3A_1534 = arith.constant 7 : index
    %get3A_1535 = memref.load %arg3[%get3A_1534] : memref<42xi32, #tpu.memory_space<smem>>
    %get3A_1536 = arith.index_cast %get3A_1533 : i32 to index
    %get3A_1537 = arith.constant 0 : index
    %get3A_1538 = arith.constant 0 : index
    %get3A_1539 = vector.load %arg13[%get3A_1536, %get3A_1537, %get3A_1538] : memref<21x256x128xf32, #tpu.memory_space<vmem>>, vector<1x256x128xf32>
    %get3A_1540 = arith.index_cast %get3A_1535 : i32 to index
    %get3A_1541 = arith.constant 0 : index
    %get3A_1542 = arith.constant 0 : index
    %get3A_1543 = vector.load %arg14[%get3A_1540, %get3A_1541, %get3A_1542] : memref<21x256x128xf32, #tpu.memory_space<vmem>>, vector<1x256x128xf32>
    %add3A_1544 = arith.addf %get3A_1539, %get3A_1543 : vector<1x256x128xf32>
    %mul3A_1545 = arith.constant 5.000000e-01 : f32
    %mul3A_1546 = vector.broadcast %mul3A_1545 : f32 to vector<1x256x128xf32>
    %mul3A_1547 = arith.mulf %mul3A_1546, %add3A_1544 : vector<1x256x128xf32>
    %mul3A_1548 = arith.constant 0.707106769 : f32
    %mul3A_1549 = vector.broadcast %mul3A_1548 : f32 to vector<1x256x128xf32>
    %mul3A_1550 = arith.mulf %add3A_1544, %mul3A_1549 : vector<1x256x128xf32>
    %erf3A_1551 = math.erf %mul3A_1550 : vector<1x256x128xf32>
    %add3A_1552 = arith.constant 1.000000e+00 : f32
    %add3A_1553 = vector.broadcast %add3A_1552 : f32 to vector<1x256x128xf32>
    %add3A_1554 = arith.addf %add3A_1553, %erf3A_1551 : vector<1x256x128xf32>
    %mul3A_1555 = arith.mulf %mul3A_1547, %add3A_1554 : vector<1x256x128xf32>
    %mul3A_1556 = vector.broadcast %reshape3A : vector<1x1x128xf32> to vector<1x256x128xf32>
    %mul3A_1557 = arith.mulf %mul3A_1555, %mul3A_1556 : vector<1x256x128xf32>
    %reduce_sum3A_1558 = arith.constant dense<0.000000e+00> : vector<1x256xf32>
    %reduce_sum3A_1559 = vector.multi_reduction <add>, %mul3A_1557, %reduce_sum3A_1558 [2] : vector<1x256x128xf32> to vector<1x256xf32>
    %broadcast_in_dim3A_1560 = vector.shape_cast %reduce_sum3A_1559 : vector<1x256xf32> to vector<1x256x1xf32>
    %add3A_1561 = vector.broadcast %get3A_18 : f32 to vector<1x256x1xf32>
    %add3A_1562 = arith.addf %broadcast_in_dim3A_1560, %add3A_1561 : vector<1x256x1xf32>
    %logistic3A_1563 = arith.negf %add3A_1562 : vector<1x256x1xf32>
    %logistic3A_1564 = math.exp %logistic3A_1563 : vector<1x256x1xf32>
    %logistic3A_1565 = arith.constant 1.000000e+00 : f32
    %logistic3A_1566 = vector.broadcast %logistic3A_1565 : f32 to vector<1x256x1xf32>
    %logistic3A_1567 = arith.addf %logistic3A_1566, %logistic3A_1564 : vector<1x256x1xf32>
    %logistic3A_1568 = arith.divf %logistic3A_1566, %logistic3A_1567 : vector<1x256x1xf32>
    %get3A_1569 = arith.index_cast %get3A_1535 : i32 to index
    %get3A_1570 = arith.constant 0 : index
    %get3A_1571 = arith.constant 0 : index
    %get3A_1572 = vector.load %arg15[%get3A_1569, %get3A_1570, %get3A_1571] : memref<21x256x128xf32, #tpu.memory_space<vmem>>, vector<1x256x128xf32>
    %get3A_1573 = arith.index_cast %get3A_1533 : i32 to index
    %get3A_1574 = arith.constant 0 : index
    %get3A_1575 = arith.constant 0 : index
    %get3A_1576 = vector.load %arg12[%get3A_1573, %get3A_1574, %get3A_1575] : memref<21x256x128xf32, #tpu.memory_space<vmem>>, vector<1x256x128xf32>
    %mul3A_1577 = vector.broadcast %logistic3A_1568 : vector<1x256x1xf32> to vector<1x256x128xf32>
    %mul3A_1578 = arith.mulf %mul3A_1577, %get3A_1576 : vector<1x256x128xf32>
    %add3A_1579 = arith.addf %get3A_1572, %mul3A_1578 : vector<1x256x128xf32>
    %swap3A_1580 = arith.index_cast %get3A_1535 : i32 to index
    %swap3A_1581 = arith.constant 0 : index
    %swap3A_1582 = arith.constant 0 : index
    %swap3A_1583 = vector.load %arg15[%swap3A_1580, %swap3A_1581, %swap3A_1582] : memref<21x256x128xf32, #tpu.memory_space<vmem>>, vector<1x256x128xf32>
    tpu.vector_store %arg15[%swap3A_1580, %swap3A_1581, %swap3A_1582], %add3A_1579 {strides = array<i32>} : memref<21x256x128xf32, #tpu.memory_space<vmem>>, vector<1x256x128xf32>,
    %get3A_1584 = arith.constant 8 : index
    %get3A_1585 = memref.load %arg2[%get3A_1584] : memref<42xi32, #tpu.memory_space<smem>>
    %get3A_1586 = arith.constant 8 : index
    %get3A_1587 = memref.load %arg3[%get3A_1586] : memref<42xi32, #tpu.memory_space<smem>>
    %get3A_1588 = arith.index_cast %get3A_1585 : i32 to index
    %get3A_1589 = arith.constant 0 : index
    %get3A_1590 = arith.constant 0 : index
    %get3A_1591 = vector.load %arg13[%get3A_1588, %get3A_1589, %get3A_1590] : memref<21x256x128xf32, #tpu.memory_space<vmem>>, vector<1x256x128xf32>
    %get3A_1592 = arith.index_cast %get3A_1587 : i32 to index
    %get3A_1593 = arith.constant 0 : index
    %get3A_1594 = arith.constant 0 : index
    %get3A_1595 = vector.load %arg14[%get3A_1592, %get3A_1593, %get3A_1594] : memref<21x256x128xf32, #tpu.memory_space<vmem>>, vector<1x256x128xf32>
    %add3A_1596 = arith.addf %get3A_1591, %get3A_1595 : vector<1x256x128xf32>
    %mul3A_1597 = arith.constant 5.000000e-01 : f32
    %mul3A_1598 = vector.broadcast %mul3A_1597 : f32 to vector<1x256x128xf32>
    %mul3A_1599 = arith.mulf %mul3A_1598, %add3A_1596 : vector<1x256x128xf32>
    %mul3A_1600 = arith.constant 0.707106769 : f32
    %mul3A_1601 = vector.broadcast %mul3A_1600 : f32 to vector<1x256x128xf32>
    %mul3A_1602 = arith.mulf %add3A_1596, %mul3A_1601 : vector<1x256x128xf32>
    %erf3A_1603 = math.erf %mul3A_1602 : vector<1x256x128xf32>
    %add3A_1604 = arith.constant 1.000000e+00 : f32
    %add3A_1605 = vector.broadcast %add3A_1604 : f32 to vector<1x256x128xf32>
    %add3A_1606 = arith.addf %add3A_1605, %erf3A_1603 : vector<1x256x128xf32>
    %mul3A_1607 = arith.mulf %mul3A_1599, %add3A_1606 : vector<1x256x128xf32>
    %mul3A_1608 = vector.broadcast %reshape3A : vector<1x1x128xf32> to vector<1x256x128xf32>
    %mul3A_1609 = arith.mulf %mul3A_1607, %mul3A_1608 : vector<1x256x128xf32>
    %reduce_sum3A_1610 = arith.constant dense<0.000000e+00> : vector<1x256xf32>
    %reduce_sum3A_1611 = vector.multi_reduction <add>, %mul3A_1609, %reduce_sum3A_1610 [2] : vector<1x256x128xf32> to vector<1x256xf32>
    %broadcast_in_dim3A_1612 = vector.shape_cast %reduce_sum3A_1611 : vector<1x256xf32> to vector<1x256x1xf32>
    %add3A_1613 = vector.broadcast %get3A_18 : f32 to vector<1x256x1xf32>
    %add3A_1614 = arith.addf %broadcast_in_dim3A_1612, %add3A_1613 : vector<1x256x1xf32>
    %logistic3A_1615 = arith.negf %add3A_1614 : vector<1x256x1xf32>
    %logistic3A_1616 = math.exp %logistic3A_1615 : vector<1x256x1xf32>
    %logistic3A_1617 = arith.constant 1.000000e+00 : f32
    %logistic3A_1618 = vector.broadcast %logistic3A_1617 : f32 to vector<1x256x1xf32>
    %logistic3A_1619 = arith.addf %logistic3A_1618, %logistic3A_1616 : vector<1x256x1xf32>
    %logistic3A_1620 = arith.divf %logistic3A_1618, %logistic3A_1619 : vector<1x256x1xf32>
    %get3A_1621 = arith.index_cast %get3A_1587 : i32 to index
    %get3A_1622 = arith.constant 0 : index
    %get3A_1623 = arith.constant 0 : index
    %get3A_1624 = vector.load %arg15[%get3A_1621, %get3A_1622, %get3A_1623] : memref<21x256x128xf32, #tpu.memory_space<vmem>>, vector<1x256x128xf32>
    %get3A_1625 = arith.index_cast %get3A_1585 : i32 to index
    %get3A_1626 = arith.constant 0 : index
    %get3A_1627 = arith.constant 0 : index
    %get3A_1628 = vector.load %arg12[%get3A_1625, %get3A_1626, %get3A_1627] : memref<21x256x128xf32, #tpu.memory_space<vmem>>, vector<1x256x128xf32>
    %mul3A_1629 = vector.broadcast %logistic3A_1620 : vector<1x256x1xf32> to vector<1x256x128xf32>
    %mul3A_1630 = arith.mulf %mul3A_1629, %get3A_1628 : vector<1x256x128xf32>
    %add3A_1631 = arith.addf %get3A_1624, %mul3A_1630 : vector<1x256x128xf32>
    %swap3A_1632 = arith.index_cast %get3A_1587 : i32 to index
    %swap3A_1633 = arith.constant 0 : index
    %swap3A_1634 = arith.constant 0 : index
    %swap3A_1635 = vector.load %arg15[%swap3A_1632, %swap3A_1633, %swap3A_1634] : memref<21x256x128xf32, #tpu.memory_space<vmem>>, vector<1x256x128xf32>
    tpu.vector_store %arg15[%swap3A_1632, %swap3A_1633, %swap3A_1634], %add3A_1631 {strides = array<i32>} : memref<21x256x128xf32, #tpu.memory_space<vmem>>, vector<1x256x128xf32>,
    %get3A_1636 = arith.constant 9 : index
    %get3A_1637 = memref.load %arg2[%get3A_1636] : memref<42xi32, #tpu.memory_space<smem>>
    %get3A_1638 = arith.constant 9 : index
    %get3A_1639 = memref.load %arg3[%get3A_1638] : memref<42xi32, #tpu.memory_space<smem>>
    %get3A_1640 = arith.index_cast %get3A_1637 : i32 to index
    %get3A_1641 = arith.constant 0 : index
    %get3A_1642 = arith.constant 0 : index
    %get3A_1643 = vector.load %arg13[%get3A_1640, %get3A_1641, %get3A_1642] : memref<21x256x128xf32, #tpu.memory_space<vmem>>, vector<1x256x128xf32>
    %get3A_1644 = arith.index_cast %get3A_1639 : i32 to index
    %get3A_1645 = arith.constant 0 : index
    %get3A_1646 = arith.constant 0 : index
    %get3A_1647 = vector.load %arg14[%get3A_1644, %get3A_1645, %get3A_1646] : memref<21x256x128xf32, #tpu.memory_space<vmem>>, vector<1x256x128xf32>
    %add3A_1648 = arith.addf %get3A_1643, %get3A_1647 : vector<1x256x128xf32>
    %mul3A_1649 = arith.constant 5.000000e-01 : f32
    %mul3A_1650 = vector.broadcast %mul3A_1649 : f32 to vector<1x256x128xf32>
    %mul3A_1651 = arith.mulf %mul3A_1650, %add3A_1648 : vector<1x256x128xf32>
    %mul3A_1652 = arith.constant 0.707106769 : f32
    %mul3A_1653 = vector.broadcast %mul3A_1652 : f32 to vector<1x256x128xf32>
    %mul3A_1654 = arith.mulf %add3A_1648, %mul3A_1653 : vector<1x256x128xf32>
    %erf3A_1655 = math.erf %mul3A_1654 : vector<1x256x128xf32>
    %add3A_1656 = arith.constant 1.000000e+00 : f32
    %add3A_1657 = vector.broadcast %add3A_1656 : f32 to vector<1x256x128xf32>
    %add3A_1658 = arith.addf %add3A_1657, %erf3A_1655 : vector<1x256x128xf32>
    %mul3A_1659 = arith.mulf %mul3A_1651, %add3A_1658 : vector<1x256x128xf32>
    %mul3A_1660 = vector.broadcast %reshape3A : vector<1x1x128xf32> to vector<1x256x128xf32>
    %mul3A_1661 = arith.mulf %mul3A_1659, %mul3A_1660 : vector<1x256x128xf32>
    %reduce_sum3A_1662 = arith.constant dense<0.000000e+00> : vector<1x256xf32>
    %reduce_sum3A_1663 = vector.multi_reduction <add>, %mul3A_1661, %reduce_sum3A_1662 [2] : vector<1x256x128xf32> to vector<1x256xf32>
    %broadcast_in_dim3A_1664 = vector.shape_cast %reduce_sum3A_1663 : vector<1x256xf32> to vector<1x256x1xf32>
    %add3A_1665 = vector.broadcast %get3A_18 : f32 to vector<1x256x1xf32>
    %add3A_1666 = arith.addf %broadcast_in_dim3A_1664, %add3A_1665 : vector<1x256x1xf32>
    %logistic3A_1667 = arith.negf %add3A_1666 : vector<1x256x1xf32>
    %logistic3A_1668 = math.exp %logistic3A_1667 : vector<1x256x1xf32>
    %logistic3A_1669 = arith.constant 1.000000e+00 : f32
    %logistic3A_1670 = vector.broadcast %logistic3A_1669 : f32 to vector<1x256x1xf32>
    %logistic3A_1671 = arith.addf %logistic3A_1670, %logistic3A_1668 : vector<1x256x1xf32>
    %logistic3A_1672 = arith.divf %logistic3A_1670, %logistic3A_1671 : vector<1x256x1xf32>
    %get3A_1673 = arith.index_cast %get3A_1639 : i32 to index
    %get3A_1674 = arith.constant 0 : index
    %get3A_1675 = arith.constant 0 : index
    %get3A_1676 = vector.load %arg15[%get3A_1673, %get3A_1674, %get3A_1675] : memref<21x256x128xf32, #tpu.memory_space<vmem>>, vector<1x256x128xf32>
    %get3A_1677 = arith.index_cast %get3A_1637 : i32 to index
    %get3A_1678 = arith.constant 0 : index
    %get3A_1679 = arith.constant 0 : index
    %get3A_1680 = vector.load %arg12[%get3A_1677, %get3A_1678, %get3A_1679] : memref<21x256x128xf32, #tpu.memory_space<vmem>>, vector<1x256x128xf32>
    %mul3A_1681 = vector.broadcast %logistic3A_1672 : vector<1x256x1xf32> to vector<1x256x128xf32>
    %mul3A_1682 = arith.mulf %mul3A_1681, %get3A_1680 : vector<1x256x128xf32>
    %add3A_1683 = arith.addf %get3A_1676, %mul3A_1682 : vector<1x256x128xf32>
    %swap3A_1684 = arith.index_cast %get3A_1639 : i32 to index
    %swap3A_1685 = arith.constant 0 : index
    %swap3A_1686 = arith.constant 0 : index
    %swap3A_1687 = vector.load %arg15[%swap3A_1684, %swap3A_1685, %swap3A_1686] : memref<21x256x128xf32, #tpu.memory_space<vmem>>, vector<1x256x128xf32>
    tpu.vector_store %arg15[%swap3A_1684, %swap3A_1685, %swap3A_1686], %add3A_1683 {strides = array<i32>} : memref<21x256x128xf32, #tpu.memory_space<vmem>>, vector<1x256x128xf32>,
    %get3A_1688 = arith.constant 10 : index
    %get3A_1689 = memref.load %arg2[%get3A_1688] : memref<42xi32, #tpu.memory_space<smem>>
    %get3A_1690 = arith.constant 10 : index
    %get3A_1691 = memref.load %arg3[%get3A_1690] : memref<42xi32, #tpu.memory_space<smem>>
    %get3A_1692 = arith.index_cast %get3A_1689 : i32 to index
    %get3A_1693 = arith.constant 0 : index
    %get3A_1694 = arith.constant 0 : index
    %get3A_1695 = vector.load %arg13[%get3A_1692, %get3A_1693, %get3A_1694] : memref<21x256x128xf32, #tpu.memory_space<vmem>>, vector<1x256x128xf32>
    %get3A_1696 = arith.index_cast %get3A_1691 : i32 to index
    %get3A_1697 = arith.constant 0 : index
    %get3A_1698 = arith.constant 0 : index
    %get3A_1699 = vector.load %arg14[%get3A_1696, %get3A_1697, %get3A_1698] : memref<21x256x128xf32, #tpu.memory_space<vmem>>, vector<1x256x128xf32>
    %add3A_1700 = arith.addf %get3A_1695, %get3A_1699 : vector<1x256x128xf32>
    %mul3A_1701 = arith.constant 5.000000e-01 : f32
    %mul3A_1702 = vector.broadcast %mul3A_1701 : f32 to vector<1x256x128xf32>
    %mul3A_1703 = arith.mulf %mul3A_1702, %add3A_1700 : vector<1x256x128xf32>
    %mul3A_1704 = arith.constant 0.707106769 : f32
    %mul3A_1705 = vector.broadcast %mul3A_1704 : f32 to vector<1x256x128xf32>
    %mul3A_1706 = arith.mulf %add3A_1700, %mul3A_1705 : vector<1x256x128xf32>
    %erf3A_1707 = math.erf %mul3A_1706 : vector<1x256x128xf32>
    %add3A_1708 = arith.constant 1.000000e+00 : f32
    %add3A_1709 = vector.broadcast %add3A_1708 : f32 to vector<1x256x128xf32>
    %add3A_1710 = arith.addf %add3A_1709, %erf3A_1707 : vector<1x256x128xf32>
    %mul3A_1711 = arith.mulf %mul3A_1703, %add3A_1710 : vector<1x256x128xf32>
    %mul3A_1712 = vector.broadcast %reshape3A : vector<1x1x128xf32> to vector<1x256x128xf32>
    %mul3A_1713 = arith.mulf %mul3A_1711, %mul3A_1712 : vector<1x256x128xf32>
    %reduce_sum3A_1714 = arith.constant dense<0.000000e+00> : vector<1x256xf32>
    %reduce_sum3A_1715 = vector.multi_reduction <add>, %mul3A_1713, %reduce_sum3A_1714 [2] : vector<1x256x128xf32> to vector<1x256xf32>
    %broadcast_in_dim3A_1716 = vector.shape_cast %reduce_sum3A_1715 : vector<1x256xf32> to vector<1x256x1xf32>
    %add3A_1717 = vector.broadcast %get3A_18 : f32 to vector<1x256x1xf32>
    %add3A_1718 = arith.addf %broadcast_in_dim3A_1716, %add3A_1717 : vector<1x256x1xf32>
    %logistic3A_1719 = arith.negf %add3A_1718 : vector<1x256x1xf32>
    %logistic3A_1720 = math.exp %logistic3A_1719 : vector<1x256x1xf32>
    %logistic3A_1721 = arith.constant 1.000000e+00 : f32
    %logistic3A_1722 = vector.broadcast %logistic3A_1721 : f32 to vector<1x256x1xf32>
    %logistic3A_1723 = arith.addf %logistic3A_1722, %logistic3A_1720 : vector<1x256x1xf32>
    %logistic3A_1724 = arith.divf %logistic3A_1722, %logistic3A_1723 : vector<1x256x1xf32>
    %get3A_1725 = arith.index_cast %get3A_1691 : i32 to index
    %get3A_1726 = arith.constant 0 : index
    %get3A_1727 = arith.constant 0 : index
    %get3A_1728 = vector.load %arg15[%get3A_1725, %get3A_1726, %get3A_1727] : memref<21x256x128xf32, #tpu.memory_space<vmem>>, vector<1x256x128xf32>
    %get3A_1729 = arith.index_cast %get3A_1689 : i32 to index
    %get3A_1730 = arith.constant 0 : index
    %get3A_1731 = arith.constant 0 : index
    %get3A_1732 = vector.load %arg12[%get3A_1729, %get3A_1730, %get3A_1731] : memref<21x256x128xf32, #tpu.memory_space<vmem>>, vector<1x256x128xf32>
    %mul3A_1733 = vector.broadcast %logistic3A_1724 : vector<1x256x1xf32> to vector<1x256x128xf32>
    %mul3A_1734 = arith.mulf %mul3A_1733, %get3A_1732 : vector<1x256x128xf32>
    %add3A_1735 = arith.addf %get3A_1728, %mul3A_1734 : vector<1x256x128xf32>
    %swap3A_1736 = arith.index_cast %get3A_1691 : i32 to index
    %swap3A_1737 = arith.constant 0 : index
    %swap3A_1738 = arith.constant 0 : index
    %swap3A_1739 = vector.load %arg15[%swap3A_1736, %swap3A_1737, %swap3A_1738] : memref<21x256x128xf32, #tpu.memory_space<vmem>>, vector<1x256x128xf32>
    tpu.vector_store %arg15[%swap3A_1736, %swap3A_1737, %swap3A_1738], %add3A_1735 {strides = array<i32>} : memref<21x256x128xf32, #tpu.memory_space<vmem>>, vector<1x256x128xf32>,
    %get3A_1740 = arith.constant 11 : index
    %get3A_1741 = memref.load %arg2[%get3A_1740] : memref<42xi32, #tpu.memory_space<smem>>
    %get3A_1742 = arith.constant 11 : index
    %get3A_1743 = memref.load %arg3[%get3A_1742] : memref<42xi32, #tpu.memory_space<smem>>
    %get3A_1744 = arith.index_cast %get3A_1741 : i32 to index
    %get3A_1745 = arith.constant 0 : index
    %get3A_1746 = arith.constant 0 : index
    %get3A_1747 = vector.load %arg13[%get3A_1744, %get3A_1745, %get3A_1746] : memref<21x256x128xf32, #tpu.memory_space<vmem>>, vector<1x256x128xf32>
    %get3A_1748 = arith.index_cast %get3A_1743 : i32 to index
    %get3A_1749 = arith.constant 0 : index
    %get3A_1750 = arith.constant 0 : index
    %get3A_1751 = vector.load %arg14[%get3A_1748, %get3A_1749, %get3A_1750] : memref<21x256x128xf32, #tpu.memory_space<vmem>>, vector<1x256x128xf32>
    %add3A_1752 = arith.addf %get3A_1747, %get3A_1751 : vector<1x256x128xf32>
    %mul3A_1753 = arith.constant 5.000000e-01 : f32
    %mul3A_1754 = vector.broadcast %mul3A_1753 : f32 to vector<1x256x128xf32>
    %mul3A_1755 = arith.mulf %mul3A_1754, %add3A_1752 : vector<1x256x128xf32>
    %mul3A_1756 = arith.constant 0.707106769 : f32
    %mul3A_1757 = vector.broadcast %mul3A_1756 : f32 to vector<1x256x128xf32>
    %mul3A_1758 = arith.mulf %add3A_1752, %mul3A_1757 : vector<1x256x128xf32>
    %erf3A_1759 = math.erf %mul3A_1758 : vector<1x256x128xf32>
    %add3A_1760 = arith.constant 1.000000e+00 : f32
    %add3A_1761 = vector.broadcast %add3A_1760 : f32 to vector<1x256x128xf32>
    %add3A_1762 = arith.addf %add3A_1761, %erf3A_1759 : vector<1x256x128xf32>
    %mul3A_1763 = arith.mulf %mul3A_1755, %add3A_1762 : vector<1x256x128xf32>
    %mul3A_1764 = vector.broadcast %reshape3A : vector<1x1x128xf32> to vector<1x256x128xf32>
    %mul3A_1765 = arith.mulf %mul3A_1763, %mul3A_1764 : vector<1x256x128xf32>
    %reduce_sum3A_1766 = arith.constant dense<0.000000e+00> : vector<1x256xf32>
    %reduce_sum3A_1767 = vector.multi_reduction <add>, %mul3A_1765, %reduce_sum3A_1766 [2] : vector<1x256x128xf32> to vector<1x256xf32>
    %broadcast_in_dim3A_1768 = vector.shape_cast %reduce_sum3A_1767 : vector<1x256xf32> to vector<1x256x1xf32>
    %add3A_1769 = vector.broadcast %get3A_18 : f32 to vector<1x256x1xf32>
    %add3A_1770 = arith.addf %broadcast_in_dim3A_1768, %add3A_1769 : vector<1x256x1xf32>
    %logistic3A_1771 = arith.negf %add3A_1770 : vector<1x256x1xf32>
    %logistic3A_1772 = math.exp %logistic3A_1771 : vector<1x256x1xf32>
    %logistic3A_1773 = arith.constant 1.000000e+00 : f32
    %logistic3A_1774 = vector.broadcast %logistic3A_1773 : f32 to vector<1x256x1xf32>
    %logistic3A_1775 = arith.addf %logistic3A_1774, %logistic3A_1772 : vector<1x256x1xf32>
    %logistic3A_1776 = arith.divf %logistic3A_1774, %logistic3A_1775 : vector<1x256x1xf32>
    %get3A_1777 = arith.index_cast %get3A_1743 : i32 to index
    %get3A_1778 = arith.constant 0 : index
    %get3A_1779 = arith.constant 0 : index
    %get3A_1780 = vector.load %arg15[%get3A_1777, %get3A_1778, %get3A_1779] : memref<21x256x128xf32, #tpu.memory_space<vmem>>, vector<1x256x128xf32>
    %get3A_1781 = arith.index_cast %get3A_1741 : i32 to index
    %get3A_1782 = arith.constant 0 : index
    %get3A_1783 = arith.constant 0 : index
    %get3A_1784 = vector.load %arg12[%get3A_1781, %get3A_1782, %get3A_1783] : memref<21x256x128xf32, #tpu.memory_space<vmem>>, vector<1x256x128xf32>
    %mul3A_1785 = vector.broadcast %logistic3A_1776 : vector<1x256x1xf32> to vector<1x256x128xf32>
    %mul3A_1786 = arith.mulf %mul3A_1785, %get3A_1784 : vector<1x256x128xf32>
    %add3A_1787 = arith.addf %get3A_1780, %mul3A_1786 : vector<1x256x128xf32>
    %swap3A_1788 = arith.index_cast %get3A_1743 : i32 to index
    %swap3A_1789 = arith.constant 0 : index
    %swap3A_1790 = arith.constant 0 : index
    %swap3A_1791 = vector.load %arg15[%swap3A_1788, %swap3A_1789, %swap3A_1790] : memref<21x256x128xf32, #tpu.memory_space<vmem>>, vector<1x256x128xf32>
    tpu.vector_store %arg15[%swap3A_1788, %swap3A_1789, %swap3A_1790], %add3A_1787 {strides = array<i32>} : memref<21x256x128xf32, #tpu.memory_space<vmem>>, vector<1x256x128xf32>,
    %get3A_1792 = arith.constant 12 : index
    %get3A_1793 = memref.load %arg2[%get3A_1792] : memref<42xi32, #tpu.memory_space<smem>>
    %get3A_1794 = arith.constant 12 : index
    %get3A_1795 = memref.load %arg3[%get3A_1794] : memref<42xi32, #tpu.memory_space<smem>>
    %get3A_1796 = arith.index_cast %get3A_1793 : i32 to index
    %get3A_1797 = arith.constant 0 : index
    %get3A_1798 = arith.constant 0 : index
    %get3A_1799 = vector.load %arg13[%get3A_1796, %get3A_1797, %get3A_1798] : memref<21x256x128xf32, #tpu.memory_space<vmem>>, vector<1x256x128xf32>
    %get3A_1800 = arith.index_cast %get3A_1795 : i32 to index
    %get3A_1801 = arith.constant 0 : index
    %get3A_1802 = arith.constant 0 : index
    %get3A_1803 = vector.load %arg14[%get3A_1800, %get3A_1801, %get3A_1802] : memref<21x256x128xf32, #tpu.memory_space<vmem>>, vector<1x256x128xf32>
    %add3A_1804 = arith.addf %get3A_1799, %get3A_1803 : vector<1x256x128xf32>
    %mul3A_1805 = arith.constant 5.000000e-01 : f32
    %mul3A_1806 = vector.broadcast %mul3A_1805 : f32 to vector<1x256x128xf32>
    %mul3A_1807 = arith.mulf %mul3A_1806, %add3A_1804 : vector<1x256x128xf32>
    %mul3A_1808 = arith.constant 0.707106769 : f32
    %mul3A_1809 = vector.broadcast %mul3A_1808 : f32 to vector<1x256x128xf32>
    %mul3A_1810 = arith.mulf %add3A_1804, %mul3A_1809 : vector<1x256x128xf32>
    %erf3A_1811 = math.erf %mul3A_1810 : vector<1x256x128xf32>
    %add3A_1812 = arith.constant 1.000000e+00 : f32
    %add3A_1813 = vector.broadcast %add3A_1812 : f32 to vector<1x256x128xf32>
    %add3A_1814 = arith.addf %add3A_1813, %erf3A_1811 : vector<1x256x128xf32>
    %mul3A_1815 = arith.mulf %mul3A_1807, %add3A_1814 : vector<1x256x128xf32>
    %mul3A_1816 = vector.broadcast %reshape3A : vector<1x1x128xf32> to vector<1x256x128xf32>
    %mul3A_1817 = arith.mulf %mul3A_1815, %mul3A_1816 : vector<1x256x128xf32>
    %reduce_sum3A_1818 = arith.constant dense<0.000000e+00> : vector<1x256xf32>
    %reduce_sum3A_1819 = vector.multi_reduction <add>, %mul3A_1817, %reduce_sum3A_1818 [2] : vector<1x256x128xf32> to vector<1x256xf32>
    %broadcast_in_dim3A_1820 = vector.shape_cast %reduce_sum3A_1819 : vector<1x256xf32> to vector<1x256x1xf32>
    %add3A_1821 = vector.broadcast %get3A_18 : f32 to vector<1x256x1xf32>
    %add3A_1822 = arith.addf %broadcast_in_dim3A_1820, %add3A_1821 : vector<1x256x1xf32>
    %logistic3A_1823 = arith.negf %add3A_1822 : vector<1x256x1xf32>
    %logistic3A_1824 = math.exp %logistic3A_1823 : vector<1x256x1xf32>
    %logistic3A_1825 = arith.constant 1.000000e+00 : f32
    %logistic3A_1826 = vector.broadcast %logistic3A_1825 : f32 to vector<1x256x1xf32>
    %logistic3A_1827 = arith.addf %logistic3A_1826, %logistic3A_1824 : vector<1x256x1xf32>
    %logistic3A_1828 = arith.divf %logistic3A_1826, %logistic3A_1827 : vector<1x256x1xf32>
    %get3A_1829 = arith.index_cast %get3A_1795 : i32 to index
    %get3A_1830 = arith.constant 0 : index
    %get3A_1831 = arith.constant 0 : index
    %get3A_1832 = vector.load %arg15[%get3A_1829, %get3A_1830, %get3A_1831] : memref<21x256x128xf32, #tpu.memory_space<vmem>>, vector<1x256x128xf32>
    %get3A_1833 = arith.index_cast %get3A_1793 : i32 to index
    %get3A_1834 = arith.constant 0 : index
    %get3A_1835 = arith.constant 0 : index
    %get3A_1836 = vector.load %arg12[%get3A_1833, %get3A_1834, %get3A_1835] : memref<21x256x128xf32, #tpu.memory_space<vmem>>, vector<1x256x128xf32>
    %mul3A_1837 = vector.broadcast %logistic3A_1828 : vector<1x256x1xf32> to vector<1x256x128xf32>
    %mul3A_1838 = arith.mulf %mul3A_1837, %get3A_1836 : vector<1x256x128xf32>
    %add3A_1839 = arith.addf %get3A_1832, %mul3A_1838 : vector<1x256x128xf32>
    %swap3A_1840 = arith.index_cast %get3A_1795 : i32 to index
    %swap3A_1841 = arith.constant 0 : index
    %swap3A_1842 = arith.constant 0 : index
    %swap3A_1843 = vector.load %arg15[%swap3A_1840, %swap3A_1841, %swap3A_1842] : memref<21x256x128xf32, #tpu.memory_space<vmem>>, vector<1x256x128xf32>
    tpu.vector_store %arg15[%swap3A_1840, %swap3A_1841, %swap3A_1842], %add3A_1839 {strides = array<i32>} : memref<21x256x128xf32, #tpu.memory_space<vmem>>, vector<1x256x128xf32>,
    %get3A_1844 = arith.constant 13 : index
    %get3A_1845 = memref.load %arg2[%get3A_1844] : memref<42xi32, #tpu.memory_space<smem>>
    %get3A_1846 = arith.constant 13 : index
    %get3A_1847 = memref.load %arg3[%get3A_1846] : memref<42xi32, #tpu.memory_space<smem>>
    %get3A_1848 = arith.index_cast %get3A_1845 : i32 to index
    %get3A_1849 = arith.constant 0 : index
    %get3A_1850 = arith.constant 0 : index
    %get3A_1851 = vector.load %arg13[%get3A_1848, %get3A_1849, %get3A_1850] : memref<21x256x128xf32, #tpu.memory_space<vmem>>, vector<1x256x128xf32>
    %get3A_1852 = arith.index_cast %get3A_1847 : i32 to index
    %get3A_1853 = arith.constant 0 : index
    %get3A_1854 = arith.constant 0 : index
    %get3A_1855 = vector.load %arg14[%get3A_1852, %get3A_1853, %get3A_1854] : memref<21x256x128xf32, #tpu.memory_space<vmem>>, vector<1x256x128xf32>
    %add3A_1856 = arith.addf %get3A_1851, %get3A_1855 : vector<1x256x128xf32>
    %mul3A_1857 = arith.constant 5.000000e-01 : f32
    %mul3A_1858 = vector.broadcast %mul3A_1857 : f32 to vector<1x256x128xf32>
    %mul3A_1859 = arith.mulf %mul3A_1858, %add3A_1856 : vector<1x256x128xf32>
    %mul3A_1860 = arith.constant 0.707106769 : f32
    %mul3A_1861 = vector.broadcast %mul3A_1860 : f32 to vector<1x256x128xf32>
    %mul3A_1862 = arith.mulf %add3A_1856, %mul3A_1861 : vector<1x256x128xf32>
    %erf3A_1863 = math.erf %mul3A_1862 : vector<1x256x128xf32>
    %add3A_1864 = arith.constant 1.000000e+00 : f32
    %add3A_1865 = vector.broadcast %add3A_1864 : f32 to vector<1x256x128xf32>
    %add3A_1866 = arith.addf %add3A_1865, %erf3A_1863 : vector<1x256x128xf32>
    %mul3A_1867 = arith.mulf %mul3A_1859, %add3A_1866 : vector<1x256x128xf32>
    %mul3A_1868 = vector.broadcast %reshape3A : vector<1x1x128xf32> to vector<1x256x128xf32>
    %mul3A_1869 = arith.mulf %mul3A_1867, %mul3A_1868 : vector<1x256x128xf32>
    %reduce_sum3A_1870 = arith.constant dense<0.000000e+00> : vector<1x256xf32>
    %reduce_sum3A_1871 = vector.multi_reduction <add>, %mul3A_1869, %reduce_sum3A_1870 [2] : vector<1x256x128xf32> to vector<1x256xf32>
    %broadcast_in_dim3A_1872 = vector.shape_cast %reduce_sum3A_1871 : vector<1x256xf32> to vector<1x256x1xf32>
    %add3A_1873 = vector.broadcast %get3A_18 : f32 to vector<1x256x1xf32>
    %add3A_1874 = arith.addf %broadcast_in_dim3A_1872, %add3A_1873 : vector<1x256x1xf32>
    %logistic3A_1875 = arith.negf %add3A_1874 : vector<1x256x1xf32>
    %logistic3A_1876 = math.exp %logistic3A_1875 : vector<1x256x1xf32>
    %logistic3A_1877 = arith.constant 1.000000e+00 : f32
    %logistic3A_1878 = vector.broadcast %logistic3A_1877 : f32 to vector<1x256x1xf32>
    %logistic3A_1879 = arith.addf %logistic3A_1878, %logistic3A_1876 : vector<1x256x1xf32>
    %logistic3A_1880 = arith.divf %logistic3A_1878, %logistic3A_1879 : vector<1x256x1xf32>
    %get3A_1881 = arith.index_cast %get3A_1847 : i32 to index
    %get3A_1882 = arith.constant 0 : index
    %get3A_1883 = arith.constant 0 : index
    %get3A_1884 = vector.load %arg15[%get3A_1881, %get3A_1882, %get3A_1883] : memref<21x256x128xf32, #tpu.memory_space<vmem>>, vector<1x256x128xf32>
    %get3A_1885 = arith.index_cast %get3A_1845 : i32 to index
    %get3A_1886 = arith.constant 0 : index
    %get3A_1887 = arith.constant 0 : index
    %get3A_1888 = vector.load %arg12[%get3A_1885, %get3A_1886, %get3A_1887] : memref<21x256x128xf32, #tpu.memory_space<vmem>>, vector<1x256x128xf32>
    %mul3A_1889 = vector.broadcast %logistic3A_1880 : vector<1x256x1xf32> to vector<1x256x128xf32>
    %mul3A_1890 = arith.mulf %mul3A_1889, %get3A_1888 : vector<1x256x128xf32>
    %add3A_1891 = arith.addf %get3A_1884, %mul3A_1890 : vector<1x256x128xf32>
    %swap3A_1892 = arith.index_cast %get3A_1847 : i32 to index
    %swap3A_1893 = arith.constant 0 : index
    %swap3A_1894 = arith.constant 0 : index
    %swap3A_1895 = vector.load %arg15[%swap3A_1892, %swap3A_1893, %swap3A_1894] : memref<21x256x128xf32, #tpu.memory_space<vmem>>, vector<1x256x128xf32>
    tpu.vector_store %arg15[%swap3A_1892, %swap3A_1893, %swap3A_1894], %add3A_1891 {strides = array<i32>} : memref<21x256x128xf32, #tpu.memory_space<vmem>>, vector<1x256x128xf32>,
    %get3A_1896 = arith.constant 14 : index
    %get3A_1897 = memref.load %arg2[%get3A_1896] : memref<42xi32, #tpu.memory_space<smem>>
    %get3A_1898 = arith.constant 14 : index
    %get3A_1899 = memref.load %arg3[%get3A_1898] : memref<42xi32, #tpu.memory_space<smem>>
    %get3A_1900 = arith.index_cast %get3A_1897 : i32 to index
    %get3A_1901 = arith.constant 0 : index
    %get3A_1902 = arith.constant 0 : index
    %get3A_1903 = vector.load %arg13[%get3A_1900, %get3A_1901, %get3A_1902] : memref<21x256x128xf32, #tpu.memory_space<vmem>>, vector<1x256x128xf32>
    %get3A_1904 = arith.index_cast %get3A_1899 : i32 to index
    %get3A_1905 = arith.constant 0 : index
    %get3A_1906 = arith.constant 0 : index
    %get3A_1907 = vector.load %arg14[%get3A_1904, %get3A_1905, %get3A_1906] : memref<21x256x128xf32, #tpu.memory_space<vmem>>, vector<1x256x128xf32>
    %add3A_1908 = arith.addf %get3A_1903, %get3A_1907 : vector<1x256x128xf32>
    %mul3A_1909 = arith.constant 5.000000e-01 : f32
    %mul3A_1910 = vector.broadcast %mul3A_1909 : f32 to vector<1x256x128xf32>
    %mul3A_1911 = arith.mulf %mul3A_1910, %add3A_1908 : vector<1x256x128xf32>
    %mul3A_1912 = arith.constant 0.707106769 : f32
    %mul3A_1913 = vector.broadcast %mul3A_1912 : f32 to vector<1x256x128xf32>
    %mul3A_1914 = arith.mulf %add3A_1908, %mul3A_1913 : vector<1x256x128xf32>
    %erf3A_1915 = math.erf %mul3A_1914 : vector<1x256x128xf32>
    %add3A_1916 = arith.constant 1.000000e+00 : f32
    %add3A_1917 = vector.broadcast %add3A_1916 : f32 to vector<1x256x128xf32>
    %add3A_1918 = arith.addf %add3A_1917, %erf3A_1915 : vector<1x256x128xf32>
    %mul3A_1919 = arith.mulf %mul3A_1911, %add3A_1918 : vector<1x256x128xf32>
    %mul3A_1920 = vector.broadcast %reshape3A : vector<1x1x128xf32> to vector<1x256x128xf32>
    %mul3A_1921 = arith.mulf %mul3A_1919, %mul3A_1920 : vector<1x256x128xf32>
    %reduce_sum3A_1922 = arith.constant dense<0.000000e+00> : vector<1x256xf32>
    %reduce_sum3A_1923 = vector.multi_reduction <add>, %mul3A_1921, %reduce_sum3A_1922 [2] : vector<1x256x128xf32> to vector<1x256xf32>
    %broadcast_in_dim3A_1924 = vector.shape_cast %reduce_sum3A_1923 : vector<1x256xf32> to vector<1x256x1xf32>
    %add3A_1925 = vector.broadcast %get3A_18 : f32 to vector<1x256x1xf32>
    %add3A_1926 = arith.addf %broadcast_in_dim3A_1924, %add3A_1925 : vector<1x256x1xf32>
    %logistic3A_1927 = arith.negf %add3A_1926 : vector<1x256x1xf32>
    %logistic3A_1928 = math.exp %logistic3A_1927 : vector<1x256x1xf32>
    %logistic3A_1929 = arith.constant 1.000000e+00 : f32
    %logistic3A_1930 = vector.broadcast %logistic3A_1929 : f32 to vector<1x256x1xf32>
    %logistic3A_1931 = arith.addf %logistic3A_1930, %logistic3A_1928 : vector<1x256x1xf32>
    %logistic3A_1932 = arith.divf %logistic3A_1930, %logistic3A_1931 : vector<1x256x1xf32>
    %get3A_1933 = arith.index_cast %get3A_1899 : i32 to index
    %get3A_1934 = arith.constant 0 : index
    %get3A_1935 = arith.constant 0 : index
    %get3A_1936 = vector.load %arg15[%get3A_1933, %get3A_1934, %get3A_1935] : memref<21x256x128xf32, #tpu.memory_space<vmem>>, vector<1x256x128xf32>
    %get3A_1937 = arith.index_cast %get3A_1897 : i32 to index
    %get3A_1938 = arith.constant 0 : index
    %get3A_1939 = arith.constant 0 : index
    %get3A_1940 = vector.load %arg12[%get3A_1937, %get3A_1938, %get3A_1939] : memref<21x256x128xf32, #tpu.memory_space<vmem>>, vector<1x256x128xf32>
    %mul3A_1941 = vector.broadcast %logistic3A_1932 : vector<1x256x1xf32> to vector<1x256x128xf32>
    %mul3A_1942 = arith.mulf %mul3A_1941, %get3A_1940 : vector<1x256x128xf32>
    %add3A_1943 = arith.addf %get3A_1936, %mul3A_1942 : vector<1x256x128xf32>
    %swap3A_1944 = arith.index_cast %get3A_1899 : i32 to index
    %swap3A_1945 = arith.constant 0 : index
    %swap3A_1946 = arith.constant 0 : index
    %swap3A_1947 = vector.load %arg15[%swap3A_1944, %swap3A_1945, %swap3A_1946] : memref<21x256x128xf32, #tpu.memory_space<vmem>>, vector<1x256x128xf32>
    tpu.vector_store %arg15[%swap3A_1944, %swap3A_1945, %swap3A_1946], %add3A_1943 {strides = array<i32>} : memref<21x256x128xf32, #tpu.memory_space<vmem>>, vector<1x256x128xf32>,
    %get3A_1948 = arith.constant 15 : index
    %get3A_1949 = memref.load %arg2[%get3A_1948] : memref<42xi32, #tpu.memory_space<smem>>
    %get3A_1950 = arith.constant 15 : index
    %get3A_1951 = memref.load %arg3[%get3A_1950] : memref<42xi32, #tpu.memory_space<smem>>
    %get3A_1952 = arith.index_cast %get3A_1949 : i32 to index
    %get3A_1953 = arith.constant 0 : index
    %get3A_1954 = arith.constant 0 : index
    %get3A_1955 = vector.load %arg13[%get3A_1952, %get3A_1953, %get3A_1954] : memref<21x256x128xf32, #tpu.memory_space<vmem>>, vector<1x256x128xf32>
    %get3A_1956 = arith.index_cast %get3A_1951 : i32 to index
    %get3A_1957 = arith.constant 0 : index
    %get3A_1958 = arith.constant 0 : index
    %get3A_1959 = vector.load %arg14[%get3A_1956, %get3A_1957, %get3A_1958] : memref<21x256x128xf32, #tpu.memory_space<vmem>>, vector<1x256x128xf32>
    %add3A_1960 = arith.addf %get3A_1955, %get3A_1959 : vector<1x256x128xf32>
    %mul3A_1961 = arith.constant 5.000000e-01 : f32
    %mul3A_1962 = vector.broadcast %mul3A_1961 : f32 to vector<1x256x128xf32>
    %mul3A_1963 = arith.mulf %mul3A_1962, %add3A_1960 : vector<1x256x128xf32>
    %mul3A_1964 = arith.constant 0.707106769 : f32
    %mul3A_1965 = vector.broadcast %mul3A_1964 : f32 to vector<1x256x128xf32>
    %mul3A_1966 = arith.mulf %add3A_1960, %mul3A_1965 : vector<1x256x128xf32>
    %erf3A_1967 = math.erf %mul3A_1966 : vector<1x256x128xf32>
    %add3A_1968 = arith.constant 1.000000e+00 : f32
    %add3A_1969 = vector.broadcast %add3A_1968 : f32 to vector<1x256x128xf32>
    %add3A_1970 = arith.addf %add3A_1969, %erf3A_1967 : vector<1x256x128xf32>
    %mul3A_1971 = arith.mulf %mul3A_1963, %add3A_1970 : vector<1x256x128xf32>
    %mul3A_1972 = vector.broadcast %reshape3A : vector<1x1x128xf32> to vector<1x256x128xf32>
    %mul3A_1973 = arith.mulf %mul3A_1971, %mul3A_1972 : vector<1x256x128xf32>
    %reduce_sum3A_1974 = arith.constant dense<0.000000e+00> : vector<1x256xf32>
    %reduce_sum3A_1975 = vector.multi_reduction <add>, %mul3A_1973, %reduce_sum3A_1974 [2] : vector<1x256x128xf32> to vector<1x256xf32>
    %broadcast_in_dim3A_1976 = vector.shape_cast %reduce_sum3A_1975 : vector<1x256xf32> to vector<1x256x1xf32>
    %add3A_1977 = vector.broadcast %get3A_18 : f32 to vector<1x256x1xf32>
    %add3A_1978 = arith.addf %broadcast_in_dim3A_1976, %add3A_1977 : vector<1x256x1xf32>
    %logistic3A_1979 = arith.negf %add3A_1978 : vector<1x256x1xf32>
    %logistic3A_1980 = math.exp %logistic3A_1979 : vector<1x256x1xf32>
    %logistic3A_1981 = arith.constant 1.000000e+00 : f32
    %logistic3A_1982 = vector.broadcast %logistic3A_1981 : f32 to vector<1x256x1xf32>
    %logistic3A_1983 = arith.addf %logistic3A_1982, %logistic3A_1980 : vector<1x256x1xf32>
    %logistic3A_1984 = arith.divf %logistic3A_1982, %logistic3A_1983 : vector<1x256x1xf32>
    %get3A_1985 = arith.index_cast %get3A_1951 : i32 to index
    %get3A_1986 = arith.constant 0 : index
    %get3A_1987 = arith.constant 0 : index
    %get3A_1988 = vector.load %arg15[%get3A_1985, %get3A_1986, %get3A_1987] : memref<21x256x128xf32, #tpu.memory_space<vmem>>, vector<1x256x128xf32>
    %get3A_1989 = arith.index_cast %get3A_1949 : i32 to index
    %get3A_1990 = arith.constant 0 : index
    %get3A_1991 = arith.constant 0 : index
    %get3A_1992 = vector.load %arg12[%get3A_1989, %get3A_1990, %get3A_1991] : memref<21x256x128xf32, #tpu.memory_space<vmem>>, vector<1x256x128xf32>
    %mul3A_1993 = vector.broadcast %logistic3A_1984 : vector<1x256x1xf32> to vector<1x256x128xf32>
    %mul3A_1994 = arith.mulf %mul3A_1993, %get3A_1992 : vector<1x256x128xf32>
    %add3A_1995 = arith.addf %get3A_1988, %mul3A_1994 : vector<1x256x128xf32>
    %swap3A_1996 = arith.index_cast %get3A_1951 : i32 to index
    %swap3A_1997 = arith.constant 0 : index
    %swap3A_1998 = arith.constant 0 : index
    %swap3A_1999 = vector.load %arg15[%swap3A_1996, %swap3A_1997, %swap3A_1998] : memref<21x256x128xf32, #tpu.memory_space<vmem>>, vector<1x256x128xf32>
    tpu.vector_store %arg15[%swap3A_1996, %swap3A_1997, %swap3A_1998], %add3A_1995 {strides = array<i32>} : memref<21x256x128xf32, #tpu.memory_space<vmem>>, vector<1x256x128xf32>,
    %get3A_2000 = arith.constant 16 : index
    %get3A_2001 = memref.load %arg2[%get3A_2000] : memref<42xi32, #tpu.memory_space<smem>>
    %get3A_2002 = arith.constant 16 : index
    %get3A_2003 = memref.load %arg3[%get3A_2002] : memref<42xi32, #tpu.memory_space<smem>>
    %get3A_2004 = arith.index_cast %get3A_2001 : i32 to index
    %get3A_2005 = arith.constant 0 : index
    %get3A_2006 = arith.constant 0 : index
    %get3A_2007 = vector.load %arg13[%get3A_2004, %get3A_2005, %get3A_2006] : memref<21x256x128xf32, #tpu.memory_space<vmem>>, vector<1x256x128xf32>
    %get3A_2008 = arith.index_cast %get3A_2003 : i32 to index
    %get3A_2009 = arith.constant 0 : index
    %get3A_2010 = arith.constant 0 : index
    %get3A_2011 = vector.load %arg14[%get3A_2008, %get3A_2009, %get3A_2010] : memref<21x256x128xf32, #tpu.memory_space<vmem>>, vector<1x256x128xf32>
    %add3A_2012 = arith.addf %get3A_2007, %get3A_2011 : vector<1x256x128xf32>
    %mul3A_2013 = arith.constant 5.000000e-01 : f32
    %mul3A_2014 = vector.broadcast %mul3A_2013 : f32 to vector<1x256x128xf32>
    %mul3A_2015 = arith.mulf %mul3A_2014, %add3A_2012 : vector<1x256x128xf32>
    %mul3A_2016 = arith.constant 0.707106769 : f32
    %mul3A_2017 = vector.broadcast %mul3A_2016 : f32 to vector<1x256x128xf32>
    %mul3A_2018 = arith.mulf %add3A_2012, %mul3A_2017 : vector<1x256x128xf32>
    %erf3A_2019 = math.erf %mul3A_2018 : vector<1x256x128xf32>
    %add3A_2020 = arith.constant 1.000000e+00 : f32
    %add3A_2021 = vector.broadcast %add3A_2020 : f32 to vector<1x256x128xf32>
    %add3A_2022 = arith.addf %add3A_2021, %erf3A_2019 : vector<1x256x128xf32>
    %mul3A_2023 = arith.mulf %mul3A_2015, %add3A_2022 : vector<1x256x128xf32>
    %mul3A_2024 = vector.broadcast %reshape3A : vector<1x1x128xf32> to vector<1x256x128xf32>
    %mul3A_2025 = arith.mulf %mul3A_2023, %mul3A_2024 : vector<1x256x128xf32>
    %reduce_sum3A_2026 = arith.constant dense<0.000000e+00> : vector<1x256xf32>
    %reduce_sum3A_2027 = vector.multi_reduction <add>, %mul3A_2025, %reduce_sum3A_2026 [2] : vector<1x256x128xf32> to vector<1x256xf32>
    %broadcast_in_dim3A_2028 = vector.shape_cast %reduce_sum3A_2027 : vector<1x256xf32> to vector<1x256x1xf32>
    %add3A_2029 = vector.broadcast %get3A_18 : f32 to vector<1x256x1xf32>
    %add3A_2030 = arith.addf %broadcast_in_dim3A_2028, %add3A_2029 : vector<1x256x1xf32>
    %logistic3A_2031 = arith.negf %add3A_2030 : vector<1x256x1xf32>
    %logistic3A_2032 = math.exp %logistic3A_2031 : vector<1x256x1xf32>
    %logistic3A_2033 = arith.constant 1.000000e+00 : f32
    %logistic3A_2034 = vector.broadcast %logistic3A_2033 : f32 to vector<1x256x1xf32>
    %logistic3A_2035 = arith.addf %logistic3A_2034, %logistic3A_2032 : vector<1x256x1xf32>
    %logistic3A_2036 = arith.divf %logistic3A_2034, %logistic3A_2035 : vector<1x256x1xf32>
    %get3A_2037 = arith.index_cast %get3A_2003 : i32 to index
    %get3A_2038 = arith.constant 0 : index
    %get3A_2039 = arith.constant 0 : index
    %get3A_2040 = vector.load %arg15[%get3A_2037, %get3A_2038, %get3A_2039] : memref<21x256x128xf32, #tpu.memory_space<vmem>>, vector<1x256x128xf32>
    %get3A_2041 = arith.index_cast %get3A_2001 : i32 to index
    %get3A_2042 = arith.constant 0 : index
    %get3A_2043 = arith.constant 0 : index
    %get3A_2044 = vector.load %arg12[%get3A_2041, %get3A_2042, %get3A_2043] : memref<21x256x128xf32, #tpu.memory_space<vmem>>, vector<1x256x128xf32>
    %mul3A_2045 = vector.broadcast %logistic3A_2036 : vector<1x256x1xf32> to vector<1x256x128xf32>
    %mul3A_2046 = arith.mulf %mul3A_2045, %get3A_2044 : vector<1x256x128xf32>
    %add3A_2047 = arith.addf %get3A_2040, %mul3A_2046 : vector<1x256x128xf32>
    %swap3A_2048 = arith.index_cast %get3A_2003 : i32 to index
    %swap3A_2049 = arith.constant 0 : index
    %swap3A_2050 = arith.constant 0 : index
    %swap3A_2051 = vector.load %arg15[%swap3A_2048, %swap3A_2049, %swap3A_2050] : memref<21x256x128xf32, #tpu.memory_space<vmem>>, vector<1x256x128xf32>
    tpu.vector_store %arg15[%swap3A_2048, %swap3A_2049, %swap3A_2050], %add3A_2047 {strides = array<i32>} : memref<21x256x128xf32, #tpu.memory_space<vmem>>, vector<1x256x128xf32>,
    %get3A_2052 = arith.constant 17 : index
    %get3A_2053 = memref.load %arg2[%get3A_2052] : memref<42xi32, #tpu.memory_space<smem>>
    %get3A_2054 = arith.constant 17 : index
    %get3A_2055 = memref.load %arg3[%get3A_2054] : memref<42xi32, #tpu.memory_space<smem>>
    %get3A_2056 = arith.index_cast %get3A_2053 : i32 to index
    %get3A_2057 = arith.constant 0 : index
    %get3A_2058 = arith.constant 0 : index
    %get3A_2059 = vector.load %arg13[%get3A_2056, %get3A_2057, %get3A_2058] : memref<21x256x128xf32, #tpu.memory_space<vmem>>, vector<1x256x128xf32>
    %get3A_2060 = arith.index_cast %get3A_2055 : i32 to index
    %get3A_2061 = arith.constant 0 : index
    %get3A_2062 = arith.constant 0 : index
    %get3A_2063 = vector.load %arg14[%get3A_2060, %get3A_2061, %get3A_2062] : memref<21x256x128xf32, #tpu.memory_space<vmem>>, vector<1x256x128xf32>
    %add3A_2064 = arith.addf %get3A_2059, %get3A_2063 : vector<1x256x128xf32>
    %mul3A_2065 = arith.constant 5.000000e-01 : f32
    %mul3A_2066 = vector.broadcast %mul3A_2065 : f32 to vector<1x256x128xf32>
    %mul3A_2067 = arith.mulf %mul3A_2066, %add3A_2064 : vector<1x256x128xf32>
    %mul3A_2068 = arith.constant 0.707106769 : f32
    %mul3A_2069 = vector.broadcast %mul3A_2068 : f32 to vector<1x256x128xf32>
    %mul3A_2070 = arith.mulf %add3A_2064, %mul3A_2069 : vector<1x256x128xf32>
    %erf3A_2071 = math.erf %mul3A_2070 : vector<1x256x128xf32>
    %add3A_2072 = arith.constant 1.000000e+00 : f32
    %add3A_2073 = vector.broadcast %add3A_2072 : f32 to vector<1x256x128xf32>
    %add3A_2074 = arith.addf %add3A_2073, %erf3A_2071 : vector<1x256x128xf32>
    %mul3A_2075 = arith.mulf %mul3A_2067, %add3A_2074 : vector<1x256x128xf32>
    %mul3A_2076 = vector.broadcast %reshape3A : vector<1x1x128xf32> to vector<1x256x128xf32>
    %mul3A_2077 = arith.mulf %mul3A_2075, %mul3A_2076 : vector<1x256x128xf32>
    %reduce_sum3A_2078 = arith.constant dense<0.000000e+00> : vector<1x256xf32>
    %reduce_sum3A_2079 = vector.multi_reduction <add>, %mul3A_2077, %reduce_sum3A_2078 [2] : vector<1x256x128xf32> to vector<1x256xf32>
    %broadcast_in_dim3A_2080 = vector.shape_cast %reduce_sum3A_2079 : vector<1x256xf32> to vector<1x256x1xf32>
    %add3A_2081 = vector.broadcast %get3A_18 : f32 to vector<1x256x1xf32>
    %add3A_2082 = arith.addf %broadcast_in_dim3A_2080, %add3A_2081 : vector<1x256x1xf32>
    %logistic3A_2083 = arith.negf %add3A_2082 : vector<1x256x1xf32>
    %logistic3A_2084 = math.exp %logistic3A_2083 : vector<1x256x1xf32>
    %logistic3A_2085 = arith.constant 1.000000e+00 : f32
    %logistic3A_2086 = vector.broadcast %logistic3A_2085 : f32 to vector<1x256x1xf32>
    %logistic3A_2087 = arith.addf %logistic3A_2086, %logistic3A_2084 : vector<1x256x1xf32>
    %logistic3A_2088 = arith.divf %logistic3A_2086, %logistic3A_2087 : vector<1x256x1xf32>
    %get3A_2089 = arith.index_cast %get3A_2055 : i32 to index
    %get3A_2090 = arith.constant 0 : index
    %get3A_2091 = arith.constant 0 : index
    %get3A_2092 = vector.load %arg15[%get3A_2089, %get3A_2090, %get3A_2091] : memref<21x256x128xf32, #tpu.memory_space<vmem>>, vector<1x256x128xf32>
    %get3A_2093 = arith.index_cast %get3A_2053 : i32 to index
    %get3A_2094 = arith.constant 0 : index
    %get3A_2095 = arith.constant 0 : index
    %get3A_2096 = vector.load %arg12[%get3A_2093, %get3A_2094, %get3A_2095] : memref<21x256x128xf32, #tpu.memory_space<vmem>>, vector<1x256x128xf32>
    %mul3A_2097 = vector.broadcast %logistic3A_2088 : vector<1x256x1xf32> to vector<1x256x128xf32>
    %mul3A_2098 = arith.mulf %mul3A_2097, %get3A_2096 : vector<1x256x128xf32>
    %add3A_2099 = arith.addf %get3A_2092, %mul3A_2098 : vector<1x256x128xf32>
    %swap3A_2100 = arith.index_cast %get3A_2055 : i32 to index
    %swap3A_2101 = arith.constant 0 : index
    %swap3A_2102 = arith.constant 0 : index
    %swap3A_2103 = vector.load %arg15[%swap3A_2100, %swap3A_2101, %swap3A_2102] : memref<21x256x128xf32, #tpu.memory_space<vmem>>, vector<1x256x128xf32>
    tpu.vector_store %arg15[%swap3A_2100, %swap3A_2101, %swap3A_2102], %add3A_2099 {strides = array<i32>} : memref<21x256x128xf32, #tpu.memory_space<vmem>>, vector<1x256x128xf32>,
    %get3A_2104 = arith.constant 18 : index
    %get3A_2105 = memref.load %arg2[%get3A_2104] : memref<42xi32, #tpu.memory_space<smem>>
    %get3A_2106 = arith.constant 18 : index
    %get3A_2107 = memref.load %arg3[%get3A_2106] : memref<42xi32, #tpu.memory_space<smem>>
    %get3A_2108 = arith.index_cast %get3A_2105 : i32 to index
    %get3A_2109 = arith.constant 0 : index
    %get3A_2110 = arith.constant 0 : index
    %get3A_2111 = vector.load %arg13[%get3A_2108, %get3A_2109, %get3A_2110] : memref<21x256x128xf32, #tpu.memory_space<vmem>>, vector<1x256x128xf32>
    %get3A_2112 = arith.index_cast %get3A_2107 : i32 to index
    %get3A_2113 = arith.constant 0 : index
    %get3A_2114 = arith.constant 0 : index
    %get3A_2115 = vector.load %arg14[%get3A_2112, %get3A_2113, %get3A_2114] : memref<21x256x128xf32, #tpu.memory_space<vmem>>, vector<1x256x128xf32>
    %add3A_2116 = arith.addf %get3A_2111, %get3A_2115 : vector<1x256x128xf32>
    %mul3A_2117 = arith.constant 5.000000e-01 : f32
    %mul3A_2118 = vector.broadcast %mul3A_2117 : f32 to vector<1x256x128xf32>
    %mul3A_2119 = arith.mulf %mul3A_2118, %add3A_2116 : vector<1x256x128xf32>
    %mul3A_2120 = arith.constant 0.707106769 : f32
    %mul3A_2121 = vector.broadcast %mul3A_2120 : f32 to vector<1x256x128xf32>
    %mul3A_2122 = arith.mulf %add3A_2116, %mul3A_2121 : vector<1x256x128xf32>
    %erf3A_2123 = math.erf %mul3A_2122 : vector<1x256x128xf32>
    %add3A_2124 = arith.constant 1.000000e+00 : f32
    %add3A_2125 = vector.broadcast %add3A_2124 : f32 to vector<1x256x128xf32>
    %add3A_2126 = arith.addf %add3A_2125, %erf3A_2123 : vector<1x256x128xf32>
    %mul3A_2127 = arith.mulf %mul3A_2119, %add3A_2126 : vector<1x256x128xf32>
    %mul3A_2128 = vector.broadcast %reshape3A : vector<1x1x128xf32> to vector<1x256x128xf32>
    %mul3A_2129 = arith.mulf %mul3A_2127, %mul3A_2128 : vector<1x256x128xf32>
    %reduce_sum3A_2130 = arith.constant dense<0.000000e+00> : vector<1x256xf32>
    %reduce_sum3A_2131 = vector.multi_reduction <add>, %mul3A_2129, %reduce_sum3A_2130 [2] : vector<1x256x128xf32> to vector<1x256xf32>
    %broadcast_in_dim3A_2132 = vector.shape_cast %reduce_sum3A_2131 : vector<1x256xf32> to vector<1x256x1xf32>
    %add3A_2133 = vector.broadcast %get3A_18 : f32 to vector<1x256x1xf32>
    %add3A_2134 = arith.addf %broadcast_in_dim3A_2132, %add3A_2133 : vector<1x256x1xf32>
    %logistic3A_2135 = arith.negf %add3A_2134 : vector<1x256x1xf32>
    %logistic3A_2136 = math.exp %logistic3A_2135 : vector<1x256x1xf32>
    %logistic3A_2137 = arith.constant 1.000000e+00 : f32
    %logistic3A_2138 = vector.broadcast %logistic3A_2137 : f32 to vector<1x256x1xf32>
    %logistic3A_2139 = arith.addf %logistic3A_2138, %logistic3A_2136 : vector<1x256x1xf32>
    %logistic3A_2140 = arith.divf %logistic3A_2138, %logistic3A_2139 : vector<1x256x1xf32>
    %get3A_2141 = arith.index_cast %get3A_2107 : i32 to index
    %get3A_2142 = arith.constant 0 : index
    %get3A_2143 = arith.constant 0 : index
    %get3A_2144 = vector.load %arg15[%get3A_2141, %get3A_2142, %get3A_2143] : memref<21x256x128xf32, #tpu.memory_space<vmem>>, vector<1x256x128xf32>
    %get3A_2145 = arith.index_cast %get3A_2105 : i32 to index
    %get3A_2146 = arith.constant 0 : index
    %get3A_2147 = arith.constant 0 : index
    %get3A_2148 = vector.load %arg12[%get3A_2145, %get3A_2146, %get3A_2147] : memref<21x256x128xf32, #tpu.memory_space<vmem>>, vector<1x256x128xf32>
    %mul3A_2149 = vector.broadcast %logistic3A_2140 : vector<1x256x1xf32> to vector<1x256x128xf32>
    %mul3A_2150 = arith.mulf %mul3A_2149, %get3A_2148 : vector<1x256x128xf32>
    %add3A_2151 = arith.addf %get3A_2144, %mul3A_2150 : vector<1x256x128xf32>
    %swap3A_2152 = arith.index_cast %get3A_2107 : i32 to index
    %swap3A_2153 = arith.constant 0 : index
    %swap3A_2154 = arith.constant 0 : index
    %swap3A_2155 = vector.load %arg15[%swap3A_2152, %swap3A_2153, %swap3A_2154] : memref<21x256x128xf32, #tpu.memory_space<vmem>>, vector<1x256x128xf32>
    tpu.vector_store %arg15[%swap3A_2152, %swap3A_2153, %swap3A_2154], %add3A_2151 {strides = array<i32>} : memref<21x256x128xf32, #tpu.memory_space<vmem>>, vector<1x256x128xf32>,
    %get3A_2156 = arith.constant 19 : index
    %get3A_2157 = memref.load %arg2[%get3A_2156] : memref<42xi32, #tpu.memory_space<smem>>
    %get3A_2158 = arith.constant 19 : index
    %get3A_2159 = memref.load %arg3[%get3A_2158] : memref<42xi32, #tpu.memory_space<smem>>
    %get3A_2160 = arith.index_cast %get3A_2157 : i32 to index
    %get3A_2161 = arith.constant 0 : index
    %get3A_2162 = arith.constant 0 : index
    %get3A_2163 = vector.load %arg13[%get3A_2160, %get3A_2161, %get3A_2162] : memref<21x256x128xf32, #tpu.memory_space<vmem>>, vector<1x256x128xf32>
    %get3A_2164 = arith.index_cast %get3A_2159 : i32 to index
    %get3A_2165 = arith.constant 0 : index
    %get3A_2166 = arith.constant 0 : index
    %get3A_2167 = vector.load %arg14[%get3A_2164, %get3A_2165, %get3A_2166] : memref<21x256x128xf32, #tpu.memory_space<vmem>>, vector<1x256x128xf32>
    %add3A_2168 = arith.addf %get3A_2163, %get3A_2167 : vector<1x256x128xf32>
    %mul3A_2169 = arith.constant 5.000000e-01 : f32
    %mul3A_2170 = vector.broadcast %mul3A_2169 : f32 to vector<1x256x128xf32>
    %mul3A_2171 = arith.mulf %mul3A_2170, %add3A_2168 : vector<1x256x128xf32>
    %mul3A_2172 = arith.constant 0.707106769 : f32
    %mul3A_2173 = vector.broadcast %mul3A_2172 : f32 to vector<1x256x128xf32>
    %mul3A_2174 = arith.mulf %add3A_2168, %mul3A_2173 : vector<1x256x128xf32>
    %erf3A_2175 = math.erf %mul3A_2174 : vector<1x256x128xf32>
    %add3A_2176 = arith.constant 1.000000e+00 : f32
    %add3A_2177 = vector.broadcast %add3A_2176 : f32 to vector<1x256x128xf32>
    %add3A_2178 = arith.addf %add3A_2177, %erf3A_2175 : vector<1x256x128xf32>
    %mul3A_2179 = arith.mulf %mul3A_2171, %add3A_2178 : vector<1x256x128xf32>
    %mul3A_2180 = vector.broadcast %reshape3A : vector<1x1x128xf32> to vector<1x256x128xf32>
    %mul3A_2181 = arith.mulf %mul3A_2179, %mul3A_2180 : vector<1x256x128xf32>
    %reduce_sum3A_2182 = arith.constant dense<0.000000e+00> : vector<1x256xf32>
    %reduce_sum3A_2183 = vector.multi_reduction <add>, %mul3A_2181, %reduce_sum3A_2182 [2] : vector<1x256x128xf32> to vector<1x256xf32>
    %broadcast_in_dim3A_2184 = vector.shape_cast %reduce_sum3A_2183 : vector<1x256xf32> to vector<1x256x1xf32>
    %add3A_2185 = vector.broadcast %get3A_18 : f32 to vector<1x256x1xf32>
    %add3A_2186 = arith.addf %broadcast_in_dim3A_2184, %add3A_2185 : vector<1x256x1xf32>
    %logistic3A_2187 = arith.negf %add3A_2186 : vector<1x256x1xf32>
    %logistic3A_2188 = math.exp %logistic3A_2187 : vector<1x256x1xf32>
    %logistic3A_2189 = arith.constant 1.000000e+00 : f32
    %logistic3A_2190 = vector.broadcast %logistic3A_2189 : f32 to vector<1x256x1xf32>
    %logistic3A_2191 = arith.addf %logistic3A_2190, %logistic3A_2188 : vector<1x256x1xf32>
    %logistic3A_2192 = arith.divf %logistic3A_2190, %logistic3A_2191 : vector<1x256x1xf32>
    %get3A_2193 = arith.index_cast %get3A_2159 : i32 to index
    %get3A_2194 = arith.constant 0 : index
    %get3A_2195 = arith.constant 0 : index
    %get3A_2196 = vector.load %arg15[%get3A_2193, %get3A_2194, %get3A_2195] : memref<21x256x128xf32, #tpu.memory_space<vmem>>, vector<1x256x128xf32>
    %get3A_2197 = arith.index_cast %get3A_2157 : i32 to index
    %get3A_2198 = arith.constant 0 : index
    %get3A_2199 = arith.constant 0 : index
    %get3A_2200 = vector.load %arg12[%get3A_2197, %get3A_2198, %get3A_2199] : memref<21x256x128xf32, #tpu.memory_space<vmem>>, vector<1x256x128xf32>
    %mul3A_2201 = vector.broadcast %logistic3A_2192 : vector<1x256x1xf32> to vector<1x256x128xf32>
    %mul3A_2202 = arith.mulf %mul3A_2201, %get3A_2200 : vector<1x256x128xf32>
    %add3A_2203 = arith.addf %get3A_2196, %mul3A_2202 : vector<1x256x128xf32>
    %swap3A_2204 = arith.index_cast %get3A_2159 : i32 to index
    %swap3A_2205 = arith.constant 0 : index
    %swap3A_2206 = arith.constant 0 : index
    %swap3A_2207 = vector.load %arg15[%swap3A_2204, %swap3A_2205, %swap3A_2206] : memref<21x256x128xf32, #tpu.memory_space<vmem>>, vector<1x256x128xf32>
    tpu.vector_store %arg15[%swap3A_2204, %swap3A_2205, %swap3A_2206], %add3A_2203 {strides = array<i32>} : memref<21x256x128xf32, #tpu.memory_space<vmem>>, vector<1x256x128xf32>,
    %get3A_2208 = arith.constant 20 : index
    %get3A_2209 = memref.load %arg2[%get3A_2208] : memref<42xi32, #tpu.memory_space<smem>>
    %get3A_2210 = arith.constant 20 : index
    %get3A_2211 = memref.load %arg3[%get3A_2210] : memref<42xi32, #tpu.memory_space<smem>>
    %get3A_2212 = arith.index_cast %get3A_2209 : i32 to index
    %get3A_2213 = arith.constant 0 : index
    %get3A_2214 = arith.constant 0 : index
    %get3A_2215 = vector.load %arg13[%get3A_2212, %get3A_2213, %get3A_2214] : memref<21x256x128xf32, #tpu.memory_space<vmem>>, vector<1x256x128xf32>
    %get3A_2216 = arith.index_cast %get3A_2211 : i32 to index
    %get3A_2217 = arith.constant 0 : index
    %get3A_2218 = arith.constant 0 : index
    %get3A_2219 = vector.load %arg14[%get3A_2216, %get3A_2217, %get3A_2218] : memref<21x256x128xf32, #tpu.memory_space<vmem>>, vector<1x256x128xf32>
    %add3A_2220 = arith.addf %get3A_2215, %get3A_2219 : vector<1x256x128xf32>
    %mul3A_2221 = arith.constant 5.000000e-01 : f32
    %mul3A_2222 = vector.broadcast %mul3A_2221 : f32 to vector<1x256x128xf32>
    %mul3A_2223 = arith.mulf %mul3A_2222, %add3A_2220 : vector<1x256x128xf32>
    %mul3A_2224 = arith.constant 0.707106769 : f32
    %mul3A_2225 = vector.broadcast %mul3A_2224 : f32 to vector<1x256x128xf32>
    %mul3A_2226 = arith.mulf %add3A_2220, %mul3A_2225 : vector<1x256x128xf32>
    %erf3A_2227 = math.erf %mul3A_2226 : vector<1x256x128xf32>
    %add3A_2228 = arith.constant 1.000000e+00 : f32
    %add3A_2229 = vector.broadcast %add3A_2228 : f32 to vector<1x256x128xf32>
    %add3A_2230 = arith.addf %add3A_2229, %erf3A_2227 : vector<1x256x128xf32>
    %mul3A_2231 = arith.mulf %mul3A_2223, %add3A_2230 : vector<1x256x128xf32>
    %mul3A_2232 = vector.broadcast %reshape3A : vector<1x1x128xf32> to vector<1x256x128xf32>
    %mul3A_2233 = arith.mulf %mul3A_2231, %mul3A_2232 : vector<1x256x128xf32>
    %reduce_sum3A_2234 = arith.constant dense<0.000000e+00> : vector<1x256xf32>
    %reduce_sum3A_2235 = vector.multi_reduction <add>, %mul3A_2233, %reduce_sum3A_2234 [2] : vector<1x256x128xf32> to vector<1x256xf32>
    %broadcast_in_dim3A_2236 = vector.shape_cast %reduce_sum3A_2235 : vector<1x256xf32> to vector<1x256x1xf32>
    %add3A_2237 = vector.broadcast %get3A_18 : f32 to vector<1x256x1xf32>
    %add3A_2238 = arith.addf %broadcast_in_dim3A_2236, %add3A_2237 : vector<1x256x1xf32>
    %logistic3A_2239 = arith.negf %add3A_2238 : vector<1x256x1xf32>
    %logistic3A_2240 = math.exp %logistic3A_2239 : vector<1x256x1xf32>
    %logistic3A_2241 = arith.constant 1.000000e+00 : f32
    %logistic3A_2242 = vector.broadcast %logistic3A_2241 : f32 to vector<1x256x1xf32>
    %logistic3A_2243 = arith.addf %logistic3A_2242, %logistic3A_2240 : vector<1x256x1xf32>
    %logistic3A_2244 = arith.divf %logistic3A_2242, %logistic3A_2243 : vector<1x256x1xf32>
    %get3A_2245 = arith.index_cast %get3A_2211 : i32 to index
    %get3A_2246 = arith.constant 0 : index
    %get3A_2247 = arith.constant 0 : index
    %get3A_2248 = vector.load %arg15[%get3A_2245, %get3A_2246, %get3A_2247] : memref<21x256x128xf32, #tpu.memory_space<vmem>>, vector<1x256x128xf32>
    %get3A_2249 = arith.index_cast %get3A_2209 : i32 to index
    %get3A_2250 = arith.constant 0 : index
    %get3A_2251 = arith.constant 0 : index
    %get3A_2252 = vector.load %arg12[%get3A_2249, %get3A_2250, %get3A_2251] : memref<21x256x128xf32, #tpu.memory_space<vmem>>, vector<1x256x128xf32>
    %mul3A_2253 = vector.broadcast %logistic3A_2244 : vector<1x256x1xf32> to vector<1x256x128xf32>
    %mul3A_2254 = arith.mulf %mul3A_2253, %get3A_2252 : vector<1x256x128xf32>
    %add3A_2255 = arith.addf %get3A_2248, %mul3A_2254 : vector<1x256x128xf32>
    %swap3A_2256 = arith.index_cast %get3A_2211 : i32 to index
    %swap3A_2257 = arith.constant 0 : index
    %swap3A_2258 = arith.constant 0 : index
    %swap3A_2259 = vector.load %arg15[%swap3A_2256, %swap3A_2257, %swap3A_2258] : memref<21x256x128xf32, #tpu.memory_space<vmem>>, vector<1x256x128xf32>
    tpu.vector_store %arg15[%swap3A_2256, %swap3A_2257, %swap3A_2258], %add3A_2255 {strides = array<i32>} : memref<21x256x128xf32, #tpu.memory_space<vmem>>, vector<1x256x128xf32>,
    %get3A_2260 = arith.constant 21 : index
    %get3A_2261 = memref.load %arg2[%get3A_2260] : memref<42xi32, #tpu.memory_space<smem>>
    %get3A_2262 = arith.constant 21 : index
    %get3A_2263 = memref.load %arg3[%get3A_2262] : memref<42xi32, #tpu.memory_space<smem>>
    %get3A_2264 = arith.index_cast %get3A_2261 : i32 to index
    %get3A_2265 = arith.constant 0 : index
    %get3A_2266 = arith.constant 0 : index
    %get3A_2267 = vector.load %arg13[%get3A_2264, %get3A_2265, %get3A_2266] : memref<21x256x128xf32, #tpu.memory_space<vmem>>, vector<1x256x128xf32>
    %get3A_2268 = arith.index_cast %get3A_2263 : i32 to index
    %get3A_2269 = arith.constant 0 : index
    %get3A_2270 = arith.constant 0 : index
    %get3A_2271 = vector.load %arg14[%get3A_2268, %get3A_2269, %get3A_2270] : memref<21x256x128xf32, #tpu.memory_space<vmem>>, vector<1x256x128xf32>
    %add3A_2272 = arith.addf %get3A_2267, %get3A_2271 : vector<1x256x128xf32>
    %mul3A_2273 = arith.constant 5.000000e-01 : f32
    %mul3A_2274 = vector.broadcast %mul3A_2273 : f32 to vector<1x256x128xf32>
    %mul3A_2275 = arith.mulf %mul3A_2274, %add3A_2272 : vector<1x256x128xf32>
    %mul3A_2276 = arith.constant 0.707106769 : f32
    %mul3A_2277 = vector.broadcast %mul3A_2276 : f32 to vector<1x256x128xf32>
    %mul3A_2278 = arith.mulf %add3A_2272, %mul3A_2277 : vector<1x256x128xf32>
    %erf3A_2279 = math.erf %mul3A_2278 : vector<1x256x128xf32>
    %add3A_2280 = arith.constant 1.000000e+00 : f32
    %add3A_2281 = vector.broadcast %add3A_2280 : f32 to vector<1x256x128xf32>
    %add3A_2282 = arith.addf %add3A_2281, %erf3A_2279 : vector<1x256x128xf32>
    %mul3A_2283 = arith.mulf %mul3A_2275, %add3A_2282 : vector<1x256x128xf32>
    %mul3A_2284 = vector.broadcast %reshape3A : vector<1x1x128xf32> to vector<1x256x128xf32>
    %mul3A_2285 = arith.mulf %mul3A_2283, %mul3A_2284 : vector<1x256x128xf32>
    %reduce_sum3A_2286 = arith.constant dense<0.000000e+00> : vector<1x256xf32>
    %reduce_sum3A_2287 = vector.multi_reduction <add>, %mul3A_2285, %reduce_sum3A_2286 [2] : vector<1x256x128xf32> to vector<1x256xf32>
    %broadcast_in_dim3A_2288 = vector.shape_cast %reduce_sum3A_2287 : vector<1x256xf32> to vector<1x256x1xf32>
    %add3A_2289 = vector.broadcast %get3A_18 : f32 to vector<1x256x1xf32>
    %add3A_2290 = arith.addf %broadcast_in_dim3A_2288, %add3A_2289 : vector<1x256x1xf32>
    %logistic3A_2291 = arith.negf %add3A_2290 : vector<1x256x1xf32>
    %logistic3A_2292 = math.exp %logistic3A_2291 : vector<1x256x1xf32>
    %logistic3A_2293 = arith.constant 1.000000e+00 : f32
    %logistic3A_2294 = vector.broadcast %logistic3A_2293 : f32 to vector<1x256x1xf32>
    %logistic3A_2295 = arith.addf %logistic3A_2294, %logistic3A_2292 : vector<1x256x1xf32>
    %logistic3A_2296 = arith.divf %logistic3A_2294, %logistic3A_2295 : vector<1x256x1xf32>
    %get3A_2297 = arith.index_cast %get3A_2263 : i32 to index
    %get3A_2298 = arith.constant 0 : index
    %get3A_2299 = arith.constant 0 : index
    %get3A_2300 = vector.load %arg15[%get3A_2297, %get3A_2298, %get3A_2299] : memref<21x256x128xf32, #tpu.memory_space<vmem>>, vector<1x256x128xf32>
    %get3A_2301 = arith.index_cast %get3A_2261 : i32 to index
    %get3A_2302 = arith.constant 0 : index
    %get3A_2303 = arith.constant 0 : index
    %get3A_2304 = vector.load %arg12[%get3A_2301, %get3A_2302, %get3A_2303] : memref<21x256x128xf32, #tpu.memory_space<vmem>>, vector<1x256x128xf32>
    %mul3A_2305 = vector.broadcast %logistic3A_2296 : vector<1x256x1xf32> to vector<1x256x128xf32>
    %mul3A_2306 = arith.mulf %mul3A_2305, %get3A_2304 : vector<1x256x128xf32>
    %add3A_2307 = arith.addf %get3A_2300, %mul3A_2306 : vector<1x256x128xf32>
    %swap3A_2308 = arith.index_cast %get3A_2263 : i32 to index
    %swap3A_2309 = arith.constant 0 : index
    %swap3A_2310 = arith.constant 0 : index
    %swap3A_2311 = vector.load %arg15[%swap3A_2308, %swap3A_2309, %swap3A_2310] : memref<21x256x128xf32, #tpu.memory_space<vmem>>, vector<1x256x128xf32>
    tpu.vector_store %arg15[%swap3A_2308, %swap3A_2309, %swap3A_2310], %add3A_2307 {strides = array<i32>} : memref<21x256x128xf32, #tpu.memory_space<vmem>>, vector<1x256x128xf32>,
    %get3A_2312 = arith.constant 22 : index
    %get3A_2313 = memref.load %arg2[%get3A_2312] : memref<42xi32, #tpu.memory_space<smem>>
    %get3A_2314 = arith.constant 22 : index
    %get3A_2315 = memref.load %arg3[%get3A_2314] : memref<42xi32, #tpu.memory_space<smem>>
    %get3A_2316 = arith.index_cast %get3A_2313 : i32 to index
    %get3A_2317 = arith.constant 0 : index
    %get3A_2318 = arith.constant 0 : index
    %get3A_2319 = vector.load %arg13[%get3A_2316, %get3A_2317, %get3A_2318] : memref<21x256x128xf32, #tpu.memory_space<vmem>>, vector<1x256x128xf32>
    %get3A_2320 = arith.index_cast %get3A_2315 : i32 to index
    %get3A_2321 = arith.constant 0 : index
    %get3A_2322 = arith.constant 0 : index
    %get3A_2323 = vector.load %arg14[%get3A_2320, %get3A_2321, %get3A_2322] : memref<21x256x128xf32, #tpu.memory_space<vmem>>, vector<1x256x128xf32>
    %add3A_2324 = arith.addf %get3A_2319, %get3A_2323 : vector<1x256x128xf32>
    %mul3A_2325 = arith.constant 5.000000e-01 : f32
    %mul3A_2326 = vector.broadcast %mul3A_2325 : f32 to vector<1x256x128xf32>
    %mul3A_2327 = arith.mulf %mul3A_2326, %add3A_2324 : vector<1x256x128xf32>
    %mul3A_2328 = arith.constant 0.707106769 : f32
    %mul3A_2329 = vector.broadcast %mul3A_2328 : f32 to vector<1x256x128xf32>
    %mul3A_2330 = arith.mulf %add3A_2324, %mul3A_2329 : vector<1x256x128xf32>
    %erf3A_2331 = math.erf %mul3A_2330 : vector<1x256x128xf32>
    %add3A_2332 = arith.constant 1.000000e+00 : f32
    %add3A_2333 = vector.broadcast %add3A_2332 : f32 to vector<1x256x128xf32>
    %add3A_2334 = arith.addf %add3A_2333, %erf3A_2331 : vector<1x256x128xf32>
    %mul3A_2335 = arith.mulf %mul3A_2327, %add3A_2334 : vector<1x256x128xf32>
    %mul3A_2336 = vector.broadcast %reshape3A : vector<1x1x128xf32> to vector<1x256x128xf32>
    %mul3A_2337 = arith.mulf %mul3A_2335, %mul3A_2336 : vector<1x256x128xf32>
    %reduce_sum3A_2338 = arith.constant dense<0.000000e+00> : vector<1x256xf32>
    %reduce_sum3A_2339 = vector.multi_reduction <add>, %mul3A_2337, %reduce_sum3A_2338 [2] : vector<1x256x128xf32> to vector<1x256xf32>
    %broadcast_in_dim3A_2340 = vector.shape_cast %reduce_sum3A_2339 : vector<1x256xf32> to vector<1x256x1xf32>
    %add3A_2341 = vector.broadcast %get3A_18 : f32 to vector<1x256x1xf32>
    %add3A_2342 = arith.addf %broadcast_in_dim3A_2340, %add3A_2341 : vector<1x256x1xf32>
    %logistic3A_2343 = arith.negf %add3A_2342 : vector<1x256x1xf32>
    %logistic3A_2344 = math.exp %logistic3A_2343 : vector<1x256x1xf32>
    %logistic3A_2345 = arith.constant 1.000000e+00 : f32
    %logistic3A_2346 = vector.broadcast %logistic3A_2345 : f32 to vector<1x256x1xf32>
    %logistic3A_2347 = arith.addf %logistic3A_2346, %logistic3A_2344 : vector<1x256x1xf32>
    %logistic3A_2348 = arith.divf %logistic3A_2346, %logistic3A_2347 : vector<1x256x1xf32>
    %get3A_2349 = arith.index_cast %get3A_2315 : i32 to index
    %get3A_2350 = arith.constant 0 : index
    %get3A_2351 = arith.constant 0 : index
    %get3A_2352 = vector.load %arg15[%get3A_2349, %get3A_2350, %get3A_2351] : memref<21x256x128xf32, #tpu.memory_space<vmem>>, vector<1x256x128xf32>
    %get3A_2353 = arith.index_cast %get3A_2313 : i32 to index
    %get3A_2354 = arith.constant 0 : index
    %get3A_2355 = arith.constant 0 : index
    %get3A_2356 = vector.load %arg12[%get3A_2353, %get3A_2354, %get3A_2355] : memref<21x256x128xf32, #tpu.memory_space<vmem>>, vector<1x256x128xf32>
    %mul3A_2357 = vector.broadcast %logistic3A_2348 : vector<1x256x1xf32> to vector<1x256x128xf32>
    %mul3A_2358 = arith.mulf %mul3A_2357, %get3A_2356 : vector<1x256x128xf32>
    %add3A_2359 = arith.addf %get3A_2352, %mul3A_2358 : vector<1x256x128xf32>
    %swap3A_2360 = arith.index_cast %get3A_2315 : i32 to index
    %swap3A_2361 = arith.constant 0 : index
    %swap3A_2362 = arith.constant 0 : index
    %swap3A_2363 = vector.load %arg15[%swap3A_2360, %swap3A_2361, %swap3A_2362] : memref<21x256x128xf32, #tpu.memory_space<vmem>>, vector<1x256x128xf32>
    tpu.vector_store %arg15[%swap3A_2360, %swap3A_2361, %swap3A_2362], %add3A_2359 {strides = array<i32>} : memref<21x256x128xf32, #tpu.memory_space<vmem>>, vector<1x256x128xf32>,
    %get3A_2364 = arith.constant 23 : index
    %get3A_2365 = memref.load %arg2[%get3A_2364] : memref<42xi32, #tpu.memory_space<smem>>
    %get3A_2366 = arith.constant 23 : index
    %get3A_2367 = memref.load %arg3[%get3A_2366] : memref<42xi32, #tpu.memory_space<smem>>
    %get3A_2368 = arith.index_cast %get3A_2365 : i32 to index
    %get3A_2369 = arith.constant 0 : index
    %get3A_2370 = arith.constant 0 : index
    %get3A_2371 = vector.load %arg13[%get3A_2368, %get3A_2369, %get3A_2370] : memref<21x256x128xf32, #tpu.memory_space<vmem>>, vector<1x256x128xf32>
    %get3A_2372 = arith.index_cast %get3A_2367 : i32 to index
    %get3A_2373 = arith.constant 0 : index
    %get3A_2374 = arith.constant 0 : index
    %get3A_2375 = vector.load %arg14[%get3A_2372, %get3A_2373, %get3A_2374] : memref<21x256x128xf32, #tpu.memory_space<vmem>>, vector<1x256x128xf32>
    %add3A_2376 = arith.addf %get3A_2371, %get3A_2375 : vector<1x256x128xf32>
    %mul3A_2377 = arith.constant 5.000000e-01 : f32
    %mul3A_2378 = vector.broadcast %mul3A_2377 : f32 to vector<1x256x128xf32>
    %mul3A_2379 = arith.mulf %mul3A_2378, %add3A_2376 : vector<1x256x128xf32>
    %mul3A_2380 = arith.constant 0.707106769 : f32
    %mul3A_2381 = vector.broadcast %mul3A_2380 : f32 to vector<1x256x128xf32>
    %mul3A_2382 = arith.mulf %add3A_2376, %mul3A_2381 : vector<1x256x128xf32>
    %erf3A_2383 = math.erf %mul3A_2382 : vector<1x256x128xf32>
    %add3A_2384 = arith.constant 1.000000e+00 : f32
    %add3A_2385 = vector.broadcast %add3A_2384 : f32 to vector<1x256x128xf32>
    %add3A_2386 = arith.addf %add3A_2385, %erf3A_2383 : vector<1x256x128xf32>
    %mul3A_2387 = arith.mulf %mul3A_2379, %add3A_2386 : vector<1x256x128xf32>
    %mul3A_2388 = vector.broadcast %reshape3A : vector<1x1x128xf32> to vector<1x256x128xf32>
    %mul3A_2389 = arith.mulf %mul3A_2387, %mul3A_2388 : vector<1x256x128xf32>
    %reduce_sum3A_2390 = arith.constant dense<0.000000e+00> : vector<1x256xf32>
    %reduce_sum3A_2391 = vector.multi_reduction <add>, %mul3A_2389, %reduce_sum3A_2390 [2] : vector<1x256x128xf32> to vector<1x256xf32>
    %broadcast_in_dim3A_2392 = vector.shape_cast %reduce_sum3A_2391 : vector<1x256xf32> to vector<1x256x1xf32>
    %add3A_2393 = vector.broadcast %get3A_18 : f32 to vector<1x256x1xf32>
    %add3A_2394 = arith.addf %broadcast_in_dim3A_2392, %add3A_2393 : vector<1x256x1xf32>
    %logistic3A_2395 = arith.negf %add3A_2394 : vector<1x256x1xf32>
    %logistic3A_2396 = math.exp %logistic3A_2395 : vector<1x256x1xf32>
    %logistic3A_2397 = arith.constant 1.000000e+00 : f32
    %logistic3A_2398 = vector.broadcast %logistic3A_2397 : f32 to vector<1x256x1xf32>
    %logistic3A_2399 = arith.addf %logistic3A_2398, %logistic3A_2396 : vector<1x256x1xf32>
    %logistic3A_2400 = arith.divf %logistic3A_2398, %logistic3A_2399 : vector<1x256x1xf32>
    %get3A_2401 = arith.index_cast %get3A_2367 : i32 to index
    %get3A_2402 = arith.constant 0 : index
    %get3A_2403 = arith.constant 0 : index
    %get3A_2404 = vector.load %arg15[%get3A_2401, %get3A_2402, %get3A_2403] : memref<21x256x128xf32, #tpu.memory_space<vmem>>, vector<1x256x128xf32>
    %get3A_2405 = arith.index_cast %get3A_2365 : i32 to index
    %get3A_2406 = arith.constant 0 : index
    %get3A_2407 = arith.constant 0 : index
    %get3A_2408 = vector.load %arg12[%get3A_2405, %get3A_2406, %get3A_2407] : memref<21x256x128xf32, #tpu.memory_space<vmem>>, vector<1x256x128xf32>
    %mul3A_2409 = vector.broadcast %logistic3A_2400 : vector<1x256x1xf32> to vector<1x256x128xf32>
    %mul3A_2410 = arith.mulf %mul3A_2409, %get3A_2408 : vector<1x256x128xf32>
    %add3A_2411 = arith.addf %get3A_2404, %mul3A_2410 : vector<1x256x128xf32>
    %swap3A_2412 = arith.index_cast %get3A_2367 : i32 to index
    %swap3A_2413 = arith.constant 0 : index
    %swap3A_2414 = arith.constant 0 : index
    %swap3A_2415 = vector.load %arg15[%swap3A_2412, %swap3A_2413, %swap3A_2414] : memref<21x256x128xf32, #tpu.memory_space<vmem>>, vector<1x256x128xf32>
    tpu.vector_store %arg15[%swap3A_2412, %swap3A_2413, %swap3A_2414], %add3A_2411 {strides = array<i32>} : memref<21x256x128xf32, #tpu.memory_space<vmem>>, vector<1x256x128xf32>,
    %get3A_2416 = arith.constant 24 : index
    %get3A_2417 = memref.load %arg2[%get3A_2416] : memref<42xi32, #tpu.memory_space<smem>>
    %get3A_2418 = arith.constant 24 : index
    %get3A_2419 = memref.load %arg3[%get3A_2418] : memref<42xi32, #tpu.memory_space<smem>>
    %get3A_2420 = arith.index_cast %get3A_2417 : i32 to index
    %get3A_2421 = arith.constant 0 : index
    %get3A_2422 = arith.constant 0 : index
    %get3A_2423 = vector.load %arg13[%get3A_2420, %get3A_2421, %get3A_2422] : memref<21x256x128xf32, #tpu.memory_space<vmem>>, vector<1x256x128xf32>
    %get3A_2424 = arith.index_cast %get3A_2419 : i32 to index
    %get3A_2425 = arith.constant 0 : index
    %get3A_2426 = arith.constant 0 : index
    %get3A_2427 = vector.load %arg14[%get3A_2424, %get3A_2425, %get3A_2426] : memref<21x256x128xf32, #tpu.memory_space<vmem>>, vector<1x256x128xf32>
    %add3A_2428 = arith.addf %get3A_2423, %get3A_2427 : vector<1x256x128xf32>
    %mul3A_2429 = arith.constant 5.000000e-01 : f32
    %mul3A_2430 = vector.broadcast %mul3A_2429 : f32 to vector<1x256x128xf32>
    %mul3A_2431 = arith.mulf %mul3A_2430, %add3A_2428 : vector<1x256x128xf32>
    %mul3A_2432 = arith.constant 0.707106769 : f32
    %mul3A_2433 = vector.broadcast %mul3A_2432 : f32 to vector<1x256x128xf32>
    %mul3A_2434 = arith.mulf %add3A_2428, %mul3A_2433 : vector<1x256x128xf32>
    %erf3A_2435 = math.erf %mul3A_2434 : vector<1x256x128xf32>
    %add3A_2436 = arith.constant 1.000000e+00 : f32
    %add3A_2437 = vector.broadcast %add3A_2436 : f32 to vector<1x256x128xf32>
    %add3A_2438 = arith.addf %add3A_2437, %erf3A_2435 : vector<1x256x128xf32>
    %mul3A_2439 = arith.mulf %mul3A_2431, %add3A_2438 : vector<1x256x128xf32>
    %mul3A_2440 = vector.broadcast %reshape3A : vector<1x1x128xf32> to vector<1x256x128xf32>
    %mul3A_2441 = arith.mulf %mul3A_2439, %mul3A_2440 : vector<1x256x128xf32>
    %reduce_sum3A_2442 = arith.constant dense<0.000000e+00> : vector<1x256xf32>
    %reduce_sum3A_2443 = vector.multi_reduction <add>, %mul3A_2441, %reduce_sum3A_2442 [2] : vector<1x256x128xf32> to vector<1x256xf32>
    %broadcast_in_dim3A_2444 = vector.shape_cast %reduce_sum3A_2443 : vector<1x256xf32> to vector<1x256x1xf32>
    %add3A_2445 = vector.broadcast %get3A_18 : f32 to vector<1x256x1xf32>
    %add3A_2446 = arith.addf %broadcast_in_dim3A_2444, %add3A_2445 : vector<1x256x1xf32>
    %logistic3A_2447 = arith.negf %add3A_2446 : vector<1x256x1xf32>
    %logistic3A_2448 = math.exp %logistic3A_2447 : vector<1x256x1xf32>
    %logistic3A_2449 = arith.constant 1.000000e+00 : f32
    %logistic3A_2450 = vector.broadcast %logistic3A_2449 : f32 to vector<1x256x1xf32>
    %logistic3A_2451 = arith.addf %logistic3A_2450, %logistic3A_2448 : vector<1x256x1xf32>
    %logistic3A_2452 = arith.divf %logistic3A_2450, %logistic3A_2451 : vector<1x256x1xf32>
    %get3A_2453 = arith.index_cast %get3A_2419 : i32 to index
    %get3A_2454 = arith.constant 0 : index
    %get3A_2455 = arith.constant 0 : index
    %get3A_2456 = vector.load %arg15[%get3A_2453, %get3A_2454, %get3A_2455] : memref<21x256x128xf32, #tpu.memory_space<vmem>>, vector<1x256x128xf32>
    %get3A_2457 = arith.index_cast %get3A_2417 : i32 to index
    %get3A_2458 = arith.constant 0 : index
    %get3A_2459 = arith.constant 0 : index
    %get3A_2460 = vector.load %arg12[%get3A_2457, %get3A_2458, %get3A_2459] : memref<21x256x128xf32, #tpu.memory_space<vmem>>, vector<1x256x128xf32>
    %mul3A_2461 = vector.broadcast %logistic3A_2452 : vector<1x256x1xf32> to vector<1x256x128xf32>
    %mul3A_2462 = arith.mulf %mul3A_2461, %get3A_2460 : vector<1x256x128xf32>
    %add3A_2463 = arith.addf %get3A_2456, %mul3A_2462 : vector<1x256x128xf32>
    %swap3A_2464 = arith.index_cast %get3A_2419 : i32 to index
    %swap3A_2465 = arith.constant 0 : index
    %swap3A_2466 = arith.constant 0 : index
    %swap3A_2467 = vector.load %arg15[%swap3A_2464, %swap3A_2465, %swap3A_2466] : memref<21x256x128xf32, #tpu.memory_space<vmem>>, vector<1x256x128xf32>
    tpu.vector_store %arg15[%swap3A_2464, %swap3A_2465, %swap3A_2466], %add3A_2463 {strides = array<i32>} : memref<21x256x128xf32, #tpu.memory_space<vmem>>, vector<1x256x128xf32>,
    %get3A_2468 = arith.constant 25 : index
    %get3A_2469 = memref.load %arg2[%get3A_2468] : memref<42xi32, #tpu.memory_space<smem>>
    %get3A_2470 = arith.constant 25 : index
    %get3A_2471 = memref.load %arg3[%get3A_2470] : memref<42xi32, #tpu.memory_space<smem>>
    %get3A_2472 = arith.index_cast %get3A_2469 : i32 to index
    %get3A_2473 = arith.constant 0 : index
    %get3A_2474 = arith.constant 0 : index
    %get3A_2475 = vector.load %arg13[%get3A_2472, %get3A_2473, %get3A_2474] : memref<21x256x128xf32, #tpu.memory_space<vmem>>, vector<1x256x128xf32>
    %get3A_2476 = arith.index_cast %get3A_2471 : i32 to index
    %get3A_2477 = arith.constant 0 : index
    %get3A_2478 = arith.constant 0 : index
    %get3A_2479 = vector.load %arg14[%get3A_2476, %get3A_2477, %get3A_2478] : memref<21x256x128xf32, #tpu.memory_space<vmem>>, vector<1x256x128xf32>
    %add3A_2480 = arith.addf %get3A_2475, %get3A_2479 : vector<1x256x128xf32>
    %mul3A_2481 = arith.constant 5.000000e-01 : f32
    %mul3A_2482 = vector.broadcast %mul3A_2481 : f32 to vector<1x256x128xf32>
    %mul3A_2483 = arith.mulf %mul3A_2482, %add3A_2480 : vector<1x256x128xf32>
    %mul3A_2484 = arith.constant 0.707106769 : f32
    %mul3A_2485 = vector.broadcast %mul3A_2484 : f32 to vector<1x256x128xf32>
    %mul3A_2486 = arith.mulf %add3A_2480, %mul3A_2485 : vector<1x256x128xf32>
    %erf3A_2487 = math.erf %mul3A_2486 : vector<1x256x128xf32>
    %add3A_2488 = arith.constant 1.000000e+00 : f32
    %add3A_2489 = vector.broadcast %add3A_2488 : f32 to vector<1x256x128xf32>
    %add3A_2490 = arith.addf %add3A_2489, %erf3A_2487 : vector<1x256x128xf32>
    %mul3A_2491 = arith.mulf %mul3A_2483, %add3A_2490 : vector<1x256x128xf32>
    %mul3A_2492 = vector.broadcast %reshape3A : vector<1x1x128xf32> to vector<1x256x128xf32>
    %mul3A_2493 = arith.mulf %mul3A_2491, %mul3A_2492 : vector<1x256x128xf32>
    %reduce_sum3A_2494 = arith.constant dense<0.000000e+00> : vector<1x256xf32>
    %reduce_sum3A_2495 = vector.multi_reduction <add>, %mul3A_2493, %reduce_sum3A_2494 [2] : vector<1x256x128xf32> to vector<1x256xf32>
    %broadcast_in_dim3A_2496 = vector.shape_cast %reduce_sum3A_2495 : vector<1x256xf32> to vector<1x256x1xf32>
    %add3A_2497 = vector.broadcast %get3A_18 : f32 to vector<1x256x1xf32>
    %add3A_2498 = arith.addf %broadcast_in_dim3A_2496, %add3A_2497 : vector<1x256x1xf32>
    %logistic3A_2499 = arith.negf %add3A_2498 : vector<1x256x1xf32>
    %logistic3A_2500 = math.exp %logistic3A_2499 : vector<1x256x1xf32>
    %logistic3A_2501 = arith.constant 1.000000e+00 : f32
    %logistic3A_2502 = vector.broadcast %logistic3A_2501 : f32 to vector<1x256x1xf32>
    %logistic3A_2503 = arith.addf %logistic3A_2502, %logistic3A_2500 : vector<1x256x1xf32>
    %logistic3A_2504 = arith.divf %logistic3A_2502, %logistic3A_2503 : vector<1x256x1xf32>
    %get3A_2505 = arith.index_cast %get3A_2471 : i32 to index
    %get3A_2506 = arith.constant 0 : index
    %get3A_2507 = arith.constant 0 : index
    %get3A_2508 = vector.load %arg15[%get3A_2505, %get3A_2506, %get3A_2507] : memref<21x256x128xf32, #tpu.memory_space<vmem>>, vector<1x256x128xf32>
    %get3A_2509 = arith.index_cast %get3A_2469 : i32 to index
    %get3A_2510 = arith.constant 0 : index
    %get3A_2511 = arith.constant 0 : index
    %get3A_2512 = vector.load %arg12[%get3A_2509, %get3A_2510, %get3A_2511] : memref<21x256x128xf32, #tpu.memory_space<vmem>>, vector<1x256x128xf32>
    %mul3A_2513 = vector.broadcast %logistic3A_2504 : vector<1x256x1xf32> to vector<1x256x128xf32>
    %mul3A_2514 = arith.mulf %mul3A_2513, %get3A_2512 : vector<1x256x128xf32>
    %add3A_2515 = arith.addf %get3A_2508, %mul3A_2514 : vector<1x256x128xf32>
    %swap3A_2516 = arith.index_cast %get3A_2471 : i32 to index
    %swap3A_2517 = arith.constant 0 : index
    %swap3A_2518 = arith.constant 0 : index
    %swap3A_2519 = vector.load %arg15[%swap3A_2516, %swap3A_2517, %swap3A_2518] : memref<21x256x128xf32, #tpu.memory_space<vmem>>, vector<1x256x128xf32>
    tpu.vector_store %arg15[%swap3A_2516, %swap3A_2517, %swap3A_2518], %add3A_2515 {strides = array<i32>} : memref<21x256x128xf32, #tpu.memory_space<vmem>>, vector<1x256x128xf32>,
    %get3A_2520 = arith.constant 26 : index
    %get3A_2521 = memref.load %arg2[%get3A_2520] : memref<42xi32, #tpu.memory_space<smem>>
    %get3A_2522 = arith.constant 26 : index
    %get3A_2523 = memref.load %arg3[%get3A_2522] : memref<42xi32, #tpu.memory_space<smem>>
    %get3A_2524 = arith.index_cast %get3A_2521 : i32 to index
    %get3A_2525 = arith.constant 0 : index
    %get3A_2526 = arith.constant 0 : index
    %get3A_2527 = vector.load %arg13[%get3A_2524, %get3A_2525, %get3A_2526] : memref<21x256x128xf32, #tpu.memory_space<vmem>>, vector<1x256x128xf32>
    %get3A_2528 = arith.index_cast %get3A_2523 : i32 to index
    %get3A_2529 = arith.constant 0 : index
    %get3A_2530 = arith.constant 0 : index
    %get3A_2531 = vector.load %arg14[%get3A_2528, %get3A_2529, %get3A_2530] : memref<21x256x128xf32, #tpu.memory_space<vmem>>, vector<1x256x128xf32>
    %add3A_2532 = arith.addf %get3A_2527, %get3A_2531 : vector<1x256x128xf32>
    %mul3A_2533 = arith.constant 5.000000e-01 : f32
    %mul3A_2534 = vector.broadcast %mul3A_2533 : f32 to vector<1x256x128xf32>
    %mul3A_2535 = arith.mulf %mul3A_2534, %add3A_2532 : vector<1x256x128xf32>
    %mul3A_2536 = arith.constant 0.707106769 : f32
    %mul3A_2537 = vector.broadcast %mul3A_2536 : f32 to vector<1x256x128xf32>
    %mul3A_2538 = arith.mulf %add3A_2532, %mul3A_2537 : vector<1x256x128xf32>
    %erf3A_2539 = math.erf %mul3A_2538 : vector<1x256x128xf32>
    %add3A_2540 = arith.constant 1.000000e+00 : f32
    %add3A_2541 = vector.broadcast %add3A_2540 : f32 to vector<1x256x128xf32>
    %add3A_2542 = arith.addf %add3A_2541, %erf3A_2539 : vector<1x256x128xf32>
    %mul3A_2543 = arith.mulf %mul3A_2535, %add3A_2542 : vector<1x256x128xf32>
    %mul3A_2544 = vector.broadcast %reshape3A : vector<1x1x128xf32> to vector<1x256x128xf32>
    %mul3A_2545 = arith.mulf %mul3A_2543, %mul3A_2544 : vector<1x256x128xf32>
    %reduce_sum3A_2546 = arith.constant dense<0.000000e+00> : vector<1x256xf32>
    %reduce_sum3A_2547 = vector.multi_reduction <add>, %mul3A_2545, %reduce_sum3A_2546 [2] : vector<1x256x128xf32> to vector<1x256xf32>
    %broadcast_in_dim3A_2548 = vector.shape_cast %reduce_sum3A_2547 : vector<1x256xf32> to vector<1x256x1xf32>
    %add3A_2549 = vector.broadcast %get3A_18 : f32 to vector<1x256x1xf32>
    %add3A_2550 = arith.addf %broadcast_in_dim3A_2548, %add3A_2549 : vector<1x256x1xf32>
    %logistic3A_2551 = arith.negf %add3A_2550 : vector<1x256x1xf32>
    %logistic3A_2552 = math.exp %logistic3A_2551 : vector<1x256x1xf32>
    %logistic3A_2553 = arith.constant 1.000000e+00 : f32
    %logistic3A_2554 = vector.broadcast %logistic3A_2553 : f32 to vector<1x256x1xf32>
    %logistic3A_2555 = arith.addf %logistic3A_2554, %logistic3A_2552 : vector<1x256x1xf32>
    %logistic3A_2556 = arith.divf %logistic3A_2554, %logistic3A_2555 : vector<1x256x1xf32>
    %get3A_2557 = arith.index_cast %get3A_2523 : i32 to index
    %get3A_2558 = arith.constant 0 : index
    %get3A_2559 = arith.constant 0 : index
    %get3A_2560 = vector.load %arg15[%get3A_2557, %get3A_2558, %get3A_2559] : memref<21x256x128xf32, #tpu.memory_space<vmem>>, vector<1x256x128xf32>
    %get3A_2561 = arith.index_cast %get3A_2521 : i32 to index
    %get3A_2562 = arith.constant 0 : index
    %get3A_2563 = arith.constant 0 : index
    %get3A_2564 = vector.load %arg12[%get3A_2561, %get3A_2562, %get3A_2563] : memref<21x256x128xf32, #tpu.memory_space<vmem>>, vector<1x256x128xf32>
    %mul3A_2565 = vector.broadcast %logistic3A_2556 : vector<1x256x1xf32> to vector<1x256x128xf32>
    %mul3A_2566 = arith.mulf %mul3A_2565, %get3A_2564 : vector<1x256x128xf32>
    %add3A_2567 = arith.addf %get3A_2560, %mul3A_2566 : vector<1x256x128xf32>
    %swap3A_2568 = arith.index_cast %get3A_2523 : i32 to index
    %swap3A_2569 = arith.constant 0 : index
    %swap3A_2570 = arith.constant 0 : index
    %swap3A_2571 = vector.load %arg15[%swap3A_2568, %swap3A_2569, %swap3A_2570] : memref<21x256x128xf32, #tpu.memory_space<vmem>>, vector<1x256x128xf32>
    tpu.vector_store %arg15[%swap3A_2568, %swap3A_2569, %swap3A_2570], %add3A_2567 {strides = array<i32>} : memref<21x256x128xf32, #tpu.memory_space<vmem>>, vector<1x256x128xf32>,
    %get3A_2572 = arith.constant 27 : index
    %get3A_2573 = memref.load %arg2[%get3A_2572] : memref<42xi32, #tpu.memory_space<smem>>
    %get3A_2574 = arith.constant 27 : index
    %get3A_2575 = memref.load %arg3[%get3A_2574] : memref<42xi32, #tpu.memory_space<smem>>
    %get3A_2576 = arith.index_cast %get3A_2573 : i32 to index
    %get3A_2577 = arith.constant 0 : index
    %get3A_2578 = arith.constant 0 : index
    %get3A_2579 = vector.load %arg13[%get3A_2576, %get3A_2577, %get3A_2578] : memref<21x256x128xf32, #tpu.memory_space<vmem>>, vector<1x256x128xf32>
    %get3A_2580 = arith.index_cast %get3A_2575 : i32 to index
    %get3A_2581 = arith.constant 0 : index
    %get3A_2582 = arith.constant 0 : index
    %get3A_2583 = vector.load %arg14[%get3A_2580, %get3A_2581, %get3A_2582] : memref<21x256x128xf32, #tpu.memory_space<vmem>>, vector<1x256x128xf32>
    %add3A_2584 = arith.addf %get3A_2579, %get3A_2583 : vector<1x256x128xf32>
    %mul3A_2585 = arith.constant 5.000000e-01 : f32
    %mul3A_2586 = vector.broadcast %mul3A_2585 : f32 to vector<1x256x128xf32>
    %mul3A_2587 = arith.mulf %mul3A_2586, %add3A_2584 : vector<1x256x128xf32>
    %mul3A_2588 = arith.constant 0.707106769 : f32
    %mul3A_2589 = vector.broadcast %mul3A_2588 : f32 to vector<1x256x128xf32>
    %mul3A_2590 = arith.mulf %add3A_2584, %mul3A_2589 : vector<1x256x128xf32>
    %erf3A_2591 = math.erf %mul3A_2590 : vector<1x256x128xf32>
    %add3A_2592 = arith.constant 1.000000e+00 : f32
    %add3A_2593 = vector.broadcast %add3A_2592 : f32 to vector<1x256x128xf32>
    %add3A_2594 = arith.addf %add3A_2593, %erf3A_2591 : vector<1x256x128xf32>
    %mul3A_2595 = arith.mulf %mul3A_2587, %add3A_2594 : vector<1x256x128xf32>
    %mul3A_2596 = vector.broadcast %reshape3A : vector<1x1x128xf32> to vector<1x256x128xf32>
    %mul3A_2597 = arith.mulf %mul3A_2595, %mul3A_2596 : vector<1x256x128xf32>
    %reduce_sum3A_2598 = arith.constant dense<0.000000e+00> : vector<1x256xf32>
    %reduce_sum3A_2599 = vector.multi_reduction <add>, %mul3A_2597, %reduce_sum3A_2598 [2] : vector<1x256x128xf32> to vector<1x256xf32>
    %broadcast_in_dim3A_2600 = vector.shape_cast %reduce_sum3A_2599 : vector<1x256xf32> to vector<1x256x1xf32>
    %add3A_2601 = vector.broadcast %get3A_18 : f32 to vector<1x256x1xf32>
    %add3A_2602 = arith.addf %broadcast_in_dim3A_2600, %add3A_2601 : vector<1x256x1xf32>
    %logistic3A_2603 = arith.negf %add3A_2602 : vector<1x256x1xf32>
    %logistic3A_2604 = math.exp %logistic3A_2603 : vector<1x256x1xf32>
    %logistic3A_2605 = arith.constant 1.000000e+00 : f32
    %logistic3A_2606 = vector.broadcast %logistic3A_2605 : f32 to vector<1x256x1xf32>
    %logistic3A_2607 = arith.addf %logistic3A_2606, %logistic3A_2604 : vector<1x256x1xf32>
    %logistic3A_2608 = arith.divf %logistic3A_2606, %logistic3A_2607 : vector<1x256x1xf32>
    %get3A_2609 = arith.index_cast %get3A_2575 : i32 to index
    %get3A_2610 = arith.constant 0 : index
    %get3A_2611 = arith.constant 0 : index
    %get3A_2612 = vector.load %arg15[%get3A_2609, %get3A_2610, %get3A_2611] : memref<21x256x128xf32, #tpu.memory_space<vmem>>, vector<1x256x128xf32>
    %get3A_2613 = arith.index_cast %get3A_2573 : i32 to index
    %get3A_2614 = arith.constant 0 : index
    %get3A_2615 = arith.constant 0 : index
    %get3A_2616 = vector.load %arg12[%get3A_2613, %get3A_2614, %get3A_2615] : memref<21x256x128xf32, #tpu.memory_space<vmem>>, vector<1x256x128xf32>
    %mul3A_2617 = vector.broadcast %logistic3A_2608 : vector<1x256x1xf32> to vector<1x256x128xf32>
    %mul3A_2618 = arith.mulf %mul3A_2617, %get3A_2616 : vector<1x256x128xf32>
    %add3A_2619 = arith.addf %get3A_2612, %mul3A_2618 : vector<1x256x128xf32>
    %swap3A_2620 = arith.index_cast %get3A_2575 : i32 to index
    %swap3A_2621 = arith.constant 0 : index
    %swap3A_2622 = arith.constant 0 : index
    %swap3A_2623 = vector.load %arg15[%swap3A_2620, %swap3A_2621, %swap3A_2622] : memref<21x256x128xf32, #tpu.memory_space<vmem>>, vector<1x256x128xf32>
    tpu.vector_store %arg15[%swap3A_2620, %swap3A_2621, %swap3A_2622], %add3A_2619 {strides = array<i32>} : memref<21x256x128xf32, #tpu.memory_space<vmem>>, vector<1x256x128xf32>,
    %get3A_2624 = arith.constant 28 : index
    %get3A_2625 = memref.load %arg2[%get3A_2624] : memref<42xi32, #tpu.memory_space<smem>>
    %get3A_2626 = arith.constant 28 : index
    %get3A_2627 = memref.load %arg3[%get3A_2626] : memref<42xi32, #tpu.memory_space<smem>>
    %get3A_2628 = arith.index_cast %get3A_2625 : i32 to index
    %get3A_2629 = arith.constant 0 : index
    %get3A_2630 = arith.constant 0 : index
    %get3A_2631 = vector.load %arg13[%get3A_2628, %get3A_2629, %get3A_2630] : memref<21x256x128xf32, #tpu.memory_space<vmem>>, vector<1x256x128xf32>
    %get3A_2632 = arith.index_cast %get3A_2627 : i32 to index
    %get3A_2633 = arith.constant 0 : index
    %get3A_2634 = arith.constant 0 : index
    %get3A_2635 = vector.load %arg14[%get3A_2632, %get3A_2633, %get3A_2634] : memref<21x256x128xf32, #tpu.memory_space<vmem>>, vector<1x256x128xf32>
    %add3A_2636 = arith.addf %get3A_2631, %get3A_2635 : vector<1x256x128xf32>
    %mul3A_2637 = arith.constant 5.000000e-01 : f32
    %mul3A_2638 = vector.broadcast %mul3A_2637 : f32 to vector<1x256x128xf32>
    %mul3A_2639 = arith.mulf %mul3A_2638, %add3A_2636 : vector<1x256x128xf32>
    %mul3A_2640 = arith.constant 0.707106769 : f32
    %mul3A_2641 = vector.broadcast %mul3A_2640 : f32 to vector<1x256x128xf32>
    %mul3A_2642 = arith.mulf %add3A_2636, %mul3A_2641 : vector<1x256x128xf32>
    %erf3A_2643 = math.erf %mul3A_2642 : vector<1x256x128xf32>
    %add3A_2644 = arith.constant 1.000000e+00 : f32
    %add3A_2645 = vector.broadcast %add3A_2644 : f32 to vector<1x256x128xf32>
    %add3A_2646 = arith.addf %add3A_2645, %erf3A_2643 : vector<1x256x128xf32>
    %mul3A_2647 = arith.mulf %mul3A_2639, %add3A_2646 : vector<1x256x128xf32>
    %mul3A_2648 = vector.broadcast %reshape3A : vector<1x1x128xf32> to vector<1x256x128xf32>
    %mul3A_2649 = arith.mulf %mul3A_2647, %mul3A_2648 : vector<1x256x128xf32>
    %reduce_sum3A_2650 = arith.constant dense<0.000000e+00> : vector<1x256xf32>
    %reduce_sum3A_2651 = vector.multi_reduction <add>, %mul3A_2649, %reduce_sum3A_2650 [2] : vector<1x256x128xf32> to vector<1x256xf32>
    %broadcast_in_dim3A_2652 = vector.shape_cast %reduce_sum3A_2651 : vector<1x256xf32> to vector<1x256x1xf32>
    %add3A_2653 = vector.broadcast %get3A_18 : f32 to vector<1x256x1xf32>
    %add3A_2654 = arith.addf %broadcast_in_dim3A_2652, %add3A_2653 : vector<1x256x1xf32>
    %logistic3A_2655 = arith.negf %add3A_2654 : vector<1x256x1xf32>
    %logistic3A_2656 = math.exp %logistic3A_2655 : vector<1x256x1xf32>
    %logistic3A_2657 = arith.constant 1.000000e+00 : f32
    %logistic3A_2658 = vector.broadcast %logistic3A_2657 : f32 to vector<1x256x1xf32>
    %logistic3A_2659 = arith.addf %logistic3A_2658, %logistic3A_2656 : vector<1x256x1xf32>
    %logistic3A_2660 = arith.divf %logistic3A_2658, %logistic3A_2659 : vector<1x256x1xf32>
    %get3A_2661 = arith.index_cast %get3A_2627 : i32 to index
    %get3A_2662 = arith.constant 0 : index
    %get3A_2663 = arith.constant 0 : index
    %get3A_2664 = vector.load %arg15[%get3A_2661, %get3A_2662, %get3A_2663] : memref<21x256x128xf32, #tpu.memory_space<vmem>>, vector<1x256x128xf32>
    %get3A_2665 = arith.index_cast %get3A_2625 : i32 to index
    %get3A_2666 = arith.constant 0 : index
    %get3A_2667 = arith.constant 0 : index
    %get3A_2668 = vector.load %arg12[%get3A_2665, %get3A_2666, %get3A_2667] : memref<21x256x128xf32, #tpu.memory_space<vmem>>, vector<1x256x128xf32>
    %mul3A_2669 = vector.broadcast %logistic3A_2660 : vector<1x256x1xf32> to vector<1x256x128xf32>
    %mul3A_2670 = arith.mulf %mul3A_2669, %get3A_2668 : vector<1x256x128xf32>
    %add3A_2671 = arith.addf %get3A_2664, %mul3A_2670 : vector<1x256x128xf32>
    %swap3A_2672 = arith.index_cast %get3A_2627 : i32 to index
    %swap3A_2673 = arith.constant 0 : index
    %swap3A_2674 = arith.constant 0 : index
    %swap3A_2675 = vector.load %arg15[%swap3A_2672, %swap3A_2673, %swap3A_2674] : memref<21x256x128xf32, #tpu.memory_space<vmem>>, vector<1x256x128xf32>
    tpu.vector_store %arg15[%swap3A_2672, %swap3A_2673, %swap3A_2674], %add3A_2671 {strides = array<i32>} : memref<21x256x128xf32, #tpu.memory_space<vmem>>, vector<1x256x128xf32>,
    %get3A_2676 = arith.constant 29 : index
    %get3A_2677 = memref.load %arg2[%get3A_2676] : memref<42xi32, #tpu.memory_space<smem>>
    %get3A_2678 = arith.constant 29 : index
    %get3A_2679 = memref.load %arg3[%get3A_2678] : memref<42xi32, #tpu.memory_space<smem>>
    %get3A_2680 = arith.index_cast %get3A_2677 : i32 to index
    %get3A_2681 = arith.constant 0 : index
    %get3A_2682 = arith.constant 0 : index
    %get3A_2683 = vector.load %arg13[%get3A_2680, %get3A_2681, %get3A_2682] : memref<21x256x128xf32, #tpu.memory_space<vmem>>, vector<1x256x128xf32>
    %get3A_2684 = arith.index_cast %get3A_2679 : i32 to index
    %get3A_2685 = arith.constant 0 : index
    %get3A_2686 = arith.constant 0 : index
    %get3A_2687 = vector.load %arg14[%get3A_2684, %get3A_2685, %get3A_2686] : memref<21x256x128xf32, #tpu.memory_space<vmem>>, vector<1x256x128xf32>
    %add3A_2688 = arith.addf %get3A_2683, %get3A_2687 : vector<1x256x128xf32>
    %mul3A_2689 = arith.constant 5.000000e-01 : f32
    %mul3A_2690 = vector.broadcast %mul3A_2689 : f32 to vector<1x256x128xf32>
    %mul3A_2691 = arith.mulf %mul3A_2690, %add3A_2688 : vector<1x256x128xf32>
    %mul3A_2692 = arith.constant 0.707106769 : f32
    %mul3A_2693 = vector.broadcast %mul3A_2692 : f32 to vector<1x256x128xf32>
    %mul3A_2694 = arith.mulf %add3A_2688, %mul3A_2693 : vector<1x256x128xf32>
    %erf3A_2695 = math.erf %mul3A_2694 : vector<1x256x128xf32>
    %add3A_2696 = arith.constant 1.000000e+00 : f32
    %add3A_2697 = vector.broadcast %add3A_2696 : f32 to vector<1x256x128xf32>
    %add3A_2698 = arith.addf %add3A_2697, %erf3A_2695 : vector<1x256x128xf32>
    %mul3A_2699 = arith.mulf %mul3A_2691, %add3A_2698 : vector<1x256x128xf32>
    %mul3A_2700 = vector.broadcast %reshape3A : vector<1x1x128xf32> to vector<1x256x128xf32>
    %mul3A_2701 = arith.mulf %mul3A_2699, %mul3A_2700 : vector<1x256x128xf32>
    %reduce_sum3A_2702 = arith.constant dense<0.000000e+00> : vector<1x256xf32>
    %reduce_sum3A_2703 = vector.multi_reduction <add>, %mul3A_2701, %reduce_sum3A_2702 [2] : vector<1x256x128xf32> to vector<1x256xf32>
    %broadcast_in_dim3A_2704 = vector.shape_cast %reduce_sum3A_2703 : vector<1x256xf32> to vector<1x256x1xf32>
    %add3A_2705 = vector.broadcast %get3A_18 : f32 to vector<1x256x1xf32>
    %add3A_2706 = arith.addf %broadcast_in_dim3A_2704, %add3A_2705 : vector<1x256x1xf32>
    %logistic3A_2707 = arith.negf %add3A_2706 : vector<1x256x1xf32>
    %logistic3A_2708 = math.exp %logistic3A_2707 : vector<1x256x1xf32>
    %logistic3A_2709 = arith.constant 1.000000e+00 : f32
    %logistic3A_2710 = vector.broadcast %logistic3A_2709 : f32 to vector<1x256x1xf32>
    %logistic3A_2711 = arith.addf %logistic3A_2710, %logistic3A_2708 : vector<1x256x1xf32>
    %logistic3A_2712 = arith.divf %logistic3A_2710, %logistic3A_2711 : vector<1x256x1xf32>
    %get3A_2713 = arith.index_cast %get3A_2679 : i32 to index
    %get3A_2714 = arith.constant 0 : index
    %get3A_2715 = arith.constant 0 : index
    %get3A_2716 = vector.load %arg15[%get3A_2713, %get3A_2714, %get3A_2715] : memref<21x256x128xf32, #tpu.memory_space<vmem>>, vector<1x256x128xf32>
    %get3A_2717 = arith.index_cast %get3A_2677 : i32 to index
    %get3A_2718 = arith.constant 0 : index
    %get3A_2719 = arith.constant 0 : index
    %get3A_2720 = vector.load %arg12[%get3A_2717, %get3A_2718, %get3A_2719] : memref<21x256x128xf32, #tpu.memory_space<vmem>>, vector<1x256x128xf32>
    %mul3A_2721 = vector.broadcast %logistic3A_2712 : vector<1x256x1xf32> to vector<1x256x128xf32>
    %mul3A_2722 = arith.mulf %mul3A_2721, %get3A_2720 : vector<1x256x128xf32>
    %add3A_2723 = arith.addf %get3A_2716, %mul3A_2722 : vector<1x256x128xf32>
    %swap3A_2724 = arith.index_cast %get3A_2679 : i32 to index
    %swap3A_2725 = arith.constant 0 : index
    %swap3A_2726 = arith.constant 0 : index
    %swap3A_2727 = vector.load %arg15[%swap3A_2724, %swap3A_2725, %swap3A_2726] : memref<21x256x128xf32, #tpu.memory_space<vmem>>, vector<1x256x128xf32>
    tpu.vector_store %arg15[%swap3A_2724, %swap3A_2725, %swap3A_2726], %add3A_2723 {strides = array<i32>} : memref<21x256x128xf32, #tpu.memory_space<vmem>>, vector<1x256x128xf32>,
    %get3A_2728 = arith.constant 30 : index
    %get3A_2729 = memref.load %arg2[%get3A_2728] : memref<42xi32, #tpu.memory_space<smem>>
    %get3A_2730 = arith.constant 30 : index
    %get3A_2731 = memref.load %arg3[%get3A_2730] : memref<42xi32, #tpu.memory_space<smem>>
    %get3A_2732 = arith.index_cast %get3A_2729 : i32 to index
    %get3A_2733 = arith.constant 0 : index
    %get3A_2734 = arith.constant 0 : index
    %get3A_2735 = vector.load %arg13[%get3A_2732, %get3A_2733, %get3A_2734] : memref<21x256x128xf32, #tpu.memory_space<vmem>>, vector<1x256x128xf32>
    %get3A_2736 = arith.index_cast %get3A_2731 : i32 to index
    %get3A_2737 = arith.constant 0 : index
    %get3A_2738 = arith.constant 0 : index
    %get3A_2739 = vector.load %arg14[%get3A_2736, %get3A_2737, %get3A_2738] : memref<21x256x128xf32, #tpu.memory_space<vmem>>, vector<1x256x128xf32>
    %add3A_2740 = arith.addf %get3A_2735, %get3A_2739 : vector<1x256x128xf32>
    %mul3A_2741 = arith.constant 5.000000e-01 : f32
    %mul3A_2742 = vector.broadcast %mul3A_2741 : f32 to vector<1x256x128xf32>
    %mul3A_2743 = arith.mulf %mul3A_2742, %add3A_2740 : vector<1x256x128xf32>
    %mul3A_2744 = arith.constant 0.707106769 : f32
    %mul3A_2745 = vector.broadcast %mul3A_2744 : f32 to vector<1x256x128xf32>
    %mul3A_2746 = arith.mulf %add3A_2740, %mul3A_2745 : vector<1x256x128xf32>
    %erf3A_2747 = math.erf %mul3A_2746 : vector<1x256x128xf32>
    %add3A_2748 = arith.constant 1.000000e+00 : f32
    %add3A_2749 = vector.broadcast %add3A_2748 : f32 to vector<1x256x128xf32>
    %add3A_2750 = arith.addf %add3A_2749, %erf3A_2747 : vector<1x256x128xf32>
    %mul3A_2751 = arith.mulf %mul3A_2743, %add3A_2750 : vector<1x256x128xf32>
    %mul3A_2752 = vector.broadcast %reshape3A : vector<1x1x128xf32> to vector<1x256x128xf32>
    %mul3A_2753 = arith.mulf %mul3A_2751, %mul3A_2752 : vector<1x256x128xf32>
    %reduce_sum3A_2754 = arith.constant dense<0.000000e+00> : vector<1x256xf32>
    %reduce_sum3A_2755 = vector.multi_reduction <add>, %mul3A_2753, %reduce_sum3A_2754 [2] : vector<1x256x128xf32> to vector<1x256xf32>
    %broadcast_in_dim3A_2756 = vector.shape_cast %reduce_sum3A_2755 : vector<1x256xf32> to vector<1x256x1xf32>
    %add3A_2757 = vector.broadcast %get3A_18 : f32 to vector<1x256x1xf32>
    %add3A_2758 = arith.addf %broadcast_in_dim3A_2756, %add3A_2757 : vector<1x256x1xf32>
    %logistic3A_2759 = arith.negf %add3A_2758 : vector<1x256x1xf32>
    %logistic3A_2760 = math.exp %logistic3A_2759 : vector<1x256x1xf32>
    %logistic3A_2761 = arith.constant 1.000000e+00 : f32
    %logistic3A_2762 = vector.broadcast %logistic3A_2761 : f32 to vector<1x256x1xf32>
    %logistic3A_2763 = arith.addf %logistic3A_2762, %logistic3A_2760 : vector<1x256x1xf32>
    %logistic3A_2764 = arith.divf %logistic3A_2762, %logistic3A_2763 : vector<1x256x1xf32>
    %get3A_2765 = arith.index_cast %get3A_2731 : i32 to index
    %get3A_2766 = arith.constant 0 : index
    %get3A_2767 = arith.constant 0 : index
    %get3A_2768 = vector.load %arg15[%get3A_2765, %get3A_2766, %get3A_2767] : memref<21x256x128xf32, #tpu.memory_space<vmem>>, vector<1x256x128xf32>
    %get3A_2769 = arith.index_cast %get3A_2729 : i32 to index
    %get3A_2770 = arith.constant 0 : index
    %get3A_2771 = arith.constant 0 : index
    %get3A_2772 = vector.load %arg12[%get3A_2769, %get3A_2770, %get3A_2771] : memref<21x256x128xf32, #tpu.memory_space<vmem>>, vector<1x256x128xf32>
    %mul3A_2773 = vector.broadcast %logistic3A_2764 : vector<1x256x1xf32> to vector<1x256x128xf32>
    %mul3A_2774 = arith.mulf %mul3A_2773, %get3A_2772 : vector<1x256x128xf32>
    %add3A_2775 = arith.addf %get3A_2768, %mul3A_2774 : vector<1x256x128xf32>
    %swap3A_2776 = arith.index_cast %get3A_2731 : i32 to index
    %swap3A_2777 = arith.constant 0 : index
    %swap3A_2778 = arith.constant 0 : index
    %swap3A_2779 = vector.load %arg15[%swap3A_2776, %swap3A_2777, %swap3A_2778] : memref<21x256x128xf32, #tpu.memory_space<vmem>>, vector<1x256x128xf32>
    tpu.vector_store %arg15[%swap3A_2776, %swap3A_2777, %swap3A_2778], %add3A_2775 {strides = array<i32>} : memref<21x256x128xf32, #tpu.memory_space<vmem>>, vector<1x256x128xf32>,
    %get3A_2780 = arith.constant 31 : index
    %get3A_2781 = memref.load %arg2[%get3A_2780] : memref<42xi32, #tpu.memory_space<smem>>
    %get3A_2782 = arith.constant 31 : index
    %get3A_2783 = memref.load %arg3[%get3A_2782] : memref<42xi32, #tpu.memory_space<smem>>
    %get3A_2784 = arith.index_cast %get3A_2781 : i32 to index
    %get3A_2785 = arith.constant 0 : index
    %get3A_2786 = arith.constant 0 : index
    %get3A_2787 = vector.load %arg13[%get3A_2784, %get3A_2785, %get3A_2786] : memref<21x256x128xf32, #tpu.memory_space<vmem>>, vector<1x256x128xf32>
    %get3A_2788 = arith.index_cast %get3A_2783 : i32 to index
    %get3A_2789 = arith.constant 0 : index
    %get3A_2790 = arith.constant 0 : index
    %get3A_2791 = vector.load %arg14[%get3A_2788, %get3A_2789, %get3A_2790] : memref<21x256x128xf32, #tpu.memory_space<vmem>>, vector<1x256x128xf32>
    %add3A_2792 = arith.addf %get3A_2787, %get3A_2791 : vector<1x256x128xf32>
    %mul3A_2793 = arith.constant 5.000000e-01 : f32
    %mul3A_2794 = vector.broadcast %mul3A_2793 : f32 to vector<1x256x128xf32>
    %mul3A_2795 = arith.mulf %mul3A_2794, %add3A_2792 : vector<1x256x128xf32>
    %mul3A_2796 = arith.constant 0.707106769 : f32
    %mul3A_2797 = vector.broadcast %mul3A_2796 : f32 to vector<1x256x128xf32>
    %mul3A_2798 = arith.mulf %add3A_2792, %mul3A_2797 : vector<1x256x128xf32>
    %erf3A_2799 = math.erf %mul3A_2798 : vector<1x256x128xf32>
    %add3A_2800 = arith.constant 1.000000e+00 : f32
    %add3A_2801 = vector.broadcast %add3A_2800 : f32 to vector<1x256x128xf32>
    %add3A_2802 = arith.addf %add3A_2801, %erf3A_2799 : vector<1x256x128xf32>
    %mul3A_2803 = arith.mulf %mul3A_2795, %add3A_2802 : vector<1x256x128xf32>
    %mul3A_2804 = vector.broadcast %reshape3A : vector<1x1x128xf32> to vector<1x256x128xf32>
    %mul3A_2805 = arith.mulf %mul3A_2803, %mul3A_2804 : vector<1x256x128xf32>
    %reduce_sum3A_2806 = arith.constant dense<0.000000e+00> : vector<1x256xf32>
    %reduce_sum3A_2807 = vector.multi_reduction <add>, %mul3A_2805, %reduce_sum3A_2806 [2] : vector<1x256x128xf32> to vector<1x256xf32>
    %broadcast_in_dim3A_2808 = vector.shape_cast %reduce_sum3A_2807 : vector<1x256xf32> to vector<1x256x1xf32>
    %add3A_2809 = vector.broadcast %get3A_18 : f32 to vector<1x256x1xf32>
    %add3A_2810 = arith.addf %broadcast_in_dim3A_2808, %add3A_2809 : vector<1x256x1xf32>
    %logistic3A_2811 = arith.negf %add3A_2810 : vector<1x256x1xf32>
    %logistic3A_2812 = math.exp %logistic3A_2811 : vector<1x256x1xf32>
    %logistic3A_2813 = arith.constant 1.000000e+00 : f32
    %logistic3A_2814 = vector.broadcast %logistic3A_2813 : f32 to vector<1x256x1xf32>
    %logistic3A_2815 = arith.addf %logistic3A_2814, %logistic3A_2812 : vector<1x256x1xf32>
    %logistic3A_2816 = arith.divf %logistic3A_2814, %logistic3A_2815 : vector<1x256x1xf32>
    %get3A_2817 = arith.index_cast %get3A_2783 : i32 to index
    %get3A_2818 = arith.constant 0 : index
    %get3A_2819 = arith.constant 0 : index
    %get3A_2820 = vector.load %arg15[%get3A_2817, %get3A_2818, %get3A_2819] : memref<21x256x128xf32, #tpu.memory_space<vmem>>, vector<1x256x128xf32>
    %get3A_2821 = arith.index_cast %get3A_2781 : i32 to index
    %get3A_2822 = arith.constant 0 : index
    %get3A_2823 = arith.constant 0 : index
    %get3A_2824 = vector.load %arg12[%get3A_2821, %get3A_2822, %get3A_2823] : memref<21x256x128xf32, #tpu.memory_space<vmem>>, vector<1x256x128xf32>
    %mul3A_2825 = vector.broadcast %logistic3A_2816 : vector<1x256x1xf32> to vector<1x256x128xf32>
    %mul3A_2826 = arith.mulf %mul3A_2825, %get3A_2824 : vector<1x256x128xf32>
    %add3A_2827 = arith.addf %get3A_2820, %mul3A_2826 : vector<1x256x128xf32>
    %swap3A_2828 = arith.index_cast %get3A_2783 : i32 to index
    %swap3A_2829 = arith.constant 0 : index
    %swap3A_2830 = arith.constant 0 : index
    %swap3A_2831 = vector.load %arg15[%swap3A_2828, %swap3A_2829, %swap3A_2830] : memref<21x256x128xf32, #tpu.memory_space<vmem>>, vector<1x256x128xf32>
    tpu.vector_store %arg15[%swap3A_2828, %swap3A_2829, %swap3A_2830], %add3A_2827 {strides = array<i32>} : memref<21x256x128xf32, #tpu.memory_space<vmem>>, vector<1x256x128xf32>,
    %get3A_2832 = arith.constant 32 : index
    %get3A_2833 = memref.load %arg2[%get3A_2832] : memref<42xi32, #tpu.memory_space<smem>>
    %get3A_2834 = arith.constant 32 : index
    %get3A_2835 = memref.load %arg3[%get3A_2834] : memref<42xi32, #tpu.memory_space<smem>>
    %get3A_2836 = arith.index_cast %get3A_2833 : i32 to index
    %get3A_2837 = arith.constant 0 : index
    %get3A_2838 = arith.constant 0 : index
    %get3A_2839 = vector.load %arg13[%get3A_2836, %get3A_2837, %get3A_2838] : memref<21x256x128xf32, #tpu.memory_space<vmem>>, vector<1x256x128xf32>
    %get3A_2840 = arith.index_cast %get3A_2835 : i32 to index
    %get3A_2841 = arith.constant 0 : index
    %get3A_2842 = arith.constant 0 : index
    %get3A_2843 = vector.load %arg14[%get3A_2840, %get3A_2841, %get3A_2842] : memref<21x256x128xf32, #tpu.memory_space<vmem>>, vector<1x256x128xf32>
    %add3A_2844 = arith.addf %get3A_2839, %get3A_2843 : vector<1x256x128xf32>
    %mul3A_2845 = arith.constant 5.000000e-01 : f32
    %mul3A_2846 = vector.broadcast %mul3A_2845 : f32 to vector<1x256x128xf32>
    %mul3A_2847 = arith.mulf %mul3A_2846, %add3A_2844 : vector<1x256x128xf32>
    %mul3A_2848 = arith.constant 0.707106769 : f32
    %mul3A_2849 = vector.broadcast %mul3A_2848 : f32 to vector<1x256x128xf32>
    %mul3A_2850 = arith.mulf %add3A_2844, %mul3A_2849 : vector<1x256x128xf32>
    %erf3A_2851 = math.erf %mul3A_2850 : vector<1x256x128xf32>
    %add3A_2852 = arith.constant 1.000000e+00 : f32
    %add3A_2853 = vector.broadcast %add3A_2852 : f32 to vector<1x256x128xf32>
    %add3A_2854 = arith.addf %add3A_2853, %erf3A_2851 : vector<1x256x128xf32>
    %mul3A_2855 = arith.mulf %mul3A_2847, %add3A_2854 : vector<1x256x128xf32>
    %mul3A_2856 = vector.broadcast %reshape3A : vector<1x1x128xf32> to vector<1x256x128xf32>
    %mul3A_2857 = arith.mulf %mul3A_2855, %mul3A_2856 : vector<1x256x128xf32>
    %reduce_sum3A_2858 = arith.constant dense<0.000000e+00> : vector<1x256xf32>
    %reduce_sum3A_2859 = vector.multi_reduction <add>, %mul3A_2857, %reduce_sum3A_2858 [2] : vector<1x256x128xf32> to vector<1x256xf32>
    %broadcast_in_dim3A_2860 = vector.shape_cast %reduce_sum3A_2859 : vector<1x256xf32> to vector<1x256x1xf32>
    %add3A_2861 = vector.broadcast %get3A_18 : f32 to vector<1x256x1xf32>
    %add3A_2862 = arith.addf %broadcast_in_dim3A_2860, %add3A_2861 : vector<1x256x1xf32>
    %logistic3A_2863 = arith.negf %add3A_2862 : vector<1x256x1xf32>
    %logistic3A_2864 = math.exp %logistic3A_2863 : vector<1x256x1xf32>
    %logistic3A_2865 = arith.constant 1.000000e+00 : f32
    %logistic3A_2866 = vector.broadcast %logistic3A_2865 : f32 to vector<1x256x1xf32>
    %logistic3A_2867 = arith.addf %logistic3A_2866, %logistic3A_2864 : vector<1x256x1xf32>
    %logistic3A_2868 = arith.divf %logistic3A_2866, %logistic3A_2867 : vector<1x256x1xf32>
    %get3A_2869 = arith.index_cast %get3A_2835 : i32 to index
    %get3A_2870 = arith.constant 0 : index
    %get3A_2871 = arith.constant 0 : index
    %get3A_2872 = vector.load %arg15[%get3A_2869, %get3A_2870, %get3A_2871] : memref<21x256x128xf32, #tpu.memory_space<vmem>>, vector<1x256x128xf32>
    %get3A_2873 = arith.index_cast %get3A_2833 : i32 to index
    %get3A_2874 = arith.constant 0 : index
    %get3A_2875 = arith.constant 0 : index
    %get3A_2876 = vector.load %arg12[%get3A_2873, %get3A_2874, %get3A_2875] : memref<21x256x128xf32, #tpu.memory_space<vmem>>, vector<1x256x128xf32>
    %mul3A_2877 = vector.broadcast %logistic3A_2868 : vector<1x256x1xf32> to vector<1x256x128xf32>
    %mul3A_2878 = arith.mulf %mul3A_2877, %get3A_2876 : vector<1x256x128xf32>
    %add3A_2879 = arith.addf %get3A_2872, %mul3A_2878 : vector<1x256x128xf32>
    %swap3A_2880 = arith.index_cast %get3A_2835 : i32 to index
    %swap3A_2881 = arith.constant 0 : index
    %swap3A_2882 = arith.constant 0 : index
    %swap3A_2883 = vector.load %arg15[%swap3A_2880, %swap3A_2881, %swap3A_2882] : memref<21x256x128xf32, #tpu.memory_space<vmem>>, vector<1x256x128xf32>
    tpu.vector_store %arg15[%swap3A_2880, %swap3A_2881, %swap3A_2882], %add3A_2879 {strides = array<i32>} : memref<21x256x128xf32, #tpu.memory_space<vmem>>, vector<1x256x128xf32>,
    %get3A_2884 = arith.constant 33 : index
    %get3A_2885 = memref.load %arg2[%get3A_2884] : memref<42xi32, #tpu.memory_space<smem>>
    %get3A_2886 = arith.constant 33 : index
    %get3A_2887 = memref.load %arg3[%get3A_2886] : memref<42xi32, #tpu.memory_space<smem>>
    %get3A_2888 = arith.index_cast %get3A_2885 : i32 to index
    %get3A_2889 = arith.constant 0 : index
    %get3A_2890 = arith.constant 0 : index
    %get3A_2891 = vector.load %arg13[%get3A_2888, %get3A_2889, %get3A_2890] : memref<21x256x128xf32, #tpu.memory_space<vmem>>, vector<1x256x128xf32>
    %get3A_2892 = arith.index_cast %get3A_2887 : i32 to index
    %get3A_2893 = arith.constant 0 : index
    %get3A_2894 = arith.constant 0 : index
    %get3A_2895 = vector.load %arg14[%get3A_2892, %get3A_2893, %get3A_2894] : memref<21x256x128xf32, #tpu.memory_space<vmem>>, vector<1x256x128xf32>
    %add3A_2896 = arith.addf %get3A_2891, %get3A_2895 : vector<1x256x128xf32>
    %mul3A_2897 = arith.constant 5.000000e-01 : f32
    %mul3A_2898 = vector.broadcast %mul3A_2897 : f32 to vector<1x256x128xf32>
    %mul3A_2899 = arith.mulf %mul3A_2898, %add3A_2896 : vector<1x256x128xf32>
    %mul3A_2900 = arith.constant 0.707106769 : f32
    %mul3A_2901 = vector.broadcast %mul3A_2900 : f32 to vector<1x256x128xf32>
    %mul3A_2902 = arith.mulf %add3A_2896, %mul3A_2901 : vector<1x256x128xf32>
    %erf3A_2903 = math.erf %mul3A_2902 : vector<1x256x128xf32>
    %add3A_2904 = arith.constant 1.000000e+00 : f32
    %add3A_2905 = vector.broadcast %add3A_2904 : f32 to vector<1x256x128xf32>
    %add3A_2906 = arith.addf %add3A_2905, %erf3A_2903 : vector<1x256x128xf32>
    %mul3A_2907 = arith.mulf %mul3A_2899, %add3A_2906 : vector<1x256x128xf32>
    %mul3A_2908 = vector.broadcast %reshape3A : vector<1x1x128xf32> to vector<1x256x128xf32>
    %mul3A_2909 = arith.mulf %mul3A_2907, %mul3A_2908 : vector<1x256x128xf32>
    %reduce_sum3A_2910 = arith.constant dense<0.000000e+00> : vector<1x256xf32>
    %reduce_sum3A_2911 = vector.multi_reduction <add>, %mul3A_2909, %reduce_sum3A_2910 [2] : vector<1x256x128xf32> to vector<1x256xf32>
    %broadcast_in_dim3A_2912 = vector.shape_cast %reduce_sum3A_2911 : vector<1x256xf32> to vector<1x256x1xf32>
    %add3A_2913 = vector.broadcast %get3A_18 : f32 to vector<1x256x1xf32>
    %add3A_2914 = arith.addf %broadcast_in_dim3A_2912, %add3A_2913 : vector<1x256x1xf32>
    %logistic3A_2915 = arith.negf %add3A_2914 : vector<1x256x1xf32>
    %logistic3A_2916 = math.exp %logistic3A_2915 : vector<1x256x1xf32>
    %logistic3A_2917 = arith.constant 1.000000e+00 : f32
    %logistic3A_2918 = vector.broadcast %logistic3A_2917 : f32 to vector<1x256x1xf32>
    %logistic3A_2919 = arith.addf %logistic3A_2918, %logistic3A_2916 : vector<1x256x1xf32>
    %logistic3A_2920 = arith.divf %logistic3A_2918, %logistic3A_2919 : vector<1x256x1xf32>
    %get3A_2921 = arith.index_cast %get3A_2887 : i32 to index
    %get3A_2922 = arith.constant 0 : index
    %get3A_2923 = arith.constant 0 : index
    %get3A_2924 = vector.load %arg15[%get3A_2921, %get3A_2922, %get3A_2923] : memref<21x256x128xf32, #tpu.memory_space<vmem>>, vector<1x256x128xf32>
    %get3A_2925 = arith.index_cast %get3A_2885 : i32 to index
    %get3A_2926 = arith.constant 0 : index
    %get3A_2927 = arith.constant 0 : index
    %get3A_2928 = vector.load %arg12[%get3A_2925, %get3A_2926, %get3A_2927] : memref<21x256x128xf32, #tpu.memory_space<vmem>>, vector<1x256x128xf32>
    %mul3A_2929 = vector.broadcast %logistic3A_2920 : vector<1x256x1xf32> to vector<1x256x128xf32>
    %mul3A_2930 = arith.mulf %mul3A_2929, %get3A_2928 : vector<1x256x128xf32>
    %add3A_2931 = arith.addf %get3A_2924, %mul3A_2930 : vector<1x256x128xf32>
    %swap3A_2932 = arith.index_cast %get3A_2887 : i32 to index
    %swap3A_2933 = arith.constant 0 : index
    %swap3A_2934 = arith.constant 0 : index
    %swap3A_2935 = vector.load %arg15[%swap3A_2932, %swap3A_2933, %swap3A_2934] : memref<21x256x128xf32, #tpu.memory_space<vmem>>, vector<1x256x128xf32>
    tpu.vector_store %arg15[%swap3A_2932, %swap3A_2933, %swap3A_2934], %add3A_2931 {strides = array<i32>} : memref<21x256x128xf32, #tpu.memory_space<vmem>>, vector<1x256x128xf32>,
    %get3A_2936 = arith.constant 34 : index
    %get3A_2937 = memref.load %arg2[%get3A_2936] : memref<42xi32, #tpu.memory_space<smem>>
    %get3A_2938 = arith.constant 34 : index
    %get3A_2939 = memref.load %arg3[%get3A_2938] : memref<42xi32, #tpu.memory_space<smem>>
    %get3A_2940 = arith.index_cast %get3A_2937 : i32 to index
    %get3A_2941 = arith.constant 0 : index
    %get3A_2942 = arith.constant 0 : index
    %get3A_2943 = vector.load %arg13[%get3A_2940, %get3A_2941, %get3A_2942] : memref<21x256x128xf32, #tpu.memory_space<vmem>>, vector<1x256x128xf32>
    %get3A_2944 = arith.index_cast %get3A_2939 : i32 to index
    %get3A_2945 = arith.constant 0 : index
    %get3A_2946 = arith.constant 0 : index
    %get3A_2947 = vector.load %arg14[%get3A_2944, %get3A_2945, %get3A_2946] : memref<21x256x128xf32, #tpu.memory_space<vmem>>, vector<1x256x128xf32>
    %add3A_2948 = arith.addf %get3A_2943, %get3A_2947 : vector<1x256x128xf32>
    %mul3A_2949 = arith.constant 5.000000e-01 : f32
    %mul3A_2950 = vector.broadcast %mul3A_2949 : f32 to vector<1x256x128xf32>
    %mul3A_2951 = arith.mulf %mul3A_2950, %add3A_2948 : vector<1x256x128xf32>
    %mul3A_2952 = arith.constant 0.707106769 : f32
    %mul3A_2953 = vector.broadcast %mul3A_2952 : f32 to vector<1x256x128xf32>
    %mul3A_2954 = arith.mulf %add3A_2948, %mul3A_2953 : vector<1x256x128xf32>
    %erf3A_2955 = math.erf %mul3A_2954 : vector<1x256x128xf32>
    %add3A_2956 = arith.constant 1.000000e+00 : f32
    %add3A_2957 = vector.broadcast %add3A_2956 : f32 to vector<1x256x128xf32>
    %add3A_2958 = arith.addf %add3A_2957, %erf3A_2955 : vector<1x256x128xf32>
    %mul3A_2959 = arith.mulf %mul3A_2951, %add3A_2958 : vector<1x256x128xf32>
    %mul3A_2960 = vector.broadcast %reshape3A : vector<1x1x128xf32> to vector<1x256x128xf32>
    %mul3A_2961 = arith.mulf %mul3A_2959, %mul3A_2960 : vector<1x256x128xf32>
    %reduce_sum3A_2962 = arith.constant dense<0.000000e+00> : vector<1x256xf32>
    %reduce_sum3A_2963 = vector.multi_reduction <add>, %mul3A_2961, %reduce_sum3A_2962 [2] : vector<1x256x128xf32> to vector<1x256xf32>
    %broadcast_in_dim3A_2964 = vector.shape_cast %reduce_sum3A_2963 : vector<1x256xf32> to vector<1x256x1xf32>
    %add3A_2965 = vector.broadcast %get3A_18 : f32 to vector<1x256x1xf32>
    %add3A_2966 = arith.addf %broadcast_in_dim3A_2964, %add3A_2965 : vector<1x256x1xf32>
    %logistic3A_2967 = arith.negf %add3A_2966 : vector<1x256x1xf32>
    %logistic3A_2968 = math.exp %logistic3A_2967 : vector<1x256x1xf32>
    %logistic3A_2969 = arith.constant 1.000000e+00 : f32
    %logistic3A_2970 = vector.broadcast %logistic3A_2969 : f32 to vector<1x256x1xf32>
    %logistic3A_2971 = arith.addf %logistic3A_2970, %logistic3A_2968 : vector<1x256x1xf32>
    %logistic3A_2972 = arith.divf %logistic3A_2970, %logistic3A_2971 : vector<1x256x1xf32>
    %get3A_2973 = arith.index_cast %get3A_2939 : i32 to index
    %get3A_2974 = arith.constant 0 : index
    %get3A_2975 = arith.constant 0 : index
    %get3A_2976 = vector.load %arg15[%get3A_2973, %get3A_2974, %get3A_2975] : memref<21x256x128xf32, #tpu.memory_space<vmem>>, vector<1x256x128xf32>
    %get3A_2977 = arith.index_cast %get3A_2937 : i32 to index
    %get3A_2978 = arith.constant 0 : index
    %get3A_2979 = arith.constant 0 : index
    %get3A_2980 = vector.load %arg12[%get3A_2977, %get3A_2978, %get3A_2979] : memref<21x256x128xf32, #tpu.memory_space<vmem>>, vector<1x256x128xf32>
    %mul3A_2981 = vector.broadcast %logistic3A_2972 : vector<1x256x1xf32> to vector<1x256x128xf32>
    %mul3A_2982 = arith.mulf %mul3A_2981, %get3A_2980 : vector<1x256x128xf32>
    %add3A_2983 = arith.addf %get3A_2976, %mul3A_2982 : vector<1x256x128xf32>
    %swap3A_2984 = arith.index_cast %get3A_2939 : i32 to index
    %swap3A_2985 = arith.constant 0 : index
    %swap3A_2986 = arith.constant 0 : index
    %swap3A_2987 = vector.load %arg15[%swap3A_2984, %swap3A_2985, %swap3A_2986] : memref<21x256x128xf32, #tpu.memory_space<vmem>>, vector<1x256x128xf32>
    tpu.vector_store %arg15[%swap3A_2984, %swap3A_2985, %swap3A_2986], %add3A_2983 {strides = array<i32>} : memref<21x256x128xf32, #tpu.memory_space<vmem>>, vector<1x256x128xf32>,
    %get3A_2988 = arith.constant 35 : index
    %get3A_2989 = memref.load %arg2[%get3A_2988] : memref<42xi32, #tpu.memory_space<smem>>
    %get3A_2990 = arith.constant 35 : index
    %get3A_2991 = memref.load %arg3[%get3A_2990] : memref<42xi32, #tpu.memory_space<smem>>
    %get3A_2992 = arith.index_cast %get3A_2989 : i32 to index
    %get3A_2993 = arith.constant 0 : index
    %get3A_2994 = arith.constant 0 : index
    %get3A_2995 = vector.load %arg13[%get3A_2992, %get3A_2993, %get3A_2994] : memref<21x256x128xf32, #tpu.memory_space<vmem>>, vector<1x256x128xf32>
    %get3A_2996 = arith.index_cast %get3A_2991 : i32 to index
    %get3A_2997 = arith.constant 0 : index
    %get3A_2998 = arith.constant 0 : index
    %get3A_2999 = vector.load %arg14[%get3A_2996, %get3A_2997, %get3A_2998] : memref<21x256x128xf32, #tpu.memory_space<vmem>>, vector<1x256x128xf32>
    %add3A_3000 = arith.addf %get3A_2995, %get3A_2999 : vector<1x256x128xf32>
    %mul3A_3001 = arith.constant 5.000000e-01 : f32
    %mul3A_3002 = vector.broadcast %mul3A_3001 : f32 to vector<1x256x128xf32>
    %mul3A_3003 = arith.mulf %mul3A_3002, %add3A_3000 : vector<1x256x128xf32>
    %mul3A_3004 = arith.constant 0.707106769 : f32
    %mul3A_3005 = vector.broadcast %mul3A_3004 : f32 to vector<1x256x128xf32>
    %mul3A_3006 = arith.mulf %add3A_3000, %mul3A_3005 : vector<1x256x128xf32>
    %erf3A_3007 = math.erf %mul3A_3006 : vector<1x256x128xf32>
    %add3A_3008 = arith.constant 1.000000e+00 : f32
    %add3A_3009 = vector.broadcast %add3A_3008 : f32 to vector<1x256x128xf32>
    %add3A_3010 = arith.addf %add3A_3009, %erf3A_3007 : vector<1x256x128xf32>
    %mul3A_3011 = arith.mulf %mul3A_3003, %add3A_3010 : vector<1x256x128xf32>
    %mul3A_3012 = vector.broadcast %reshape3A : vector<1x1x128xf32> to vector<1x256x128xf32>
    %mul3A_3013 = arith.mulf %mul3A_3011, %mul3A_3012 : vector<1x256x128xf32>
    %reduce_sum3A_3014 = arith.constant dense<0.000000e+00> : vector<1x256xf32>
    %reduce_sum3A_3015 = vector.multi_reduction <add>, %mul3A_3013, %reduce_sum3A_3014 [2] : vector<1x256x128xf32> to vector<1x256xf32>
    %broadcast_in_dim3A_3016 = vector.shape_cast %reduce_sum3A_3015 : vector<1x256xf32> to vector<1x256x1xf32>
    %add3A_3017 = vector.broadcast %get3A_18 : f32 to vector<1x256x1xf32>
    %add3A_3018 = arith.addf %broadcast_in_dim3A_3016, %add3A_3017 : vector<1x256x1xf32>
    %logistic3A_3019 = arith.negf %add3A_3018 : vector<1x256x1xf32>
    %logistic3A_3020 = math.exp %logistic3A_3019 : vector<1x256x1xf32>
    %logistic3A_3021 = arith.constant 1.000000e+00 : f32
    %logistic3A_3022 = vector.broadcast %logistic3A_3021 : f32 to vector<1x256x1xf32>
    %logistic3A_3023 = arith.addf %logistic3A_3022, %logistic3A_3020 : vector<1x256x1xf32>
    %logistic3A_3024 = arith.divf %logistic3A_3022, %logistic3A_3023 : vector<1x256x1xf32>
    %get3A_3025 = arith.index_cast %get3A_2991 : i32 to index
    %get3A_3026 = arith.constant 0 : index
    %get3A_3027 = arith.constant 0 : index
    %get3A_3028 = vector.load %arg15[%get3A_3025, %get3A_3026, %get3A_3027] : memref<21x256x128xf32, #tpu.memory_space<vmem>>, vector<1x256x128xf32>
    %get3A_3029 = arith.index_cast %get3A_2989 : i32 to index
    %get3A_3030 = arith.constant 0 : index
    %get3A_3031 = arith.constant 0 : index
    %get3A_3032 = vector.load %arg12[%get3A_3029, %get3A_3030, %get3A_3031] : memref<21x256x128xf32, #tpu.memory_space<vmem>>, vector<1x256x128xf32>
    %mul3A_3033 = vector.broadcast %logistic3A_3024 : vector<1x256x1xf32> to vector<1x256x128xf32>
    %mul3A_3034 = arith.mulf %mul3A_3033, %get3A_3032 : vector<1x256x128xf32>
    %add3A_3035 = arith.addf %get3A_3028, %mul3A_3034 : vector<1x256x128xf32>
    %swap3A_3036 = arith.index_cast %get3A_2991 : i32 to index
    %swap3A_3037 = arith.constant 0 : index
    %swap3A_3038 = arith.constant 0 : index
    %swap3A_3039 = vector.load %arg15[%swap3A_3036, %swap3A_3037, %swap3A_3038] : memref<21x256x128xf32, #tpu.memory_space<vmem>>, vector<1x256x128xf32>
    tpu.vector_store %arg15[%swap3A_3036, %swap3A_3037, %swap3A_3038], %add3A_3035 {strides = array<i32>} : memref<21x256x128xf32, #tpu.memory_space<vmem>>, vector<1x256x128xf32>,
    %get3A_3040 = arith.constant 36 : index
    %get3A_3041 = memref.load %arg2[%get3A_3040] : memref<42xi32, #tpu.memory_space<smem>>
    %get3A_3042 = arith.constant 36 : index
    %get3A_3043 = memref.load %arg3[%get3A_3042] : memref<42xi32, #tpu.memory_space<smem>>
    %get3A_3044 = arith.index_cast %get3A_3041 : i32 to index
    %get3A_3045 = arith.constant 0 : index
    %get3A_3046 = arith.constant 0 : index
    %get3A_3047 = vector.load %arg13[%get3A_3044, %get3A_3045, %get3A_3046] : memref<21x256x128xf32, #tpu.memory_space<vmem>>, vector<1x256x128xf32>
    %get3A_3048 = arith.index_cast %get3A_3043 : i32 to index
    %get3A_3049 = arith.constant 0 : index
    %get3A_3050 = arith.constant 0 : index
    %get3A_3051 = vector.load %arg14[%get3A_3048, %get3A_3049, %get3A_3050] : memref<21x256x128xf32, #tpu.memory_space<vmem>>, vector<1x256x128xf32>
    %add3A_3052 = arith.addf %get3A_3047, %get3A_3051 : vector<1x256x128xf32>
    %mul3A_3053 = arith.constant 5.000000e-01 : f32
    %mul3A_3054 = vector.broadcast %mul3A_3053 : f32 to vector<1x256x128xf32>
    %mul3A_3055 = arith.mulf %mul3A_3054, %add3A_3052 : vector<1x256x128xf32>
    %mul3A_3056 = arith.constant 0.707106769 : f32
    %mul3A_3057 = vector.broadcast %mul3A_3056 : f32 to vector<1x256x128xf32>
    %mul3A_3058 = arith.mulf %add3A_3052, %mul3A_3057 : vector<1x256x128xf32>
    %erf3A_3059 = math.erf %mul3A_3058 : vector<1x256x128xf32>
    %add3A_3060 = arith.constant 1.000000e+00 : f32
    %add3A_3061 = vector.broadcast %add3A_3060 : f32 to vector<1x256x128xf32>
    %add3A_3062 = arith.addf %add3A_3061, %erf3A_3059 : vector<1x256x128xf32>
    %mul3A_3063 = arith.mulf %mul3A_3055, %add3A_3062 : vector<1x256x128xf32>
    %mul3A_3064 = vector.broadcast %reshape3A : vector<1x1x128xf32> to vector<1x256x128xf32>
    %mul3A_3065 = arith.mulf %mul3A_3063, %mul3A_3064 : vector<1x256x128xf32>
    %reduce_sum3A_3066 = arith.constant dense<0.000000e+00> : vector<1x256xf32>
    %reduce_sum3A_3067 = vector.multi_reduction <add>, %mul3A_3065, %reduce_sum3A_3066 [2] : vector<1x256x128xf32> to vector<1x256xf32>
    %broadcast_in_dim3A_3068 = vector.shape_cast %reduce_sum3A_3067 : vector<1x256xf32> to vector<1x256x1xf32>
    %add3A_3069 = vector.broadcast %get3A_18 : f32 to vector<1x256x1xf32>
    %add3A_3070 = arith.addf %broadcast_in_dim3A_3068, %add3A_3069 : vector<1x256x1xf32>
    %logistic3A_3071 = arith.negf %add3A_3070 : vector<1x256x1xf32>
    %logistic3A_3072 = math.exp %logistic3A_3071 : vector<1x256x1xf32>
    %logistic3A_3073 = arith.constant 1.000000e+00 : f32
    %logistic3A_3074 = vector.broadcast %logistic3A_3073 : f32 to vector<1x256x1xf32>
    %logistic3A_3075 = arith.addf %logistic3A_3074, %logistic3A_3072 : vector<1x256x1xf32>
    %logistic3A_3076 = arith.divf %logistic3A_3074, %logistic3A_3075 : vector<1x256x1xf32>
    %get3A_3077 = arith.index_cast %get3A_3043 : i32 to index
    %get3A_3078 = arith.constant 0 : index
    %get3A_3079 = arith.constant 0 : index
    %get3A_3080 = vector.load %arg15[%get3A_3077, %get3A_3078, %get3A_3079] : memref<21x256x128xf32, #tpu.memory_space<vmem>>, vector<1x256x128xf32>
    %get3A_3081 = arith.index_cast %get3A_3041 : i32 to index
    %get3A_3082 = arith.constant 0 : index
    %get3A_3083 = arith.constant 0 : index
    %get3A_3084 = vector.load %arg12[%get3A_3081, %get3A_3082, %get3A_3083] : memref<21x256x128xf32, #tpu.memory_space<vmem>>, vector<1x256x128xf32>
    %mul3A_3085 = vector.broadcast %logistic3A_3076 : vector<1x256x1xf32> to vector<1x256x128xf32>
    %mul3A_3086 = arith.mulf %mul3A_3085, %get3A_3084 : vector<1x256x128xf32>
    %add3A_3087 = arith.addf %get3A_3080, %mul3A_3086 : vector<1x256x128xf32>
    %swap3A_3088 = arith.index_cast %get3A_3043 : i32 to index
    %swap3A_3089 = arith.constant 0 : index
    %swap3A_3090 = arith.constant 0 : index
    %swap3A_3091 = vector.load %arg15[%swap3A_3088, %swap3A_3089, %swap3A_3090] : memref<21x256x128xf32, #tpu.memory_space<vmem>>, vector<1x256x128xf32>
    tpu.vector_store %arg15[%swap3A_3088, %swap3A_3089, %swap3A_3090], %add3A_3087 {strides = array<i32>} : memref<21x256x128xf32, #tpu.memory_space<vmem>>, vector<1x256x128xf32>,
    %get3A_3092 = arith.constant 37 : index
    %get3A_3093 = memref.load %arg2[%get3A_3092] : memref<42xi32, #tpu.memory_space<smem>>
    %get3A_3094 = arith.constant 37 : index
    %get3A_3095 = memref.load %arg3[%get3A_3094] : memref<42xi32, #tpu.memory_space<smem>>
    %get3A_3096 = arith.index_cast %get3A_3093 : i32 to index
    %get3A_3097 = arith.constant 0 : index
    %get3A_3098 = arith.constant 0 : index
    %get3A_3099 = vector.load %arg13[%get3A_3096, %get3A_3097, %get3A_3098] : memref<21x256x128xf32, #tpu.memory_space<vmem>>, vector<1x256x128xf32>
    %get3A_3100 = arith.index_cast %get3A_3095 : i32 to index
    %get3A_3101 = arith.constant 0 : index
    %get3A_3102 = arith.constant 0 : index
    %get3A_3103 = vector.load %arg14[%get3A_3100, %get3A_3101, %get3A_3102] : memref<21x256x128xf32, #tpu.memory_space<vmem>>, vector<1x256x128xf32>
    %add3A_3104 = arith.addf %get3A_3099, %get3A_3103 : vector<1x256x128xf32>
    %mul3A_3105 = arith.constant 5.000000e-01 : f32
    %mul3A_3106 = vector.broadcast %mul3A_3105 : f32 to vector<1x256x128xf32>
    %mul3A_3107 = arith.mulf %mul3A_3106, %add3A_3104 : vector<1x256x128xf32>
    %mul3A_3108 = arith.constant 0.707106769 : f32
    %mul3A_3109 = vector.broadcast %mul3A_3108 : f32 to vector<1x256x128xf32>
    %mul3A_3110 = arith.mulf %add3A_3104, %mul3A_3109 : vector<1x256x128xf32>
    %erf3A_3111 = math.erf %mul3A_3110 : vector<1x256x128xf32>
    %add3A_3112 = arith.constant 1.000000e+00 : f32
    %add3A_3113 = vector.broadcast %add3A_3112 : f32 to vector<1x256x128xf32>
    %add3A_3114 = arith.addf %add3A_3113, %erf3A_3111 : vector<1x256x128xf32>
    %mul3A_3115 = arith.mulf %mul3A_3107, %add3A_3114 : vector<1x256x128xf32>
    %mul3A_3116 = vector.broadcast %reshape3A : vector<1x1x128xf32> to vector<1x256x128xf32>
    %mul3A_3117 = arith.mulf %mul3A_3115, %mul3A_3116 : vector<1x256x128xf32>
    %reduce_sum3A_3118 = arith.constant dense<0.000000e+00> : vector<1x256xf32>
    %reduce_sum3A_3119 = vector.multi_reduction <add>, %mul3A_3117, %reduce_sum3A_3118 [2] : vector<1x256x128xf32> to vector<1x256xf32>
    %broadcast_in_dim3A_3120 = vector.shape_cast %reduce_sum3A_3119 : vector<1x256xf32> to vector<1x256x1xf32>
    %add3A_3121 = vector.broadcast %get3A_18 : f32 to vector<1x256x1xf32>
    %add3A_3122 = arith.addf %broadcast_in_dim3A_3120, %add3A_3121 : vector<1x256x1xf32>
    %logistic3A_3123 = arith.negf %add3A_3122 : vector<1x256x1xf32>
    %logistic3A_3124 = math.exp %logistic3A_3123 : vector<1x256x1xf32>
    %logistic3A_3125 = arith.constant 1.000000e+00 : f32
    %logistic3A_3126 = vector.broadcast %logistic3A_3125 : f32 to vector<1x256x1xf32>
    %logistic3A_3127 = arith.addf %logistic3A_3126, %logistic3A_3124 : vector<1x256x1xf32>
    %logistic3A_3128 = arith.divf %logistic3A_3126, %logistic3A_3127 : vector<1x256x1xf32>
    %get3A_3129 = arith.index_cast %get3A_3095 : i32 to index
    %get3A_3130 = arith.constant 0 : index
    %get3A_3131 = arith.constant 0 : index
    %get3A_3132 = vector.load %arg15[%get3A_3129, %get3A_3130, %get3A_3131] : memref<21x256x128xf32, #tpu.memory_space<vmem>>, vector<1x256x128xf32>
    %get3A_3133 = arith.index_cast %get3A_3093 : i32 to index
    %get3A_3134 = arith.constant 0 : index
    %get3A_3135 = arith.constant 0 : index
    %get3A_3136 = vector.load %arg12[%get3A_3133, %get3A_3134, %get3A_3135] : memref<21x256x128xf32, #tpu.memory_space<vmem>>, vector<1x256x128xf32>
    %mul3A_3137 = vector.broadcast %logistic3A_3128 : vector<1x256x1xf32> to vector<1x256x128xf32>
    %mul3A_3138 = arith.mulf %mul3A_3137, %get3A_3136 : vector<1x256x128xf32>
    %add3A_3139 = arith.addf %get3A_3132, %mul3A_3138 : vector<1x256x128xf32>
    %swap3A_3140 = arith.index_cast %get3A_3095 : i32 to index
    %swap3A_3141 = arith.constant 0 : index
    %swap3A_3142 = arith.constant 0 : index
    %swap3A_3143 = vector.load %arg15[%swap3A_3140, %swap3A_3141, %swap3A_3142] : memref<21x256x128xf32, #tpu.memory_space<vmem>>, vector<1x256x128xf32>
    tpu.vector_store %arg15[%swap3A_3140, %swap3A_3141, %swap3A_3142], %add3A_3139 {strides = array<i32>} : memref<21x256x128xf32, #tpu.memory_space<vmem>>, vector<1x256x128xf32>,
    %get3A_3144 = arith.constant 38 : index
    %get3A_3145 = memref.load %arg2[%get3A_3144] : memref<42xi32, #tpu.memory_space<smem>>
    %get3A_3146 = arith.constant 38 : index
    %get3A_3147 = memref.load %arg3[%get3A_3146] : memref<42xi32, #tpu.memory_space<smem>>
    %get3A_3148 = arith.index_cast %get3A_3145 : i32 to index
    %get3A_3149 = arith.constant 0 : index
    %get3A_3150 = arith.constant 0 : index
    %get3A_3151 = vector.load %arg13[%get3A_3148, %get3A_3149, %get3A_3150] : memref<21x256x128xf32, #tpu.memory_space<vmem>>, vector<1x256x128xf32>
    %get3A_3152 = arith.index_cast %get3A_3147 : i32 to index
    %get3A_3153 = arith.constant 0 : index
    %get3A_3154 = arith.constant 0 : index
    %get3A_3155 = vector.load %arg14[%get3A_3152, %get3A_3153, %get3A_3154] : memref<21x256x128xf32, #tpu.memory_space<vmem>>, vector<1x256x128xf32>
    %add3A_3156 = arith.addf %get3A_3151, %get3A_3155 : vector<1x256x128xf32>
    %mul3A_3157 = arith.constant 5.000000e-01 : f32
    %mul3A_3158 = vector.broadcast %mul3A_3157 : f32 to vector<1x256x128xf32>
    %mul3A_3159 = arith.mulf %mul3A_3158, %add3A_3156 : vector<1x256x128xf32>
    %mul3A_3160 = arith.constant 0.707106769 : f32
    %mul3A_3161 = vector.broadcast %mul3A_3160 : f32 to vector<1x256x128xf32>
    %mul3A_3162 = arith.mulf %add3A_3156, %mul3A_3161 : vector<1x256x128xf32>
    %erf3A_3163 = math.erf %mul3A_3162 : vector<1x256x128xf32>
    %add3A_3164 = arith.constant 1.000000e+00 : f32
    %add3A_3165 = vector.broadcast %add3A_3164 : f32 to vector<1x256x128xf32>
    %add3A_3166 = arith.addf %add3A_3165, %erf3A_3163 : vector<1x256x128xf32>
    %mul3A_3167 = arith.mulf %mul3A_3159, %add3A_3166 : vector<1x256x128xf32>
    %mul3A_3168 = vector.broadcast %reshape3A : vector<1x1x128xf32> to vector<1x256x128xf32>
    %mul3A_3169 = arith.mulf %mul3A_3167, %mul3A_3168 : vector<1x256x128xf32>
    %reduce_sum3A_3170 = arith.constant dense<0.000000e+00> : vector<1x256xf32>
    %reduce_sum3A_3171 = vector.multi_reduction <add>, %mul3A_3169, %reduce_sum3A_3170 [2] : vector<1x256x128xf32> to vector<1x256xf32>
    %broadcast_in_dim3A_3172 = vector.shape_cast %reduce_sum3A_3171 : vector<1x256xf32> to vector<1x256x1xf32>
    %add3A_3173 = vector.broadcast %get3A_18 : f32 to vector<1x256x1xf32>
    %add3A_3174 = arith.addf %broadcast_in_dim3A_3172, %add3A_3173 : vector<1x256x1xf32>
    %logistic3A_3175 = arith.negf %add3A_3174 : vector<1x256x1xf32>
    %logistic3A_3176 = math.exp %logistic3A_3175 : vector<1x256x1xf32>
    %logistic3A_3177 = arith.constant 1.000000e+00 : f32
    %logistic3A_3178 = vector.broadcast %logistic3A_3177 : f32 to vector<1x256x1xf32>
    %logistic3A_3179 = arith.addf %logistic3A_3178, %logistic3A_3176 : vector<1x256x1xf32>
    %logistic3A_3180 = arith.divf %logistic3A_3178, %logistic3A_3179 : vector<1x256x1xf32>
    %get3A_3181 = arith.index_cast %get3A_3147 : i32 to index
    %get3A_3182 = arith.constant 0 : index
    %get3A_3183 = arith.constant 0 : index
    %get3A_3184 = vector.load %arg15[%get3A_3181, %get3A_3182, %get3A_3183] : memref<21x256x128xf32, #tpu.memory_space<vmem>>, vector<1x256x128xf32>
    %get3A_3185 = arith.index_cast %get3A_3145 : i32 to index
    %get3A_3186 = arith.constant 0 : index
    %get3A_3187 = arith.constant 0 : index
    %get3A_3188 = vector.load %arg12[%get3A_3185, %get3A_3186, %get3A_3187] : memref<21x256x128xf32, #tpu.memory_space<vmem>>, vector<1x256x128xf32>
    %mul3A_3189 = vector.broadcast %logistic3A_3180 : vector<1x256x1xf32> to vector<1x256x128xf32>
    %mul3A_3190 = arith.mulf %mul3A_3189, %get3A_3188 : vector<1x256x128xf32>
    %add3A_3191 = arith.addf %get3A_3184, %mul3A_3190 : vector<1x256x128xf32>
    %swap3A_3192 = arith.index_cast %get3A_3147 : i32 to index
    %swap3A_3193 = arith.constant 0 : index
    %swap3A_3194 = arith.constant 0 : index
    %swap3A_3195 = vector.load %arg15[%swap3A_3192, %swap3A_3193, %swap3A_3194] : memref<21x256x128xf32, #tpu.memory_space<vmem>>, vector<1x256x128xf32>
    tpu.vector_store %arg15[%swap3A_3192, %swap3A_3193, %swap3A_3194], %add3A_3191 {strides = array<i32>} : memref<21x256x128xf32, #tpu.memory_space<vmem>>, vector<1x256x128xf32>,
    %get3A_3196 = arith.constant 39 : index
    %get3A_3197 = memref.load %arg2[%get3A_3196] : memref<42xi32, #tpu.memory_space<smem>>
    %get3A_3198 = arith.constant 39 : index
    %get3A_3199 = memref.load %arg3[%get3A_3198] : memref<42xi32, #tpu.memory_space<smem>>
    %get3A_3200 = arith.index_cast %get3A_3197 : i32 to index
    %get3A_3201 = arith.constant 0 : index
    %get3A_3202 = arith.constant 0 : index
    %get3A_3203 = vector.load %arg13[%get3A_3200, %get3A_3201, %get3A_3202] : memref<21x256x128xf32, #tpu.memory_space<vmem>>, vector<1x256x128xf32>
    %get3A_3204 = arith.index_cast %get3A_3199 : i32 to index
    %get3A_3205 = arith.constant 0 : index
    %get3A_3206 = arith.constant 0 : index
    %get3A_3207 = vector.load %arg14[%get3A_3204, %get3A_3205, %get3A_3206] : memref<21x256x128xf32, #tpu.memory_space<vmem>>, vector<1x256x128xf32>
    %add3A_3208 = arith.addf %get3A_3203, %get3A_3207 : vector<1x256x128xf32>
    %mul3A_3209 = arith.constant 5.000000e-01 : f32
    %mul3A_3210 = vector.broadcast %mul3A_3209 : f32 to vector<1x256x128xf32>
    %mul3A_3211 = arith.mulf %mul3A_3210, %add3A_3208 : vector<1x256x128xf32>
    %mul3A_3212 = arith.constant 0.707106769 : f32
    %mul3A_3213 = vector.broadcast %mul3A_3212 : f32 to vector<1x256x128xf32>
    %mul3A_3214 = arith.mulf %add3A_3208, %mul3A_3213 : vector<1x256x128xf32>
    %erf3A_3215 = math.erf %mul3A_3214 : vector<1x256x128xf32>
    %add3A_3216 = arith.constant 1.000000e+00 : f32
    %add3A_3217 = vector.broadcast %add3A_3216 : f32 to vector<1x256x128xf32>
    %add3A_3218 = arith.addf %add3A_3217, %erf3A_3215 : vector<1x256x128xf32>
    %mul3A_3219 = arith.mulf %mul3A_3211, %add3A_3218 : vector<1x256x128xf32>
    %mul3A_3220 = vector.broadcast %reshape3A : vector<1x1x128xf32> to vector<1x256x128xf32>
    %mul3A_3221 = arith.mulf %mul3A_3219, %mul3A_3220 : vector<1x256x128xf32>
    %reduce_sum3A_3222 = arith.constant dense<0.000000e+00> : vector<1x256xf32>
    %reduce_sum3A_3223 = vector.multi_reduction <add>, %mul3A_3221, %reduce_sum3A_3222 [2] : vector<1x256x128xf32> to vector<1x256xf32>
    %broadcast_in_dim3A_3224 = vector.shape_cast %reduce_sum3A_3223 : vector<1x256xf32> to vector<1x256x1xf32>
    %add3A_3225 = vector.broadcast %get3A_18 : f32 to vector<1x256x1xf32>
    %add3A_3226 = arith.addf %broadcast_in_dim3A_3224, %add3A_3225 : vector<1x256x1xf32>
    %logistic3A_3227 = arith.negf %add3A_3226 : vector<1x256x1xf32>
    %logistic3A_3228 = math.exp %logistic3A_3227 : vector<1x256x1xf32>
    %logistic3A_3229 = arith.constant 1.000000e+00 : f32
    %logistic3A_3230 = vector.broadcast %logistic3A_3229 : f32 to vector<1x256x1xf32>
    %logistic3A_3231 = arith.addf %logistic3A_3230, %logistic3A_3228 : vector<1x256x1xf32>
    %logistic3A_3232 = arith.divf %logistic3A_3230, %logistic3A_3231 : vector<1x256x1xf32>
    %get3A_3233 = arith.index_cast %get3A_3199 : i32 to index
    %get3A_3234 = arith.constant 0 : index
    %get3A_3235 = arith.constant 0 : index
    %get3A_3236 = vector.load %arg15[%get3A_3233, %get3A_3234, %get3A_3235] : memref<21x256x128xf32, #tpu.memory_space<vmem>>, vector<1x256x128xf32>
    %get3A_3237 = arith.index_cast %get3A_3197 : i32 to index
    %get3A_3238 = arith.constant 0 : index
    %get3A_3239 = arith.constant 0 : index
    %get3A_3240 = vector.load %arg12[%get3A_3237, %get3A_3238, %get3A_3239] : memref<21x256x128xf32, #tpu.memory_space<vmem>>, vector<1x256x128xf32>
    %mul3A_3241 = vector.broadcast %logistic3A_3232 : vector<1x256x1xf32> to vector<1x256x128xf32>
    %mul3A_3242 = arith.mulf %mul3A_3241, %get3A_3240 : vector<1x256x128xf32>
    %add3A_3243 = arith.addf %get3A_3236, %mul3A_3242 : vector<1x256x128xf32>
    %swap3A_3244 = arith.index_cast %get3A_3199 : i32 to index
    %swap3A_3245 = arith.constant 0 : index
    %swap3A_3246 = arith.constant 0 : index
    %swap3A_3247 = vector.load %arg15[%swap3A_3244, %swap3A_3245, %swap3A_3246] : memref<21x256x128xf32, #tpu.memory_space<vmem>>, vector<1x256x128xf32>
    tpu.vector_store %arg15[%swap3A_3244, %swap3A_3245, %swap3A_3246], %add3A_3243 {strides = array<i32>} : memref<21x256x128xf32, #tpu.memory_space<vmem>>, vector<1x256x128xf32>,
    %get3A_3248 = arith.constant 40 : index
    %get3A_3249 = memref.load %arg2[%get3A_3248] : memref<42xi32, #tpu.memory_space<smem>>
    %get3A_3250 = arith.constant 40 : index
    %get3A_3251 = memref.load %arg3[%get3A_3250] : memref<42xi32, #tpu.memory_space<smem>>
    %get3A_3252 = arith.index_cast %get3A_3249 : i32 to index
    %get3A_3253 = arith.constant 0 : index
    %get3A_3254 = arith.constant 0 : index
    %get3A_3255 = vector.load %arg13[%get3A_3252, %get3A_3253, %get3A_3254] : memref<21x256x128xf32, #tpu.memory_space<vmem>>, vector<1x256x128xf32>
    %get3A_3256 = arith.index_cast %get3A_3251 : i32 to index
    %get3A_3257 = arith.constant 0 : index
    %get3A_3258 = arith.constant 0 : index
    %get3A_3259 = vector.load %arg14[%get3A_3256, %get3A_3257, %get3A_3258] : memref<21x256x128xf32, #tpu.memory_space<vmem>>, vector<1x256x128xf32>
    %add3A_3260 = arith.addf %get3A_3255, %get3A_3259 : vector<1x256x128xf32>
    %mul3A_3261 = arith.constant 5.000000e-01 : f32
    %mul3A_3262 = vector.broadcast %mul3A_3261 : f32 to vector<1x256x128xf32>
    %mul3A_3263 = arith.mulf %mul3A_3262, %add3A_3260 : vector<1x256x128xf32>
    %mul3A_3264 = arith.constant 0.707106769 : f32
    %mul3A_3265 = vector.broadcast %mul3A_3264 : f32 to vector<1x256x128xf32>
    %mul3A_3266 = arith.mulf %add3A_3260, %mul3A_3265 : vector<1x256x128xf32>
    %erf3A_3267 = math.erf %mul3A_3266 : vector<1x256x128xf32>
    %add3A_3268 = arith.constant 1.000000e+00 : f32
    %add3A_3269 = vector.broadcast %add3A_3268 : f32 to vector<1x256x128xf32>
    %add3A_3270 = arith.addf %add3A_3269, %erf3A_3267 : vector<1x256x128xf32>
    %mul3A_3271 = arith.mulf %mul3A_3263, %add3A_3270 : vector<1x256x128xf32>
    %mul3A_3272 = vector.broadcast %reshape3A : vector<1x1x128xf32> to vector<1x256x128xf32>
    %mul3A_3273 = arith.mulf %mul3A_3271, %mul3A_3272 : vector<1x256x128xf32>
    %reduce_sum3A_3274 = arith.constant dense<0.000000e+00> : vector<1x256xf32>
    %reduce_sum3A_3275 = vector.multi_reduction <add>, %mul3A_3273, %reduce_sum3A_3274 [2] : vector<1x256x128xf32> to vector<1x256xf32>
    %broadcast_in_dim3A_3276 = vector.shape_cast %reduce_sum3A_3275 : vector<1x256xf32> to vector<1x256x1xf32>
    %add3A_3277 = vector.broadcast %get3A_18 : f32 to vector<1x256x1xf32>
    %add3A_3278 = arith.addf %broadcast_in_dim3A_3276, %add3A_3277 : vector<1x256x1xf32>
    %logistic3A_3279 = arith.negf %add3A_3278 : vector<1x256x1xf32>
    %logistic3A_3280 = math.exp %logistic3A_3279 : vector<1x256x1xf32>
    %logistic3A_3281 = arith.constant 1.000000e+00 : f32
    %logistic3A_3282 = vector.broadcast %logistic3A_3281 : f32 to vector<1x256x1xf32>
    %logistic3A_3283 = arith.addf %logistic3A_3282, %logistic3A_3280 : vector<1x256x1xf32>
    %logistic3A_3284 = arith.divf %logistic3A_3282, %logistic3A_3283 : vector<1x256x1xf32>
    %get3A_3285 = arith.index_cast %get3A_3251 : i32 to index
    %get3A_3286 = arith.constant 0 : index
    %get3A_3287 = arith.constant 0 : index
    %get3A_3288 = vector.load %arg15[%get3A_3285, %get3A_3286, %get3A_3287] : memref<21x256x128xf32, #tpu.memory_space<vmem>>, vector<1x256x128xf32>
    %get3A_3289 = arith.index_cast %get3A_3249 : i32 to index
    %get3A_3290 = arith.constant 0 : index
    %get3A_3291 = arith.constant 0 : index
    %get3A_3292 = vector.load %arg12[%get3A_3289, %get3A_3290, %get3A_3291] : memref<21x256x128xf32, #tpu.memory_space<vmem>>, vector<1x256x128xf32>
    %mul3A_3293 = vector.broadcast %logistic3A_3284 : vector<1x256x1xf32> to vector<1x256x128xf32>
    %mul3A_3294 = arith.mulf %mul3A_3293, %get3A_3292 : vector<1x256x128xf32>
    %add3A_3295 = arith.addf %get3A_3288, %mul3A_3294 : vector<1x256x128xf32>
    %swap3A_3296 = arith.index_cast %get3A_3251 : i32 to index
    %swap3A_3297 = arith.constant 0 : index
    %swap3A_3298 = arith.constant 0 : index
    %swap3A_3299 = vector.load %arg15[%swap3A_3296, %swap3A_3297, %swap3A_3298] : memref<21x256x128xf32, #tpu.memory_space<vmem>>, vector<1x256x128xf32>
    tpu.vector_store %arg15[%swap3A_3296, %swap3A_3297, %swap3A_3298], %add3A_3295 {strides = array<i32>} : memref<21x256x128xf32, #tpu.memory_space<vmem>>, vector<1x256x128xf32>,
    %get3A_3300 = arith.constant 41 : index
    %get3A_3301 = memref.load %arg2[%get3A_3300] : memref<42xi32, #tpu.memory_space<smem>>
    %get3A_3302 = arith.constant 41 : index
    %get3A_3303 = memref.load %arg3[%get3A_3302] : memref<42xi32, #tpu.memory_space<smem>>
    %get3A_3304 = arith.index_cast %get3A_3301 : i32 to index
    %get3A_3305 = arith.constant 0 : index
    %get3A_3306 = arith.constant 0 : index
    %get3A_3307 = vector.load %arg13[%get3A_3304, %get3A_3305, %get3A_3306] : memref<21x256x128xf32, #tpu.memory_space<vmem>>, vector<1x256x128xf32>
    %get3A_3308 = arith.index_cast %get3A_3303 : i32 to index
    %get3A_3309 = arith.constant 0 : index
    %get3A_3310 = arith.constant 0 : index
    %get3A_3311 = vector.load %arg14[%get3A_3308, %get3A_3309, %get3A_3310] : memref<21x256x128xf32, #tpu.memory_space<vmem>>, vector<1x256x128xf32>
    %add3A_3312 = arith.addf %get3A_3307, %get3A_3311 : vector<1x256x128xf32>
    %mul3A_3313 = arith.constant 5.000000e-01 : f32
    %mul3A_3314 = vector.broadcast %mul3A_3313 : f32 to vector<1x256x128xf32>
    %mul3A_3315 = arith.mulf %mul3A_3314, %add3A_3312 : vector<1x256x128xf32>
    %mul3A_3316 = arith.constant 0.707106769 : f32
    %mul3A_3317 = vector.broadcast %mul3A_3316 : f32 to vector<1x256x128xf32>
    %mul3A_3318 = arith.mulf %add3A_3312, %mul3A_3317 : vector<1x256x128xf32>
    %erf3A_3319 = math.erf %mul3A_3318 : vector<1x256x128xf32>
    %add3A_3320 = arith.constant 1.000000e+00 : f32
    %add3A_3321 = vector.broadcast %add3A_3320 : f32 to vector<1x256x128xf32>
    %add3A_3322 = arith.addf %add3A_3321, %erf3A_3319 : vector<1x256x128xf32>
    %mul3A_3323 = arith.mulf %mul3A_3315, %add3A_3322 : vector<1x256x128xf32>
    %mul3A_3324 = vector.broadcast %reshape3A : vector<1x1x128xf32> to vector<1x256x128xf32>
    %mul3A_3325 = arith.mulf %mul3A_3323, %mul3A_3324 : vector<1x256x128xf32>
    %reduce_sum3A_3326 = arith.constant dense<0.000000e+00> : vector<1x256xf32>
    %reduce_sum3A_3327 = vector.multi_reduction <add>, %mul3A_3325, %reduce_sum3A_3326 [2] : vector<1x256x128xf32> to vector<1x256xf32>
    %broadcast_in_dim3A_3328 = vector.shape_cast %reduce_sum3A_3327 : vector<1x256xf32> to vector<1x256x1xf32>
    %add3A_3329 = vector.broadcast %get3A_18 : f32 to vector<1x256x1xf32>
    %add3A_3330 = arith.addf %broadcast_in_dim3A_3328, %add3A_3329 : vector<1x256x1xf32>
    %logistic3A_3331 = arith.negf %add3A_3330 : vector<1x256x1xf32>
    %logistic3A_3332 = math.exp %logistic3A_3331 : vector<1x256x1xf32>
    %logistic3A_3333 = arith.constant 1.000000e+00 : f32
    %logistic3A_3334 = vector.broadcast %logistic3A_3333 : f32 to vector<1x256x1xf32>
    %logistic3A_3335 = arith.addf %logistic3A_3334, %logistic3A_3332 : vector<1x256x1xf32>
    %logistic3A_3336 = arith.divf %logistic3A_3334, %logistic3A_3335 : vector<1x256x1xf32>
    %get3A_3337 = arith.index_cast %get3A_3303 : i32 to index
    %get3A_3338 = arith.constant 0 : index
    %get3A_3339 = arith.constant 0 : index
    %get3A_3340 = vector.load %arg15[%get3A_3337, %get3A_3338, %get3A_3339] : memref<21x256x128xf32, #tpu.memory_space<vmem>>, vector<1x256x128xf32>
    %get3A_3341 = arith.index_cast %get3A_3301 : i32 to index
    %get3A_3342 = arith.constant 0 : index
    %get3A_3343 = arith.constant 0 : index
    %get3A_3344 = vector.load %arg12[%get3A_3341, %get3A_3342, %get3A_3343] : memref<21x256x128xf32, #tpu.memory_space<vmem>>, vector<1x256x128xf32>
    %mul3A_3345 = vector.broadcast %logistic3A_3336 : vector<1x256x1xf32> to vector<1x256x128xf32>
    %mul3A_3346 = arith.mulf %mul3A_3345, %get3A_3344 : vector<1x256x128xf32>
    %add3A_3347 = arith.addf %get3A_3340, %mul3A_3346 : vector<1x256x128xf32>
    %swap3A_3348 = arith.index_cast %get3A_3303 : i32 to index
    %swap3A_3349 = arith.constant 0 : index
    %swap3A_3350 = arith.constant 0 : index
    %swap3A_3351 = vector.load %arg15[%swap3A_3348, %swap3A_3349, %swap3A_3350] : memref<21x256x128xf32, #tpu.memory_space<vmem>>, vector<1x256x128xf32>
    tpu.vector_store %arg15[%swap3A_3348, %swap3A_3349, %swap3A_3350], %add3A_3347 {strides = array<i32>} : memref<21x256x128xf32, #tpu.memory_space<vmem>>, vector<1x256x128xf32>,
    %get3A_3352 = arith.constant 0 : index
    %get3A_3353 = arith.constant 0 : index
    %get3A_3354 = vector.load %arg1[%get3A_3352, %get3A_3353] : memref<256x2688xf32, #tpu.memory_space<vmem>>, vector<256x128xf32>
    %get3A_3355 = arith.constant 0 : index
    %get3A_3356 = arith.constant 0 : index
    %get3A_3357 = arith.constant 0 : index
    %get3A_3358 = vector.load %arg15[%get3A_3355, %get3A_3356, %get3A_3357] : memref<21x256x128xf32, #tpu.memory_space<vmem>>, vector<1x256x128xf32>
    %get3A_3359 = vector.shape_cast %get3A_3358 : vector<1x256x128xf32> to vector<256x128xf32>
    %add3A_3360 = arith.addf %get3A_3354, %get3A_3359 : vector<256x128xf32>
    %swap3A_3361 = arith.constant 0 : index
    %swap3A_3362 = arith.constant 0 : index
    %swap3A_3363 = vector.load %arg11[%swap3A_3361, %swap3A_3362] : memref<256x2688xf32, #tpu.memory_space<vmem>>, vector<256x128xf32>
    tpu.vector_store %arg11[%swap3A_3361, %swap3A_3362], %add3A_3360 {strides = array<i32>} : memref<256x2688xf32, #tpu.memory_space<vmem>>, vector<256x128xf32>,
    %get3A_3364 = arith.constant 0 : index
    %get3A_3365 = arith.constant 128 : index
    %get3A_3366 = vector.load %arg1[%get3A_3364, %get3A_3365] : memref<256x2688xf32, #tpu.memory_space<vmem>>, vector<256x128xf32>
    %get3A_3367 = arith.constant 1 : index
    %get3A_3368 = arith.constant 0 : index
    %get3A_3369 = arith.constant 0 : index
    %get3A_3370 = vector.load %arg15[%get3A_3367, %get3A_3368, %get3A_3369] : memref<21x256x128xf32, #tpu.memory_space<vmem>>, vector<1x256x128xf32>
    %get3A_3371 = vector.shape_cast %get3A_3370 : vector<1x256x128xf32> to vector<256x128xf32>
    %add3A_3372 = arith.addf %get3A_3366, %get3A_3371 : vector<256x128xf32>
    %swap3A_3373 = arith.constant 0 : index
    %swap3A_3374 = arith.constant 128 : index
    %swap3A_3375 = vector.load %arg11[%swap3A_3373, %swap3A_3374] : memref<256x2688xf32, #tpu.memory_space<vmem>>, vector<256x128xf32>
    tpu.vector_store %arg11[%swap3A_3373, %swap3A_3374], %add3A_3372 {strides = array<i32>} : memref<256x2688xf32, #tpu.memory_space<vmem>>, vector<256x128xf32>,
    %get3A_3376 = arith.constant 0 : index
    %get3A_3377 = arith.constant 256 : index
    %get3A_3378 = vector.load %arg1[%get3A_3376, %get3A_3377] : memref<256x2688xf32, #tpu.memory_space<vmem>>, vector<256x128xf32>
    %get3A_3379 = arith.constant 2 : index
    %get3A_3380 = arith.constant 0 : index
    %get3A_3381 = arith.constant 0 : index
    %get3A_3382 = vector.load %arg15[%get3A_3379, %get3A_3380, %get3A_3381] : memref<21x256x128xf32, #tpu.memory_space<vmem>>, vector<1x256x128xf32>
    %get3A_3383 = vector.shape_cast %get3A_3382 : vector<1x256x128xf32> to vector<256x128xf32>
    %add3A_3384 = arith.addf %get3A_3378, %get3A_3383 : vector<256x128xf32>
    %swap3A_3385 = arith.constant 0 : index
    %swap3A_3386 = arith.constant 256 : index
    %swap3A_3387 = vector.load %arg11[%swap3A_3385, %swap3A_3386] : memref<256x2688xf32, #tpu.memory_space<vmem>>, vector<256x128xf32>
    tpu.vector_store %arg11[%swap3A_3385, %swap3A_3386], %add3A_3384 {strides = array<i32>} : memref<256x2688xf32, #tpu.memory_space<vmem>>, vector<256x128xf32>,
    %get3A_3388 = arith.constant 0 : index
    %get3A_3389 = arith.constant 384 : index
    %get3A_3390 = vector.load %arg1[%get3A_3388, %get3A_3389] : memref<256x2688xf32, #tpu.memory_space<vmem>>, vector<256x128xf32>
    %get3A_3391 = arith.constant 3 : index
    %get3A_3392 = arith.constant 0 : index
    %get3A_3393 = arith.constant 0 : index
    %get3A_3394 = vector.load %arg15[%get3A_3391, %get3A_3392, %get3A_3393] : memref<21x256x128xf32, #tpu.memory_space<vmem>>, vector<1x256x128xf32>
    %get3A_3395 = vector.shape_cast %get3A_3394 : vector<1x256x128xf32> to vector<256x128xf32>
    %add3A_3396 = arith.addf %get3A_3390, %get3A_3395 : vector<256x128xf32>
    %swap3A_3397 = arith.constant 0 : index
    %swap3A_3398 = arith.constant 384 : index
    %swap3A_3399 = vector.load %arg11[%swap3A_3397, %swap3A_3398] : memref<256x2688xf32, #tpu.memory_space<vmem>>, vector<256x128xf32>
    tpu.vector_store %arg11[%swap3A_3397, %swap3A_3398], %add3A_3396 {strides = array<i32>} : memref<256x2688xf32, #tpu.memory_space<vmem>>, vector<256x128xf32>,
    %get3A_3400 = arith.constant 0 : index
    %get3A_3401 = arith.constant 512 : index
    %get3A_3402 = vector.load %arg1[%get3A_3400, %get3A_3401] : memref<256x2688xf32, #tpu.memory_space<vmem>>, vector<256x128xf32>
    %get3A_3403 = arith.constant 4 : index
    %get3A_3404 = arith.constant 0 : index
    %get3A_3405 = arith.constant 0 : index
    %get3A_3406 = vector.load %arg15[%get3A_3403, %get3A_3404, %get3A_3405] : memref<21x256x128xf32, #tpu.memory_space<vmem>>, vector<1x256x128xf32>
    %get3A_3407 = vector.shape_cast %get3A_3406 : vector<1x256x128xf32> to vector<256x128xf32>
    %add3A_3408 = arith.addf %get3A_3402, %get3A_3407 : vector<256x128xf32>
    %swap3A_3409 = arith.constant 0 : index
    %swap3A_3410 = arith.constant 512 : index
    %swap3A_3411 = vector.load %arg11[%swap3A_3409, %swap3A_3410] : memref<256x2688xf32, #tpu.memory_space<vmem>>, vector<256x128xf32>
    tpu.vector_store %arg11[%swap3A_3409, %swap3A_3410], %add3A_3408 {strides = array<i32>} : memref<256x2688xf32, #tpu.memory_space<vmem>>, vector<256x128xf32>,
    %get3A_3412 = arith.constant 0 : index
    %get3A_3413 = arith.constant 640 : index
    %get3A_3414 = vector.load %arg1[%get3A_3412, %get3A_3413] : memref<256x2688xf32, #tpu.memory_space<vmem>>, vector<256x128xf32>
    %get3A_3415 = arith.constant 5 : index
    %get3A_3416 = arith.constant 0 : index
    %get3A_3417 = arith.constant 0 : index
    %get3A_3418 = vector.load %arg15[%get3A_3415, %get3A_3416, %get3A_3417] : memref<21x256x128xf32, #tpu.memory_space<vmem>>, vector<1x256x128xf32>
    %get3A_3419 = vector.shape_cast %get3A_3418 : vector<1x256x128xf32> to vector<256x128xf32>
    %add3A_3420 = arith.addf %get3A_3414, %get3A_3419 : vector<256x128xf32>
    %swap3A_3421 = arith.constant 0 : index
    %swap3A_3422 = arith.constant 640 : index
    %swap3A_3423 = vector.load %arg11[%swap3A_3421, %swap3A_3422] : memref<256x2688xf32, #tpu.memory_space<vmem>>, vector<256x128xf32>
    tpu.vector_store %arg11[%swap3A_3421, %swap3A_3422], %add3A_3420 {strides = array<i32>} : memref<256x2688xf32, #tpu.memory_space<vmem>>, vector<256x128xf32>,
    %get3A_3424 = arith.constant 0 : index
    %get3A_3425 = arith.constant 768 : index
    %get3A_3426 = vector.load %arg1[%get3A_3424, %get3A_3425] : memref<256x2688xf32, #tpu.memory_space<vmem>>, vector<256x128xf32>
    %get3A_3427 = arith.constant 6 : index
    %get3A_3428 = arith.constant 0 : index
    %get3A_3429 = arith.constant 0 : index
    %get3A_3430 = vector.load %arg15[%get3A_3427, %get3A_3428, %get3A_3429] : memref<21x256x128xf32, #tpu.memory_space<vmem>>, vector<1x256x128xf32>
    %get3A_3431 = vector.shape_cast %get3A_3430 : vector<1x256x128xf32> to vector<256x128xf32>
    %add3A_3432 = arith.addf %get3A_3426, %get3A_3431 : vector<256x128xf32>
    %swap3A_3433 = arith.constant 0 : index
    %swap3A_3434 = arith.constant 768 : index
    %swap3A_3435 = vector.load %arg11[%swap3A_3433, %swap3A_3434] : memref<256x2688xf32, #tpu.memory_space<vmem>>, vector<256x128xf32>
    tpu.vector_store %arg11[%swap3A_3433, %swap3A_3434], %add3A_3432 {strides = array<i32>} : memref<256x2688xf32, #tpu.memory_space<vmem>>, vector<256x128xf32>,
    %get3A_3436 = arith.constant 0 : index
    %get3A_3437 = arith.constant 896 : index
    %get3A_3438 = vector.load %arg1[%get3A_3436, %get3A_3437] : memref<256x2688xf32, #tpu.memory_space<vmem>>, vector<256x128xf32>
    %get3A_3439 = arith.constant 7 : index
    %get3A_3440 = arith.constant 0 : index
    %get3A_3441 = arith.constant 0 : index
    %get3A_3442 = vector.load %arg15[%get3A_3439, %get3A_3440, %get3A_3441] : memref<21x256x128xf32, #tpu.memory_space<vmem>>, vector<1x256x128xf32>
    %get3A_3443 = vector.shape_cast %get3A_3442 : vector<1x256x128xf32> to vector<256x128xf32>
    %add3A_3444 = arith.addf %get3A_3438, %get3A_3443 : vector<256x128xf32>
    %swap3A_3445 = arith.constant 0 : index
    %swap3A_3446 = arith.constant 896 : index
    %swap3A_3447 = vector.load %arg11[%swap3A_3445, %swap3A_3446] : memref<256x2688xf32, #tpu.memory_space<vmem>>, vector<256x128xf32>
    tpu.vector_store %arg11[%swap3A_3445, %swap3A_3446], %add3A_3444 {strides = array<i32>} : memref<256x2688xf32, #tpu.memory_space<vmem>>, vector<256x128xf32>,
    %get3A_3448 = arith.constant 0 : index
    %get3A_3449 = arith.constant 1024 : index
    %get3A_3450 = vector.load %arg1[%get3A_3448, %get3A_3449] : memref<256x2688xf32, #tpu.memory_space<vmem>>, vector<256x128xf32>
    %get3A_3451 = arith.constant 8 : index
    %get3A_3452 = arith.constant 0 : index
    %get3A_3453 = arith.constant 0 : index
    %get3A_3454 = vector.load %arg15[%get3A_3451, %get3A_3452, %get3A_3453] : memref<21x256x128xf32, #tpu.memory_space<vmem>>, vector<1x256x128xf32>
    %get3A_3455 = vector.shape_cast %get3A_3454 : vector<1x256x128xf32> to vector<256x128xf32>
    %add3A_3456 = arith.addf %get3A_3450, %get3A_3455 : vector<256x128xf32>
    %swap3A_3457 = arith.constant 0 : index
    %swap3A_3458 = arith.constant 1024 : index
    %swap3A_3459 = vector.load %arg11[%swap3A_3457, %swap3A_3458] : memref<256x2688xf32, #tpu.memory_space<vmem>>, vector<256x128xf32>
    tpu.vector_store %arg11[%swap3A_3457, %swap3A_3458], %add3A_3456 {strides = array<i32>} : memref<256x2688xf32, #tpu.memory_space<vmem>>, vector<256x128xf32>,
    %get3A_3460 = arith.constant 0 : index
    %get3A_3461 = arith.constant 1152 : index
    %get3A_3462 = vector.load %arg1[%get3A_3460, %get3A_3461] : memref<256x2688xf32, #tpu.memory_space<vmem>>, vector<256x128xf32>
    %get3A_3463 = arith.constant 9 : index
    %get3A_3464 = arith.constant 0 : index
    %get3A_3465 = arith.constant 0 : index
    %get3A_3466 = vector.load %arg15[%get3A_3463, %get3A_3464, %get3A_3465] : memref<21x256x128xf32, #tpu.memory_space<vmem>>, vector<1x256x128xf32>
    %get3A_3467 = vector.shape_cast %get3A_3466 : vector<1x256x128xf32> to vector<256x128xf32>
    %add3A_3468 = arith.addf %get3A_3462, %get3A_3467 : vector<256x128xf32>
    %swap3A_3469 = arith.constant 0 : index
    %swap3A_3470 = arith.constant 1152 : index
    %swap3A_3471 = vector.load %arg11[%swap3A_3469, %swap3A_3470] : memref<256x2688xf32, #tpu.memory_space<vmem>>, vector<256x128xf32>
    tpu.vector_store %arg11[%swap3A_3469, %swap3A_3470], %add3A_3468 {strides = array<i32>} : memref<256x2688xf32, #tpu.memory_space<vmem>>, vector<256x128xf32>,
    %get3A_3472 = arith.constant 0 : index
    %get3A_3473 = arith.constant 1280 : index
    %get3A_3474 = vector.load %arg1[%get3A_3472, %get3A_3473] : memref<256x2688xf32, #tpu.memory_space<vmem>>, vector<256x128xf32>
    %get3A_3475 = arith.constant 10 : index
    %get3A_3476 = arith.constant 0 : index
    %get3A_3477 = arith.constant 0 : index
    %get3A_3478 = vector.load %arg15[%get3A_3475, %get3A_3476, %get3A_3477] : memref<21x256x128xf32, #tpu.memory_space<vmem>>, vector<1x256x128xf32>
    %get3A_3479 = vector.shape_cast %get3A_3478 : vector<1x256x128xf32> to vector<256x128xf32>
    %add3A_3480 = arith.addf %get3A_3474, %get3A_3479 : vector<256x128xf32>
    %swap3A_3481 = arith.constant 0 : index
    %swap3A_3482 = arith.constant 1280 : index
    %swap3A_3483 = vector.load %arg11[%swap3A_3481, %swap3A_3482] : memref<256x2688xf32, #tpu.memory_space<vmem>>, vector<256x128xf32>
    tpu.vector_store %arg11[%swap3A_3481, %swap3A_3482], %add3A_3480 {strides = array<i32>} : memref<256x2688xf32, #tpu.memory_space<vmem>>, vector<256x128xf32>,
    %get3A_3484 = arith.constant 0 : index
    %get3A_3485 = arith.constant 1408 : index
    %get3A_3486 = vector.load %arg1[%get3A_3484, %get3A_3485] : memref<256x2688xf32, #tpu.memory_space<vmem>>, vector<256x128xf32>
    %get3A_3487 = arith.constant 11 : index
    %get3A_3488 = arith.constant 0 : index
    %get3A_3489 = arith.constant 0 : index
    %get3A_3490 = vector.load %arg15[%get3A_3487, %get3A_3488, %get3A_3489] : memref<21x256x128xf32, #tpu.memory_space<vmem>>, vector<1x256x128xf32>
    %get3A_3491 = vector.shape_cast %get3A_3490 : vector<1x256x128xf32> to vector<256x128xf32>
    %add3A_3492 = arith.addf %get3A_3486, %get3A_3491 : vector<256x128xf32>
    %swap3A_3493 = arith.constant 0 : index
    %swap3A_3494 = arith.constant 1408 : index
    %swap3A_3495 = vector.load %arg11[%swap3A_3493, %swap3A_3494] : memref<256x2688xf32, #tpu.memory_space<vmem>>, vector<256x128xf32>
    tpu.vector_store %arg11[%swap3A_3493, %swap3A_3494], %add3A_3492 {strides = array<i32>} : memref<256x2688xf32, #tpu.memory_space<vmem>>, vector<256x128xf32>,
    %get3A_3496 = arith.constant 0 : index
    %get3A_3497 = arith.constant 1536 : index
    %get3A_3498 = vector.load %arg1[%get3A_3496, %get3A_3497] : memref<256x2688xf32, #tpu.memory_space<vmem>>, vector<256x128xf32>
    %get3A_3499 = arith.constant 12 : index
    %get3A_3500 = arith.constant 0 : index
    %get3A_3501 = arith.constant 0 : index
    %get3A_3502 = vector.load %arg15[%get3A_3499, %get3A_3500, %get3A_3501] : memref<21x256x128xf32, #tpu.memory_space<vmem>>, vector<1x256x128xf32>
    %get3A_3503 = vector.shape_cast %get3A_3502 : vector<1x256x128xf32> to vector<256x128xf32>
    %add3A_3504 = arith.addf %get3A_3498, %get3A_3503 : vector<256x128xf32>
    %swap3A_3505 = arith.constant 0 : index
    %swap3A_3506 = arith.constant 1536 : index
    %swap3A_3507 = vector.load %arg11[%swap3A_3505, %swap3A_3506] : memref<256x2688xf32, #tpu.memory_space<vmem>>, vector<256x128xf32>
    tpu.vector_store %arg11[%swap3A_3505, %swap3A_3506], %add3A_3504 {strides = array<i32>} : memref<256x2688xf32, #tpu.memory_space<vmem>>, vector<256x128xf32>,
    %get3A_3508 = arith.constant 0 : index
    %get3A_3509 = arith.constant 1664 : index
    %get3A_3510 = vector.load %arg1[%get3A_3508, %get3A_3509] : memref<256x2688xf32, #tpu.memory_space<vmem>>, vector<256x128xf32>
    %get3A_3511 = arith.constant 13 : index
    %get3A_3512 = arith.constant 0 : index
    %get3A_3513 = arith.constant 0 : index
    %get3A_3514 = vector.load %arg15[%get3A_3511, %get3A_3512, %get3A_3513] : memref<21x256x128xf32, #tpu.memory_space<vmem>>, vector<1x256x128xf32>
    %get3A_3515 = vector.shape_cast %get3A_3514 : vector<1x256x128xf32> to vector<256x128xf32>
    %add3A_3516 = arith.addf %get3A_3510, %get3A_3515 : vector<256x128xf32>
    %swap3A_3517 = arith.constant 0 : index
    %swap3A_3518 = arith.constant 1664 : index
    %swap3A_3519 = vector.load %arg11[%swap3A_3517, %swap3A_3518] : memref<256x2688xf32, #tpu.memory_space<vmem>>, vector<256x128xf32>
    tpu.vector_store %arg11[%swap3A_3517, %swap3A_3518], %add3A_3516 {strides = array<i32>} : memref<256x2688xf32, #tpu.memory_space<vmem>>, vector<256x128xf32>,
    %get3A_3520 = arith.constant 0 : index
    %get3A_3521 = arith.constant 1792 : index
    %get3A_3522 = vector.load %arg1[%get3A_3520, %get3A_3521] : memref<256x2688xf32, #tpu.memory_space<vmem>>, vector<256x128xf32>
    %get3A_3523 = arith.constant 14 : index
    %get3A_3524 = arith.constant 0 : index
    %get3A_3525 = arith.constant 0 : index
    %get3A_3526 = vector.load %arg15[%get3A_3523, %get3A_3524, %get3A_3525] : memref<21x256x128xf32, #tpu.memory_space<vmem>>, vector<1x256x128xf32>
    %get3A_3527 = vector.shape_cast %get3A_3526 : vector<1x256x128xf32> to vector<256x128xf32>
    %add3A_3528 = arith.addf %get3A_3522, %get3A_3527 : vector<256x128xf32>
    %swap3A_3529 = arith.constant 0 : index
    %swap3A_3530 = arith.constant 1792 : index
    %swap3A_3531 = vector.load %arg11[%swap3A_3529, %swap3A_3530] : memref<256x2688xf32, #tpu.memory_space<vmem>>, vector<256x128xf32>
    tpu.vector_store %arg11[%swap3A_3529, %swap3A_3530], %add3A_3528 {strides = array<i32>} : memref<256x2688xf32, #tpu.memory_space<vmem>>, vector<256x128xf32>,
    %get3A_3532 = arith.constant 0 : index
    %get3A_3533 = arith.constant 1920 : index
    %get3A_3534 = vector.load %arg1[%get3A_3532, %get3A_3533] : memref<256x2688xf32, #tpu.memory_space<vmem>>, vector<256x128xf32>
    %get3A_3535 = arith.constant 15 : index
    %get3A_3536 = arith.constant 0 : index
    %get3A_3537 = arith.constant 0 : index
    %get3A_3538 = vector.load %arg15[%get3A_3535, %get3A_3536, %get3A_3537] : memref<21x256x128xf32, #tpu.memory_space<vmem>>, vector<1x256x128xf32>
    %get3A_3539 = vector.shape_cast %get3A_3538 : vector<1x256x128xf32> to vector<256x128xf32>
    %add3A_3540 = arith.addf %get3A_3534, %get3A_3539 : vector<256x128xf32>
    %swap3A_3541 = arith.constant 0 : index
    %swap3A_3542 = arith.constant 1920 : index
    %swap3A_3543 = vector.load %arg11[%swap3A_3541, %swap3A_3542] : memref<256x2688xf32, #tpu.memory_space<vmem>>, vector<256x128xf32>
    tpu.vector_store %arg11[%swap3A_3541, %swap3A_3542], %add3A_3540 {strides = array<i32>} : memref<256x2688xf32, #tpu.memory_space<vmem>>, vector<256x128xf32>,
    %get3A_3544 = arith.constant 0 : index
    %get3A_3545 = arith.constant 2048 : index
    %get3A_3546 = vector.load %arg1[%get3A_3544, %get3A_3545] : memref<256x2688xf32, #tpu.memory_space<vmem>>, vector<256x128xf32>
    %get3A_3547 = arith.constant 16 : index
    %get3A_3548 = arith.constant 0 : index
    %get3A_3549 = arith.constant 0 : index
    %get3A_3550 = vector.load %arg15[%get3A_3547, %get3A_3548, %get3A_3549] : memref<21x256x128xf32, #tpu.memory_space<vmem>>, vector<1x256x128xf32>
    %get3A_3551 = vector.shape_cast %get3A_3550 : vector<1x256x128xf32> to vector<256x128xf32>
    %add3A_3552 = arith.addf %get3A_3546, %get3A_3551 : vector<256x128xf32>
    %swap3A_3553 = arith.constant 0 : index
    %swap3A_3554 = arith.constant 2048 : index
    %swap3A_3555 = vector.load %arg11[%swap3A_3553, %swap3A_3554] : memref<256x2688xf32, #tpu.memory_space<vmem>>, vector<256x128xf32>
    tpu.vector_store %arg11[%swap3A_3553, %swap3A_3554], %add3A_3552 {strides = array<i32>} : memref<256x2688xf32, #tpu.memory_space<vmem>>, vector<256x128xf32>,
    %get3A_3556 = arith.constant 0 : index
    %get3A_3557 = arith.constant 2176 : index
    %get3A_3558 = vector.load %arg1[%get3A_3556, %get3A_3557] : memref<256x2688xf32, #tpu.memory_space<vmem>>, vector<256x128xf32>
    %get3A_3559 = arith.constant 17 : index
    %get3A_3560 = arith.constant 0 : index
    %get3A_3561 = arith.constant 0 : index
    %get3A_3562 = vector.load %arg15[%get3A_3559, %get3A_3560, %get3A_3561] : memref<21x256x128xf32, #tpu.memory_space<vmem>>, vector<1x256x128xf32>
    %get3A_3563 = vector.shape_cast %get3A_3562 : vector<1x256x128xf32> to vector<256x128xf32>
    %add3A_3564 = arith.addf %get3A_3558, %get3A_3563 : vector<256x128xf32>
    %swap3A_3565 = arith.constant 0 : index
    %swap3A_3566 = arith.constant 2176 : index
    %swap3A_3567 = vector.load %arg11[%swap3A_3565, %swap3A_3566] : memref<256x2688xf32, #tpu.memory_space<vmem>>, vector<256x128xf32>
    tpu.vector_store %arg11[%swap3A_3565, %swap3A_3566], %add3A_3564 {strides = array<i32>} : memref<256x2688xf32, #tpu.memory_space<vmem>>, vector<256x128xf32>,
    %get3A_3568 = arith.constant 0 : index
    %get3A_3569 = arith.constant 2304 : index
    %get3A_3570 = vector.load %arg1[%get3A_3568, %get3A_3569] : memref<256x2688xf32, #tpu.memory_space<vmem>>, vector<256x128xf32>
    %get3A_3571 = arith.constant 18 : index
    %get3A_3572 = arith.constant 0 : index
    %get3A_3573 = arith.constant 0 : index
    %get3A_3574 = vector.load %arg15[%get3A_3571, %get3A_3572, %get3A_3573] : memref<21x256x128xf32, #tpu.memory_space<vmem>>, vector<1x256x128xf32>
    %get3A_3575 = vector.shape_cast %get3A_3574 : vector<1x256x128xf32> to vector<256x128xf32>
    %add3A_3576 = arith.addf %get3A_3570, %get3A_3575 : vector<256x128xf32>
    %swap3A_3577 = arith.constant 0 : index
    %swap3A_3578 = arith.constant 2304 : index
    %swap3A_3579 = vector.load %arg11[%swap3A_3577, %swap3A_3578] : memref<256x2688xf32, #tpu.memory_space<vmem>>, vector<256x128xf32>
    tpu.vector_store %arg11[%swap3A_3577, %swap3A_3578], %add3A_3576 {strides = array<i32>} : memref<256x2688xf32, #tpu.memory_space<vmem>>, vector<256x128xf32>,
    %get3A_3580 = arith.constant 0 : index
    %get3A_3581 = arith.constant 2432 : index
    %get3A_3582 = vector.load %arg1[%get3A_3580, %get3A_3581] : memref<256x2688xf32, #tpu.memory_space<vmem>>, vector<256x128xf32>
    %get3A_3583 = arith.constant 19 : index
    %get3A_3584 = arith.constant 0 : index
    %get3A_3585 = arith.constant 0 : index
    %get3A_3586 = vector.load %arg15[%get3A_3583, %get3A_3584, %get3A_3585] : memref<21x256x128xf32, #tpu.memory_space<vmem>>, vector<1x256x128xf32>
    %get3A_3587 = vector.shape_cast %get3A_3586 : vector<1x256x128xf32> to vector<256x128xf32>
    %add3A_3588 = arith.addf %get3A_3582, %get3A_3587 : vector<256x128xf32>
    %swap3A_3589 = arith.constant 0 : index
    %swap3A_3590 = arith.constant 2432 : index
    %swap3A_3591 = vector.load %arg11[%swap3A_3589, %swap3A_3590] : memref<256x2688xf32, #tpu.memory_space<vmem>>, vector<256x128xf32>
    tpu.vector_store %arg11[%swap3A_3589, %swap3A_3590], %add3A_3588 {strides = array<i32>} : memref<256x2688xf32, #tpu.memory_space<vmem>>, vector<256x128xf32>,
    %get3A_3592 = arith.constant 0 : index
    %get3A_3593 = arith.constant 2560 : index
    %get3A_3594 = vector.load %arg1[%get3A_3592, %get3A_3593] : memref<256x2688xf32, #tpu.memory_space<vmem>>, vector<256x128xf32>
    %get3A_3595 = arith.constant 20 : index
    %get3A_3596 = arith.constant 0 : index
    %get3A_3597 = arith.constant 0 : index
    %get3A_3598 = vector.load %arg15[%get3A_3595, %get3A_3596, %get3A_3597] : memref<21x256x128xf32, #tpu.memory_space<vmem>>, vector<1x256x128xf32>
    %get3A_3599 = vector.shape_cast %get3A_3598 : vector<1x256x128xf32> to vector<256x128xf32>
    %add3A_3600 = arith.addf %get3A_3594, %get3A_3599 : vector<256x128xf32>
    %swap3A_3601 = arith.constant 0 : index
    %swap3A_3602 = arith.constant 2560 : index
    %swap3A_3603 = vector.load %arg11[%swap3A_3601, %swap3A_3602] : memref<256x2688xf32, #tpu.memory_space<vmem>>, vector<256x128xf32>
    tpu.vector_store %arg11[%swap3A_3601, %swap3A_3602], %add3A_3600 {strides = array<i32>} : memref<256x2688xf32, #tpu.memory_space<vmem>>, vector<256x128xf32>,
    return
  }
  func.func @transform_0(%arg0: i32) -> (i32, i32) {
    %c0_i32 = arith.constant 0 : i32
    %c0_i32_0 = arith.constant 0 : i32
    return %arg0, %c0_i32 : i32, i32
  }
  func.func @transform_1(%arg0: i32) -> i32 {
    %c0_i32 = arith.constant 0 : i32
    %c0_i32_0 = arith.constant 0 : i32
    return %c0_i32 : i32
  }
  func.func @transform_2(%arg0: i32) -> i32 {
    %c0_i32 = arith.constant 0 : i32
    %c0_i32_0 = arith.constant 0 : i32
    return %c0_i32 : i32
  }
  func.func @transform_3(%arg0: i32) -> (i32, i32) {
    %c0_i32 = arith.constant 0 : i32
    %c0_i32_0 = arith.constant 0 : i32
    %c0_i32_1 = arith.constant 0 : i32
    return %c0_i32, %c0_i32_0 : i32, i32
  }
  func.func @transform_4(%arg0: i32) -> (i32, i32) {
    %c0_i32 = arith.constant 0 : i32
    %c0_i32_0 = arith.constant 0 : i32
    %c0_i32_1 = arith.constant 0 : i32
    return %c0_i32, %c0_i32_0 : i32, i32
  }
  func.func @transform_5(%arg0: i32) -> (i32, i32) {
    %c0_i32 = arith.constant 0 : i32
    %c0_i32_0 = arith.constant 0 : i32
    %c0_i32_1 = arith.constant 0 : i32
    return %c0_i32, %c0_i32_0 : i32, i32
  }
  func.func @transform_6(%arg0: i32) -> (i32, i32) {
    %c0_i32 = arith.constant 0 : i32
    %c0_i32_0 = arith.constant 0 : i32
    %c0_i32_1 = arith.constant 0 : i32
    return %c0_i32, %c0_i32_0 : i32, i32
  }
  func.func @transform_7(%arg0: i32) -> (i32, i32) {
    %c0_i32 = arith.constant 0 : i32
    %c0_i32_0 = arith.constant 0 : i32
    %c0_i32_1 = arith.constant 0 : i32
    return %c0_i32, %c0_i32_0 : i32, i32
  }
  func.func @transform_8(%arg0: i32) -> (i32, i32) {
    %c0_i32 = arith.constant 0 : i32
    %c0_i32_0 = arith.constant 0 : i32
    %c0_i32_1 = arith.constant 0 : i32
    return %c0_i32, %c0_i32_0 : i32, i32
  }
  func.func @transform_9(%arg0: i32) -> i32 {
    %c0_i32 = arith.constant 0 : i32
    %c0_i32_0 = arith.constant 0 : i32
    return %c0_i32 : i32
  }
  func.func @transform_10(%arg0: i32) -> (i32, i32) {
    %c0_i32 = arith.constant 0 : i32
    %c0_i32_0 = arith.constant 0 : i32
    return %arg0, %c0_i32 : i32, i32
  }
}

</mosaic_0001>

<sc_bundles>
// kernel: sparse-core-data-format-call.cloned.1.call-start
scs
called_computation_lowered:
.L_overlay_start_0:
0x0: {  	s2 =	sld [smem:$0x3FD9]  }
0x1: {  	s3 =	sld [smem:$0x3FFE];
	_ =	sdelay $0x1  }
0x2: {  	s1 =	srdreg.scid  }
0x3: {  	s0 =	sand.u32 $0x1, s1  }
0x4: {  	s18 =	sshll.u32 s0, $0xA;
	s2 =	sadd.s32 s3, s2  }
0x5: {  	s2 =	sadd.s32 s2, s18  }
0x6: {  	[smem:$0x3FBD] =	sst s2  }
0x7: {  	_ = 	snop  }
0x8: {  	s2 =	sld [smem:$0x3FD0];
	(tm) =	ssettm $0x1  }
0x9: {  	s19 =	sld [smem:$0x3FFB];
	_ =	sdelay $0x3  }
0xa: {  	_ =	strace s19  }
0xb: {  	s3 =	sld [smem:$0x3FFC];
	_ =	sdelay $0x3  }
0xc: {  	_ =	strace s3  }
0xd: {  	s3 =	sld [smem:$0x3FFD];
	_ =	sdelay $0x3  }
0xe: {  	_ =	strace s3  }
0xf: {  	_ =	strace $0x8FFFFFFF  }
0x10: {  	s20 =	sld [smem:$0x3FDB];
	_ =	sdelay $0x1  }
0x11: {  	s4 =	simm.s32 $_scs_section_size  }
0x12: {  	s5 =	simm.s32 $_size__tile_overlayer_lowered;
	s6 =	simm.s32 $_tile_overlayer_lowered  }
0x13: {  	s23 =	simm.s32 $0x1BFF;
	s22 =	sshll.u32 s6, $0x1;
	s3 =	sadd.s32 s4, s20  }
0x14: {  	s7 =	simm.s32 $0x0;
	s21 =	sshll.u32 s5, $0x1;
	s5 =	sadd.s32 s22, s3  }
0x15: {  	[timem:s7], [sflag:s23] =	dma.local [hbm:s5], s21  }
0x16: {  	_ =	swait.ge [sflag:s23], s21  }
0x17: {  	s4 =	ssub.s32 $0x0, s21;
	[sflag:s23] =	ssyncset.done $0x0  }
0x18: {  	[sflag:s23] =	ssyncadd.s32 s4;
	_ =	sdelay $0x1  }
0x19: {  	s24 =	simm.s32 $0x1B8B  }
0x1a: {  	_ =	swait.ge [sflag:s24], $0x1  }
0x1b: {  	[sflag:s24] =	ssyncset.done $0x0  }
0x1c: {  	s26 =	simm.s32 $0x1B8E;
	s25 =	sld [smem:$0x3FFE];
	[sflag:s24] =	ssyncadd.s32 $0xFFFFFFFF  }
0x1d: {  	s27 =	simm.s32 $execute0_lowered;
	[smem:$0x3FD2] =	sst s26  }
0x1e: {  	s5 =	sshll.u32 s27, $0x1;
	_ =	strace $0x80000046;
	[dreg:$0x1] =	wrdreg $0xFFFFFFFF  }
0x1f: {  	s28 =	simm.s32 $_size_execute0_lowered;
	s3 =	sadd.s32 s3, s5;
	[dreg:$0x0] =	wrdreg $0x0  }
0x20: {  	s5 =	sshll.u32 s28, $0x1;
	[dreg:$0x2] =	wrdreg s3  }
0x21: {  	[dreg:$0x3] =	wrdreg s5  }
0x22: {  	[dreg:$0x4] =	wrdreg $0xC0  }
0x23: {  	_ =	task [dreg:s7], $0x5FFFF  }
0x24: {  	[dreg:$0x1] =	wrdreg $0xFFFFFFFF  }
0x25: {  	[dreg:$0x0] =	wrdreg $0x60  }
0x26: {  	[dreg:$0x2] =	wrdreg s25  }
0x27: {  	[dreg:$0x3] =	wrdreg s2  }
0x28: {  	[dreg:$0x4] =	wrdreg $0x9  }
0x29: {  	_ =	task.clear_ibuf [dreg:s7], $0x5FFFF;
	_ =	strace $0x90000046  }
0x2a: {  	s29 =	simm.s32 $0x9;
	_ =	strace $0x80000048  }
0x2b: {  	_ =	swait.ge [sflag:s29], $0x1  }
0x2c: {  	[sflag:s29] =	ssyncadd.s32 $0xFFFFFFFF  }
0x2d: {  	_ =	strace $0x90000048  }
0x2e: {  	_ =	sfence  }
0x2f: {  	s30 =	sld [smem:$0x0];
	_ =	sdelay $0x2  }
0x30: {  	s31 =	sshll.u32 s1, $0xD;
	s1 =	sshrl.u32 s1, $0x2  }
0x31: {  	s3 =	sand.u32 $0x4000, s31;
	s1 =	sadd.s32 s1, s30  }
0x32: {  	s0 =	sor.u32 s3, s0;
	s1 =	sshll.u32 s1, $0x11  }
0x33: {  	s0 =	sor.u32 s1, s0  }
0x34: {  	s0 =	sadd.s32 $0x8F2B, s0  }
0x35: {  	[sflag:s0] =	ssyncadd.remote.s32 $0x1  }
0x36: {  	_ =	sfence.sel $0xFFFF  }
0x37: {  	[dreg:$0x0] =	wrdreg $0xFFFFFFFF;
	(pc) =	sbr.abs _section_cstart, $3  }
0x38: {  	[dreg:$0x1] =	wrdreg $0xFFFFFFFF  }
0x39: {  	_ =	task.clear_ibuf [dreg:s7], $0x2FFFF;
	_ =	strace $0x9FFFFFFF  }
0x3a: {  	(tm) =	ssettm $0x7FFFFFFF  }
0x3b: {  	_ =	shalt  }
tec
execute0_lowered:
.L_overlay_start_1:
0x0: {  	(tag) =	ssettag $0x1  }
0x1: {  	s0 =	srdreg.scid  }
0x2: {  	s1 =	sshll.u32 s0, $0x4  }
0x3: {  	s0 =	stileid.u32;
	s1 =	sand.u32 $0x10, s1  }
0x4: {  	s6 =	rddreg [dreg:$0x0];
	s1 =	sor.u32 s0, s1  }
0x5: {  	s4 =	simm.s32 $0x1;
	s7 =	simm.s32 $0x2;
	s2 =	sshll.u32 s1, $0x7  }
0x6: {  	s14 =	simm.s32 $0x0;
	s12 =	simm.s32 $0x0;
	s1 =	ssub.s32 $0x4000, s2  }
0x7: {  	s13 =	simm.s32 $0x0;
	s9 =	simm.s32 $0x0;
	s3 =	sand.u32 $0xF80, s1  }
0x8: {  	s10 =	simm.s32 $0x0;
	s5 =	sshrl.u32 s1, $0xC;
	p0 =	sne.s32 s3, $0x0  }
.Ltmp0:
0x9: {  	s1 =	rddreg [dreg:$0x2];
	s4 =	simm.s32 @!p0 $0x0;
	(pc) =	sbr.rel .LBB1_1-.Ltmp0, $4  }
0xa: {  	s11 =	simm.s32 $0x0;
	s3 =	rddreg [dreg:$0x1];
	s5 =	sadd.s32 s4, s5  }
0xb: {  	_ =	strace $0x80000047;
	s4 =	simm.s32 $0x1;
	s5 =	smul.u32 $0x15, s5  }
0xc: {  	s6 =	sadd.s32 $0x1A00, s6;
	s8 =	smov.u32 s2;
	[sflag:s4] =	ssyncpa.u1 $0x0  }
0xd: {  	p0 =	por $0x0, $0x0;
	[sflag:s7] =	ssyncpa.u1 $0x0;
	s7 =	sadd.s32 $0x1, s5  }
.LBB1_4:
0xe: {  	v5 =	vld [tilespmem:s18+$0xFFFFFFD0];
	[tilespmem:s17+$0x2040 ss:$0x81] =	vst.msk $0xffff, v1  }
0xf: {  	v58 =	vld [tilespmem:s18+$0xFFFFFFE0];
	[tilespmem:s17+$0x2850 ss:$0x81] =	vst.msk $0xffff, v2  }
0x10: {  	s19 =	sshra.s32 s19, $0x2;
	v59 =	vld [tilespmem:s18+$0xFFFFFFF0];
	[tilespmem:s17+$0x3060 ss:$0x81] =	vst.msk $0xffff, v3  }
0x11: {  	v60 =	vld [tilespmem:s18+$0x0];
	[tilespmem:s17+$0x0 ss:$0x81] =	vst.msk $0xffff, v0;
	s16 =	sadd.s32 s19, s16  }
0x12: {  	v61 =	vld [tilespmem:s18+$0x10];
	[tilespmem:s16+$0x3870 ss:$0x81] =	vst.msk $0xffff, v4  }
0x13: {  	v62 =	vld [tilespmem:s18+$0x20];
	s14 =	sshll.u32 s14, $0x7;
	s28 =	sshll.u32 s12, $0x3;
	[tilespmem:s16+$0x810 ss:$0x81] =	vst.msk $0xffff, v5  }
0x14: {  	v63 =	vld [tilespmem:s18+$0xFFFFFFC0];
	s29 =	sand.u32 $0x1FFC00, s14;
	s17 =	sand.u32 $0x1FFC00, s28;
	[tilespmem:s16+$0x1020 ss:$0x81] =	vst.msk $0xffff, v58  }
0x15: {  	s14 =	sand.u32 $0x380, s14;
	s17 =	sadd.s32 s17, s29;
	[tilespmem:s16+$0x1830 ss:$0x81] =	vst.msk $0xffff, v59  }
0x16: {  	s13 =	sshll.u32 s13, $0x12;
	s30 =	sshrl.u32 s12, $0x3;
	s14 =	sor.u32 s14, s17;
	[tilespmem:s16+$0x2040 ss:$0x81] =	vst.msk $0xffff, v60  }
0x17: {  	s13 =	sadd.s32 s3, s13;
	s17 =	sand.u32 $0xF, s30;
	s14 =	sshrl.u32 s14, $0x3;
	[tilespmem:s16+$0x2850 ss:$0x81] =	vst.msk $0xffff, v61  }
0x18: {  	s13 =	sadd.s32 s17, s13;
	[tilespmem:s16+$0x3060 ss:$0x81] =	vst.msk $0xffff, v62;
	s14 =	sand.u32 $0x3FFF0, s14  }
0x19: {  	s31 =	sand.u32 $0x7, s12;
	[tilespmem:s16+$0x0 ss:$0x81] =	vst.msk $0xffff, v63;
	s13 =	sadd.s32 s14, s13  }
0x1a: {  	[hbm4b:s13+s31] =	stream.linear.scatter [tilespmem:s15], [sflag:$0x2], $0x4000, $0x20;
	[tilespmem:$0x10100] =	vst v63  }
.LBB1_5:
0x1b: {  	s15 =	sadd.s32 $0x1000, s8  }
0x1c: {  	s12 =	sadd.s32 $0x80, s9;
	s16 =	smov.u32 s9;
	p2 =	sgt.s32 s15, $0x3FFF  }
0x1d: {  	s16 =	smov.u32 @p2 s12  }
0x1e: {  	s12 =	simm.s32 $0x1;
	p3 =	sgt.s32 s16, $0x7F  }
0x1f: {  	s12 =	simm.s32 @!p3 $0x0  }
0x20: {  	s18 =	sadd.s32 s12, s10  }
0x21: {  	s15 =	smov.u32 @p2 s2;
	p2 =	sgt.s32 s18, $0x14  }
0x22: {  	p1 =	slt.u32 s11, $0x2;
	s18 =	simm.s32 @p2 $0x0;
	p2 =	sne.s32 s11, s7  }
.Ltmp1:
0x23: {  	s17 =	simm.s32 @!p1 $0x2;
	(pc) =	sbr.rel @!p2 .LBB1_6-.Ltmp1, $4  }
0x24: {  	s14 =	smov.u32 s8;
	s13 =	smov.u32 s10;
	_ =	swait.ge @!p1 [sflag:s17], $0x4000  }
0x25: {  	p0 =	por !p0, !p0;
	[sflag:s17] =	ssyncset.done @!p1 $0x0;
	s8 =	smov.u32 s15  }
0x26: {  	s16 =	simm.s32 @p3 $0x0;
	[sflag:s17] =	ssyncadd.s32 @!p1 $0xFFFFC000;
	s12 =	smov.u32 s9  }
0x27: {  	s9 =	smov.u32 s16;
	s11 =	sadd.s32 $0x1, s11;
	s10 =	smov.u32 s18  }
.LBB1_1:
0x28: {  	p1 =	sge.u32 s11, s5;
	s31 =	sadd.s32 $0xFFFFFFFF, s11  }
0x29: {  	s15 =	sxor.u32 @!p1 $0xFFFFFFFF, s11;
	s16 =	sand.u32 @!p1 $0x78, s8;
	s17 =	sshll.u32 @!p1 s9, $0xE  }
0x2a: {  	s18 =	sshll.u32 @!p1 s9, $0x7;
	s19 =	sshll.u32 @!p1 s8, $0x3;
	s15 =	sshll.u32 @!p1 s15, $0xE  }
0x2b: {  	s17 =	sand.u32 @!p1 $0x1E0000, s17;
	s18 =	sand.u32 @!p1 $0x380, s18;
	s15 =	sand.u32 @!p1 $0x4000, s15  }
0x2c: {  	s17 =	sadd.s32 @!p1 s17, s19;
	s19 =	sand.u32 @!p1 $0x3C00, s19;
	s16 =	sor.u32 @!p1 s18, s16  }
0x2d: {  	s18 =	sshll.u32 @!p1 s10, $0x12;
	s16 =	sor.u32 @!p1 s19, s16;
	s17 =	sshrl.u32 @!p1 s17, $0x3  }
0x2e: {  	s18 =	sadd.s32 @!p1 s6, s18;
	s19 =	sand.u32 @!p1 $0x7, s8;
	s17 =	sand.u32 @!p1 $0x3F800, s17  }
0x2f: {  	s16 =	sshrl.u32 @!p1 s16, $0x3;
	s17 =	sadd.s32 @!p1 s17, s18;
	s18 =	sshll.u32 @!p1 s19, $0x12  }
0x30: {  	s16 =	sadd.s32 @!p1 s16, s17;
	s17 =	sor.u32 @!p1 $0x400, s18;
	s18 =	simm.s32 @!p1 $0x20000  }
0x31: {  	[tilespmem:s15], [sflag:$0x1] =	stream.strided.gather @!p1 [hbm4b:s16+s17], $0x4000, s18, s17, $0x38;
	[tilespmem:$0x10100] =	vst v63  }
0x32: {  	p1 =	sge.u32 s31, s5  }
.Ltmp2:
0x33: {  	_ = 	snop;
	(pc) =	sbr.rel @p1 .LBB1_5-.Ltmp2, $1  }
0x34: {  	_ =	sdelay $0x3  }
0x35: {  	s15 =	simm.s32 $0x1  }
0x36: {  	_ =	swait.ge [sflag:s4], $0x4000;
	s15 =	simm.s32 @!p0 $0x0  }
0x37: {  	[sflag:s4] =	ssyncset.done $0x0;
	s16 =	sshll.u32 s15, $0xE  }
0x38: {  	[sflag:s4] =	ssyncadd.s32 $0xFFFFC000;
	s18 =	sor.u32 $0x40, s16  }
0x39: {  	s15 =	smul.u32 $0x10200, s15;
	v0 =	vld [tilespmem:s18+$0x30]  }
0x3a: {  	v3 =	vld [tilespmem:s18+$0xFFFFFFD0]  }
0x3b: {  	s15 =	sshrl.u32 s15, $0x2;
	v4 =	vld [tilespmem:s18+$0xFFFFFFE0]  }
0x3c: {  	v5 =	vld [tilespmem:s18+$0xFFFFFFF0];
	s16 =	sor.u32 $0x8000, s15  }
0x3d: {  	s31 =	sand.u32 $0x1, s11;
	v1 =	vld [tilespmem:s18+$0x0];
	s17 =	sadd.s32 $0x0, s16  }
0x3e: {  	v2 =	vld [tilespmem:s18+$0x10];
	s15 =	smul.u32 $0x10200, s31;
	[tilespmem:s17+$0x3870 ss:$0x81] =	vst.msk $0xffff, v0  }
0x3f: {  	[tilespmem:s17+$0x810 ss:$0x81] =	vst.msk $0xffff, v3;
	v3 =	vld [tilespmem:s18+$0x20]  }
0x40: {  	s15 =	sshrl.u32 s15, $0x2;
	v0 =	vld [tilespmem:s18+$0xFFFFFFC0];
	[tilespmem:s17+$0x1020 ss:$0x81] =	vst.msk $0xffff, v4;
	s18 =	sadd.s32 $0x80, s18  }
0x41: {  	s19 =	simm.s32 $0x4;
	s20 =	simm.s32 $0x8;
	s15 =	sor.u32 $0x8000, s15;
	[tilespmem:s17+$0x1830 ss:$0x81] =	vst.msk $0xffff, v5;
	v4 =	vld [tilespmem:s18+$0x30]  }
.LBB1_3:
0x42: {  	p1 =	sne.s32 s20, $0x1FC;
	v5 =	vld [tilespmem:s18+$0xFFFFFFD0];
	[tilespmem:s17+$0x2040 ss:$0x81] =	vst.msk $0xffff, v1  }
0x43: {  	v6 =	vld [tilespmem:s18+$0xFFFFFFE0];
	[tilespmem:s17+$0x2850 ss:$0x81] =	vst.msk $0xffff, v2  }
0x44: {  	s21 =	sshra.s32 s19, $0x2;
	s19 =	smov.u32 s20;
	v7 =	vld [tilespmem:s18+$0xFFFFFFF0];
	[tilespmem:s17+$0x3060 ss:$0x81] =	vst.msk $0xffff, v3  }
.Ltmp3:
0x45: {  	v1 =	vld [tilespmem:s18+$0x0];
	[tilespmem:s17+$0x0 ss:$0x81] =	vst.msk $0xffff, v0;
	s17 =	sadd.s32 s21, s16;
	(pc) =	sbr.rel @p1 .LBB1_3-.Ltmp3, $4  }
0x46: {  	v2 =	vld [tilespmem:s18+$0x10];
	[tilespmem:s17+$0x3870 ss:$0x81] =	vst.msk $0xffff, v4  }
0x47: {  	[tilespmem:s17+$0x810 ss:$0x81] =	vst.msk $0xffff, v5;
	v3 =	vld [tilespmem:s18+$0x20]  }
0x48: {  	v0 =	vld [tilespmem:s18+$0xFFFFFFC0];
	[tilespmem:s17+$0x1020 ss:$0x81] =	vst.msk $0xffff, v6;
	s18 =	sadd.s32 $0x80, s18  }
0x49: {  	s20 =	sadd.s32 $0x4, s20;
	v4 =	vld [tilespmem:s18+$0x30];
	[tilespmem:s17+$0x1830 ss:$0x81] =	vst.msk $0xffff, v7  }
.Ltmp4:
0x4a: {  	_ = 	snop;
	(pc) =	sbr.rel .LBB1_4-.Ltmp4, $1  }
0x4b: {  	_ =	sdelay $0x3  }
.LBB1_6:
0x4c: {  	_ =	sfence.sel $0x180000  }
0x4d: {  	s2 =	simm.s32 $0x1;
	[bflag:$0x0] =	sbarrier.arrive $0xFFFF  }
0x4e: {  	s31 =	simm.s32 $0x2;
	[sflag:s2] =	ssyncpa.u1 $0x1  }
0x4f: {  	[sflag:s31] =	ssyncpa.u1 $0x1  }
0x50: {  	p0 =	sne.s32 s0, $0x0;
	_ =	strace $0x90000047  }
0x51: {  	s0 =	sadd.s32 @!p0 $0x100000, s1;
	[bflag:$0x2] =	sbarrier.arrive $0xFFFF  }
0x52: {  	[sflag:s0] =	ssyncadd.tile.s32 @!p0 $0x1;
	_ =	shalt  }
.Lfunc_end1:
_tile_overlayer_lowered:
.L_overlay_start_2:
0x53: {  	(tag) =	ssettag $0x2  }
0x54: {  	s0 =	rddreg [dreg:$0x0];
	s2 =	stileid.u32  }
0x55: {  	s1 =	rddreg [dreg:$0x1];
	p0 =	sne.s32 s2, $0x0  }
0x56: {  	s3 =	rddreg [dreg:$0x2];
	[bflag:$0x3] =	sbarrier.arrive $0xFFFF;
	s2 =	simm.s32 @!p0 $0x1C01  }
0x57: {  	[timem:s3], [sflag:s2] =	dma.local @!p0 [hbm:s0], s1  }
0x58: {  	s0 =	simm.s32 @!p0 $0x1  }
0x59: {  	_ =	swait.ge @!p0 [sflag:s0], s1  }
0x5a: {  	s1 =	ssub.s32 @!p0 $0x0, s1;
	[sflag:s0] =	ssyncset.done @!p0 $0x0  }
0x5b: {  	[sflag:s0] =	ssyncadd.s32 @!p0 s1  }
0x5c: {  	[bflag:$0x3] =	sbarrier.arrive $0xFFFF  }
0x5d: {  	_ =	shalt  }

</sc_bundles>
